<compile_context>
chip_gen: v7x
topology: tpu7x:2x2x1
jax: 0.10.2.dev20260603
libtpu: 0.0.44.dev20260713+nightly
codegen_flags: <defaults>
</compile_context>

<pallas_src>
import functools

import numpy as np
import jax
import jax.numpy as jnp
from jax import lax
from jax.experimental import pallas as pl
from jax.experimental.pallas import tpu as pltpu
from jax.experimental.pallas import tpu_sc as plsc

H = 512
W = 512
L = 16
T_PER = 16384
NEAR = 0.1
FAR = 100.0
OCC_TH = 0.5
HW = H * W
P_TOT = 65536
NC = 2
NS = 16
NW = NC * NS
P_PER = P_TOT // NW
P_PER3 = P_TOT // NS
PR1 = int(np.int32(np.uint32(2654435761)))
PR2 = int(np.int32(np.uint32(805459861)))
RES_F = [float(np.floor(16.0 * (1.3819 ** l))) for l in range(L)]
BMIN = (-1.5, -1.5, 0.0)
BMAX = (1.5, 1.5, 8.0)

WB_N = 288


def _sigmoid(x):
    return 1.0 / (1.0 + jnp.exp(-x))


def _bf16r(v):
    u = plsc.bitcast(v, jnp.int32)
    r = u + 32767 + ((u >> 16) & 1)
    return plsc.bitcast(r & (-65536), jnp.float32)


def _prep_body(means, conf, depth, validf, wpre_o, px_o, py_o, pz_o):
    m = means[...]
    mx, my, mz = m[0], m[1], m[2]
    occ = jnp.mean(conf[...], axis=0)
    gate = _sigmoid((occ - OCC_TH) * 10.0)
    trans = jnp.exp(-depth[...] / FAR)
    wpre_o[...] = occ * gate * trans * validf[...]
    px_o[...] = jnp.clip((mx - BMIN[0]) / (BMAX[0] - BMIN[0]), 0.0, 1.0 - 1e-6)
    py_o[...] = jnp.clip((my - BMIN[1]) / (BMAX[1] - BMIN[1]), 0.0, 1.0 - 1e-6)
    pz_o[...] = jnp.clip((mz - BMIN[2]) / (BMAX[2] - BMIN[2]), 0.0, 1.0 - 1e-6)


_prep = pl.pallas_call(
    _prep_body,
    out_shape=(
        jax.ShapeDtypeStruct((512, 128), jnp.float32),
        jax.ShapeDtypeStruct((512, 128), jnp.float32),
        jax.ShapeDtypeStruct((512, 128), jnp.float32),
        jax.ShapeDtypeStruct((512, 128), jnp.float32),
    ),
    in_specs=[
        pl.BlockSpec(memory_space=pltpu.VMEM),
        pl.BlockSpec(memory_space=pltpu.VMEM),
        pl.BlockSpec(memory_space=pltpu.VMEM),
        pl.BlockSpec(memory_space=pltpu.VMEM),
    ],
)


def _phase2_body(posx_h, posy_h, posz_h, wpre_h, tbl_h, wb_h,
                 vals_o, wsafe_o,
                 posx_v, posy_v, posz_v, wpre_v, tbl_v0, acc_v,
                 vals_v, wb_v, sem0):
    c = lax.axis_index("c")
    s = lax.axis_index("s")
    wid = s * NC + c
    base = wid * P_PER
    pltpu.sync_copy(posx_h.at[pl.ds(base, P_PER)], posx_v)
    pltpu.sync_copy(posy_h.at[pl.ds(base, P_PER)], posy_v)
    pltpu.sync_copy(posz_h.at[pl.ds(base, P_PER)], posz_v)
    pltpu.sync_copy(wpre_h.at[pl.ds(base, P_PER)], wpre_v)
    pltpu.sync_copy(wb_h, wb_v)

    zf = jnp.zeros((16,), jnp.float32)
    ngrp = P_PER // 16

    def zbody(i, _):
        for j in range(8):
            acc_v[j, pl.ds(i * 16, 16)] = zf
        return _

    lax.fori_loop(0, ngrp, zbody, None)

    def bcast(i):
        return plsc.load_gather(wb_v, [jnp.full((16,), i, jnp.int32)])

    pltpu.async_copy(tbl_h.at[pl.ds(0, 2 * T_PER)],
                     tbl_v0.at[pl.ds(0, 2 * T_PER)], sem0)

    def level_body(l, _):
        off = (l % 2) * (2 * T_PER)
        pltpu.make_async_copy(tbl_h.at[pl.ds(0, 2 * T_PER)],
                              tbl_v0.at[pl.ds(off, 2 * T_PER)], sem0).wait()

        @pl.when(l + 1 < L)
        def _prefetch():
            pltpu.async_copy(
                tbl_h.at[pl.ds((l + 1) * (2 * T_PER), 2 * T_PER)],
                tbl_v0.at[pl.ds((2 * T_PER) - off, 2 * T_PER)], sem0)

        res = bcast(264 + l)
        w0 = [bcast(l * 16 + j) for j in range(8)]
        w1 = [bcast(l * 16 + 8 + j) for j in range(8)]

        def group(gi, __):
            o = gi * 16
            x = posx_v[pl.ds(o, 16)] * res
            y = posy_v[pl.ds(o, 16)] * res
            z = posz_v[pl.ds(o, 16)] * res
            xi = x.astype(jnp.int32)
            yi = y.astype(jnp.int32)
            zi = z.astype(jnp.int32)
            wx = x - xi.astype(jnp.float32)
            wy = y - yi.astype(jnp.float32)
            wz = z - zi.astype(jnp.float32)
            hx = (xi, xi + 1)
            hy = (yi * PR1, yi * PR1 + PR1)
            hz = (zi * PR2, zi * PR2 + PR2)
            wxs = (1.0 - wx, wx)
            wys = (1.0 - wy, wy)
            wzs = (1.0 - wz, wz)
            f0 = zf
            f1 = zf
            for dx in (0, 1):
                for dy in (0, 1):
                    hxy = hx[dx] ^ hy[dy]
                    wxy = wxs[dx] * wys[dy]
                    for dz in (0, 1):
                        h = hxy ^ hz[dz]
                        ix = h & (T_PER - 1)
                        ib = ix + ix + off
                        g0 = plsc.load_gather(tbl_v0, [ib])
                        g1 = plsc.load_gather(tbl_v0, [ib + 1])
                        wc = wxy * wzs[dz]
                        f0 = f0 + wc * g0
                        f1 = f1 + wc * g1
            f0 = _bf16r(f0)
            f1 = _bf16r(f1)
            for j in range(8):
                a = acc_v[j, pl.ds(o, 16)]
                acc_v[j, pl.ds(o, 16)] = a + f0 * w0[j] + f1 * w1[j]
            return __

        lax.fori_loop(0, ngrp, group, None)
        return _

    lax.fori_loop(0, L, level_body, None)

    bias = [bcast(256 + j) for j in range(8)]

    def fin(gi, _):
        o = gi * 16
        outs = [acc_v[j, pl.ds(o, 16)] + bias[j] for j in range(8)]
        wgt = _sigmoid(outs[3]) * wpre_v[pl.ds(o, 16)]
        vals_v[0, pl.ds(o, 16)] = wgt
        for j in range(3):
            vals_v[1 + j, pl.ds(o, 16)] = wgt * _sigmoid(outs[j])
        for j in range(8):
            vals_v[4 + j, pl.ds(o, 16)] = wgt * outs[j]
        return _

    lax.fori_loop(0, ngrp, fin, None)

    for r in range(12):
        pltpu.sync_copy(vals_v.at[r], vals_o.at[r, pl.ds(base, P_PER)])
    pltpu.sync_copy(vals_v.at[0], wsafe_o.at[pl.ds(base, P_PER)])


def _make_phase2():
    mesh = plsc.VectorSubcoreMesh(core_axis_name="c", subcore_axis_name="s",
                                  num_cores=NC, num_subcores=NS)
    return pl.kernel(
        _phase2_body,
        out_type=(
            jax.ShapeDtypeStruct((12, P_TOT), jnp.float32),
            jax.ShapeDtypeStruct((P_TOT,), jnp.float32),
        ),
        mesh=mesh,
        compiler_params=pltpu.CompilerParams(needs_layout_passes=False),
        scratch_types=[
            pltpu.VMEM((P_PER,), jnp.float32),
            pltpu.VMEM((P_PER,), jnp.float32),
            pltpu.VMEM((P_PER,), jnp.float32),
            pltpu.VMEM((P_PER,), jnp.float32),
            pltpu.VMEM((4 * T_PER,), jnp.float32),
            pltpu.VMEM((8, P_PER), jnp.float32),
            pltpu.VMEM((12, P_PER), jnp.float32),
            pltpu.VMEM((WB_N,), jnp.float32),
            pltpu.SemaphoreType.DMA,
        ],
    )


def _phase3_body(pix_h, vals_h, out_h,
                 idx_v, src_v, stage_v, sh0, sh1, sh2, sh3, sh4, sh5, semz):
    c = lax.axis_index("c")
    s = lax.axis_index("s")
    shs = [sh0, sh1, sh2, sh3, sh4, sh5]
    seg = HW // NS
    zf = jnp.zeros((16,), jnp.float32)

    cp_pix = pltpu.async_copy(pix_h.at[s], idx_v, semz)

    def zbody(i, _):
        stage_v[pl.ds(i * 16, 16)] = zf
        return _

    lax.fori_loop(0, seg // 16, zbody, None)
    cp_pix.wait()
    zcps = [pltpu.async_copy(stage_v, shs[ch].at[pl.ds(s * seg, seg)], semz)
            for ch in range(6)]
    for cp in zcps:
        cp.wait()
    plsc.subcore_barrier()

    for ch in range(6):
        row = c * 6 + ch
        pltpu.sync_copy(vals_h.at[row, s], src_v)

        def sbody(r, _, _sh=shs[ch]):
            pltpu.sync_copy(src_v.at[r], _sh.at[idx_v.at[r]], add=True)
            return _

        lax.fori_loop(0, P_PER3 // 128, sbody, None)
    plsc.subcore_barrier()

    wcps = [pltpu.async_copy(shs[ch].at[pl.ds(s * seg, seg)],
                             out_h.at[c * 6 + ch, pl.ds(s * seg, seg)], semz)
            for ch in range(6)]
    for cp in wcps:
        cp.wait()


def _make_phase3():
    mesh = plsc.VectorSubcoreMesh(core_axis_name="c", subcore_axis_name="s",
                                  num_cores=NC, num_subcores=NS)
    return pl.kernel(
        _phase3_body,
        out_type=jax.ShapeDtypeStruct((12, HW), jnp.float32),
        mesh=mesh,
        compiler_params=pltpu.CompilerParams(needs_layout_passes=False),
        scratch_types=[
            pltpu.VMEM((P_PER3 // 128, 128), jnp.int32),
            pltpu.VMEM((P_PER3 // 128, 128), jnp.float32),
            pltpu.VMEM((HW // NS,), jnp.float32),
            pltpu.VMEM_SHARED((HW,), jnp.float32),
            pltpu.VMEM_SHARED((HW,), jnp.float32),
            pltpu.VMEM_SHARED((HW,), jnp.float32),
            pltpu.VMEM_SHARED((HW,), jnp.float32),
            pltpu.VMEM_SHARED((HW,), jnp.float32),
            pltpu.VMEM_SHARED((HW,), jnp.float32),
            pltpu.SemaphoreType.DMA,
        ],
    )


def _comp_body(bg, acc, col_o, feat_o):
    a4 = acc[...]
    aw = a4[0]
    a = jnp.clip(aw, 0.0, 1.0)
    denom = aw + 1e-8
    oma = 1.0 - a
    for j in range(3):
        col_o[j] = (a4[1 + j] / denom) * a + oma * bg[j]
    for j in range(8):
        feat_o[j] = (a4[4 + j] / denom) * a


_comp = pl.pallas_call(
    _comp_body,
    grid=(8,),
    out_shape=(
        jax.ShapeDtypeStruct((3, 2048, 128), jnp.float32),
        jax.ShapeDtypeStruct((8, 2048, 128), jnp.float32),
    ),
    in_specs=[
        pl.BlockSpec(memory_space=pltpu.SMEM),
        pl.BlockSpec((12, 256, 128), lambda i: (0, i, 0)),
    ],
    out_specs=(
        pl.BlockSpec((3, 256, 128), lambda i: (0, i, 0)),
        pl.BlockSpec((8, 256, 128), lambda i: (0, i, 0)),
    ),
)


def kernel(means3D, primitive_confidences, feature_table, linear_weights,
           linear_bias, viewmatrix, projmatrix, cam_pos, bg_color):
    P = means3D.shape[0]
    ones = jnp.ones((P, 1), dtype=means3D.dtype)
    hom = jnp.concatenate([means3D, ones], axis=1)
    depth = (hom @ viewmatrix.T)[:, 2]
    p_hom = hom @ projmatrix.T
    wclip = jnp.maximum(p_hom[:, 3:4], 1e-6)
    ndc = p_hom[:, :2] / wclip
    px = ((ndc[:, 0] + 1.0) * W - 1.0) * 0.5
    py = ((ndc[:, 1] + 1.0) * H - 1.0) * 0.5
    valid = ((depth > NEAR) & (depth < FAR) & (px >= 0) & (px < W)
             & (py >= 0) & (py < H))
    pxi = jnp.clip(px.astype(jnp.int32), 0, W - 1)
    pyi = jnp.clip(py.astype(jnp.int32), 0, H - 1)
    pix2 = jnp.where(valid, pyi * W + pxi, 0).reshape(512, 128)

    meansT = means3D.T.reshape(3, 512, 128)
    confT = primitive_confidences.T.reshape(-1, 512, 128)
    wpre2, px2, py2, pz2 = _prep(
        meansT, confT, depth.reshape(512, 128),
        valid.astype(jnp.float32).reshape(512, 128))

    wb = jnp.concatenate([
        linear_weights.astype(jnp.bfloat16).astype(jnp.float32).reshape(-1),
        linear_bias.astype(jnp.float32),
        jnp.asarray(RES_F, jnp.float32),
        jnp.zeros((WB_N - 256 - 8 - L,), jnp.float32),
    ])
    vals, wsafe = _make_phase2()(
        px2.reshape(P_TOT), py2.reshape(P_TOT), pz2.reshape(P_TOT),
        wpre2.reshape(P_TOT), feature_table.reshape(-1), wb)

    acc = _make_phase3()(pix2.reshape(NS, -1, 128),
                         vals.reshape(12, NS, -1, 128))

    colT, featT = _comp(bg_color, acc.reshape(12, 2048, 128))
    out_color = colT.reshape(3, HW).T.reshape(H, W, 3)
    out_features = featT.reshape(8, HW).T.reshape(H, W, 8)
    return out_color, out_features, wsafe

# --- scband reference (transcript-rebuilt; emitter-appended) ---
"""Pipeline reference for scband-volume-integrator-9569187136041 (READ-ONLY COPY).

The authoritative reference and input builder live on the scoring server;
editing this copy changes nothing except your own understanding.
"""

import jax, jax.numpy as jnp
import numpy as np

H = 512
W = 512
L = 16
F = 2
T_PER = 16384
G = 3
NEAR = 0.1
FAR = 100.0
OCC_TH = 0.5
PRIMES = np.array([1, 2654435761, 805459861], dtype=np.uint32)
RES = np.array([int(np.floor(16.0 * (1.3819 ** l))) for l in range(L)], dtype=np.int32)
BMIN = np.array([-1.5, -1.5, 0.0], dtype=np.float32)
BMAX = np.array([1.5, 1.5, 8.0], dtype=np.float32)


def hash_features(pos01, feature_table):
    P = pos01.shape[0]
    feats = []
    for l in range(L):
        res = float(RES[l])
        x = pos01 * res
        xf = jnp.floor(x)
        w = x - xf
        xi = xf.astype(jnp.uint32)
        f = jnp.zeros((P, F), dtype=feature_table.dtype)
        for dx in (0, 1):
            for dy in (0, 1):
                for dz in (0, 1):
                    cx = xi[:, 0] + np.uint32(dx)
                    cy = xi[:, 1] + np.uint32(dy)
                    cz = xi[:, 2] + np.uint32(dz)
                    h = (cx * PRIMES[0]) ^ (cy * PRIMES[1]) ^ (cz * PRIMES[2])
                    idx = (h % np.uint32(T_PER)).astype(jnp.int32) + l * T_PER
                    wx = w[:, 0] if dx else 1.0 - w[:, 0]
                    wy = w[:, 1] if dy else 1.0 - w[:, 1]
                    wz = w[:, 2] if dz else 1.0 - w[:, 2]
                    f = f + (wx * wy * wz)[:, None] * jnp.take(feature_table, idx, axis=0)
        feats.append(f)
    return jnp.concatenate(feats, axis=1)


def _forward(means3D, primitive_confidences, feature_table, linear_weights, linear_bias, viewmatrix, projmatrix, cam_pos, bg_color):
    P = means3D.shape[0]
    ones = jnp.ones((P, 1), dtype=means3D.dtype)
    hom = jnp.concatenate([means3D, ones], axis=1)
    p_view = hom @ viewmatrix.T
    depth = p_view[:, 2]
    p_hom = hom @ projmatrix.T
    wclip = jnp.maximum(p_hom[:, 3:4], 1e-6)
    ndc = p_hom[:, :2] / wclip
    px = ((ndc[:, 0] + 1.0) * W - 1.0) * 0.5
    py = ((ndc[:, 1] + 1.0) * H - 1.0) * 0.5
    valid = (depth > NEAR) & (depth < FAR) & (px >= 0) & (px < W) & (py >= 0) & (py < H)
    pos01 = jnp.clip((means3D - BMIN) / (BMAX - BMIN), 0.0, 1.0 - 1e-6)
    feats = hash_features(pos01, feature_table)
    out = feats @ linear_weights + linear_bias
    color = jax.nn.sigmoid(out[:, :3])
    alpha = jax.nn.sigmoid(out[:, 3])
    occ = jnp.mean(primitive_confidences, axis=1)
    gate = jax.nn.sigmoid((occ - OCC_TH) * 10.0)
    trans = jnp.exp(-depth / FAR)
    weight = alpha * occ * gate * trans * valid.astype(means3D.dtype)
    pxi = jnp.clip(px.astype(jnp.int32), 0, W - 1)
    pyi = jnp.clip(py.astype(jnp.int32), 0, H - 1)
    pix = jnp.where(valid, pyi * W + pxi, 0)
    wsafe = jnp.where(valid, weight, 0.0)
    acc_c = jax.ops.segment_sum(wsafe[:, None] * color, pix, num_segments=H * W)
    acc_f = jax.ops.segment_sum(wsafe[:, None] * out, pix, num_segments=H * W)
    acc_w = jax.ops.segment_sum(wsafe, pix, num_segments=H * W)
    a = jnp.clip(acc_w, 0.0, 1.0)
    denom = acc_w[:, None] + 1e-8
    out_color = (acc_c / denom) * a[:, None] + (1.0 - a)[:, None] * bg_color
    out_features = (acc_f / denom) * a[:, None]
    return out_color.reshape(H, W, 3), out_features.reshape(H, W, 8), wsafe


def setup_inputs(seed: int = 0):
    key = jax.random.key(seed)
    k1, k2, k3, k4, k5 = jax.random.split(key, 5)
    P = 65536
    xy = jax.random.uniform(k1, (P, 2), minval=-1.0, maxval=1.0)
    z = jax.random.uniform(k2, (P, 1), minval=2.0, maxval=6.0)
    means3D = jnp.concatenate([xy, z], axis=1).astype(jnp.float32)
    primitive_confidences = jax.random.uniform(k3, (P, G ** 3), dtype=jnp.float32)
    feature_table = jax.random.normal(k4, (L * T_PER, F), dtype=jnp.float32) * 0.01
    linear_weights = jax.random.normal(k5, (L * F, 8), dtype=jnp.float32) * 0.1
    linear_bias = jnp.zeros((8,), dtype=jnp.float32)
    viewmatrix = jnp.eye(4, dtype=jnp.float32)
    proj = np.zeros((4, 4), dtype=np.float32)
    proj[0, 0] = 1.0
    proj[1, 1] = 1.0
    proj[2, 2] = FAR / (FAR - NEAR)
    proj[2, 3] = -FAR * NEAR / (FAR - NEAR)
    proj[3, 2] = 1.0
    projmatrix = jnp.array(proj)
    cam_pos = jnp.zeros((3,), dtype=jnp.float32)
    bg_color = jnp.zeros((3,), dtype=jnp.float32)
    return {"means3D": means3D, "primitive_confidences": primitive_confidences, "feature_table": feature_table, "linear_weights": linear_weights, "linear_bias": linear_bias, "viewmatrix": viewmatrix, "projmatrix": projmatrix, "cam_pos": cam_pos, "bg_color": bg_color}


def reference(means3D, primitive_confidences, feature_table, linear_weights, linear_bias, viewmatrix, projmatrix, cam_pos, bg_color):
    return _forward(means3D, primitive_confidences, feature_table, linear_weights, linear_bias, viewmatrix, projmatrix, cam_pos, bg_color)

if __name__ == "__main__":
    import jax
    _d = setup_inputs()
    print(jax.jit(kernel)(*tuple(_d.values())))

</pallas_src>

<mosaic_0001>
#map = affine_map<(d0, d1) -> (0)>
#map1 = affine_map<(d0, d1) -> (0, 0)>
module attributes {stable_mosaic.version = 14 : i64} {
  func.func @_phase2_body(%arg0: i32, %arg1: i32, %arg2: memref<65536xf32, #tpu.memory_space<hbm>>, %arg3: memref<65536xf32, #tpu.memory_space<hbm>>, %arg4: memref<65536xf32, #tpu.memory_space<hbm>>, %arg5: memref<65536xf32, #tpu.memory_space<hbm>>, %arg6: memref<524288xf32, #tpu.memory_space<hbm>>, %arg7: memref<288xf32, #tpu.memory_space<hbm>>, %arg8: memref<12x65536xf32, #tpu.memory_space<hbm>>, %arg9: memref<65536xf32, #tpu.memory_space<hbm>>, %arg10: memref<2048xf32, #tpu.memory_space<vmem>>, %arg11: memref<2048xf32, #tpu.memory_space<vmem>>, %arg12: memref<2048xf32, #tpu.memory_space<vmem>>, %arg13: memref<2048xf32, #tpu.memory_space<vmem>>, %arg14: memref<65536xf32, #tpu.memory_space<vmem>>, %arg15: memref<8x2048xf32, #tpu.memory_space<vmem>>, %arg16: memref<12x2048xf32, #tpu.memory_space<vmem>>, %arg17: memref<288xf32, #tpu.memory_space<vmem>>, %arg18: memref<!tpu.dma_semaphore, #tpu.memory_space<semaphore_mem>>) attributes {dimension_semantics = [#tpu.dimension_semantics<core_parallel>, #tpu.dimension_semantics<subcore_parallel>], iteration_bounds = array<i64: 2, 16>, scalar_prefetch = 0 : i64, scratch_operands = 9 : i64, tpu.core_type = #tpu.core_type<sc_vector_subcore>, window_params = [{transform_indices = #map}, {transform_indices = #map}, {transform_indices = #map}, {transform_indices = #map}, {transform_indices = #map}, {transform_indices = #map}, {transform_indices = #map1}, {transform_indices = #map}]} {
    %mul3A = arith.constant 2 : i32
    %mul3A_0 = arith.muli %arg1, %mul3A : i32
    %add3A = arith.addi %mul3A_0, %arg0 : i32
    %mul3A_1 = arith.constant 2048 : i32
    %mul3A_2 = arith.muli %add3A, %mul3A_1 : i32
    "tpu.region"() ({
      %run_scoped3A_72 = tpu.sem_alloc : memref<!tpu.dma_semaphore, #tpu.memory_space<semaphore_mem>>
      %dma_start3A_73 = tpu.memref_slice %arg2[%mul3A_2] : memref<65536xf32, #tpu.memory_space<hbm>> -> memref<2048xf32, #tpu.memory_space<hbm>>
      %dma_start3A_74 = tpu.memref_slice %arg2[%mul3A_2] : memref<65536xf32, #tpu.memory_space<hbm>> -> memref<2048xf32, #tpu.memory_space<hbm>>
      tpu.enqueue_dma source(%dma_start3A_74 : memref<2048xf32, #tpu.memory_space<hbm>>) target(%arg10 : memref<2048xf32, #tpu.memory_space<vmem>>) target_semaphore(%run_scoped3A_72 : memref<!tpu.dma_semaphore, #tpu.memory_space<semaphore_mem>>)
      %dma_wait3A = tpu.memref_slice %arg2[%mul3A_2] : memref<65536xf32, #tpu.memory_space<hbm>> -> memref<2048xf32, #tpu.memory_space<hbm>>
      %dma_wait3A_75 = tpu.memref_slice %arg2[%mul3A_2] : memref<65536xf32, #tpu.memory_space<hbm>> -> memref<2048xf32, #tpu.memory_space<hbm>>
      tpu.wait_dma2 semaphore(%run_scoped3A_72 : memref<!tpu.dma_semaphore, #tpu.memory_space<semaphore_mem>>) src(%dma_wait3A_75 : memref<2048xf32, #tpu.memory_space<hbm>>) dst(%arg10 : memref<2048xf32, #tpu.memory_space<vmem>>)
      tpu.yield
    }) : () -> ()
    "tpu.region"() ({
      %run_scoped3A_72 = tpu.sem_alloc : memref<!tpu.dma_semaphore, #tpu.memory_space<semaphore_mem>>
      %dma_start3A_73 = tpu.memref_slice %arg3[%mul3A_2] : memref<65536xf32, #tpu.memory_space<hbm>> -> memref<2048xf32, #tpu.memory_space<hbm>>
      %dma_start3A_74 = tpu.memref_slice %arg3[%mul3A_2] : memref<65536xf32, #tpu.memory_space<hbm>> -> memref<2048xf32, #tpu.memory_space<hbm>>
      tpu.enqueue_dma source(%dma_start3A_74 : memref<2048xf32, #tpu.memory_space<hbm>>) target(%arg11 : memref<2048xf32, #tpu.memory_space<vmem>>) target_semaphore(%run_scoped3A_72 : memref<!tpu.dma_semaphore, #tpu.memory_space<semaphore_mem>>)
      %dma_wait3A = tpu.memref_slice %arg3[%mul3A_2] : memref<65536xf32, #tpu.memory_space<hbm>> -> memref<2048xf32, #tpu.memory_space<hbm>>
      %dma_wait3A_75 = tpu.memref_slice %arg3[%mul3A_2] : memref<65536xf32, #tpu.memory_space<hbm>> -> memref<2048xf32, #tpu.memory_space<hbm>>
      tpu.wait_dma2 semaphore(%run_scoped3A_72 : memref<!tpu.dma_semaphore, #tpu.memory_space<semaphore_mem>>) src(%dma_wait3A_75 : memref<2048xf32, #tpu.memory_space<hbm>>) dst(%arg11 : memref<2048xf32, #tpu.memory_space<vmem>>)
      tpu.yield
    }) : () -> ()
    "tpu.region"() ({
      %run_scoped3A_72 = tpu.sem_alloc : memref<!tpu.dma_semaphore, #tpu.memory_space<semaphore_mem>>
      %dma_start3A_73 = tpu.memref_slice %arg4[%mul3A_2] : memref<65536xf32, #tpu.memory_space<hbm>> -> memref<2048xf32, #tpu.memory_space<hbm>>
      %dma_start3A_74 = tpu.memref_slice %arg4[%mul3A_2] : memref<65536xf32, #tpu.memory_space<hbm>> -> memref<2048xf32, #tpu.memory_space<hbm>>
      tpu.enqueue_dma source(%dma_start3A_74 : memref<2048xf32, #tpu.memory_space<hbm>>) target(%arg12 : memref<2048xf32, #tpu.memory_space<vmem>>) target_semaphore(%run_scoped3A_72 : memref<!tpu.dma_semaphore, #tpu.memory_space<semaphore_mem>>)
      %dma_wait3A = tpu.memref_slice %arg4[%mul3A_2] : memref<65536xf32, #tpu.memory_space<hbm>> -> memref<2048xf32, #tpu.memory_space<hbm>>
      %dma_wait3A_75 = tpu.memref_slice %arg4[%mul3A_2] : memref<65536xf32, #tpu.memory_space<hbm>> -> memref<2048xf32, #tpu.memory_space<hbm>>
      tpu.wait_dma2 semaphore(%run_scoped3A_72 : memref<!tpu.dma_semaphore, #tpu.memory_space<semaphore_mem>>) src(%dma_wait3A_75 : memref<2048xf32, #tpu.memory_space<hbm>>) dst(%arg12 : memref<2048xf32, #tpu.memory_space<vmem>>)
      tpu.yield
    }) : () -> ()
    "tpu.region"() ({
      %run_scoped3A_72 = tpu.sem_alloc : memref<!tpu.dma_semaphore, #tpu.memory_space<semaphore_mem>>
      %dma_start3A_73 = tpu.memref_slice %arg5[%mul3A_2] : memref<65536xf32, #tpu.memory_space<hbm>> -> memref<2048xf32, #tpu.memory_space<hbm>>
      %dma_start3A_74 = tpu.memref_slice %arg5[%mul3A_2] : memref<65536xf32, #tpu.memory_space<hbm>> -> memref<2048xf32, #tpu.memory_space<hbm>>
      tpu.enqueue_dma source(%dma_start3A_74 : memref<2048xf32, #tpu.memory_space<hbm>>) target(%arg13 : memref<2048xf32, #tpu.memory_space<vmem>>) target_semaphore(%run_scoped3A_72 : memref<!tpu.dma_semaphore, #tpu.memory_space<semaphore_mem>>)
      %dma_wait3A = tpu.memref_slice %arg5[%mul3A_2] : memref<65536xf32, #tpu.memory_space<hbm>> -> memref<2048xf32, #tpu.memory_space<hbm>>
      %dma_wait3A_75 = tpu.memref_slice %arg5[%mul3A_2] : memref<65536xf32, #tpu.memory_space<hbm>> -> memref<2048xf32, #tpu.memory_space<hbm>>
      tpu.wait_dma2 semaphore(%run_scoped3A_72 : memref<!tpu.dma_semaphore, #tpu.memory_space<semaphore_mem>>) src(%dma_wait3A_75 : memref<2048xf32, #tpu.memory_space<hbm>>) dst(%arg13 : memref<2048xf32, #tpu.memory_space<vmem>>)
      tpu.yield
    }) : () -> ()
    "tpu.region"() ({
      %run_scoped3A_72 = tpu.sem_alloc : memref<!tpu.dma_semaphore, #tpu.memory_space<semaphore_mem>>
      tpu.enqueue_dma source(%arg7 : memref<288xf32, #tpu.memory_space<hbm>>) target(%arg17 : memref<288xf32, #tpu.memory_space<vmem>>) target_semaphore(%run_scoped3A_72 : memref<!tpu.dma_semaphore, #tpu.memory_space<semaphore_mem>>)
      tpu.wait_dma2 semaphore(%run_scoped3A_72 : memref<!tpu.dma_semaphore, #tpu.memory_space<semaphore_mem>>) src(%arg7 : memref<288xf32, #tpu.memory_space<hbm>>) dst(%arg17 : memref<288xf32, #tpu.memory_space<vmem>>)
      tpu.yield
    }) : () -> ()
    %broadcast_in_dim3A = arith.constant 0.000000e+00 : f32
    %broadcast_in_dim3A_3 = vector.broadcast %broadcast_in_dim3A : f32 to vector<16xf32>
    %scan3A = arith.constant 0 : i32
    %scan3A_4 = arith.constant 128 : i32
    %scan3A_5 = arith.addi %scan3A, %scan3A_4 : i32
    %scan3A_6 = arith.constant 1 : i32
    scf.for %scan3A_72 = %scan3A to %scan3A_5 step %scan3A_6  : i32 {
      %mul3A_73 = arith.constant 16 : i32
      %mul3A_74 = arith.muli %scan3A_72, %mul3A_73 : i32
      %swap3A = arith.constant 0 : i32
      %swap3A_75 = arith.index_cast %swap3A : i32 to index
      %swap3A_76 = arith.index_cast %mul3A_74 : i32 to index
      %swap3A_77 = tpu.vector_load %arg15[%swap3A_75, %swap3A_76] {strides = array<i32>} : memref<8x2048xf32, #tpu.memory_space<vmem>>, vector<16xf32>,
      tpu.vector_store %arg15[%swap3A_75, %swap3A_76], %broadcast_in_dim3A_3 {strides = array<i32>} : memref<8x2048xf32, #tpu.memory_space<vmem>>, vector<16xf32>,
      %mul3A_78 = arith.constant 16 : i32
      %mul3A_79 = arith.muli %scan3A_72, %mul3A_78 : i32
      %swap3A_80 = arith.constant 1 : i32
      %swap3A_81 = arith.index_cast %swap3A_80 : i32 to index
      %swap3A_82 = arith.index_cast %mul3A_79 : i32 to index
      %swap3A_83 = tpu.vector_load %arg15[%swap3A_81, %swap3A_82] {strides = array<i32>} : memref<8x2048xf32, #tpu.memory_space<vmem>>, vector<16xf32>,
      tpu.vector_store %arg15[%swap3A_81, %swap3A_82], %broadcast_in_dim3A_3 {strides = array<i32>} : memref<8x2048xf32, #tpu.memory_space<vmem>>, vector<16xf32>,
      %mul3A_84 = arith.constant 16 : i32
      %mul3A_85 = arith.muli %scan3A_72, %mul3A_84 : i32
      %swap3A_86 = arith.constant 2 : i32
      %swap3A_87 = arith.index_cast %swap3A_86 : i32 to index
      %swap3A_88 = arith.index_cast %mul3A_85 : i32 to index
      %swap3A_89 = tpu.vector_load %arg15[%swap3A_87, %swap3A_88] {strides = array<i32>} : memref<8x2048xf32, #tpu.memory_space<vmem>>, vector<16xf32>,
      tpu.vector_store %arg15[%swap3A_87, %swap3A_88], %broadcast_in_dim3A_3 {strides = array<i32>} : memref<8x2048xf32, #tpu.memory_space<vmem>>, vector<16xf32>,
      %mul3A_90 = arith.constant 16 : i32
      %mul3A_91 = arith.muli %scan3A_72, %mul3A_90 : i32
      %swap3A_92 = arith.constant 3 : i32
      %swap3A_93 = arith.index_cast %swap3A_92 : i32 to index
      %swap3A_94 = arith.index_cast %mul3A_91 : i32 to index
      %swap3A_95 = tpu.vector_load %arg15[%swap3A_93, %swap3A_94] {strides = array<i32>} : memref<8x2048xf32, #tpu.memory_space<vmem>>, vector<16xf32>,
      tpu.vector_store %arg15[%swap3A_93, %swap3A_94], %broadcast_in_dim3A_3 {strides = array<i32>} : memref<8x2048xf32, #tpu.memory_space<vmem>>, vector<16xf32>,
      %mul3A_96 = arith.constant 16 : i32
      %mul3A_97 = arith.muli %scan3A_72, %mul3A_96 : i32
      %swap3A_98 = arith.constant 4 : i32
      %swap3A_99 = arith.index_cast %swap3A_98 : i32 to index
      %swap3A_100 = arith.index_cast %mul3A_97 : i32 to index
      %swap3A_101 = tpu.vector_load %arg15[%swap3A_99, %swap3A_100] {strides = array<i32>} : memref<8x2048xf32, #tpu.memory_space<vmem>>, vector<16xf32>,
      tpu.vector_store %arg15[%swap3A_99, %swap3A_100], %broadcast_in_dim3A_3 {strides = array<i32>} : memref<8x2048xf32, #tpu.memory_space<vmem>>, vector<16xf32>,
      %mul3A_102 = arith.constant 16 : i32
      %mul3A_103 = arith.muli %scan3A_72, %mul3A_102 : i32
      %swap3A_104 = arith.constant 5 : i32
      %swap3A_105 = arith.index_cast %swap3A_104 : i32 to index
      %swap3A_106 = arith.index_cast %mul3A_103 : i32 to index
      %swap3A_107 = tpu.vector_load %arg15[%swap3A_105, %swap3A_106] {strides = array<i32>} : memref<8x2048xf32, #tpu.memory_space<vmem>>, vector<16xf32>,
      tpu.vector_store %arg15[%swap3A_105, %swap3A_106], %broadcast_in_dim3A_3 {strides = array<i32>} : memref<8x2048xf32, #tpu.memory_space<vmem>>, vector<16xf32>,
      %mul3A_108 = arith.constant 16 : i32
      %mul3A_109 = arith.muli %scan3A_72, %mul3A_108 : i32
      %swap3A_110 = arith.constant 6 : i32
      %swap3A_111 = arith.index_cast %swap3A_110 : i32 to index
      %swap3A_112 = arith.index_cast %mul3A_109 : i32 to index
      %swap3A_113 = tpu.vector_load %arg15[%swap3A_111, %swap3A_112] {strides = array<i32>} : memref<8x2048xf32, #tpu.memory_space<vmem>>, vector<16xf32>,
      tpu.vector_store %arg15[%swap3A_111, %swap3A_112], %broadcast_in_dim3A_3 {strides = array<i32>} : memref<8x2048xf32, #tpu.memory_space<vmem>>, vector<16xf32>,
      %mul3A_114 = arith.constant 16 : i32
      %mul3A_115 = arith.muli %scan3A_72, %mul3A_114 : i32
      %swap3A_116 = arith.constant 7 : i32
      %swap3A_117 = arith.index_cast %swap3A_116 : i32 to index
      %swap3A_118 = arith.index_cast %mul3A_115 : i32 to index
      %swap3A_119 = tpu.vector_load %arg15[%swap3A_117, %swap3A_118] {strides = array<i32>} : memref<8x2048xf32, #tpu.memory_space<vmem>>, vector<16xf32>,
      tpu.vector_store %arg15[%swap3A_117, %swap3A_118], %broadcast_in_dim3A_3 {strides = array<i32>} : memref<8x2048xf32, #tpu.memory_space<vmem>>, vector<16xf32>,
    }
    %scan3A_7 = arith.constant 128 : i32
    %dma_start3A = arith.constant 0 : i32
    %dma_start3A_8 = tpu.memref_slice %arg14[%dma_start3A] : memref<65536xf32, #tpu.memory_space<vmem>> -> memref<32768xf32, #tpu.memory_space<vmem>>
    %dma_start3A_9 = arith.constant 0 : i32
    %dma_start3A_10 = tpu.memref_slice %arg6[%dma_start3A_9] : memref<524288xf32, #tpu.memory_space<hbm>> -> memref<32768xf32, #tpu.memory_space<hbm>>
    %dma_start3A_11 = arith.constant 0 : i32
    %dma_start3A_12 = tpu.memref_slice %arg14[%dma_start3A_11] : memref<65536xf32, #tpu.memory_space<vmem>> -> memref<32768xf32, #tpu.memory_space<vmem>>
    %dma_start3A_13 = arith.constant 0 : i32
    %dma_start3A_14 = tpu.memref_slice %arg6[%dma_start3A_13] : memref<524288xf32, #tpu.memory_space<hbm>> -> memref<32768xf32, #tpu.memory_space<hbm>>
    tpu.enqueue_dma source(%dma_start3A_14 : memref<32768xf32, #tpu.memory_space<hbm>>) target(%dma_start3A_12 : memref<32768xf32, #tpu.memory_space<vmem>>) target_semaphore(%arg18 : memref<!tpu.dma_semaphore, #tpu.memory_space<semaphore_mem>>)
    %scan3A_15 = arith.constant 0 : i32
    %scan3A_16 = arith.constant 16 : i32
    %scan3A_17 = arith.addi %scan3A_15, %scan3A_16 : i32
    %scan3A_18 = arith.constant 1 : i32
    scf.for %scan3A_72 = %scan3A_15 to %scan3A_17 step %scan3A_18  : i32 {
      %jit3A = arith.constant 2 : i32
      %eq3A = arith.constant 0 : i32
      %eq3A_73 = arith.cmpi eq, %jit3A, %eq3A : i32
      %jit3A_74 = arith.constant 1 : i32
      %select_n3A = arith.select %eq3A_73, %jit3A_74, %jit3A : i32
      %rem3A = arith.remsi %scan3A_72, %select_n3A : i32
      %ne3A = arith.constant 0 : i32
      %ne3A_75 = arith.cmpi ne, %rem3A, %ne3A : i32
      %lt3A = arith.constant 0 : i32
      %lt3A_76 = arith.cmpi slt, %rem3A, %lt3A : i32
      %lt3A_77 = arith.constant 0 : i32
      %lt3A_78 = arith.cmpi slt, %select_n3A, %lt3A_77 : i32
      %ne3A_79 = arith.xori %lt3A_76, %lt3A_78 : i1
      %and3A = arith.andi %ne3A_79, %ne3A_75 : i1
      %add3A_80 = arith.addi %rem3A, %select_n3A : i32
      %select_n3A_81 = arith.select %and3A, %add3A_80, %rem3A : i32
      %mul3A_82 = arith.constant 32768 : i32
      %mul3A_83 = arith.muli %select_n3A_81, %mul3A_82 : i32
      %dma_wait3A = tpu.memref_slice %arg14[%mul3A_83] : memref<65536xf32, #tpu.memory_space<vmem>> -> memref<32768xf32, #tpu.memory_space<vmem>>
      %dma_wait3A_84 = arith.constant 0 : i32
      %dma_wait3A_85 = tpu.memref_slice %arg6[%dma_wait3A_84] : memref<524288xf32, #tpu.memory_space<hbm>> -> memref<32768xf32, #tpu.memory_space<hbm>>
      %dma_wait3A_86 = tpu.memref_slice %arg14[%mul3A_83] : memref<65536xf32, #tpu.memory_space<vmem>> -> memref<32768xf32, #tpu.memory_space<vmem>>
      %dma_wait3A_87 = arith.constant 0 : i32
      %dma_wait3A_88 = tpu.memref_slice %arg6[%dma_wait3A_87] : memref<524288xf32, #tpu.memory_space<hbm>> -> memref<32768xf32, #tpu.memory_space<hbm>>
      tpu.wait_dma2 semaphore(%arg18 : memref<!tpu.dma_semaphore, #tpu.memory_space<semaphore_mem>>) src(%dma_wait3A_88 : memref<32768xf32, #tpu.memory_space<hbm>>) dst(%dma_wait3A_86 : memref<32768xf32, #tpu.memory_space<vmem>>)
      %add3A_89 = arith.constant 1 : i32
      %add3A_90 = arith.addi %scan3A_72, %add3A_89 : i32
      %lt3A_91 = arith.constant 16 : i32
      %lt3A_92 = arith.cmpi slt, %add3A_90, %lt3A_91 : i32
      %convert_element_type3A = arith.extui %lt3A_92 : i1 to i32
      %cond3A = arith.constant 0 : i32
      %cond3A_93 = arith.cmpi ne, %convert_element_type3A, %cond3A : i32
      scf.if %cond3A_93 {
        %add3A_215 = arith.constant 1 : i32
        %add3A_216 = arith.addi %scan3A_72, %add3A_215 : i32
        %mul3A_217 = arith.constant 32768 : i32
        %mul3A_218 = arith.muli %add3A_216, %mul3A_217 : i32
        %sub3A = arith.constant 32768 : i32
        %sub3A_219 = arith.subi %sub3A, %mul3A_83 : i32
        %dma_start3A_220 = tpu.memref_slice %arg14[%sub3A_219] : memref<65536xf32, #tpu.memory_space<vmem>> -> memref<32768xf32, #tpu.memory_space<vmem>>
        %dma_start3A_221 = tpu.memref_slice %arg6[%mul3A_218] : memref<524288xf32, #tpu.memory_space<hbm>> -> memref<32768xf32, #tpu.memory_space<hbm>>
        %dma_start3A_222 = tpu.memref_slice %arg14[%sub3A_219] : memref<65536xf32, #tpu.memory_space<vmem>> -> memref<32768xf32, #tpu.memory_space<vmem>>
        %dma_start3A_223 = tpu.memref_slice %arg6[%mul3A_218] : memref<524288xf32, #tpu.memory_space<hbm>> -> memref<32768xf32, #tpu.memory_space<hbm>>
        tpu.enqueue_dma source(%dma_start3A_223 : memref<32768xf32, #tpu.memory_space<hbm>>) target(%dma_start3A_222 : memref<32768xf32, #tpu.memory_space<vmem>>) target_semaphore(%arg18 : memref<!tpu.dma_semaphore, #tpu.memory_space<semaphore_mem>>)
      } else {
      }
      %add3A_94 = arith.constant 264 : i32
      %add3A_95 = arith.addi %add3A_94, %scan3A_72 : i32
      %broadcast_in_dim3A_96 = vector.broadcast %add3A_95 : i32 to vector<16xi32>
      %gather3A_97 = tpu.vector_load_idx %arg17[%broadcast_in_dim3A_96] : memref<288xf32, #tpu.memory_space<vmem>>[vector<16xi32>], vector<16xf32>,
      %mul3A_98 = arith.constant 16 : i32
      %mul3A_99 = arith.muli %scan3A_72, %mul3A_98 : i32
      %add3A_100 = arith.constant 0 : i32
      %add3A_101 = arith.addi %mul3A_99, %add3A_100 : i32
      %broadcast_in_dim3A_102 = vector.broadcast %add3A_101 : i32 to vector<16xi32>
      %gather3A_103 = tpu.vector_load_idx %arg17[%broadcast_in_dim3A_102] : memref<288xf32, #tpu.memory_space<vmem>>[vector<16xi32>], vector<16xf32>,
      %mul3A_104 = arith.constant 16 : i32
      %mul3A_105 = arith.muli %scan3A_72, %mul3A_104 : i32
      %add3A_106 = arith.constant 1 : i32
      %add3A_107 = arith.addi %mul3A_105, %add3A_106 : i32
      %broadcast_in_dim3A_108 = vector.broadcast %add3A_107 : i32 to vector<16xi32>
      %gather3A_109 = tpu.vector_load_idx %arg17[%broadcast_in_dim3A_108] : memref<288xf32, #tpu.memory_space<vmem>>[vector<16xi32>], vector<16xf32>,
      %mul3A_110 = arith.constant 16 : i32
      %mul3A_111 = arith.muli %scan3A_72, %mul3A_110 : i32
      %add3A_112 = arith.constant 2 : i32
      %add3A_113 = arith.addi %mul3A_111, %add3A_112 : i32
      %broadcast_in_dim3A_114 = vector.broadcast %add3A_113 : i32 to vector<16xi32>
      %gather3A_115 = tpu.vector_load_idx %arg17[%broadcast_in_dim3A_114] : memref<288xf32, #tpu.memory_space<vmem>>[vector<16xi32>], vector<16xf32>,
      %mul3A_116 = arith.constant 16 : i32
      %mul3A_117 = arith.muli %scan3A_72, %mul3A_116 : i32
      %add3A_118 = arith.constant 3 : i32
      %add3A_119 = arith.addi %mul3A_117, %add3A_118 : i32
      %broadcast_in_dim3A_120 = vector.broadcast %add3A_119 : i32 to vector<16xi32>
      %gather3A_121 = tpu.vector_load_idx %arg17[%broadcast_in_dim3A_120] : memref<288xf32, #tpu.memory_space<vmem>>[vector<16xi32>], vector<16xf32>,
      %mul3A_122 = arith.constant 16 : i32
      %mul3A_123 = arith.muli %scan3A_72, %mul3A_122 : i32
      %add3A_124 = arith.constant 4 : i32
      %add3A_125 = arith.addi %mul3A_123, %add3A_124 : i32
      %broadcast_in_dim3A_126 = vector.broadcast %add3A_125 : i32 to vector<16xi32>
      %gather3A_127 = tpu.vector_load_idx %arg17[%broadcast_in_dim3A_126] : memref<288xf32, #tpu.memory_space<vmem>>[vector<16xi32>], vector<16xf32>,
      %mul3A_128 = arith.constant 16 : i32
      %mul3A_129 = arith.muli %scan3A_72, %mul3A_128 : i32
      %add3A_130 = arith.constant 5 : i32
      %add3A_131 = arith.addi %mul3A_129, %add3A_130 : i32
      %broadcast_in_dim3A_132 = vector.broadcast %add3A_131 : i32 to vector<16xi32>
      %gather3A_133 = tpu.vector_load_idx %arg17[%broadcast_in_dim3A_132] : memref<288xf32, #tpu.memory_space<vmem>>[vector<16xi32>], vector<16xf32>,
      %mul3A_134 = arith.constant 16 : i32
      %mul3A_135 = arith.muli %scan3A_72, %mul3A_134 : i32
      %add3A_136 = arith.constant 6 : i32
      %add3A_137 = arith.addi %mul3A_135, %add3A_136 : i32
      %broadcast_in_dim3A_138 = vector.broadcast %add3A_137 : i32 to vector<16xi32>
      %gather3A_139 = tpu.vector_load_idx %arg17[%broadcast_in_dim3A_138] : memref<288xf32, #tpu.memory_space<vmem>>[vector<16xi32>], vector<16xf32>,
      %mul3A_140 = arith.constant 16 : i32
      %mul3A_141 = arith.muli %scan3A_72, %mul3A_140 : i32
      %add3A_142 = arith.constant 7 : i32
      %add3A_143 = arith.addi %mul3A_141, %add3A_142 : i32
      %broadcast_in_dim3A_144 = vector.broadcast %add3A_143 : i32 to vector<16xi32>
      %gather3A_145 = tpu.vector_load_idx %arg17[%broadcast_in_dim3A_144] : memref<288xf32, #tpu.memory_space<vmem>>[vector<16xi32>], vector<16xf32>,
      %mul3A_146 = arith.constant 16 : i32
      %mul3A_147 = arith.muli %scan3A_72, %mul3A_146 : i32
      %add3A_148 = arith.constant 8 : i32
      %add3A_149 = arith.addi %mul3A_147, %add3A_148 : i32
      %add3A_150 = arith.constant 0 : i32
      %add3A_151 = arith.addi %add3A_149, %add3A_150 : i32
      %broadcast_in_dim3A_152 = vector.broadcast %add3A_151 : i32 to vector<16xi32>
      %gather3A_153 = tpu.vector_load_idx %arg17[%broadcast_in_dim3A_152] : memref<288xf32, #tpu.memory_space<vmem>>[vector<16xi32>], vector<16xf32>,
      %mul3A_154 = arith.constant 16 : i32
      %mul3A_155 = arith.muli %scan3A_72, %mul3A_154 : i32
      %add3A_156 = arith.constant 8 : i32
      %add3A_157 = arith.addi %mul3A_155, %add3A_156 : i32
      %add3A_158 = arith.constant 1 : i32
      %add3A_159 = arith.addi %add3A_157, %add3A_158 : i32
      %broadcast_in_dim3A_160 = vector.broadcast %add3A_159 : i32 to vector<16xi32>
      %gather3A_161 = tpu.vector_load_idx %arg17[%broadcast_in_dim3A_160] : memref<288xf32, #tpu.memory_space<vmem>>[vector<16xi32>], vector<16xf32>,
      %mul3A_162 = arith.constant 16 : i32
      %mul3A_163 = arith.muli %scan3A_72, %mul3A_162 : i32
      %add3A_164 = arith.constant 8 : i32
      %add3A_165 = arith.addi %mul3A_163, %add3A_164 : i32
      %add3A_166 = arith.constant 2 : i32
      %add3A_167 = arith.addi %add3A_165, %add3A_166 : i32
      %broadcast_in_dim3A_168 = vector.broadcast %add3A_167 : i32 to vector<16xi32>
      %gather3A_169 = tpu.vector_load_idx %arg17[%broadcast_in_dim3A_168] : memref<288xf32, #tpu.memory_space<vmem>>[vector<16xi32>], vector<16xf32>,
      %mul3A_170 = arith.constant 16 : i32
      %mul3A_171 = arith.muli %scan3A_72, %mul3A_170 : i32
      %add3A_172 = arith.constant 8 : i32
      %add3A_173 = arith.addi %mul3A_171, %add3A_172 : i32
      %add3A_174 = arith.constant 3 : i32
      %add3A_175 = arith.addi %add3A_173, %add3A_174 : i32
      %broadcast_in_dim3A_176 = vector.broadcast %add3A_175 : i32 to vector<16xi32>
      %gather3A_177 = tpu.vector_load_idx %arg17[%broadcast_in_dim3A_176] : memref<288xf32, #tpu.memory_space<vmem>>[vector<16xi32>], vector<16xf32>,
      %mul3A_178 = arith.constant 16 : i32
      %mul3A_179 = arith.muli %scan3A_72, %mul3A_178 : i32
      %add3A_180 = arith.constant 8 : i32
      %add3A_181 = arith.addi %mul3A_179, %add3A_180 : i32
      %add3A_182 = arith.constant 4 : i32
      %add3A_183 = arith.addi %add3A_181, %add3A_182 : i32
      %broadcast_in_dim3A_184 = vector.broadcast %add3A_183 : i32 to vector<16xi32>
      %gather3A_185 = tpu.vector_load_idx %arg17[%broadcast_in_dim3A_184] : memref<288xf32, #tpu.memory_space<vmem>>[vector<16xi32>], vector<16xf32>,
      %mul3A_186 = arith.constant 16 : i32
      %mul3A_187 = arith.muli %scan3A_72, %mul3A_186 : i32
      %add3A_188 = arith.constant 8 : i32
      %add3A_189 = arith.addi %mul3A_187, %add3A_188 : i32
      %add3A_190 = arith.constant 5 : i32
      %add3A_191 = arith.addi %add3A_189, %add3A_190 : i32
      %broadcast_in_dim3A_192 = vector.broadcast %add3A_191 : i32 to vector<16xi32>
      %gather3A_193 = tpu.vector_load_idx %arg17[%broadcast_in_dim3A_192] : memref<288xf32, #tpu.memory_space<vmem>>[vector<16xi32>], vector<16xf32>,
      %mul3A_194 = arith.constant 16 : i32
      %mul3A_195 = arith.muli %scan3A_72, %mul3A_194 : i32
      %add3A_196 = arith.constant 8 : i32
      %add3A_197 = arith.addi %mul3A_195, %add3A_196 : i32
      %add3A_198 = arith.constant 6 : i32
      %add3A_199 = arith.addi %add3A_197, %add3A_198 : i32
      %broadcast_in_dim3A_200 = vector.broadcast %add3A_199 : i32 to vector<16xi32>
      %gather3A_201 = tpu.vector_load_idx %arg17[%broadcast_in_dim3A_200] : memref<288xf32, #tpu.memory_space<vmem>>[vector<16xi32>], vector<16xf32>,
      %mul3A_202 = arith.constant 16 : i32
      %mul3A_203 = arith.muli %scan3A_72, %mul3A_202 : i32
      %add3A_204 = arith.constant 8 : i32
      %add3A_205 = arith.addi %mul3A_203, %add3A_204 : i32
      %add3A_206 = arith.constant 7 : i32
      %add3A_207 = arith.addi %add3A_205, %add3A_206 : i32
      %broadcast_in_dim3A_208 = vector.broadcast %add3A_207 : i32 to vector<16xi32>
      %gather3A_209 = tpu.vector_load_idx %arg17[%broadcast_in_dim3A_208] : memref<288xf32, #tpu.memory_space<vmem>>[vector<16xi32>], vector<16xf32>,
      %scan3A_210 = arith.constant 0 : i32
      %scan3A_211 = arith.constant 128 : i32
      %scan3A_212 = arith.addi %scan3A_210, %scan3A_211 : i32
      %scan3A_213 = arith.constant 1 : i32
      scf.for %scan3A_215 = %scan3A_210 to %scan3A_212 step %scan3A_213  : i32 {
        %mul3A_216 = arith.constant 16 : i32
        %mul3A_217 = arith.muli %scan3A_215, %mul3A_216 : i32
        %get3A = arith.index_cast %mul3A_217 : i32 to index
        %get3A_218 = tpu.vector_load %arg10[%get3A] {strides = array<i32>} : memref<2048xf32, #tpu.memory_space<vmem>>, vector<16xf32>,
        %mul3A_219 = arith.mulf %get3A_218, %gather3A_97 : vector<16xf32>
        %get3A_220 = arith.index_cast %mul3A_217 : i32 to index
        %get3A_221 = tpu.vector_load %arg11[%get3A_220] {strides = array<i32>} : memref<2048xf32, #tpu.memory_space<vmem>>, vector<16xf32>,
        %mul3A_222 = arith.mulf %get3A_221, %gather3A_97 : vector<16xf32>
        %get3A_223 = arith.index_cast %mul3A_217 : i32 to index
        %get3A_224 = tpu.vector_load %arg12[%get3A_223] {strides = array<i32>} : memref<2048xf32, #tpu.memory_space<vmem>>, vector<16xf32>,
        %mul3A_225 = arith.mulf %get3A_224, %gather3A_97 : vector<16xf32>
        %convert_element_type3A_226 = arith.fptosi %mul3A_219 : vector<16xf32> to vector<16xi32>
        %convert_element_type3A_227 = arith.fptosi %mul3A_222 : vector<16xf32> to vector<16xi32>
        %convert_element_type3A_228 = arith.fptosi %mul3A_225 : vector<16xf32> to vector<16xi32>
        %convert_element_type3A_229 = arith.sitofp %convert_element_type3A_226 : vector<16xi32> to vector<16xf32>
        %sub3A = arith.subf %mul3A_219, %convert_element_type3A_229 : vector<16xf32>
        %convert_element_type3A_230 = arith.sitofp %convert_element_type3A_227 : vector<16xi32> to vector<16xf32>
        %sub3A_231 = arith.subf %mul3A_222, %convert_element_type3A_230 : vector<16xf32>
        %convert_element_type3A_232 = arith.sitofp %convert_element_type3A_228 : vector<16xi32> to vector<16xf32>
        %sub3A_233 = arith.subf %mul3A_225, %convert_element_type3A_232 : vector<16xf32>
        %add3A_234 = arith.constant 1 : i32
        %add3A_235 = vector.broadcast %add3A_234 : i32 to vector<16xi32>
        %add3A_236 = arith.addi %convert_element_type3A_226, %add3A_235 : vector<16xi32>
        %mul3A_237 = arith.constant -1640531535 : i32
        %mul3A_238 = vector.broadcast %mul3A_237 : i32 to vector<16xi32>
        %mul3A_239 = arith.muli %convert_element_type3A_227, %mul3A_238 : vector<16xi32>
        %mul3A_240 = arith.constant -1640531535 : i32
        %mul3A_241 = vector.broadcast %mul3A_240 : i32 to vector<16xi32>
        %mul3A_242 = arith.muli %convert_element_type3A_227, %mul3A_241 : vector<16xi32>
        %add3A_243 = arith.constant -1640531535 : i32
        %add3A_244 = vector.broadcast %add3A_243 : i32 to vector<16xi32>
        %add3A_245 = arith.addi %mul3A_242, %add3A_244 : vector<16xi32>
        %mul3A_246 = arith.constant 805459861 : i32
        %mul3A_247 = vector.broadcast %mul3A_246 : i32 to vector<16xi32>
        %mul3A_248 = arith.muli %convert_element_type3A_228, %mul3A_247 : vector<16xi32>
        %mul3A_249 = arith.constant 805459861 : i32
        %mul3A_250 = vector.broadcast %mul3A_249 : i32 to vector<16xi32>
        %mul3A_251 = arith.muli %convert_element_type3A_228, %mul3A_250 : vector<16xi32>
        %add3A_252 = arith.constant 805459861 : i32
        %add3A_253 = vector.broadcast %add3A_252 : i32 to vector<16xi32>
        %add3A_254 = arith.addi %mul3A_251, %add3A_253 : vector<16xi32>
        %sub3A_255 = arith.constant 1.000000e+00 : f32
        %sub3A_256 = vector.broadcast %sub3A_255 : f32 to vector<16xf32>
        %sub3A_257 = arith.subf %sub3A_256, %sub3A : vector<16xf32>
        %sub3A_258 = arith.constant 1.000000e+00 : f32
        %sub3A_259 = vector.broadcast %sub3A_258 : f32 to vector<16xf32>
        %sub3A_260 = arith.subf %sub3A_259, %sub3A_231 : vector<16xf32>
        %sub3A_261 = arith.constant 1.000000e+00 : f32
        %sub3A_262 = vector.broadcast %sub3A_261 : f32 to vector<16xf32>
        %sub3A_263 = arith.subf %sub3A_262, %sub3A_233 : vector<16xf32>
        %xor3A = arith.xori %convert_element_type3A_226, %mul3A_239 : vector<16xi32>
        %mul3A_264 = arith.mulf %sub3A_257, %sub3A_260 : vector<16xf32>
        %xor3A_265 = arith.xori %xor3A, %mul3A_248 : vector<16xi32>
        %and3A_266 = arith.constant 16383 : i32
        %and3A_267 = vector.broadcast %and3A_266 : i32 to vector<16xi32>
        %and3A_268 = arith.andi %xor3A_265, %and3A_267 : vector<16xi32>
        %add3A_269 = arith.addi %and3A_268, %and3A_268 : vector<16xi32>
        %add3A_270 = vector.broadcast %mul3A_83 : i32 to vector<16xi32>
        %add3A_271 = arith.addi %add3A_269, %add3A_270 : vector<16xi32>
        %gather3A_272 = tpu.vector_load_idx %arg14[%add3A_271] : memref<65536xf32, #tpu.memory_space<vmem>>[vector<16xi32>], vector<16xf32>,
        %add3A_273 = arith.constant 1 : i32
        %add3A_274 = vector.broadcast %add3A_273 : i32 to vector<16xi32>
        %add3A_275 = arith.addi %add3A_271, %add3A_274 : vector<16xi32>
        %gather3A_276 = tpu.vector_load_idx %arg14[%add3A_275] : memref<65536xf32, #tpu.memory_space<vmem>>[vector<16xi32>], vector<16xf32>,
        %mul3A_277 = arith.mulf %mul3A_264, %sub3A_263 : vector<16xf32>
        %mul3A_278 = arith.mulf %mul3A_277, %gather3A_272 : vector<16xf32>
        %add3A_279 = arith.addf %broadcast_in_dim3A_3, %mul3A_278 : vector<16xf32>
        %mul3A_280 = arith.mulf %mul3A_277, %gather3A_276 : vector<16xf32>
        %add3A_281 = arith.addf %broadcast_in_dim3A_3, %mul3A_280 : vector<16xf32>
        %xor3A_282 = arith.xori %xor3A, %add3A_254 : vector<16xi32>
        %and3A_283 = arith.constant 16383 : i32
        %and3A_284 = vector.broadcast %and3A_283 : i32 to vector<16xi32>
        %and3A_285 = arith.andi %xor3A_282, %and3A_284 : vector<16xi32>
        %add3A_286 = arith.addi %and3A_285, %and3A_285 : vector<16xi32>
        %add3A_287 = vector.broadcast %mul3A_83 : i32 to vector<16xi32>
        %add3A_288 = arith.addi %add3A_286, %add3A_287 : vector<16xi32>
        %gather3A_289 = tpu.vector_load_idx %arg14[%add3A_288] : memref<65536xf32, #tpu.memory_space<vmem>>[vector<16xi32>], vector<16xf32>,
        %add3A_290 = arith.constant 1 : i32
        %add3A_291 = vector.broadcast %add3A_290 : i32 to vector<16xi32>
        %add3A_292 = arith.addi %add3A_288, %add3A_291 : vector<16xi32>
        %gather3A_293 = tpu.vector_load_idx %arg14[%add3A_292] : memref<65536xf32, #tpu.memory_space<vmem>>[vector<16xi32>], vector<16xf32>,
        %mul3A_294 = arith.mulf %mul3A_264, %sub3A_233 : vector<16xf32>
        %mul3A_295 = arith.mulf %mul3A_294, %gather3A_289 : vector<16xf32>
        %add3A_296 = arith.addf %add3A_279, %mul3A_295 : vector<16xf32>
        %mul3A_297 = arith.mulf %mul3A_294, %gather3A_293 : vector<16xf32>
        %add3A_298 = arith.addf %add3A_281, %mul3A_297 : vector<16xf32>
        %xor3A_299 = arith.xori %convert_element_type3A_226, %add3A_245 : vector<16xi32>
        %mul3A_300 = arith.mulf %sub3A_257, %sub3A_231 : vector<16xf32>
        %xor3A_301 = arith.xori %xor3A_299, %mul3A_248 : vector<16xi32>
        %and3A_302 = arith.constant 16383 : i32
        %and3A_303 = vector.broadcast %and3A_302 : i32 to vector<16xi32>
        %and3A_304 = arith.andi %xor3A_301, %and3A_303 : vector<16xi32>
        %add3A_305 = arith.addi %and3A_304, %and3A_304 : vector<16xi32>
        %add3A_306 = vector.broadcast %mul3A_83 : i32 to vector<16xi32>
        %add3A_307 = arith.addi %add3A_305, %add3A_306 : vector<16xi32>
        %gather3A_308 = tpu.vector_load_idx %arg14[%add3A_307] : memref<65536xf32, #tpu.memory_space<vmem>>[vector<16xi32>], vector<16xf32>,
        %add3A_309 = arith.constant 1 : i32
        %add3A_310 = vector.broadcast %add3A_309 : i32 to vector<16xi32>
        %add3A_311 = arith.addi %add3A_307, %add3A_310 : vector<16xi32>
        %gather3A_312 = tpu.vector_load_idx %arg14[%add3A_311] : memref<65536xf32, #tpu.memory_space<vmem>>[vector<16xi32>], vector<16xf32>,
        %mul3A_313 = arith.mulf %mul3A_300, %sub3A_263 : vector<16xf32>
        %mul3A_314 = arith.mulf %mul3A_313, %gather3A_308 : vector<16xf32>
        %add3A_315 = arith.addf %add3A_296, %mul3A_314 : vector<16xf32>
        %mul3A_316 = arith.mulf %mul3A_313, %gather3A_312 : vector<16xf32>
        %add3A_317 = arith.addf %add3A_298, %mul3A_316 : vector<16xf32>
        %xor3A_318 = arith.xori %xor3A_299, %add3A_254 : vector<16xi32>
        %and3A_319 = arith.constant 16383 : i32
        %and3A_320 = vector.broadcast %and3A_319 : i32 to vector<16xi32>
        %and3A_321 = arith.andi %xor3A_318, %and3A_320 : vector<16xi32>
        %add3A_322 = arith.addi %and3A_321, %and3A_321 : vector<16xi32>
        %add3A_323 = vector.broadcast %mul3A_83 : i32 to vector<16xi32>
        %add3A_324 = arith.addi %add3A_322, %add3A_323 : vector<16xi32>
        %gather3A_325 = tpu.vector_load_idx %arg14[%add3A_324] : memref<65536xf32, #tpu.memory_space<vmem>>[vector<16xi32>], vector<16xf32>,
        %add3A_326 = arith.constant 1 : i32
        %add3A_327 = vector.broadcast %add3A_326 : i32 to vector<16xi32>
        %add3A_328 = arith.addi %add3A_324, %add3A_327 : vector<16xi32>
        %gather3A_329 = tpu.vector_load_idx %arg14[%add3A_328] : memref<65536xf32, #tpu.memory_space<vmem>>[vector<16xi32>], vector<16xf32>,
        %mul3A_330 = arith.mulf %mul3A_300, %sub3A_233 : vector<16xf32>
        %mul3A_331 = arith.mulf %mul3A_330, %gather3A_325 : vector<16xf32>
        %add3A_332 = arith.addf %add3A_315, %mul3A_331 : vector<16xf32>
        %mul3A_333 = arith.mulf %mul3A_330, %gather3A_329 : vector<16xf32>
        %add3A_334 = arith.addf %add3A_317, %mul3A_333 : vector<16xf32>
        %xor3A_335 = arith.xori %add3A_236, %mul3A_239 : vector<16xi32>
        %mul3A_336 = arith.mulf %sub3A, %sub3A_260 : vector<16xf32>
        %xor3A_337 = arith.xori %xor3A_335, %mul3A_248 : vector<16xi32>
        %and3A_338 = arith.constant 16383 : i32
        %and3A_339 = vector.broadcast %and3A_338 : i32 to vector<16xi32>
        %and3A_340 = arith.andi %xor3A_337, %and3A_339 : vector<16xi32>
        %add3A_341 = arith.addi %and3A_340, %and3A_340 : vector<16xi32>
        %add3A_342 = vector.broadcast %mul3A_83 : i32 to vector<16xi32>
        %add3A_343 = arith.addi %add3A_341, %add3A_342 : vector<16xi32>
        %gather3A_344 = tpu.vector_load_idx %arg14[%add3A_343] : memref<65536xf32, #tpu.memory_space<vmem>>[vector<16xi32>], vector<16xf32>,
        %add3A_345 = arith.constant 1 : i32
        %add3A_346 = vector.broadcast %add3A_345 : i32 to vector<16xi32>
        %add3A_347 = arith.addi %add3A_343, %add3A_346 : vector<16xi32>
        %gather3A_348 = tpu.vector_load_idx %arg14[%add3A_347] : memref<65536xf32, #tpu.memory_space<vmem>>[vector<16xi32>], vector<16xf32>,
        %mul3A_349 = arith.mulf %mul3A_336, %sub3A_263 : vector<16xf32>
        %mul3A_350 = arith.mulf %mul3A_349, %gather3A_344 : vector<16xf32>
        %add3A_351 = arith.addf %add3A_332, %mul3A_350 : vector<16xf32>
        %mul3A_352 = arith.mulf %mul3A_349, %gather3A_348 : vector<16xf32>
        %add3A_353 = arith.addf %add3A_334, %mul3A_352 : vector<16xf32>
        %xor3A_354 = arith.xori %xor3A_335, %add3A_254 : vector<16xi32>
        %and3A_355 = arith.constant 16383 : i32
        %and3A_356 = vector.broadcast %and3A_355 : i32 to vector<16xi32>
        %and3A_357 = arith.andi %xor3A_354, %and3A_356 : vector<16xi32>
        %add3A_358 = arith.addi %and3A_357, %and3A_357 : vector<16xi32>
        %add3A_359 = vector.broadcast %mul3A_83 : i32 to vector<16xi32>
        %add3A_360 = arith.addi %add3A_358, %add3A_359 : vector<16xi32>
        %gather3A_361 = tpu.vector_load_idx %arg14[%add3A_360] : memref<65536xf32, #tpu.memory_space<vmem>>[vector<16xi32>], vector<16xf32>,
        %add3A_362 = arith.constant 1 : i32
        %add3A_363 = vector.broadcast %add3A_362 : i32 to vector<16xi32>
        %add3A_364 = arith.addi %add3A_360, %add3A_363 : vector<16xi32>
        %gather3A_365 = tpu.vector_load_idx %arg14[%add3A_364] : memref<65536xf32, #tpu.memory_space<vmem>>[vector<16xi32>], vector<16xf32>,
        %mul3A_366 = arith.mulf %mul3A_336, %sub3A_233 : vector<16xf32>
        %mul3A_367 = arith.mulf %mul3A_366, %gather3A_361 : vector<16xf32>
        %add3A_368 = arith.addf %add3A_351, %mul3A_367 : vector<16xf32>
        %mul3A_369 = arith.mulf %mul3A_366, %gather3A_365 : vector<16xf32>
        %add3A_370 = arith.addf %add3A_353, %mul3A_369 : vector<16xf32>
        %xor3A_371 = arith.xori %add3A_236, %add3A_245 : vector<16xi32>
        %mul3A_372 = arith.mulf %sub3A, %sub3A_231 : vector<16xf32>
        %xor3A_373 = arith.xori %xor3A_371, %mul3A_248 : vector<16xi32>
        %and3A_374 = arith.constant 16383 : i32
        %and3A_375 = vector.broadcast %and3A_374 : i32 to vector<16xi32>
        %and3A_376 = arith.andi %xor3A_373, %and3A_375 : vector<16xi32>
        %add3A_377 = arith.addi %and3A_376, %and3A_376 : vector<16xi32>
        %add3A_378 = vector.broadcast %mul3A_83 : i32 to vector<16xi32>
        %add3A_379 = arith.addi %add3A_377, %add3A_378 : vector<16xi32>
        %gather3A_380 = tpu.vector_load_idx %arg14[%add3A_379] : memref<65536xf32, #tpu.memory_space<vmem>>[vector<16xi32>], vector<16xf32>,
        %add3A_381 = arith.constant 1 : i32
        %add3A_382 = vector.broadcast %add3A_381 : i32 to vector<16xi32>
        %add3A_383 = arith.addi %add3A_379, %add3A_382 : vector<16xi32>
        %gather3A_384 = tpu.vector_load_idx %arg14[%add3A_383] : memref<65536xf32, #tpu.memory_space<vmem>>[vector<16xi32>], vector<16xf32>,
        %mul3A_385 = arith.mulf %mul3A_372, %sub3A_263 : vector<16xf32>
        %mul3A_386 = arith.mulf %mul3A_385, %gather3A_380 : vector<16xf32>
        %add3A_387 = arith.addf %add3A_368, %mul3A_386 : vector<16xf32>
        %mul3A_388 = arith.mulf %mul3A_385, %gather3A_384 : vector<16xf32>
        %add3A_389 = arith.addf %add3A_370, %mul3A_388 : vector<16xf32>
        %xor3A_390 = arith.xori %xor3A_371, %add3A_254 : vector<16xi32>
        %and3A_391 = arith.constant 16383 : i32
        %and3A_392 = vector.broadcast %and3A_391 : i32 to vector<16xi32>
        %and3A_393 = arith.andi %xor3A_390, %and3A_392 : vector<16xi32>
        %add3A_394 = arith.addi %and3A_393, %and3A_393 : vector<16xi32>
        %add3A_395 = vector.broadcast %mul3A_83 : i32 to vector<16xi32>
        %add3A_396 = arith.addi %add3A_394, %add3A_395 : vector<16xi32>
        %gather3A_397 = tpu.vector_load_idx %arg14[%add3A_396] : memref<65536xf32, #tpu.memory_space<vmem>>[vector<16xi32>], vector<16xf32>,
        %add3A_398 = arith.constant 1 : i32
        %add3A_399 = vector.broadcast %add3A_398 : i32 to vector<16xi32>
        %add3A_400 = arith.addi %add3A_396, %add3A_399 : vector<16xi32>
        %gather3A_401 = tpu.vector_load_idx %arg14[%add3A_400] : memref<65536xf32, #tpu.memory_space<vmem>>[vector<16xi32>], vector<16xf32>,
        %mul3A_402 = arith.mulf %mul3A_372, %sub3A_233 : vector<16xf32>
        %mul3A_403 = arith.mulf %mul3A_402, %gather3A_397 : vector<16xf32>
        %add3A_404 = arith.addf %add3A_387, %mul3A_403 : vector<16xf32>
        %mul3A_405 = arith.mulf %mul3A_402, %gather3A_401 : vector<16xf32>
        %add3A_406 = arith.addf %add3A_389, %mul3A_405 : vector<16xf32>
        %bitcast3A = vector.bitcast %add3A_404 : vector<16xf32> to vector<16xi32>
        %add3A_407 = arith.constant 32767 : i32
        %add3A_408 = vector.broadcast %add3A_407 : i32 to vector<16xi32>
        %add3A_409 = arith.addi %bitcast3A, %add3A_408 : vector<16xi32>
        %shift_right_arithmetic3A = arith.constant 16 : i32
        %shift_right_arithmetic3A_410 = vector.broadcast %shift_right_arithmetic3A : i32 to vector<16xi32>
        %shift_right_arithmetic3A_411 = arith.shrsi %bitcast3A, %shift_right_arithmetic3A_410 : vector<16xi32>
        %and3A_412 = arith.constant 1 : i32
        %and3A_413 = vector.broadcast %and3A_412 : i32 to vector<16xi32>
        %and3A_414 = arith.andi %shift_right_arithmetic3A_411, %and3A_413 : vector<16xi32>
        %add3A_415 = arith.addi %add3A_409, %and3A_414 : vector<16xi32>
        %and3A_416 = arith.constant -65536 : i32
        %and3A_417 = vector.broadcast %and3A_416 : i32 to vector<16xi32>
        %and3A_418 = arith.andi %add3A_415, %and3A_417 : vector<16xi32>
        %bitcast3A_419 = vector.bitcast %and3A_418 : vector<16xi32> to vector<16xf32>
        %bitcast3A_420 = vector.bitcast %add3A_406 : vector<16xf32> to vector<16xi32>
        %add3A_421 = arith.constant 32767 : i32
        %add3A_422 = vector.broadcast %add3A_421 : i32 to vector<16xi32>
        %add3A_423 = arith.addi %bitcast3A_420, %add3A_422 : vector<16xi32>
        %shift_right_arithmetic3A_424 = arith.constant 16 : i32
        %shift_right_arithmetic3A_425 = vector.broadcast %shift_right_arithmetic3A_424 : i32 to vector<16xi32>
        %shift_right_arithmetic3A_426 = arith.shrsi %bitcast3A_420, %shift_right_arithmetic3A_425 : vector<16xi32>
        %and3A_427 = arith.constant 1 : i32
        %and3A_428 = vector.broadcast %and3A_427 : i32 to vector<16xi32>
        %and3A_429 = arith.andi %shift_right_arithmetic3A_426, %and3A_428 : vector<16xi32>
        %add3A_430 = arith.addi %add3A_423, %and3A_429 : vector<16xi32>
        %and3A_431 = arith.constant -65536 : i32
        %and3A_432 = vector.broadcast %and3A_431 : i32 to vector<16xi32>
        %and3A_433 = arith.andi %add3A_430, %and3A_432 : vector<16xi32>
        %bitcast3A_434 = vector.bitcast %and3A_433 : vector<16xi32> to vector<16xf32>
        %get3A_435 = arith.constant 0 : i32
        %get3A_436 = arith.index_cast %get3A_435 : i32 to index
        %get3A_437 = arith.index_cast %mul3A_217 : i32 to index
        %get3A_438 = tpu.vector_load %arg15[%get3A_436, %get3A_437] {strides = array<i32>} : memref<8x2048xf32, #tpu.memory_space<vmem>>, vector<16xf32>,
        %mul3A_439 = arith.mulf %bitcast3A_419, %gather3A_103 : vector<16xf32>
        %add3A_440 = arith.addf %get3A_438, %mul3A_439 : vector<16xf32>
        %mul3A_441 = arith.mulf %bitcast3A_434, %gather3A_153 : vector<16xf32>
        %add3A_442 = arith.addf %add3A_440, %mul3A_441 : vector<16xf32>
        %swap3A = arith.constant 0 : i32
        %swap3A_443 = arith.index_cast %swap3A : i32 to index
        %swap3A_444 = arith.index_cast %mul3A_217 : i32 to index
        %swap3A_445 = tpu.vector_load %arg15[%swap3A_443, %swap3A_444] {strides = array<i32>} : memref<8x2048xf32, #tpu.memory_space<vmem>>, vector<16xf32>,
        tpu.vector_store %arg15[%swap3A_443, %swap3A_444], %add3A_442 {strides = array<i32>} : memref<8x2048xf32, #tpu.memory_space<vmem>>, vector<16xf32>,
        %get3A_446 = arith.constant 1 : i32
        %get3A_447 = arith.index_cast %get3A_446 : i32 to index
        %get3A_448 = arith.index_cast %mul3A_217 : i32 to index
        %get3A_449 = tpu.vector_load %arg15[%get3A_447, %get3A_448] {strides = array<i32>} : memref<8x2048xf32, #tpu.memory_space<vmem>>, vector<16xf32>,
        %mul3A_450 = arith.mulf %bitcast3A_419, %gather3A_109 : vector<16xf32>
        %add3A_451 = arith.addf %get3A_449, %mul3A_450 : vector<16xf32>
        %mul3A_452 = arith.mulf %bitcast3A_434, %gather3A_161 : vector<16xf32>
        %add3A_453 = arith.addf %add3A_451, %mul3A_452 : vector<16xf32>
        %swap3A_454 = arith.constant 1 : i32
        %swap3A_455 = arith.index_cast %swap3A_454 : i32 to index
        %swap3A_456 = arith.index_cast %mul3A_217 : i32 to index
        %swap3A_457 = tpu.vector_load %arg15[%swap3A_455, %swap3A_456] {strides = array<i32>} : memref<8x2048xf32, #tpu.memory_space<vmem>>, vector<16xf32>,
        tpu.vector_store %arg15[%swap3A_455, %swap3A_456], %add3A_453 {strides = array<i32>} : memref<8x2048xf32, #tpu.memory_space<vmem>>, vector<16xf32>,
        %get3A_458 = arith.constant 2 : i32
        %get3A_459 = arith.index_cast %get3A_458 : i32 to index
        %get3A_460 = arith.index_cast %mul3A_217 : i32 to index
        %get3A_461 = tpu.vector_load %arg15[%get3A_459, %get3A_460] {strides = array<i32>} : memref<8x2048xf32, #tpu.memory_space<vmem>>, vector<16xf32>,
        %mul3A_462 = arith.mulf %bitcast3A_419, %gather3A_115 : vector<16xf32>
        %add3A_463 = arith.addf %get3A_461, %mul3A_462 : vector<16xf32>
        %mul3A_464 = arith.mulf %bitcast3A_434, %gather3A_169 : vector<16xf32>
        %add3A_465 = arith.addf %add3A_463, %mul3A_464 : vector<16xf32>
        %swap3A_466 = arith.constant 2 : i32
        %swap3A_467 = arith.index_cast %swap3A_466 : i32 to index
        %swap3A_468 = arith.index_cast %mul3A_217 : i32 to index
        %swap3A_469 = tpu.vector_load %arg15[%swap3A_467, %swap3A_468] {strides = array<i32>} : memref<8x2048xf32, #tpu.memory_space<vmem>>, vector<16xf32>,
        tpu.vector_store %arg15[%swap3A_467, %swap3A_468], %add3A_465 {strides = array<i32>} : memref<8x2048xf32, #tpu.memory_space<vmem>>, vector<16xf32>,
        %get3A_470 = arith.constant 3 : i32
        %get3A_471 = arith.index_cast %get3A_470 : i32 to index
        %get3A_472 = arith.index_cast %mul3A_217 : i32 to index
        %get3A_473 = tpu.vector_load %arg15[%get3A_471, %get3A_472] {strides = array<i32>} : memref<8x2048xf32, #tpu.memory_space<vmem>>, vector<16xf32>,
        %mul3A_474 = arith.mulf %bitcast3A_419, %gather3A_121 : vector<16xf32>
        %add3A_475 = arith.addf %get3A_473, %mul3A_474 : vector<16xf32>
        %mul3A_476 = arith.mulf %bitcast3A_434, %gather3A_177 : vector<16xf32>
        %add3A_477 = arith.addf %add3A_475, %mul3A_476 : vector<16xf32>
        %swap3A_478 = arith.constant 3 : i32
        %swap3A_479 = arith.index_cast %swap3A_478 : i32 to index
        %swap3A_480 = arith.index_cast %mul3A_217 : i32 to index
        %swap3A_481 = tpu.vector_load %arg15[%swap3A_479, %swap3A_480] {strides = array<i32>} : memref<8x2048xf32, #tpu.memory_space<vmem>>, vector<16xf32>,
        tpu.vector_store %arg15[%swap3A_479, %swap3A_480], %add3A_477 {strides = array<i32>} : memref<8x2048xf32, #tpu.memory_space<vmem>>, vector<16xf32>,
        %get3A_482 = arith.constant 4 : i32
        %get3A_483 = arith.index_cast %get3A_482 : i32 to index
        %get3A_484 = arith.index_cast %mul3A_217 : i32 to index
        %get3A_485 = tpu.vector_load %arg15[%get3A_483, %get3A_484] {strides = array<i32>} : memref<8x2048xf32, #tpu.memory_space<vmem>>, vector<16xf32>,
        %mul3A_486 = arith.mulf %bitcast3A_419, %gather3A_127 : vector<16xf32>
        %add3A_487 = arith.addf %get3A_485, %mul3A_486 : vector<16xf32>
        %mul3A_488 = arith.mulf %bitcast3A_434, %gather3A_185 : vector<16xf32>
        %add3A_489 = arith.addf %add3A_487, %mul3A_488 : vector<16xf32>
        %swap3A_490 = arith.constant 4 : i32
        %swap3A_491 = arith.index_cast %swap3A_490 : i32 to index
        %swap3A_492 = arith.index_cast %mul3A_217 : i32 to index
        %swap3A_493 = tpu.vector_load %arg15[%swap3A_491, %swap3A_492] {strides = array<i32>} : memref<8x2048xf32, #tpu.memory_space<vmem>>, vector<16xf32>,
        tpu.vector_store %arg15[%swap3A_491, %swap3A_492], %add3A_489 {strides = array<i32>} : memref<8x2048xf32, #tpu.memory_space<vmem>>, vector<16xf32>,
        %get3A_494 = arith.constant 5 : i32
        %get3A_495 = arith.index_cast %get3A_494 : i32 to index
        %get3A_496 = arith.index_cast %mul3A_217 : i32 to index
        %get3A_497 = tpu.vector_load %arg15[%get3A_495, %get3A_496] {strides = array<i32>} : memref<8x2048xf32, #tpu.memory_space<vmem>>, vector<16xf32>,
        %mul3A_498 = arith.mulf %bitcast3A_419, %gather3A_133 : vector<16xf32>
        %add3A_499 = arith.addf %get3A_497, %mul3A_498 : vector<16xf32>
        %mul3A_500 = arith.mulf %bitcast3A_434, %gather3A_193 : vector<16xf32>
        %add3A_501 = arith.addf %add3A_499, %mul3A_500 : vector<16xf32>
        %swap3A_502 = arith.constant 5 : i32
        %swap3A_503 = arith.index_cast %swap3A_502 : i32 to index
        %swap3A_504 = arith.index_cast %mul3A_217 : i32 to index
        %swap3A_505 = tpu.vector_load %arg15[%swap3A_503, %swap3A_504] {strides = array<i32>} : memref<8x2048xf32, #tpu.memory_space<vmem>>, vector<16xf32>,
        tpu.vector_store %arg15[%swap3A_503, %swap3A_504], %add3A_501 {strides = array<i32>} : memref<8x2048xf32, #tpu.memory_space<vmem>>, vector<16xf32>,
        %get3A_506 = arith.constant 6 : i32
        %get3A_507 = arith.index_cast %get3A_506 : i32 to index
        %get3A_508 = arith.index_cast %mul3A_217 : i32 to index
        %get3A_509 = tpu.vector_load %arg15[%get3A_507, %get3A_508] {strides = array<i32>} : memref<8x2048xf32, #tpu.memory_space<vmem>>, vector<16xf32>,
        %mul3A_510 = arith.mulf %bitcast3A_419, %gather3A_139 : vector<16xf32>
        %add3A_511 = arith.addf %get3A_509, %mul3A_510 : vector<16xf32>
        %mul3A_512 = arith.mulf %bitcast3A_434, %gather3A_201 : vector<16xf32>
        %add3A_513 = arith.addf %add3A_511, %mul3A_512 : vector<16xf32>
        %swap3A_514 = arith.constant 6 : i32
        %swap3A_515 = arith.index_cast %swap3A_514 : i32 to index
        %swap3A_516 = arith.index_cast %mul3A_217 : i32 to index
        %swap3A_517 = tpu.vector_load %arg15[%swap3A_515, %swap3A_516] {strides = array<i32>} : memref<8x2048xf32, #tpu.memory_space<vmem>>, vector<16xf32>,
        tpu.vector_store %arg15[%swap3A_515, %swap3A_516], %add3A_513 {strides = array<i32>} : memref<8x2048xf32, #tpu.memory_space<vmem>>, vector<16xf32>,
        %get3A_518 = arith.constant 7 : i32
        %get3A_519 = arith.index_cast %get3A_518 : i32 to index
        %get3A_520 = arith.index_cast %mul3A_217 : i32 to index
        %get3A_521 = tpu.vector_load %arg15[%get3A_519, %get3A_520] {strides = array<i32>} : memref<8x2048xf32, #tpu.memory_space<vmem>>, vector<16xf32>,
        %mul3A_522 = arith.mulf %bitcast3A_419, %gather3A_145 : vector<16xf32>
        %add3A_523 = arith.addf %get3A_521, %mul3A_522 : vector<16xf32>
        %mul3A_524 = arith.mulf %bitcast3A_434, %gather3A_209 : vector<16xf32>
        %add3A_525 = arith.addf %add3A_523, %mul3A_524 : vector<16xf32>
        %swap3A_526 = arith.constant 7 : i32
        %swap3A_527 = arith.index_cast %swap3A_526 : i32 to index
        %swap3A_528 = arith.index_cast %mul3A_217 : i32 to index
        %swap3A_529 = tpu.vector_load %arg15[%swap3A_527, %swap3A_528] {strides = array<i32>} : memref<8x2048xf32, #tpu.memory_space<vmem>>, vector<16xf32>,
        tpu.vector_store %arg15[%swap3A_527, %swap3A_528], %add3A_525 {strides = array<i32>} : memref<8x2048xf32, #tpu.memory_space<vmem>>, vector<16xf32>,
      }
      %scan3A_214 = arith.constant 128 : i32
    }
    %scan3A_19 = arith.constant 16 : i32
    %broadcast_in_dim3A_20 = arith.constant 256 : i32
    %broadcast_in_dim3A_21 = vector.broadcast %broadcast_in_dim3A_20 : i32 to vector<16xi32>
    %gather3A = tpu.vector_load_idx %arg17[%broadcast_in_dim3A_21] : memref<288xf32, #tpu.memory_space<vmem>>[vector<16xi32>], vector<16xf32>,
    %broadcast_in_dim3A_22 = arith.constant 257 : i32
    %broadcast_in_dim3A_23 = vector.broadcast %broadcast_in_dim3A_22 : i32 to vector<16xi32>
    %gather3A_24 = tpu.vector_load_idx %arg17[%broadcast_in_dim3A_23] : memref<288xf32, #tpu.memory_space<vmem>>[vector<16xi32>], vector<16xf32>,
    %broadcast_in_dim3A_25 = arith.constant 258 : i32
    %broadcast_in_dim3A_26 = vector.broadcast %broadcast_in_dim3A_25 : i32 to vector<16xi32>
    %gather3A_27 = tpu.vector_load_idx %arg17[%broadcast_in_dim3A_26] : memref<288xf32, #tpu.memory_space<vmem>>[vector<16xi32>], vector<16xf32>,
    %broadcast_in_dim3A_28 = arith.constant 259 : i32
    %broadcast_in_dim3A_29 = vector.broadcast %broadcast_in_dim3A_28 : i32 to vector<16xi32>
    %gather3A_30 = tpu.vector_load_idx %arg17[%broadcast_in_dim3A_29] : memref<288xf32, #tpu.memory_space<vmem>>[vector<16xi32>], vector<16xf32>,
    %broadcast_in_dim3A_31 = arith.constant 260 : i32
    %broadcast_in_dim3A_32 = vector.broadcast %broadcast_in_dim3A_31 : i32 to vector<16xi32>
    %gather3A_33 = tpu.vector_load_idx %arg17[%broadcast_in_dim3A_32] : memref<288xf32, #tpu.memory_space<vmem>>[vector<16xi32>], vector<16xf32>,
    %broadcast_in_dim3A_34 = arith.constant 261 : i32
    %broadcast_in_dim3A_35 = vector.broadcast %broadcast_in_dim3A_34 : i32 to vector<16xi32>
    %gather3A_36 = tpu.vector_load_idx %arg17[%broadcast_in_dim3A_35] : memref<288xf32, #tpu.memory_space<vmem>>[vector<16xi32>], vector<16xf32>,
    %broadcast_in_dim3A_37 = arith.constant 262 : i32
    %broadcast_in_dim3A_38 = vector.broadcast %broadcast_in_dim3A_37 : i32 to vector<16xi32>
    %gather3A_39 = tpu.vector_load_idx %arg17[%broadcast_in_dim3A_38] : memref<288xf32, #tpu.memory_space<vmem>>[vector<16xi32>], vector<16xf32>,
    %broadcast_in_dim3A_40 = arith.constant 263 : i32
    %broadcast_in_dim3A_41 = vector.broadcast %broadcast_in_dim3A_40 : i32 to vector<16xi32>
    %gather3A_42 = tpu.vector_load_idx %arg17[%broadcast_in_dim3A_41] : memref<288xf32, #tpu.memory_space<vmem>>[vector<16xi32>], vector<16xf32>,
    %scan3A_43 = arith.constant 0 : i32
    %scan3A_44 = arith.constant 128 : i32
    %scan3A_45 = arith.addi %scan3A_43, %scan3A_44 : i32
    %scan3A_46 = arith.constant 1 : i32
    scf.for %scan3A_72 = %scan3A_43 to %scan3A_45 step %scan3A_46  : i32 {
      %mul3A_73 = arith.constant 16 : i32
      %mul3A_74 = arith.muli %scan3A_72, %mul3A_73 : i32
      %get3A = arith.constant 0 : i32
      %get3A_75 = arith.index_cast %get3A : i32 to index
      %get3A_76 = arith.index_cast %mul3A_74 : i32 to index
      %get3A_77 = tpu.vector_load %arg15[%get3A_75, %get3A_76] {strides = array<i32>} : memref<8x2048xf32, #tpu.memory_space<vmem>>, vector<16xf32>,
      %add3A_78 = arith.addf %get3A_77, %gather3A : vector<16xf32>
      %get3A_79 = arith.constant 1 : i32
      %get3A_80 = arith.index_cast %get3A_79 : i32 to index
      %get3A_81 = arith.index_cast %mul3A_74 : i32 to index
      %get3A_82 = tpu.vector_load %arg15[%get3A_80, %get3A_81] {strides = array<i32>} : memref<8x2048xf32, #tpu.memory_space<vmem>>, vector<16xf32>,
      %add3A_83 = arith.addf %get3A_82, %gather3A_24 : vector<16xf32>
      %get3A_84 = arith.constant 2 : i32
      %get3A_85 = arith.index_cast %get3A_84 : i32 to index
      %get3A_86 = arith.index_cast %mul3A_74 : i32 to index
      %get3A_87 = tpu.vector_load %arg15[%get3A_85, %get3A_86] {strides = array<i32>} : memref<8x2048xf32, #tpu.memory_space<vmem>>, vector<16xf32>,
      %add3A_88 = arith.addf %get3A_87, %gather3A_27 : vector<16xf32>
      %get3A_89 = arith.constant 3 : i32
      %get3A_90 = arith.index_cast %get3A_89 : i32 to index
      %get3A_91 = arith.index_cast %mul3A_74 : i32 to index
      %get3A_92 = tpu.vector_load %arg15[%get3A_90, %get3A_91] {strides = array<i32>} : memref<8x2048xf32, #tpu.memory_space<vmem>>, vector<16xf32>,
      %add3A_93 = arith.addf %get3A_92, %gather3A_30 : vector<16xf32>
      %get3A_94 = arith.constant 4 : i32
      %get3A_95 = arith.index_cast %get3A_94 : i32 to index
      %get3A_96 = arith.index_cast %mul3A_74 : i32 to index
      %get3A_97 = tpu.vector_load %arg15[%get3A_95, %get3A_96] {strides = array<i32>} : memref<8x2048xf32, #tpu.memory_space<vmem>>, vector<16xf32>,
      %add3A_98 = arith.addf %get3A_97, %gather3A_33 : vector<16xf32>
      %get3A_99 = arith.constant 5 : i32
      %get3A_100 = arith.index_cast %get3A_99 : i32 to index
      %get3A_101 = arith.index_cast %mul3A_74 : i32 to index
      %get3A_102 = tpu.vector_load %arg15[%get3A_100, %get3A_101] {strides = array<i32>} : memref<8x2048xf32, #tpu.memory_space<vmem>>, vector<16xf32>,
      %add3A_103 = arith.addf %get3A_102, %gather3A_36 : vector<16xf32>
      %get3A_104 = arith.constant 6 : i32
      %get3A_105 = arith.index_cast %get3A_104 : i32 to index
      %get3A_106 = arith.index_cast %mul3A_74 : i32 to index
      %get3A_107 = tpu.vector_load %arg15[%get3A_105, %get3A_106] {strides = array<i32>} : memref<8x2048xf32, #tpu.memory_space<vmem>>, vector<16xf32>,
      %add3A_108 = arith.addf %get3A_107, %gather3A_39 : vector<16xf32>
      %get3A_109 = arith.constant 7 : i32
      %get3A_110 = arith.index_cast %get3A_109 : i32 to index
      %get3A_111 = arith.index_cast %mul3A_74 : i32 to index
      %get3A_112 = tpu.vector_load %arg15[%get3A_110, %get3A_111] {strides = array<i32>} : memref<8x2048xf32, #tpu.memory_space<vmem>>, vector<16xf32>,
      %add3A_113 = arith.addf %get3A_112, %gather3A_42 : vector<16xf32>
      %neg3A = arith.constant 0.000000e+00 : f32
      %neg3A_114 = vector.broadcast %neg3A : f32 to vector<16xf32>
      %neg3A_115 = arith.subf %neg3A_114, %add3A_93 : vector<16xf32>
      %exp3A = math.exp %neg3A_115 : vector<16xf32>
      %add3A_116 = arith.constant 1.000000e+00 : f32
      %add3A_117 = vector.broadcast %add3A_116 : f32 to vector<16xf32>
      %add3A_118 = arith.addf %add3A_117, %exp3A : vector<16xf32>
      %div3A = arith.constant 1.000000e+00 : f32
      %div3A_119 = vector.broadcast %div3A : f32 to vector<16xf32>
      %div3A_120 = arith.divf %div3A_119, %add3A_118 : vector<16xf32>
      %get3A_121 = arith.index_cast %mul3A_74 : i32 to index
      %get3A_122 = tpu.vector_load %arg13[%get3A_121] {strides = array<i32>} : memref<2048xf32, #tpu.memory_space<vmem>>, vector<16xf32>,
      %mul3A_123 = arith.mulf %div3A_120, %get3A_122 : vector<16xf32>
      %swap3A = arith.constant 0 : i32
      %swap3A_124 = arith.index_cast %swap3A : i32 to index
      %swap3A_125 = arith.index_cast %mul3A_74 : i32 to index
      %swap3A_126 = tpu.vector_load %arg16[%swap3A_124, %swap3A_125] {strides = array<i32>} : memref<12x2048xf32, #tpu.memory_space<vmem>>, vector<16xf32>,
      tpu.vector_store %arg16[%swap3A_124, %swap3A_125], %mul3A_123 {strides = array<i32>} : memref<12x2048xf32, #tpu.memory_space<vmem>>, vector<16xf32>,
      %neg3A_127 = arith.constant 0.000000e+00 : f32
      %neg3A_128 = vector.broadcast %neg3A_127 : f32 to vector<16xf32>
      %neg3A_129 = arith.subf %neg3A_128, %add3A_78 : vector<16xf32>
      %exp3A_130 = math.exp %neg3A_129 : vector<16xf32>
      %add3A_131 = arith.constant 1.000000e+00 : f32
      %add3A_132 = vector.broadcast %add3A_131 : f32 to vector<16xf32>
      %add3A_133 = arith.addf %add3A_132, %exp3A_130 : vector<16xf32>
      %div3A_134 = arith.constant 1.000000e+00 : f32
      %div3A_135 = vector.broadcast %div3A_134 : f32 to vector<16xf32>
      %div3A_136 = arith.divf %div3A_135, %add3A_133 : vector<16xf32>
      %mul3A_137 = arith.mulf %mul3A_123, %div3A_136 : vector<16xf32>
      %swap3A_138 = arith.constant 1 : i32
      %swap3A_139 = arith.index_cast %swap3A_138 : i32 to index
      %swap3A_140 = arith.index_cast %mul3A_74 : i32 to index
      %swap3A_141 = tpu.vector_load %arg16[%swap3A_139, %swap3A_140] {strides = array<i32>} : memref<12x2048xf32, #tpu.memory_space<vmem>>, vector<16xf32>,
      tpu.vector_store %arg16[%swap3A_139, %swap3A_140], %mul3A_137 {strides = array<i32>} : memref<12x2048xf32, #tpu.memory_space<vmem>>, vector<16xf32>,
      %neg3A_142 = arith.constant 0.000000e+00 : f32
      %neg3A_143 = vector.broadcast %neg3A_142 : f32 to vector<16xf32>
      %neg3A_144 = arith.subf %neg3A_143, %add3A_83 : vector<16xf32>
      %exp3A_145 = math.exp %neg3A_144 : vector<16xf32>
      %add3A_146 = arith.constant 1.000000e+00 : f32
      %add3A_147 = vector.broadcast %add3A_146 : f32 to vector<16xf32>
      %add3A_148 = arith.addf %add3A_147, %exp3A_145 : vector<16xf32>
      %div3A_149 = arith.constant 1.000000e+00 : f32
      %div3A_150 = vector.broadcast %div3A_149 : f32 to vector<16xf32>
      %div3A_151 = arith.divf %div3A_150, %add3A_148 : vector<16xf32>
      %mul3A_152 = arith.mulf %mul3A_123, %div3A_151 : vector<16xf32>
      %swap3A_153 = arith.constant 2 : i32
      %swap3A_154 = arith.index_cast %swap3A_153 : i32 to index
      %swap3A_155 = arith.index_cast %mul3A_74 : i32 to index
      %swap3A_156 = tpu.vector_load %arg16[%swap3A_154, %swap3A_155] {strides = array<i32>} : memref<12x2048xf32, #tpu.memory_space<vmem>>, vector<16xf32>,
      tpu.vector_store %arg16[%swap3A_154, %swap3A_155], %mul3A_152 {strides = array<i32>} : memref<12x2048xf32, #tpu.memory_space<vmem>>, vector<16xf32>,
      %neg3A_157 = arith.constant 0.000000e+00 : f32
      %neg3A_158 = vector.broadcast %neg3A_157 : f32 to vector<16xf32>
      %neg3A_159 = arith.subf %neg3A_158, %add3A_88 : vector<16xf32>
      %exp3A_160 = math.exp %neg3A_159 : vector<16xf32>
      %add3A_161 = arith.constant 1.000000e+00 : f32
      %add3A_162 = vector.broadcast %add3A_161 : f32 to vector<16xf32>
      %add3A_163 = arith.addf %add3A_162, %exp3A_160 : vector<16xf32>
      %div3A_164 = arith.constant 1.000000e+00 : f32
      %div3A_165 = vector.broadcast %div3A_164 : f32 to vector<16xf32>
      %div3A_166 = arith.divf %div3A_165, %add3A_163 : vector<16xf32>
      %mul3A_167 = arith.mulf %mul3A_123, %div3A_166 : vector<16xf32>
      %swap3A_168 = arith.constant 3 : i32
      %swap3A_169 = arith.index_cast %swap3A_168 : i32 to index
      %swap3A_170 = arith.index_cast %mul3A_74 : i32 to index
      %swap3A_171 = tpu.vector_load %arg16[%swap3A_169, %swap3A_170] {strides = array<i32>} : memref<12x2048xf32, #tpu.memory_space<vmem>>, vector<16xf32>,
      tpu.vector_store %arg16[%swap3A_169, %swap3A_170], %mul3A_167 {strides = array<i32>} : memref<12x2048xf32, #tpu.memory_space<vmem>>, vector<16xf32>,
      %mul3A_172 = arith.mulf %mul3A_123, %add3A_78 : vector<16xf32>
      %swap3A_173 = arith.constant 4 : i32
      %swap3A_174 = arith.index_cast %swap3A_173 : i32 to index
      %swap3A_175 = arith.index_cast %mul3A_74 : i32 to index
      %swap3A_176 = tpu.vector_load %arg16[%swap3A_174, %swap3A_175] {strides = array<i32>} : memref<12x2048xf32, #tpu.memory_space<vmem>>, vector<16xf32>,
      tpu.vector_store %arg16[%swap3A_174, %swap3A_175], %mul3A_172 {strides = array<i32>} : memref<12x2048xf32, #tpu.memory_space<vmem>>, vector<16xf32>,
      %mul3A_177 = arith.mulf %mul3A_123, %add3A_83 : vector<16xf32>
      %swap3A_178 = arith.constant 5 : i32
      %swap3A_179 = arith.index_cast %swap3A_178 : i32 to index
      %swap3A_180 = arith.index_cast %mul3A_74 : i32 to index
      %swap3A_181 = tpu.vector_load %arg16[%swap3A_179, %swap3A_180] {strides = array<i32>} : memref<12x2048xf32, #tpu.memory_space<vmem>>, vector<16xf32>,
      tpu.vector_store %arg16[%swap3A_179, %swap3A_180], %mul3A_177 {strides = array<i32>} : memref<12x2048xf32, #tpu.memory_space<vmem>>, vector<16xf32>,
      %mul3A_182 = arith.mulf %mul3A_123, %add3A_88 : vector<16xf32>
      %swap3A_183 = arith.constant 6 : i32
      %swap3A_184 = arith.index_cast %swap3A_183 : i32 to index
      %swap3A_185 = arith.index_cast %mul3A_74 : i32 to index
      %swap3A_186 = tpu.vector_load %arg16[%swap3A_184, %swap3A_185] {strides = array<i32>} : memref<12x2048xf32, #tpu.memory_space<vmem>>, vector<16xf32>,
      tpu.vector_store %arg16[%swap3A_184, %swap3A_185], %mul3A_182 {strides = array<i32>} : memref<12x2048xf32, #tpu.memory_space<vmem>>, vector<16xf32>,
      %mul3A_187 = arith.mulf %mul3A_123, %add3A_93 : vector<16xf32>
      %swap3A_188 = arith.constant 7 : i32
      %swap3A_189 = arith.index_cast %swap3A_188 : i32 to index
      %swap3A_190 = arith.index_cast %mul3A_74 : i32 to index
      %swap3A_191 = tpu.vector_load %arg16[%swap3A_189, %swap3A_190] {strides = array<i32>} : memref<12x2048xf32, #tpu.memory_space<vmem>>, vector<16xf32>,
      tpu.vector_store %arg16[%swap3A_189, %swap3A_190], %mul3A_187 {strides = array<i32>} : memref<12x2048xf32, #tpu.memory_space<vmem>>, vector<16xf32>,
      %mul3A_192 = arith.mulf %mul3A_123, %add3A_98 : vector<16xf32>
      %swap3A_193 = arith.constant 8 : i32
      %swap3A_194 = arith.index_cast %swap3A_193 : i32 to index
      %swap3A_195 = arith.index_cast %mul3A_74 : i32 to index
      %swap3A_196 = tpu.vector_load %arg16[%swap3A_194, %swap3A_195] {strides = array<i32>} : memref<12x2048xf32, #tpu.memory_space<vmem>>, vector<16xf32>,
      tpu.vector_store %arg16[%swap3A_194, %swap3A_195], %mul3A_192 {strides = array<i32>} : memref<12x2048xf32, #tpu.memory_space<vmem>>, vector<16xf32>,
      %mul3A_197 = arith.mulf %mul3A_123, %add3A_103 : vector<16xf32>
      %swap3A_198 = arith.constant 9 : i32
      %swap3A_199 = arith.index_cast %swap3A_198 : i32 to index
      %swap3A_200 = arith.index_cast %mul3A_74 : i32 to index
      %swap3A_201 = tpu.vector_load %arg16[%swap3A_199, %swap3A_200] {strides = array<i32>} : memref<12x2048xf32, #tpu.memory_space<vmem>>, vector<16xf32>,
      tpu.vector_store %arg16[%swap3A_199, %swap3A_200], %mul3A_197 {strides = array<i32>} : memref<12x2048xf32, #tpu.memory_space<vmem>>, vector<16xf32>,
      %mul3A_202 = arith.mulf %mul3A_123, %add3A_108 : vector<16xf32>
      %swap3A_203 = arith.constant 10 : i32
      %swap3A_204 = arith.index_cast %swap3A_203 : i32 to index
      %swap3A_205 = arith.index_cast %mul3A_74 : i32 to index
      %swap3A_206 = tpu.vector_load %arg16[%swap3A_204, %swap3A_205] {strides = array<i32>} : memref<12x2048xf32, #tpu.memory_space<vmem>>, vector<16xf32>,
      tpu.vector_store %arg16[%swap3A_204, %swap3A_205], %mul3A_202 {strides = array<i32>} : memref<12x2048xf32, #tpu.memory_space<vmem>>, vector<16xf32>,
      %mul3A_207 = arith.mulf %mul3A_123, %add3A_113 : vector<16xf32>
      %swap3A_208 = arith.constant 11 : i32
      %swap3A_209 = arith.index_cast %swap3A_208 : i32 to index
      %swap3A_210 = arith.index_cast %mul3A_74 : i32 to index
      %swap3A_211 = tpu.vector_load %arg16[%swap3A_209, %swap3A_210] {strides = array<i32>} : memref<12x2048xf32, #tpu.memory_space<vmem>>, vector<16xf32>,
      tpu.vector_store %arg16[%swap3A_209, %swap3A_210], %mul3A_207 {strides = array<i32>} : memref<12x2048xf32, #tpu.memory_space<vmem>>, vector<16xf32>,
    }
    %scan3A_47 = arith.constant 128 : i32
    %run_scoped3A = arith.constant 0 : i32
    %run_scoped3A_48 = arith.constant 0 : i32
    "tpu.region"() ({
      %run_scoped3A_72 = tpu.sem_alloc : memref<!tpu.dma_semaphore, #tpu.memory_space<semaphore_mem>>
      %dma_start3A_73 = arith.constant 0 : i32
      %dma_start3A_74 = tpu.memref_slice %arg16[%run_scoped3A, %dma_start3A_73] : memref<12x2048xf32, #tpu.memory_space<vmem>> -> memref<1x2048xf32, #tpu.memory_space<vmem>>
      %dma_start3A_75 = tpu.memref_squeeze %dma_start3A_74 : memref<1x2048xf32, #tpu.memory_space<vmem>> -> memref<2048xf32, #tpu.memory_space<vmem>>
      %dma_start3A_76 = tpu.memref_slice %arg8[%run_scoped3A_48, %mul3A_2] : memref<12x65536xf32, #tpu.memory_space<hbm>> -> memref<1x2048xf32, #tpu.memory_space<hbm>>
      %dma_start3A_77 = tpu.memref_squeeze %dma_start3A_76 : memref<1x2048xf32, #tpu.memory_space<hbm>> -> memref<2048xf32, #tpu.memory_space<hbm>>
      %dma_start3A_78 = tpu.memref_slice %arg8[%run_scoped3A_48, %mul3A_2] : memref<12x65536xf32, #tpu.memory_space<hbm>> -> memref<1x2048xf32, #tpu.memory_space<hbm>>
      %dma_start3A_79 = tpu.memref_squeeze %dma_start3A_78 : memref<1x2048xf32, #tpu.memory_space<hbm>> -> memref<2048xf32, #tpu.memory_space<hbm>>
      %dma_start3A_80 = arith.constant 0 : i32
      %dma_start3A_81 = tpu.memref_slice %arg16[%run_scoped3A, %dma_start3A_80] : memref<12x2048xf32, #tpu.memory_space<vmem>> -> memref<1x2048xf32, #tpu.memory_space<vmem>>
      %dma_start3A_82 = tpu.memref_squeeze %dma_start3A_81 : memref<1x2048xf32, #tpu.memory_space<vmem>> -> memref<2048xf32, #tpu.memory_space<vmem>>
      tpu.enqueue_dma source(%dma_start3A_82 : memref<2048xf32, #tpu.memory_space<vmem>>) target(%dma_start3A_79 : memref<2048xf32, #tpu.memory_space<hbm>>) target_semaphore(%run_scoped3A_72 : memref<!tpu.dma_semaphore, #tpu.memory_space<semaphore_mem>>)
      %dma_wait3A = arith.constant 0 : i32
      %dma_wait3A_83 = tpu.memref_slice %arg16[%run_scoped3A, %dma_wait3A] : memref<12x2048xf32, #tpu.memory_space<vmem>> -> memref<1x2048xf32, #tpu.memory_space<vmem>>
      %dma_wait3A_84 = tpu.memref_squeeze %dma_wait3A_83 : memref<1x2048xf32, #tpu.memory_space<vmem>> -> memref<2048xf32, #tpu.memory_space<vmem>>
      %dma_wait3A_85 = tpu.memref_slice %arg8[%run_scoped3A_48, %mul3A_2] : memref<12x65536xf32, #tpu.memory_space<hbm>> -> memref<1x2048xf32, #tpu.memory_space<hbm>>
      %dma_wait3A_86 = tpu.memref_squeeze %dma_wait3A_85 : memref<1x2048xf32, #tpu.memory_space<hbm>> -> memref<2048xf32, #tpu.memory_space<hbm>>
      %dma_wait3A_87 = tpu.memref_slice %arg8[%run_scoped3A_48, %mul3A_2] : memref<12x65536xf32, #tpu.memory_space<hbm>> -> memref<1x2048xf32, #tpu.memory_space<hbm>>
      %dma_wait3A_88 = tpu.memref_squeeze %dma_wait3A_87 : memref<1x2048xf32, #tpu.memory_space<hbm>> -> memref<2048xf32, #tpu.memory_space<hbm>>
      %dma_wait3A_89 = arith.constant 0 : i32
      %dma_wait3A_90 = tpu.memref_slice %arg16[%run_scoped3A, %dma_wait3A_89] : memref<12x2048xf32, #tpu.memory_space<vmem>> -> memref<1x2048xf32, #tpu.memory_space<vmem>>
      %dma_wait3A_91 = tpu.memref_squeeze %dma_wait3A_90 : memref<1x2048xf32, #tpu.memory_space<vmem>> -> memref<2048xf32, #tpu.memory_space<vmem>>
      tpu.wait_dma2 semaphore(%run_scoped3A_72 : memref<!tpu.dma_semaphore, #tpu.memory_space<semaphore_mem>>) src(%dma_wait3A_91 : memref<2048xf32, #tpu.memory_space<vmem>>) dst(%dma_wait3A_88 : memref<2048xf32, #tpu.memory_space<hbm>>)
      tpu.yield
    }) : () -> ()
    %run_scoped3A_49 = arith.constant 1 : i32
    %run_scoped3A_50 = arith.constant 1 : i32
    "tpu.region"() ({
      %run_scoped3A_72 = tpu.sem_alloc : memref<!tpu.dma_semaphore, #tpu.memory_space<semaphore_mem>>
      %dma_start3A_73 = arith.constant 0 : i32
      %dma_start3A_74 = tpu.memref_slice %arg16[%run_scoped3A_49, %dma_start3A_73] : memref<12x2048xf32, #tpu.memory_space<vmem>> -> memref<1x2048xf32, #tpu.memory_space<vmem>>
      %dma_start3A_75 = tpu.memref_squeeze %dma_start3A_74 : memref<1x2048xf32, #tpu.memory_space<vmem>> -> memref<2048xf32, #tpu.memory_space<vmem>>
      %dma_start3A_76 = tpu.memref_slice %arg8[%run_scoped3A_50, %mul3A_2] : memref<12x65536xf32, #tpu.memory_space<hbm>> -> memref<1x2048xf32, #tpu.memory_space<hbm>>
      %dma_start3A_77 = tpu.memref_squeeze %dma_start3A_76 : memref<1x2048xf32, #tpu.memory_space<hbm>> -> memref<2048xf32, #tpu.memory_space<hbm>>
      %dma_start3A_78 = tpu.memref_slice %arg8[%run_scoped3A_50, %mul3A_2] : memref<12x65536xf32, #tpu.memory_space<hbm>> -> memref<1x2048xf32, #tpu.memory_space<hbm>>
      %dma_start3A_79 = tpu.memref_squeeze %dma_start3A_78 : memref<1x2048xf32, #tpu.memory_space<hbm>> -> memref<2048xf32, #tpu.memory_space<hbm>>
      %dma_start3A_80 = arith.constant 0 : i32
      %dma_start3A_81 = tpu.memref_slice %arg16[%run_scoped3A_49, %dma_start3A_80] : memref<12x2048xf32, #tpu.memory_space<vmem>> -> memref<1x2048xf32, #tpu.memory_space<vmem>>
      %dma_start3A_82 = tpu.memref_squeeze %dma_start3A_81 : memref<1x2048xf32, #tpu.memory_space<vmem>> -> memref<2048xf32, #tpu.memory_space<vmem>>
      tpu.enqueue_dma source(%dma_start3A_82 : memref<2048xf32, #tpu.memory_space<vmem>>) target(%dma_start3A_79 : memref<2048xf32, #tpu.memory_space<hbm>>) target_semaphore(%run_scoped3A_72 : memref<!tpu.dma_semaphore, #tpu.memory_space<semaphore_mem>>)
      %dma_wait3A = arith.constant 0 : i32
      %dma_wait3A_83 = tpu.memref_slice %arg16[%run_scoped3A_49, %dma_wait3A] : memref<12x2048xf32, #tpu.memory_space<vmem>> -> memref<1x2048xf32, #tpu.memory_space<vmem>>
      %dma_wait3A_84 = tpu.memref_squeeze %dma_wait3A_83 : memref<1x2048xf32, #tpu.memory_space<vmem>> -> memref<2048xf32, #tpu.memory_space<vmem>>
      %dma_wait3A_85 = tpu.memref_slice %arg8[%run_scoped3A_50, %mul3A_2] : memref<12x65536xf32, #tpu.memory_space<hbm>> -> memref<1x2048xf32, #tpu.memory_space<hbm>>
      %dma_wait3A_86 = tpu.memref_squeeze %dma_wait3A_85 : memref<1x2048xf32, #tpu.memory_space<hbm>> -> memref<2048xf32, #tpu.memory_space<hbm>>
      %dma_wait3A_87 = tpu.memref_slice %arg8[%run_scoped3A_50, %mul3A_2] : memref<12x65536xf32, #tpu.memory_space<hbm>> -> memref<1x2048xf32, #tpu.memory_space<hbm>>
      %dma_wait3A_88 = tpu.memref_squeeze %dma_wait3A_87 : memref<1x2048xf32, #tpu.memory_space<hbm>> -> memref<2048xf32, #tpu.memory_space<hbm>>
      %dma_wait3A_89 = arith.constant 0 : i32
      %dma_wait3A_90 = tpu.memref_slice %arg16[%run_scoped3A_49, %dma_wait3A_89] : memref<12x2048xf32, #tpu.memory_space<vmem>> -> memref<1x2048xf32, #tpu.memory_space<vmem>>
      %dma_wait3A_91 = tpu.memref_squeeze %dma_wait3A_90 : memref<1x2048xf32, #tpu.memory_space<vmem>> -> memref<2048xf32, #tpu.memory_space<vmem>>
      tpu.wait_dma2 semaphore(%run_scoped3A_72 : memref<!tpu.dma_semaphore, #tpu.memory_space<semaphore_mem>>) src(%dma_wait3A_91 : memref<2048xf32, #tpu.memory_space<vmem>>) dst(%dma_wait3A_88 : memref<2048xf32, #tpu.memory_space<hbm>>)
      tpu.yield
    }) : () -> ()
    %run_scoped3A_51 = arith.constant 2 : i32
    %run_scoped3A_52 = arith.constant 2 : i32
    "tpu.region"() ({
      %run_scoped3A_72 = tpu.sem_alloc : memref<!tpu.dma_semaphore, #tpu.memory_space<semaphore_mem>>
      %dma_start3A_73 = arith.constant 0 : i32
      %dma_start3A_74 = tpu.memref_slice %arg16[%run_scoped3A_51, %dma_start3A_73] : memref<12x2048xf32, #tpu.memory_space<vmem>> -> memref<1x2048xf32, #tpu.memory_space<vmem>>
      %dma_start3A_75 = tpu.memref_squeeze %dma_start3A_74 : memref<1x2048xf32, #tpu.memory_space<vmem>> -> memref<2048xf32, #tpu.memory_space<vmem>>
      %dma_start3A_76 = tpu.memref_slice %arg8[%run_scoped3A_52, %mul3A_2] : memref<12x65536xf32, #tpu.memory_space<hbm>> -> memref<1x2048xf32, #tpu.memory_space<hbm>>
      %dma_start3A_77 = tpu.memref_squeeze %dma_start3A_76 : memref<1x2048xf32, #tpu.memory_space<hbm>> -> memref<2048xf32, #tpu.memory_space<hbm>>
      %dma_start3A_78 = tpu.memref_slice %arg8[%run_scoped3A_52, %mul3A_2] : memref<12x65536xf32, #tpu.memory_space<hbm>> -> memref<1x2048xf32, #tpu.memory_space<hbm>>
      %dma_start3A_79 = tpu.memref_squeeze %dma_start3A_78 : memref<1x2048xf32, #tpu.memory_space<hbm>> -> memref<2048xf32, #tpu.memory_space<hbm>>
      %dma_start3A_80 = arith.constant 0 : i32
      %dma_start3A_81 = tpu.memref_slice %arg16[%run_scoped3A_51, %dma_start3A_80] : memref<12x2048xf32, #tpu.memory_space<vmem>> -> memref<1x2048xf32, #tpu.memory_space<vmem>>
      %dma_start3A_82 = tpu.memref_squeeze %dma_start3A_81 : memref<1x2048xf32, #tpu.memory_space<vmem>> -> memref<2048xf32, #tpu.memory_space<vmem>>
      tpu.enqueue_dma source(%dma_start3A_82 : memref<2048xf32, #tpu.memory_space<vmem>>) target(%dma_start3A_79 : memref<2048xf32, #tpu.memory_space<hbm>>) target_semaphore(%run_scoped3A_72 : memref<!tpu.dma_semaphore, #tpu.memory_space<semaphore_mem>>)
      %dma_wait3A = arith.constant 0 : i32
      %dma_wait3A_83 = tpu.memref_slice %arg16[%run_scoped3A_51, %dma_wait3A] : memref<12x2048xf32, #tpu.memory_space<vmem>> -> memref<1x2048xf32, #tpu.memory_space<vmem>>
      %dma_wait3A_84 = tpu.memref_squeeze %dma_wait3A_83 : memref<1x2048xf32, #tpu.memory_space<vmem>> -> memref<2048xf32, #tpu.memory_space<vmem>>
      %dma_wait3A_85 = tpu.memref_slice %arg8[%run_scoped3A_52, %mul3A_2] : memref<12x65536xf32, #tpu.memory_space<hbm>> -> memref<1x2048xf32, #tpu.memory_space<hbm>>
      %dma_wait3A_86 = tpu.memref_squeeze %dma_wait3A_85 : memref<1x2048xf32, #tpu.memory_space<hbm>> -> memref<2048xf32, #tpu.memory_space<hbm>>
      %dma_wait3A_87 = tpu.memref_slice %arg8[%run_scoped3A_52, %mul3A_2] : memref<12x65536xf32, #tpu.memory_space<hbm>> -> memref<1x2048xf32, #tpu.memory_space<hbm>>
      %dma_wait3A_88 = tpu.memref_squeeze %dma_wait3A_87 : memref<1x2048xf32, #tpu.memory_space<hbm>> -> memref<2048xf32, #tpu.memory_space<hbm>>
      %dma_wait3A_89 = arith.constant 0 : i32
      %dma_wait3A_90 = tpu.memref_slice %arg16[%run_scoped3A_51, %dma_wait3A_89] : memref<12x2048xf32, #tpu.memory_space<vmem>> -> memref<1x2048xf32, #tpu.memory_space<vmem>>
      %dma_wait3A_91 = tpu.memref_squeeze %dma_wait3A_90 : memref<1x2048xf32, #tpu.memory_space<vmem>> -> memref<2048xf32, #tpu.memory_space<vmem>>
      tpu.wait_dma2 semaphore(%run_scoped3A_72 : memref<!tpu.dma_semaphore, #tpu.memory_space<semaphore_mem>>) src(%dma_wait3A_91 : memref<2048xf32, #tpu.memory_space<vmem>>) dst(%dma_wait3A_88 : memref<2048xf32, #tpu.memory_space<hbm>>)
      tpu.yield
    }) : () -> ()
    %run_scoped3A_53 = arith.constant 3 : i32
    %run_scoped3A_54 = arith.constant 3 : i32
    "tpu.region"() ({
      %run_scoped3A_72 = tpu.sem_alloc : memref<!tpu.dma_semaphore, #tpu.memory_space<semaphore_mem>>
      %dma_start3A_73 = arith.constant 0 : i32
      %dma_start3A_74 = tpu.memref_slice %arg16[%run_scoped3A_53, %dma_start3A_73] : memref<12x2048xf32, #tpu.memory_space<vmem>> -> memref<1x2048xf32, #tpu.memory_space<vmem>>
      %dma_start3A_75 = tpu.memref_squeeze %dma_start3A_74 : memref<1x2048xf32, #tpu.memory_space<vmem>> -> memref<2048xf32, #tpu.memory_space<vmem>>
      %dma_start3A_76 = tpu.memref_slice %arg8[%run_scoped3A_54, %mul3A_2] : memref<12x65536xf32, #tpu.memory_space<hbm>> -> memref<1x2048xf32, #tpu.memory_space<hbm>>
      %dma_start3A_77 = tpu.memref_squeeze %dma_start3A_76 : memref<1x2048xf32, #tpu.memory_space<hbm>> -> memref<2048xf32, #tpu.memory_space<hbm>>
      %dma_start3A_78 = tpu.memref_slice %arg8[%run_scoped3A_54, %mul3A_2] : memref<12x65536xf32, #tpu.memory_space<hbm>> -> memref<1x2048xf32, #tpu.memory_space<hbm>>
      %dma_start3A_79 = tpu.memref_squeeze %dma_start3A_78 : memref<1x2048xf32, #tpu.memory_space<hbm>> -> memref<2048xf32, #tpu.memory_space<hbm>>
      %dma_start3A_80 = arith.constant 0 : i32
      %dma_start3A_81 = tpu.memref_slice %arg16[%run_scoped3A_53, %dma_start3A_80] : memref<12x2048xf32, #tpu.memory_space<vmem>> -> memref<1x2048xf32, #tpu.memory_space<vmem>>
      %dma_start3A_82 = tpu.memref_squeeze %dma_start3A_81 : memref<1x2048xf32, #tpu.memory_space<vmem>> -> memref<2048xf32, #tpu.memory_space<vmem>>
      tpu.enqueue_dma source(%dma_start3A_82 : memref<2048xf32, #tpu.memory_space<vmem>>) target(%dma_start3A_79 : memref<2048xf32, #tpu.memory_space<hbm>>) target_semaphore(%run_scoped3A_72 : memref<!tpu.dma_semaphore, #tpu.memory_space<semaphore_mem>>)
      %dma_wait3A = arith.constant 0 : i32
      %dma_wait3A_83 = tpu.memref_slice %arg16[%run_scoped3A_53, %dma_wait3A] : memref<12x2048xf32, #tpu.memory_space<vmem>> -> memref<1x2048xf32, #tpu.memory_space<vmem>>
      %dma_wait3A_84 = tpu.memref_squeeze %dma_wait3A_83 : memref<1x2048xf32, #tpu.memory_space<vmem>> -> memref<2048xf32, #tpu.memory_space<vmem>>
      %dma_wait3A_85 = tpu.memref_slice %arg8[%run_scoped3A_54, %mul3A_2] : memref<12x65536xf32, #tpu.memory_space<hbm>> -> memref<1x2048xf32, #tpu.memory_space<hbm>>
      %dma_wait3A_86 = tpu.memref_squeeze %dma_wait3A_85 : memref<1x2048xf32, #tpu.memory_space<hbm>> -> memref<2048xf32, #tpu.memory_space<hbm>>
      %dma_wait3A_87 = tpu.memref_slice %arg8[%run_scoped3A_54, %mul3A_2] : memref<12x65536xf32, #tpu.memory_space<hbm>> -> memref<1x2048xf32, #tpu.memory_space<hbm>>
      %dma_wait3A_88 = tpu.memref_squeeze %dma_wait3A_87 : memref<1x2048xf32, #tpu.memory_space<hbm>> -> memref<2048xf32, #tpu.memory_space<hbm>>
      %dma_wait3A_89 = arith.constant 0 : i32
      %dma_wait3A_90 = tpu.memref_slice %arg16[%run_scoped3A_53, %dma_wait3A_89] : memref<12x2048xf32, #tpu.memory_space<vmem>> -> memref<1x2048xf32, #tpu.memory_space<vmem>>
      %dma_wait3A_91 = tpu.memref_squeeze %dma_wait3A_90 : memref<1x2048xf32, #tpu.memory_space<vmem>> -> memref<2048xf32, #tpu.memory_space<vmem>>
      tpu.wait_dma2 semaphore(%run_scoped3A_72 : memref<!tpu.dma_semaphore, #tpu.memory_space<semaphore_mem>>) src(%dma_wait3A_91 : memref<2048xf32, #tpu.memory_space<vmem>>) dst(%dma_wait3A_88 : memref<2048xf32, #tpu.memory_space<hbm>>)
      tpu.yield
    }) : () -> ()
    %run_scoped3A_55 = arith.constant 4 : i32
    %run_scoped3A_56 = arith.constant 4 : i32
    "tpu.region"() ({
      %run_scoped3A_72 = tpu.sem_alloc : memref<!tpu.dma_semaphore, #tpu.memory_space<semaphore_mem>>
      %dma_start3A_73 = arith.constant 0 : i32
      %dma_start3A_74 = tpu.memref_slice %arg16[%run_scoped3A_55, %dma_start3A_73] : memref<12x2048xf32, #tpu.memory_space<vmem>> -> memref<1x2048xf32, #tpu.memory_space<vmem>>
      %dma_start3A_75 = tpu.memref_squeeze %dma_start3A_74 : memref<1x2048xf32, #tpu.memory_space<vmem>> -> memref<2048xf32, #tpu.memory_space<vmem>>
      %dma_start3A_76 = tpu.memref_slice %arg8[%run_scoped3A_56, %mul3A_2] : memref<12x65536xf32, #tpu.memory_space<hbm>> -> memref<1x2048xf32, #tpu.memory_space<hbm>>
      %dma_start3A_77 = tpu.memref_squeeze %dma_start3A_76 : memref<1x2048xf32, #tpu.memory_space<hbm>> -> memref<2048xf32, #tpu.memory_space<hbm>>
      %dma_start3A_78 = tpu.memref_slice %arg8[%run_scoped3A_56, %mul3A_2] : memref<12x65536xf32, #tpu.memory_space<hbm>> -> memref<1x2048xf32, #tpu.memory_space<hbm>>
      %dma_start3A_79 = tpu.memref_squeeze %dma_start3A_78 : memref<1x2048xf32, #tpu.memory_space<hbm>> -> memref<2048xf32, #tpu.memory_space<hbm>>
      %dma_start3A_80 = arith.constant 0 : i32
      %dma_start3A_81 = tpu.memref_slice %arg16[%run_scoped3A_55, %dma_start3A_80] : memref<12x2048xf32, #tpu.memory_space<vmem>> -> memref<1x2048xf32, #tpu.memory_space<vmem>>
      %dma_start3A_82 = tpu.memref_squeeze %dma_start3A_81 : memref<1x2048xf32, #tpu.memory_space<vmem>> -> memref<2048xf32, #tpu.memory_space<vmem>>
      tpu.enqueue_dma source(%dma_start3A_82 : memref<2048xf32, #tpu.memory_space<vmem>>) target(%dma_start3A_79 : memref<2048xf32, #tpu.memory_space<hbm>>) target_semaphore(%run_scoped3A_72 : memref<!tpu.dma_semaphore, #tpu.memory_space<semaphore_mem>>)
      %dma_wait3A = arith.constant 0 : i32
      %dma_wait3A_83 = tpu.memref_slice %arg16[%run_scoped3A_55, %dma_wait3A] : memref<12x2048xf32, #tpu.memory_space<vmem>> -> memref<1x2048xf32, #tpu.memory_space<vmem>>
      %dma_wait3A_84 = tpu.memref_squeeze %dma_wait3A_83 : memref<1x2048xf32, #tpu.memory_space<vmem>> -> memref<2048xf32, #tpu.memory_space<vmem>>
      %dma_wait3A_85 = tpu.memref_slice %arg8[%run_scoped3A_56, %mul3A_2] : memref<12x65536xf32, #tpu.memory_space<hbm>> -> memref<1x2048xf32, #tpu.memory_space<hbm>>
      %dma_wait3A_86 = tpu.memref_squeeze %dma_wait3A_85 : memref<1x2048xf32, #tpu.memory_space<hbm>> -> memref<2048xf32, #tpu.memory_space<hbm>>
      %dma_wait3A_87 = tpu.memref_slice %arg8[%run_scoped3A_56, %mul3A_2] : memref<12x65536xf32, #tpu.memory_space<hbm>> -> memref<1x2048xf32, #tpu.memory_space<hbm>>
      %dma_wait3A_88 = tpu.memref_squeeze %dma_wait3A_87 : memref<1x2048xf32, #tpu.memory_space<hbm>> -> memref<2048xf32, #tpu.memory_space<hbm>>
      %dma_wait3A_89 = arith.constant 0 : i32
      %dma_wait3A_90 = tpu.memref_slice %arg16[%run_scoped3A_55, %dma_wait3A_89] : memref<12x2048xf32, #tpu.memory_space<vmem>> -> memref<1x2048xf32, #tpu.memory_space<vmem>>
      %dma_wait3A_91 = tpu.memref_squeeze %dma_wait3A_90 : memref<1x2048xf32, #tpu.memory_space<vmem>> -> memref<2048xf32, #tpu.memory_space<vmem>>
      tpu.wait_dma2 semaphore(%run_scoped3A_72 : memref<!tpu.dma_semaphore, #tpu.memory_space<semaphore_mem>>) src(%dma_wait3A_91 : memref<2048xf32, #tpu.memory_space<vmem>>) dst(%dma_wait3A_88 : memref<2048xf32, #tpu.memory_space<hbm>>)
      tpu.yield
    }) : () -> ()
    %run_scoped3A_57 = arith.constant 5 : i32
    %run_scoped3A_58 = arith.constant 5 : i32
    "tpu.region"() ({
      %run_scoped3A_72 = tpu.sem_alloc : memref<!tpu.dma_semaphore, #tpu.memory_space<semaphore_mem>>
      %dma_start3A_73 = arith.constant 0 : i32
      %dma_start3A_74 = tpu.memref_slice %arg16[%run_scoped3A_57, %dma_start3A_73] : memref<12x2048xf32, #tpu.memory_space<vmem>> -> memref<1x2048xf32, #tpu.memory_space<vmem>>
      %dma_start3A_75 = tpu.memref_squeeze %dma_start3A_74 : memref<1x2048xf32, #tpu.memory_space<vmem>> -> memref<2048xf32, #tpu.memory_space<vmem>>
      %dma_start3A_76 = tpu.memref_slice %arg8[%run_scoped3A_58, %mul3A_2] : memref<12x65536xf32, #tpu.memory_space<hbm>> -> memref<1x2048xf32, #tpu.memory_space<hbm>>
      %dma_start3A_77 = tpu.memref_squeeze %dma_start3A_76 : memref<1x2048xf32, #tpu.memory_space<hbm>> -> memref<2048xf32, #tpu.memory_space<hbm>>
      %dma_start3A_78 = tpu.memref_slice %arg8[%run_scoped3A_58, %mul3A_2] : memref<12x65536xf32, #tpu.memory_space<hbm>> -> memref<1x2048xf32, #tpu.memory_space<hbm>>
      %dma_start3A_79 = tpu.memref_squeeze %dma_start3A_78 : memref<1x2048xf32, #tpu.memory_space<hbm>> -> memref<2048xf32, #tpu.memory_space<hbm>>
      %dma_start3A_80 = arith.constant 0 : i32
      %dma_start3A_81 = tpu.memref_slice %arg16[%run_scoped3A_57, %dma_start3A_80] : memref<12x2048xf32, #tpu.memory_space<vmem>> -> memref<1x2048xf32, #tpu.memory_space<vmem>>
      %dma_start3A_82 = tpu.memref_squeeze %dma_start3A_81 : memref<1x2048xf32, #tpu.memory_space<vmem>> -> memref<2048xf32, #tpu.memory_space<vmem>>
      tpu.enqueue_dma source(%dma_start3A_82 : memref<2048xf32, #tpu.memory_space<vmem>>) target(%dma_start3A_79 : memref<2048xf32, #tpu.memory_space<hbm>>) target_semaphore(%run_scoped3A_72 : memref<!tpu.dma_semaphore, #tpu.memory_space<semaphore_mem>>)
      %dma_wait3A = arith.constant 0 : i32
      %dma_wait3A_83 = tpu.memref_slice %arg16[%run_scoped3A_57, %dma_wait3A] : memref<12x2048xf32, #tpu.memory_space<vmem>> -> memref<1x2048xf32, #tpu.memory_space<vmem>>
      %dma_wait3A_84 = tpu.memref_squeeze %dma_wait3A_83 : memref<1x2048xf32, #tpu.memory_space<vmem>> -> memref<2048xf32, #tpu.memory_space<vmem>>
      %dma_wait3A_85 = tpu.memref_slice %arg8[%run_scoped3A_58, %mul3A_2] : memref<12x65536xf32, #tpu.memory_space<hbm>> -> memref<1x2048xf32, #tpu.memory_space<hbm>>
      %dma_wait3A_86 = tpu.memref_squeeze %dma_wait3A_85 : memref<1x2048xf32, #tpu.memory_space<hbm>> -> memref<2048xf32, #tpu.memory_space<hbm>>
      %dma_wait3A_87 = tpu.memref_slice %arg8[%run_scoped3A_58, %mul3A_2] : memref<12x65536xf32, #tpu.memory_space<hbm>> -> memref<1x2048xf32, #tpu.memory_space<hbm>>
      %dma_wait3A_88 = tpu.memref_squeeze %dma_wait3A_87 : memref<1x2048xf32, #tpu.memory_space<hbm>> -> memref<2048xf32, #tpu.memory_space<hbm>>
      %dma_wait3A_89 = arith.constant 0 : i32
      %dma_wait3A_90 = tpu.memref_slice %arg16[%run_scoped3A_57, %dma_wait3A_89] : memref<12x2048xf32, #tpu.memory_space<vmem>> -> memref<1x2048xf32, #tpu.memory_space<vmem>>
      %dma_wait3A_91 = tpu.memref_squeeze %dma_wait3A_90 : memref<1x2048xf32, #tpu.memory_space<vmem>> -> memref<2048xf32, #tpu.memory_space<vmem>>
      tpu.wait_dma2 semaphore(%run_scoped3A_72 : memref<!tpu.dma_semaphore, #tpu.memory_space<semaphore_mem>>) src(%dma_wait3A_91 : memref<2048xf32, #tpu.memory_space<vmem>>) dst(%dma_wait3A_88 : memref<2048xf32, #tpu.memory_space<hbm>>)
      tpu.yield
    }) : () -> ()
    %run_scoped3A_59 = arith.constant 6 : i32
    %run_scoped3A_60 = arith.constant 6 : i32
    "tpu.region"() ({
      %run_scoped3A_72 = tpu.sem_alloc : memref<!tpu.dma_semaphore, #tpu.memory_space<semaphore_mem>>
      %dma_start3A_73 = arith.constant 0 : i32
      %dma_start3A_74 = tpu.memref_slice %arg16[%run_scoped3A_59, %dma_start3A_73] : memref<12x2048xf32, #tpu.memory_space<vmem>> -> memref<1x2048xf32, #tpu.memory_space<vmem>>
      %dma_start3A_75 = tpu.memref_squeeze %dma_start3A_74 : memref<1x2048xf32, #tpu.memory_space<vmem>> -> memref<2048xf32, #tpu.memory_space<vmem>>
      %dma_start3A_76 = tpu.memref_slice %arg8[%run_scoped3A_60, %mul3A_2] : memref<12x65536xf32, #tpu.memory_space<hbm>> -> memref<1x2048xf32, #tpu.memory_space<hbm>>
      %dma_start3A_77 = tpu.memref_squeeze %dma_start3A_76 : memref<1x2048xf32, #tpu.memory_space<hbm>> -> memref<2048xf32, #tpu.memory_space<hbm>>
      %dma_start3A_78 = tpu.memref_slice %arg8[%run_scoped3A_60, %mul3A_2] : memref<12x65536xf32, #tpu.memory_space<hbm>> -> memref<1x2048xf32, #tpu.memory_space<hbm>>
      %dma_start3A_79 = tpu.memref_squeeze %dma_start3A_78 : memref<1x2048xf32, #tpu.memory_space<hbm>> -> memref<2048xf32, #tpu.memory_space<hbm>>
      %dma_start3A_80 = arith.constant 0 : i32
      %dma_start3A_81 = tpu.memref_slice %arg16[%run_scoped3A_59, %dma_start3A_80] : memref<12x2048xf32, #tpu.memory_space<vmem>> -> memref<1x2048xf32, #tpu.memory_space<vmem>>
      %dma_start3A_82 = tpu.memref_squeeze %dma_start3A_81 : memref<1x2048xf32, #tpu.memory_space<vmem>> -> memref<2048xf32, #tpu.memory_space<vmem>>
      tpu.enqueue_dma source(%dma_start3A_82 : memref<2048xf32, #tpu.memory_space<vmem>>) target(%dma_start3A_79 : memref<2048xf32, #tpu.memory_space<hbm>>) target_semaphore(%run_scoped3A_72 : memref<!tpu.dma_semaphore, #tpu.memory_space<semaphore_mem>>)
      %dma_wait3A = arith.constant 0 : i32
      %dma_wait3A_83 = tpu.memref_slice %arg16[%run_scoped3A_59, %dma_wait3A] : memref<12x2048xf32, #tpu.memory_space<vmem>> -> memref<1x2048xf32, #tpu.memory_space<vmem>>
      %dma_wait3A_84 = tpu.memref_squeeze %dma_wait3A_83 : memref<1x2048xf32, #tpu.memory_space<vmem>> -> memref<2048xf32, #tpu.memory_space<vmem>>
      %dma_wait3A_85 = tpu.memref_slice %arg8[%run_scoped3A_60, %mul3A_2] : memref<12x65536xf32, #tpu.memory_space<hbm>> -> memref<1x2048xf32, #tpu.memory_space<hbm>>
      %dma_wait3A_86 = tpu.memref_squeeze %dma_wait3A_85 : memref<1x2048xf32, #tpu.memory_space<hbm>> -> memref<2048xf32, #tpu.memory_space<hbm>>
      %dma_wait3A_87 = tpu.memref_slice %arg8[%run_scoped3A_60, %mul3A_2] : memref<12x65536xf32, #tpu.memory_space<hbm>> -> memref<1x2048xf32, #tpu.memory_space<hbm>>
      %dma_wait3A_88 = tpu.memref_squeeze %dma_wait3A_87 : memref<1x2048xf32, #tpu.memory_space<hbm>> -> memref<2048xf32, #tpu.memory_space<hbm>>
      %dma_wait3A_89 = arith.constant 0 : i32
      %dma_wait3A_90 = tpu.memref_slice %arg16[%run_scoped3A_59, %dma_wait3A_89] : memref<12x2048xf32, #tpu.memory_space<vmem>> -> memref<1x2048xf32, #tpu.memory_space<vmem>>
      %dma_wait3A_91 = tpu.memref_squeeze %dma_wait3A_90 : memref<1x2048xf32, #tpu.memory_space<vmem>> -> memref<2048xf32, #tpu.memory_space<vmem>>
      tpu.wait_dma2 semaphore(%run_scoped3A_72 : memref<!tpu.dma_semaphore, #tpu.memory_space<semaphore_mem>>) src(%dma_wait3A_91 : memref<2048xf32, #tpu.memory_space<vmem>>) dst(%dma_wait3A_88 : memref<2048xf32, #tpu.memory_space<hbm>>)
      tpu.yield
    }) : () -> ()
    %run_scoped3A_61 = arith.constant 7 : i32
    %run_scoped3A_62 = arith.constant 7 : i32
    "tpu.region"() ({
      %run_scoped3A_72 = tpu.sem_alloc : memref<!tpu.dma_semaphore, #tpu.memory_space<semaphore_mem>>
      %dma_start3A_73 = arith.constant 0 : i32
      %dma_start3A_74 = tpu.memref_slice %arg16[%run_scoped3A_61, %dma_start3A_73] : memref<12x2048xf32, #tpu.memory_space<vmem>> -> memref<1x2048xf32, #tpu.memory_space<vmem>>
      %dma_start3A_75 = tpu.memref_squeeze %dma_start3A_74 : memref<1x2048xf32, #tpu.memory_space<vmem>> -> memref<2048xf32, #tpu.memory_space<vmem>>
      %dma_start3A_76 = tpu.memref_slice %arg8[%run_scoped3A_62, %mul3A_2] : memref<12x65536xf32, #tpu.memory_space<hbm>> -> memref<1x2048xf32, #tpu.memory_space<hbm>>
      %dma_start3A_77 = tpu.memref_squeeze %dma_start3A_76 : memref<1x2048xf32, #tpu.memory_space<hbm>> -> memref<2048xf32, #tpu.memory_space<hbm>>
      %dma_start3A_78 = tpu.memref_slice %arg8[%run_scoped3A_62, %mul3A_2] : memref<12x65536xf32, #tpu.memory_space<hbm>> -> memref<1x2048xf32, #tpu.memory_space<hbm>>
      %dma_start3A_79 = tpu.memref_squeeze %dma_start3A_78 : memref<1x2048xf32, #tpu.memory_space<hbm>> -> memref<2048xf32, #tpu.memory_space<hbm>>
      %dma_start3A_80 = arith.constant 0 : i32
      %dma_start3A_81 = tpu.memref_slice %arg16[%run_scoped3A_61, %dma_start3A_80] : memref<12x2048xf32, #tpu.memory_space<vmem>> -> memref<1x2048xf32, #tpu.memory_space<vmem>>
      %dma_start3A_82 = tpu.memref_squeeze %dma_start3A_81 : memref<1x2048xf32, #tpu.memory_space<vmem>> -> memref<2048xf32, #tpu.memory_space<vmem>>
      tpu.enqueue_dma source(%dma_start3A_82 : memref<2048xf32, #tpu.memory_space<vmem>>) target(%dma_start3A_79 : memref<2048xf32, #tpu.memory_space<hbm>>) target_semaphore(%run_scoped3A_72 : memref<!tpu.dma_semaphore, #tpu.memory_space<semaphore_mem>>)
      %dma_wait3A = arith.constant 0 : i32
      %dma_wait3A_83 = tpu.memref_slice %arg16[%run_scoped3A_61, %dma_wait3A] : memref<12x2048xf32, #tpu.memory_space<vmem>> -> memref<1x2048xf32, #tpu.memory_space<vmem>>
      %dma_wait3A_84 = tpu.memref_squeeze %dma_wait3A_83 : memref<1x2048xf32, #tpu.memory_space<vmem>> -> memref<2048xf32, #tpu.memory_space<vmem>>
      %dma_wait3A_85 = tpu.memref_slice %arg8[%run_scoped3A_62, %mul3A_2] : memref<12x65536xf32, #tpu.memory_space<hbm>> -> memref<1x2048xf32, #tpu.memory_space<hbm>>
      %dma_wait3A_86 = tpu.memref_squeeze %dma_wait3A_85 : memref<1x2048xf32, #tpu.memory_space<hbm>> -> memref<2048xf32, #tpu.memory_space<hbm>>
      %dma_wait3A_87 = tpu.memref_slice %arg8[%run_scoped3A_62, %mul3A_2] : memref<12x65536xf32, #tpu.memory_space<hbm>> -> memref<1x2048xf32, #tpu.memory_space<hbm>>
      %dma_wait3A_88 = tpu.memref_squeeze %dma_wait3A_87 : memref<1x2048xf32, #tpu.memory_space<hbm>> -> memref<2048xf32, #tpu.memory_space<hbm>>
      %dma_wait3A_89 = arith.constant 0 : i32
      %dma_wait3A_90 = tpu.memref_slice %arg16[%run_scoped3A_61, %dma_wait3A_89] : memref<12x2048xf32, #tpu.memory_space<vmem>> -> memref<1x2048xf32, #tpu.memory_space<vmem>>
      %dma_wait3A_91 = tpu.memref_squeeze %dma_wait3A_90 : memref<1x2048xf32, #tpu.memory_space<vmem>> -> memref<2048xf32, #tpu.memory_space<vmem>>
      tpu.wait_dma2 semaphore(%run_scoped3A_72 : memref<!tpu.dma_semaphore, #tpu.memory_space<semaphore_mem>>) src(%dma_wait3A_91 : memref<2048xf32, #tpu.memory_space<vmem>>) dst(%dma_wait3A_88 : memref<2048xf32, #tpu.memory_space<hbm>>)
      tpu.yield
    }) : () -> ()
    %run_scoped3A_63 = arith.constant 8 : i32
    %run_scoped3A_64 = arith.constant 8 : i32
    "tpu.region"() ({
      %run_scoped3A_72 = tpu.sem_alloc : memref<!tpu.dma_semaphore, #tpu.memory_space<semaphore_mem>>
      %dma_start3A_73 = arith.constant 0 : i32
      %dma_start3A_74 = tpu.memref_slice %arg16[%run_scoped3A_63, %dma_start3A_73] : memref<12x2048xf32, #tpu.memory_space<vmem>> -> memref<1x2048xf32, #tpu.memory_space<vmem>>
      %dma_start3A_75 = tpu.memref_squeeze %dma_start3A_74 : memref<1x2048xf32, #tpu.memory_space<vmem>> -> memref<2048xf32, #tpu.memory_space<vmem>>
      %dma_start3A_76 = tpu.memref_slice %arg8[%run_scoped3A_64, %mul3A_2] : memref<12x65536xf32, #tpu.memory_space<hbm>> -> memref<1x2048xf32, #tpu.memory_space<hbm>>
      %dma_start3A_77 = tpu.memref_squeeze %dma_start3A_76 : memref<1x2048xf32, #tpu.memory_space<hbm>> -> memref<2048xf32, #tpu.memory_space<hbm>>
      %dma_start3A_78 = tpu.memref_slice %arg8[%run_scoped3A_64, %mul3A_2] : memref<12x65536xf32, #tpu.memory_space<hbm>> -> memref<1x2048xf32, #tpu.memory_space<hbm>>
      %dma_start3A_79 = tpu.memref_squeeze %dma_start3A_78 : memref<1x2048xf32, #tpu.memory_space<hbm>> -> memref<2048xf32, #tpu.memory_space<hbm>>
      %dma_start3A_80 = arith.constant 0 : i32
      %dma_start3A_81 = tpu.memref_slice %arg16[%run_scoped3A_63, %dma_start3A_80] : memref<12x2048xf32, #tpu.memory_space<vmem>> -> memref<1x2048xf32, #tpu.memory_space<vmem>>
      %dma_start3A_82 = tpu.memref_squeeze %dma_start3A_81 : memref<1x2048xf32, #tpu.memory_space<vmem>> -> memref<2048xf32, #tpu.memory_space<vmem>>
      tpu.enqueue_dma source(%dma_start3A_82 : memref<2048xf32, #tpu.memory_space<vmem>>) target(%dma_start3A_79 : memref<2048xf32, #tpu.memory_space<hbm>>) target_semaphore(%run_scoped3A_72 : memref<!tpu.dma_semaphore, #tpu.memory_space<semaphore_mem>>)
      %dma_wait3A = arith.constant 0 : i32
      %dma_wait3A_83 = tpu.memref_slice %arg16[%run_scoped3A_63, %dma_wait3A] : memref<12x2048xf32, #tpu.memory_space<vmem>> -> memref<1x2048xf32, #tpu.memory_space<vmem>>
      %dma_wait3A_84 = tpu.memref_squeeze %dma_wait3A_83 : memref<1x2048xf32, #tpu.memory_space<vmem>> -> memref<2048xf32, #tpu.memory_space<vmem>>
      %dma_wait3A_85 = tpu.memref_slice %arg8[%run_scoped3A_64, %mul3A_2] : memref<12x65536xf32, #tpu.memory_space<hbm>> -> memref<1x2048xf32, #tpu.memory_space<hbm>>
      %dma_wait3A_86 = tpu.memref_squeeze %dma_wait3A_85 : memref<1x2048xf32, #tpu.memory_space<hbm>> -> memref<2048xf32, #tpu.memory_space<hbm>>
      %dma_wait3A_87 = tpu.memref_slice %arg8[%run_scoped3A_64, %mul3A_2] : memref<12x65536xf32, #tpu.memory_space<hbm>> -> memref<1x2048xf32, #tpu.memory_space<hbm>>
      %dma_wait3A_88 = tpu.memref_squeeze %dma_wait3A_87 : memref<1x2048xf32, #tpu.memory_space<hbm>> -> memref<2048xf32, #tpu.memory_space<hbm>>
      %dma_wait3A_89 = arith.constant 0 : i32
      %dma_wait3A_90 = tpu.memref_slice %arg16[%run_scoped3A_63, %dma_wait3A_89] : memref<12x2048xf32, #tpu.memory_space<vmem>> -> memref<1x2048xf32, #tpu.memory_space<vmem>>
      %dma_wait3A_91 = tpu.memref_squeeze %dma_wait3A_90 : memref<1x2048xf32, #tpu.memory_space<vmem>> -> memref<2048xf32, #tpu.memory_space<vmem>>
      tpu.wait_dma2 semaphore(%run_scoped3A_72 : memref<!tpu.dma_semaphore, #tpu.memory_space<semaphore_mem>>) src(%dma_wait3A_91 : memref<2048xf32, #tpu.memory_space<vmem>>) dst(%dma_wait3A_88 : memref<2048xf32, #tpu.memory_space<hbm>>)
      tpu.yield
    }) : () -> ()
    %run_scoped3A_65 = arith.constant 9 : i32
    %run_scoped3A_66 = arith.constant 9 : i32
    "tpu.region"() ({
      %run_scoped3A_72 = tpu.sem_alloc : memref<!tpu.dma_semaphore, #tpu.memory_space<semaphore_mem>>
      %dma_start3A_73 = arith.constant 0 : i32
      %dma_start3A_74 = tpu.memref_slice %arg16[%run_scoped3A_65, %dma_start3A_73] : memref<12x2048xf32, #tpu.memory_space<vmem>> -> memref<1x2048xf32, #tpu.memory_space<vmem>>
      %dma_start3A_75 = tpu.memref_squeeze %dma_start3A_74 : memref<1x2048xf32, #tpu.memory_space<vmem>> -> memref<2048xf32, #tpu.memory_space<vmem>>
      %dma_start3A_76 = tpu.memref_slice %arg8[%run_scoped3A_66, %mul3A_2] : memref<12x65536xf32, #tpu.memory_space<hbm>> -> memref<1x2048xf32, #tpu.memory_space<hbm>>
      %dma_start3A_77 = tpu.memref_squeeze %dma_start3A_76 : memref<1x2048xf32, #tpu.memory_space<hbm>> -> memref<2048xf32, #tpu.memory_space<hbm>>
      %dma_start3A_78 = tpu.memref_slice %arg8[%run_scoped3A_66, %mul3A_2] : memref<12x65536xf32, #tpu.memory_space<hbm>> -> memref<1x2048xf32, #tpu.memory_space<hbm>>
      %dma_start3A_79 = tpu.memref_squeeze %dma_start3A_78 : memref<1x2048xf32, #tpu.memory_space<hbm>> -> memref<2048xf32, #tpu.memory_space<hbm>>
      %dma_start3A_80 = arith.constant 0 : i32
      %dma_start3A_81 = tpu.memref_slice %arg16[%run_scoped3A_65, %dma_start3A_80] : memref<12x2048xf32, #tpu.memory_space<vmem>> -> memref<1x2048xf32, #tpu.memory_space<vmem>>
      %dma_start3A_82 = tpu.memref_squeeze %dma_start3A_81 : memref<1x2048xf32, #tpu.memory_space<vmem>> -> memref<2048xf32, #tpu.memory_space<vmem>>
      tpu.enqueue_dma source(%dma_start3A_82 : memref<2048xf32, #tpu.memory_space<vmem>>) target(%dma_start3A_79 : memref<2048xf32, #tpu.memory_space<hbm>>) target_semaphore(%run_scoped3A_72 : memref<!tpu.dma_semaphore, #tpu.memory_space<semaphore_mem>>)
      %dma_wait3A = arith.constant 0 : i32
      %dma_wait3A_83 = tpu.memref_slice %arg16[%run_scoped3A_65, %dma_wait3A] : memref<12x2048xf32, #tpu.memory_space<vmem>> -> memref<1x2048xf32, #tpu.memory_space<vmem>>
      %dma_wait3A_84 = tpu.memref_squeeze %dma_wait3A_83 : memref<1x2048xf32, #tpu.memory_space<vmem>> -> memref<2048xf32, #tpu.memory_space<vmem>>
      %dma_wait3A_85 = tpu.memref_slice %arg8[%run_scoped3A_66, %mul3A_2] : memref<12x65536xf32, #tpu.memory_space<hbm>> -> memref<1x2048xf32, #tpu.memory_space<hbm>>
      %dma_wait3A_86 = tpu.memref_squeeze %dma_wait3A_85 : memref<1x2048xf32, #tpu.memory_space<hbm>> -> memref<2048xf32, #tpu.memory_space<hbm>>
      %dma_wait3A_87 = tpu.memref_slice %arg8[%run_scoped3A_66, %mul3A_2] : memref<12x65536xf32, #tpu.memory_space<hbm>> -> memref<1x2048xf32, #tpu.memory_space<hbm>>
      %dma_wait3A_88 = tpu.memref_squeeze %dma_wait3A_87 : memref<1x2048xf32, #tpu.memory_space<hbm>> -> memref<2048xf32, #tpu.memory_space<hbm>>
      %dma_wait3A_89 = arith.constant 0 : i32
      %dma_wait3A_90 = tpu.memref_slice %arg16[%run_scoped3A_65, %dma_wait3A_89] : memref<12x2048xf32, #tpu.memory_space<vmem>> -> memref<1x2048xf32, #tpu.memory_space<vmem>>
      %dma_wait3A_91 = tpu.memref_squeeze %dma_wait3A_90 : memref<1x2048xf32, #tpu.memory_space<vmem>> -> memref<2048xf32, #tpu.memory_space<vmem>>
      tpu.wait_dma2 semaphore(%run_scoped3A_72 : memref<!tpu.dma_semaphore, #tpu.memory_space<semaphore_mem>>) src(%dma_wait3A_91 : memref<2048xf32, #tpu.memory_space<vmem>>) dst(%dma_wait3A_88 : memref<2048xf32, #tpu.memory_space<hbm>>)
      tpu.yield
    }) : () -> ()
    %run_scoped3A_67 = arith.constant 10 : i32
    %run_scoped3A_68 = arith.constant 10 : i32
    "tpu.region"() ({
      %run_scoped3A_72 = tpu.sem_alloc : memref<!tpu.dma_semaphore, #tpu.memory_space<semaphore_mem>>
      %dma_start3A_73 = arith.constant 0 : i32
      %dma_start3A_74 = tpu.memref_slice %arg16[%run_scoped3A_67, %dma_start3A_73] : memref<12x2048xf32, #tpu.memory_space<vmem>> -> memref<1x2048xf32, #tpu.memory_space<vmem>>
      %dma_start3A_75 = tpu.memref_squeeze %dma_start3A_74 : memref<1x2048xf32, #tpu.memory_space<vmem>> -> memref<2048xf32, #tpu.memory_space<vmem>>
      %dma_start3A_76 = tpu.memref_slice %arg8[%run_scoped3A_68, %mul3A_2] : memref<12x65536xf32, #tpu.memory_space<hbm>> -> memref<1x2048xf32, #tpu.memory_space<hbm>>
      %dma_start3A_77 = tpu.memref_squeeze %dma_start3A_76 : memref<1x2048xf32, #tpu.memory_space<hbm>> -> memref<2048xf32, #tpu.memory_space<hbm>>
      %dma_start3A_78 = tpu.memref_slice %arg8[%run_scoped3A_68, %mul3A_2] : memref<12x65536xf32, #tpu.memory_space<hbm>> -> memref<1x2048xf32, #tpu.memory_space<hbm>>
      %dma_start3A_79 = tpu.memref_squeeze %dma_start3A_78 : memref<1x2048xf32, #tpu.memory_space<hbm>> -> memref<2048xf32, #tpu.memory_space<hbm>>
      %dma_start3A_80 = arith.constant 0 : i32
      %dma_start3A_81 = tpu.memref_slice %arg16[%run_scoped3A_67, %dma_start3A_80] : memref<12x2048xf32, #tpu.memory_space<vmem>> -> memref<1x2048xf32, #tpu.memory_space<vmem>>
      %dma_start3A_82 = tpu.memref_squeeze %dma_start3A_81 : memref<1x2048xf32, #tpu.memory_space<vmem>> -> memref<2048xf32, #tpu.memory_space<vmem>>
      tpu.enqueue_dma source(%dma_start3A_82 : memref<2048xf32, #tpu.memory_space<vmem>>) target(%dma_start3A_79 : memref<2048xf32, #tpu.memory_space<hbm>>) target_semaphore(%run_scoped3A_72 : memref<!tpu.dma_semaphore, #tpu.memory_space<semaphore_mem>>)
      %dma_wait3A = arith.constant 0 : i32
      %dma_wait3A_83 = tpu.memref_slice %arg16[%run_scoped3A_67, %dma_wait3A] : memref<12x2048xf32, #tpu.memory_space<vmem>> -> memref<1x2048xf32, #tpu.memory_space<vmem>>
      %dma_wait3A_84 = tpu.memref_squeeze %dma_wait3A_83 : memref<1x2048xf32, #tpu.memory_space<vmem>> -> memref<2048xf32, #tpu.memory_space<vmem>>
      %dma_wait3A_85 = tpu.memref_slice %arg8[%run_scoped3A_68, %mul3A_2] : memref<12x65536xf32, #tpu.memory_space<hbm>> -> memref<1x2048xf32, #tpu.memory_space<hbm>>
      %dma_wait3A_86 = tpu.memref_squeeze %dma_wait3A_85 : memref<1x2048xf32, #tpu.memory_space<hbm>> -> memref<2048xf32, #tpu.memory_space<hbm>>
      %dma_wait3A_87 = tpu.memref_slice %arg8[%run_scoped3A_68, %mul3A_2] : memref<12x65536xf32, #tpu.memory_space<hbm>> -> memref<1x2048xf32, #tpu.memory_space<hbm>>
      %dma_wait3A_88 = tpu.memref_squeeze %dma_wait3A_87 : memref<1x2048xf32, #tpu.memory_space<hbm>> -> memref<2048xf32, #tpu.memory_space<hbm>>
      %dma_wait3A_89 = arith.constant 0 : i32
      %dma_wait3A_90 = tpu.memref_slice %arg16[%run_scoped3A_67, %dma_wait3A_89] : memref<12x2048xf32, #tpu.memory_space<vmem>> -> memref<1x2048xf32, #tpu.memory_space<vmem>>
      %dma_wait3A_91 = tpu.memref_squeeze %dma_wait3A_90 : memref<1x2048xf32, #tpu.memory_space<vmem>> -> memref<2048xf32, #tpu.memory_space<vmem>>
      tpu.wait_dma2 semaphore(%run_scoped3A_72 : memref<!tpu.dma_semaphore, #tpu.memory_space<semaphore_mem>>) src(%dma_wait3A_91 : memref<2048xf32, #tpu.memory_space<vmem>>) dst(%dma_wait3A_88 : memref<2048xf32, #tpu.memory_space<hbm>>)
      tpu.yield
    }) : () -> ()
    %run_scoped3A_69 = arith.constant 11 : i32
    %run_scoped3A_70 = arith.constant 11 : i32
    "tpu.region"() ({
      %run_scoped3A_72 = tpu.sem_alloc : memref<!tpu.dma_semaphore, #tpu.memory_space<semaphore_mem>>
      %dma_start3A_73 = arith.constant 0 : i32
      %dma_start3A_74 = tpu.memref_slice %arg16[%run_scoped3A_69, %dma_start3A_73] : memref<12x2048xf32, #tpu.memory_space<vmem>> -> memref<1x2048xf32, #tpu.memory_space<vmem>>
      %dma_start3A_75 = tpu.memref_squeeze %dma_start3A_74 : memref<1x2048xf32, #tpu.memory_space<vmem>> -> memref<2048xf32, #tpu.memory_space<vmem>>
      %dma_start3A_76 = tpu.memref_slice %arg8[%run_scoped3A_70, %mul3A_2] : memref<12x65536xf32, #tpu.memory_space<hbm>> -> memref<1x2048xf32, #tpu.memory_space<hbm>>
      %dma_start3A_77 = tpu.memref_squeeze %dma_start3A_76 : memref<1x2048xf32, #tpu.memory_space<hbm>> -> memref<2048xf32, #tpu.memory_space<hbm>>
      %dma_start3A_78 = tpu.memref_slice %arg8[%run_scoped3A_70, %mul3A_2] : memref<12x65536xf32, #tpu.memory_space<hbm>> -> memref<1x2048xf32, #tpu.memory_space<hbm>>
      %dma_start3A_79 = tpu.memref_squeeze %dma_start3A_78 : memref<1x2048xf32, #tpu.memory_space<hbm>> -> memref<2048xf32, #tpu.memory_space<hbm>>
      %dma_start3A_80 = arith.constant 0 : i32
      %dma_start3A_81 = tpu.memref_slice %arg16[%run_scoped3A_69, %dma_start3A_80] : memref<12x2048xf32, #tpu.memory_space<vmem>> -> memref<1x2048xf32, #tpu.memory_space<vmem>>
      %dma_start3A_82 = tpu.memref_squeeze %dma_start3A_81 : memref<1x2048xf32, #tpu.memory_space<vmem>> -> memref<2048xf32, #tpu.memory_space<vmem>>
      tpu.enqueue_dma source(%dma_start3A_82 : memref<2048xf32, #tpu.memory_space<vmem>>) target(%dma_start3A_79 : memref<2048xf32, #tpu.memory_space<hbm>>) target_semaphore(%run_scoped3A_72 : memref<!tpu.dma_semaphore, #tpu.memory_space<semaphore_mem>>)
      %dma_wait3A = arith.constant 0 : i32
      %dma_wait3A_83 = tpu.memref_slice %arg16[%run_scoped3A_69, %dma_wait3A] : memref<12x2048xf32, #tpu.memory_space<vmem>> -> memref<1x2048xf32, #tpu.memory_space<vmem>>
      %dma_wait3A_84 = tpu.memref_squeeze %dma_wait3A_83 : memref<1x2048xf32, #tpu.memory_space<vmem>> -> memref<2048xf32, #tpu.memory_space<vmem>>
      %dma_wait3A_85 = tpu.memref_slice %arg8[%run_scoped3A_70, %mul3A_2] : memref<12x65536xf32, #tpu.memory_space<hbm>> -> memref<1x2048xf32, #tpu.memory_space<hbm>>
      %dma_wait3A_86 = tpu.memref_squeeze %dma_wait3A_85 : memref<1x2048xf32, #tpu.memory_space<hbm>> -> memref<2048xf32, #tpu.memory_space<hbm>>
      %dma_wait3A_87 = tpu.memref_slice %arg8[%run_scoped3A_70, %mul3A_2] : memref<12x65536xf32, #tpu.memory_space<hbm>> -> memref<1x2048xf32, #tpu.memory_space<hbm>>
      %dma_wait3A_88 = tpu.memref_squeeze %dma_wait3A_87 : memref<1x2048xf32, #tpu.memory_space<hbm>> -> memref<2048xf32, #tpu.memory_space<hbm>>
      %dma_wait3A_89 = arith.constant 0 : i32
      %dma_wait3A_90 = tpu.memref_slice %arg16[%run_scoped3A_69, %dma_wait3A_89] : memref<12x2048xf32, #tpu.memory_space<vmem>> -> memref<1x2048xf32, #tpu.memory_space<vmem>>
      %dma_wait3A_91 = tpu.memref_squeeze %dma_wait3A_90 : memref<1x2048xf32, #tpu.memory_space<vmem>> -> memref<2048xf32, #tpu.memory_space<vmem>>
      tpu.wait_dma2 semaphore(%run_scoped3A_72 : memref<!tpu.dma_semaphore, #tpu.memory_space<semaphore_mem>>) src(%dma_wait3A_91 : memref<2048xf32, #tpu.memory_space<vmem>>) dst(%dma_wait3A_88 : memref<2048xf32, #tpu.memory_space<hbm>>)
      tpu.yield
    }) : () -> ()
    %run_scoped3A_71 = arith.constant 0 : i32
    "tpu.region"() ({
      %run_scoped3A_72 = tpu.sem_alloc : memref<!tpu.dma_semaphore, #tpu.memory_space<semaphore_mem>>
      %dma_start3A_73 = arith.constant 0 : i32
      %dma_start3A_74 = tpu.memref_slice %arg16[%run_scoped3A_71, %dma_start3A_73] : memref<12x2048xf32, #tpu.memory_space<vmem>> -> memref<1x2048xf32, #tpu.memory_space<vmem>>
      %dma_start3A_75 = tpu.memref_squeeze %dma_start3A_74 : memref<1x2048xf32, #tpu.memory_space<vmem>> -> memref<2048xf32, #tpu.memory_space<vmem>>
      %dma_start3A_76 = tpu.memref_slice %arg9[%mul3A_2] : memref<65536xf32, #tpu.memory_space<hbm>> -> memref<2048xf32, #tpu.memory_space<hbm>>
      %dma_start3A_77 = tpu.memref_slice %arg9[%mul3A_2] : memref<65536xf32, #tpu.memory_space<hbm>> -> memref<2048xf32, #tpu.memory_space<hbm>>
      %dma_start3A_78 = arith.constant 0 : i32
      %dma_start3A_79 = tpu.memref_slice %arg16[%run_scoped3A_71, %dma_start3A_78] : memref<12x2048xf32, #tpu.memory_space<vmem>> -> memref<1x2048xf32, #tpu.memory_space<vmem>>
      %dma_start3A_80 = tpu.memref_squeeze %dma_start3A_79 : memref<1x2048xf32, #tpu.memory_space<vmem>> -> memref<2048xf32, #tpu.memory_space<vmem>>
      tpu.enqueue_dma source(%dma_start3A_80 : memref<2048xf32, #tpu.memory_space<vmem>>) target(%dma_start3A_77 : memref<2048xf32, #tpu.memory_space<hbm>>) target_semaphore(%run_scoped3A_72 : memref<!tpu.dma_semaphore, #tpu.memory_space<semaphore_mem>>)
      %dma_wait3A = arith.constant 0 : i32
      %dma_wait3A_81 = tpu.memref_slice %arg16[%run_scoped3A_71, %dma_wait3A] : memref<12x2048xf32, #tpu.memory_space<vmem>> -> memref<1x2048xf32, #tpu.memory_space<vmem>>
      %dma_wait3A_82 = tpu.memref_squeeze %dma_wait3A_81 : memref<1x2048xf32, #tpu.memory_space<vmem>> -> memref<2048xf32, #tpu.memory_space<vmem>>
      %dma_wait3A_83 = tpu.memref_slice %arg9[%mul3A_2] : memref<65536xf32, #tpu.memory_space<hbm>> -> memref<2048xf32, #tpu.memory_space<hbm>>
      %dma_wait3A_84 = tpu.memref_slice %arg9[%mul3A_2] : memref<65536xf32, #tpu.memory_space<hbm>> -> memref<2048xf32, #tpu.memory_space<hbm>>
      %dma_wait3A_85 = arith.constant 0 : i32
      %dma_wait3A_86 = tpu.memref_slice %arg16[%run_scoped3A_71, %dma_wait3A_85] : memref<12x2048xf32, #tpu.memory_space<vmem>> -> memref<1x2048xf32, #tpu.memory_space<vmem>>
      %dma_wait3A_87 = tpu.memref_squeeze %dma_wait3A_86 : memref<1x2048xf32, #tpu.memory_space<vmem>> -> memref<2048xf32, #tpu.memory_space<vmem>>
      tpu.wait_dma2 semaphore(%run_scoped3A_72 : memref<!tpu.dma_semaphore, #tpu.memory_space<semaphore_mem>>) src(%dma_wait3A_87 : memref<2048xf32, #tpu.memory_space<vmem>>) dst(%dma_wait3A_84 : memref<2048xf32, #tpu.memory_space<hbm>>)
      tpu.yield
    }) : () -> ()
    return
  }
}

#map = affine_map<(d0, d1) -> (0, 0, 0)>
#map1 = affine_map<(d0, d1) -> (0, 0, 0, 0)>
#map2 = affine_map<(d0, d1) -> (0, 0)>
module attributes {stable_mosaic.version = 14 : i64} {
  func.func @_phase3_body(%arg0: i32, %arg1: i32, %arg2: memref<16x32x128xi32, #tpu.memory_space<hbm>>, %arg3: memref<12x16x32x128xf32, #tpu.memory_space<hbm>>, %arg4: memref<12x262144xf32, #tpu.memory_space<hbm>>, %arg5: memref<32x128xi32, #tpu.memory_space<vmem>>, %arg6: memref<32x128xf32, #tpu.memory_space<vmem>>, %arg7: memref<16384xf32, #tpu.memory_space<vmem>>, %arg8: memref<262144xf32, #tpu.memory_space<vmem_shared>>, %arg9: memref<262144xf32, #tpu.memory_space<vmem_shared>>, %arg10: memref<262144xf32, #tpu.memory_space<vmem_shared>>, %arg11: memref<262144xf32, #tpu.memory_space<vmem_shared>>, %arg12: memref<262144xf32, #tpu.memory_space<vmem_shared>>, %arg13: memref<262144xf32, #tpu.memory_space<vmem_shared>>, %arg14: memref<!tpu.dma_semaphore, #tpu.memory_space<semaphore_mem>>) attributes {dimension_semantics = [#tpu.dimension_semantics<core_parallel>, #tpu.dimension_semantics<subcore_parallel>], iteration_bounds = array<i64: 2, 16>, scalar_prefetch = 0 : i64, scratch_operands = 10 : i64, tpu.core_type = #tpu.core_type<sc_vector_subcore>, window_params = [{transform_indices = #map}, {transform_indices = #map1}, {transform_indices = #map2}]} {
    %broadcast_in_dim3A = arith.constant 0.000000e+00 : f32
    %broadcast_in_dim3A_0 = vector.broadcast %broadcast_in_dim3A : f32 to vector<16xf32>
    %dma_start3A = arith.constant 0 : i32
    %dma_start3A_1 = arith.constant 0 : i32
    %dma_start3A_2 = tpu.memref_slice %arg2[%arg1, %dma_start3A, %dma_start3A_1] : memref<16x32x128xi32, #tpu.memory_space<hbm>> -> memref<1x32x128xi32, #tpu.memory_space<hbm>>
    %dma_start3A_3 = tpu.memref_squeeze %dma_start3A_2 : memref<1x32x128xi32, #tpu.memory_space<hbm>> -> memref<32x128xi32, #tpu.memory_space<hbm>>
    %dma_start3A_4 = arith.constant 0 : i32
    %dma_start3A_5 = arith.constant 0 : i32
    %dma_start3A_6 = tpu.memref_slice %arg2[%arg1, %dma_start3A_4, %dma_start3A_5] : memref<16x32x128xi32, #tpu.memory_space<hbm>> -> memref<1x32x128xi32, #tpu.memory_space<hbm>>
    %dma_start3A_7 = tpu.memref_squeeze %dma_start3A_6 : memref<1x32x128xi32, #tpu.memory_space<hbm>> -> memref<32x128xi32, #tpu.memory_space<hbm>>
    tpu.enqueue_dma source(%dma_start3A_7 : memref<32x128xi32, #tpu.memory_space<hbm>>) target(%arg5 : memref<32x128xi32, #tpu.memory_space<vmem>>) target_semaphore(%arg14 : memref<!tpu.dma_semaphore, #tpu.memory_space<semaphore_mem>>)
    %scan3A = arith.constant 0 : i32
    %scan3A_8 = arith.constant 1024 : i32
    %scan3A_9 = arith.addi %scan3A, %scan3A_8 : i32
    %scan3A_10 = arith.constant 1 : i32
    scf.for %scan3A_192 = %scan3A to %scan3A_9 step %scan3A_10  : i32 {
      %mul3A_193 = arith.constant 16 : i32
      %mul3A_194 = arith.muli %scan3A_192, %mul3A_193 : i32
      %swap3A = arith.index_cast %mul3A_194 : i32 to index
      %swap3A_195 = tpu.vector_load %arg7[%swap3A] {strides = array<i32>} : memref<16384xf32, #tpu.memory_space<vmem>>, vector<16xf32>,
      tpu.vector_store %arg7[%swap3A], %broadcast_in_dim3A_0 {strides = array<i32>} : memref<16384xf32, #tpu.memory_space<vmem>>, vector<16xf32>,
    }
    %scan3A_11 = arith.constant 1024 : i32
    %dma_wait3A = arith.constant 0 : i32
    %dma_wait3A_12 = arith.constant 0 : i32
    %dma_wait3A_13 = tpu.memref_slice %arg2[%arg1, %dma_wait3A, %dma_wait3A_12] : memref<16x32x128xi32, #tpu.memory_space<hbm>> -> memref<1x32x128xi32, #tpu.memory_space<hbm>>
    %dma_wait3A_14 = tpu.memref_squeeze %dma_wait3A_13 : memref<1x32x128xi32, #tpu.memory_space<hbm>> -> memref<32x128xi32, #tpu.memory_space<hbm>>
    %dma_wait3A_15 = arith.constant 0 : i32
    %dma_wait3A_16 = arith.constant 0 : i32
    %dma_wait3A_17 = tpu.memref_slice %arg2[%arg1, %dma_wait3A_15, %dma_wait3A_16] : memref<16x32x128xi32, #tpu.memory_space<hbm>> -> memref<1x32x128xi32, #tpu.memory_space<hbm>>
    %dma_wait3A_18 = tpu.memref_squeeze %dma_wait3A_17 : memref<1x32x128xi32, #tpu.memory_space<hbm>> -> memref<32x128xi32, #tpu.memory_space<hbm>>
    tpu.wait_dma2 semaphore(%arg14 : memref<!tpu.dma_semaphore, #tpu.memory_space<semaphore_mem>>) src(%dma_wait3A_18 : memref<32x128xi32, #tpu.memory_space<hbm>>) dst(%arg5 : memref<32x128xi32, #tpu.memory_space<vmem>>)
    %mul3A = arith.constant 16384 : i32
    %mul3A_19 = arith.muli %arg1, %mul3A : i32
    %dma_start3A_20 = tpu.memref_slice %arg8[%mul3A_19] : memref<262144xf32, #tpu.memory_space<vmem_shared>> -> memref<16384xf32, #tpu.memory_space<vmem_shared>>
    %dma_start3A_21 = tpu.memref_slice %arg8[%mul3A_19] : memref<262144xf32, #tpu.memory_space<vmem_shared>> -> memref<16384xf32, #tpu.memory_space<vmem_shared>>
    tpu.enqueue_dma source(%arg7 : memref<16384xf32, #tpu.memory_space<vmem>>) target(%dma_start3A_21 : memref<16384xf32, #tpu.memory_space<vmem_shared>>) target_semaphore(%arg14 : memref<!tpu.dma_semaphore, #tpu.memory_space<semaphore_mem>>)
    %mul3A_22 = arith.constant 16384 : i32
    %mul3A_23 = arith.muli %arg1, %mul3A_22 : i32
    %dma_start3A_24 = tpu.memref_slice %arg9[%mul3A_23] : memref<262144xf32, #tpu.memory_space<vmem_shared>> -> memref<16384xf32, #tpu.memory_space<vmem_shared>>
    %dma_start3A_25 = tpu.memref_slice %arg9[%mul3A_23] : memref<262144xf32, #tpu.memory_space<vmem_shared>> -> memref<16384xf32, #tpu.memory_space<vmem_shared>>
    tpu.enqueue_dma source(%arg7 : memref<16384xf32, #tpu.memory_space<vmem>>) target(%dma_start3A_25 : memref<16384xf32, #tpu.memory_space<vmem_shared>>) target_semaphore(%arg14 : memref<!tpu.dma_semaphore, #tpu.memory_space<semaphore_mem>>)
    %mul3A_26 = arith.constant 16384 : i32
    %mul3A_27 = arith.muli %arg1, %mul3A_26 : i32
    %dma_start3A_28 = tpu.memref_slice %arg10[%mul3A_27] : memref<262144xf32, #tpu.memory_space<vmem_shared>> -> memref<16384xf32, #tpu.memory_space<vmem_shared>>
    %dma_start3A_29 = tpu.memref_slice %arg10[%mul3A_27] : memref<262144xf32, #tpu.memory_space<vmem_shared>> -> memref<16384xf32, #tpu.memory_space<vmem_shared>>
    tpu.enqueue_dma source(%arg7 : memref<16384xf32, #tpu.memory_space<vmem>>) target(%dma_start3A_29 : memref<16384xf32, #tpu.memory_space<vmem_shared>>) target_semaphore(%arg14 : memref<!tpu.dma_semaphore, #tpu.memory_space<semaphore_mem>>)
    %mul3A_30 = arith.constant 16384 : i32
    %mul3A_31 = arith.muli %arg1, %mul3A_30 : i32
    %dma_start3A_32 = tpu.memref_slice %arg11[%mul3A_31] : memref<262144xf32, #tpu.memory_space<vmem_shared>> -> memref<16384xf32, #tpu.memory_space<vmem_shared>>
    %dma_start3A_33 = tpu.memref_slice %arg11[%mul3A_31] : memref<262144xf32, #tpu.memory_space<vmem_shared>> -> memref<16384xf32, #tpu.memory_space<vmem_shared>>
    tpu.enqueue_dma source(%arg7 : memref<16384xf32, #tpu.memory_space<vmem>>) target(%dma_start3A_33 : memref<16384xf32, #tpu.memory_space<vmem_shared>>) target_semaphore(%arg14 : memref<!tpu.dma_semaphore, #tpu.memory_space<semaphore_mem>>)
    %mul3A_34 = arith.constant 16384 : i32
    %mul3A_35 = arith.muli %arg1, %mul3A_34 : i32
    %dma_start3A_36 = tpu.memref_slice %arg12[%mul3A_35] : memref<262144xf32, #tpu.memory_space<vmem_shared>> -> memref<16384xf32, #tpu.memory_space<vmem_shared>>
    %dma_start3A_37 = tpu.memref_slice %arg12[%mul3A_35] : memref<262144xf32, #tpu.memory_space<vmem_shared>> -> memref<16384xf32, #tpu.memory_space<vmem_shared>>
    tpu.enqueue_dma source(%arg7 : memref<16384xf32, #tpu.memory_space<vmem>>) target(%dma_start3A_37 : memref<16384xf32, #tpu.memory_space<vmem_shared>>) target_semaphore(%arg14 : memref<!tpu.dma_semaphore, #tpu.memory_space<semaphore_mem>>)
    %mul3A_38 = arith.constant 16384 : i32
    %mul3A_39 = arith.muli %arg1, %mul3A_38 : i32
    %dma_start3A_40 = tpu.memref_slice %arg13[%mul3A_39] : memref<262144xf32, #tpu.memory_space<vmem_shared>> -> memref<16384xf32, #tpu.memory_space<vmem_shared>>
    %dma_start3A_41 = tpu.memref_slice %arg13[%mul3A_39] : memref<262144xf32, #tpu.memory_space<vmem_shared>> -> memref<16384xf32, #tpu.memory_space<vmem_shared>>
    tpu.enqueue_dma source(%arg7 : memref<16384xf32, #tpu.memory_space<vmem>>) target(%dma_start3A_41 : memref<16384xf32, #tpu.memory_space<vmem_shared>>) target_semaphore(%arg14 : memref<!tpu.dma_semaphore, #tpu.memory_space<semaphore_mem>>)
    %dma_wait3A_42 = tpu.memref_slice %arg8[%mul3A_19] : memref<262144xf32, #tpu.memory_space<vmem_shared>> -> memref<16384xf32, #tpu.memory_space<vmem_shared>>
    %dma_wait3A_43 = tpu.memref_slice %arg8[%mul3A_19] : memref<262144xf32, #tpu.memory_space<vmem_shared>> -> memref<16384xf32, #tpu.memory_space<vmem_shared>>
    tpu.wait_dma2 semaphore(%arg14 : memref<!tpu.dma_semaphore, #tpu.memory_space<semaphore_mem>>) src(%arg7 : memref<16384xf32, #tpu.memory_space<vmem>>) dst(%dma_wait3A_43 : memref<16384xf32, #tpu.memory_space<vmem_shared>>)
    %dma_wait3A_44 = tpu.memref_slice %arg9[%mul3A_23] : memref<262144xf32, #tpu.memory_space<vmem_shared>> -> memref<16384xf32, #tpu.memory_space<vmem_shared>>
    %dma_wait3A_45 = tpu.memref_slice %arg9[%mul3A_23] : memref<262144xf32, #tpu.memory_space<vmem_shared>> -> memref<16384xf32, #tpu.memory_space<vmem_shared>>
    tpu.wait_dma2 semaphore(%arg14 : memref<!tpu.dma_semaphore, #tpu.memory_space<semaphore_mem>>) src(%arg7 : memref<16384xf32, #tpu.memory_space<vmem>>) dst(%dma_wait3A_45 : memref<16384xf32, #tpu.memory_space<vmem_shared>>)
    %dma_wait3A_46 = tpu.memref_slice %arg10[%mul3A_27] : memref<262144xf32, #tpu.memory_space<vmem_shared>> -> memref<16384xf32, #tpu.memory_space<vmem_shared>>
    %dma_wait3A_47 = tpu.memref_slice %arg10[%mul3A_27] : memref<262144xf32, #tpu.memory_space<vmem_shared>> -> memref<16384xf32, #tpu.memory_space<vmem_shared>>
    tpu.wait_dma2 semaphore(%arg14 : memref<!tpu.dma_semaphore, #tpu.memory_space<semaphore_mem>>) src(%arg7 : memref<16384xf32, #tpu.memory_space<vmem>>) dst(%dma_wait3A_47 : memref<16384xf32, #tpu.memory_space<vmem_shared>>)
    %dma_wait3A_48 = tpu.memref_slice %arg11[%mul3A_31] : memref<262144xf32, #tpu.memory_space<vmem_shared>> -> memref<16384xf32, #tpu.memory_space<vmem_shared>>
    %dma_wait3A_49 = tpu.memref_slice %arg11[%mul3A_31] : memref<262144xf32, #tpu.memory_space<vmem_shared>> -> memref<16384xf32, #tpu.memory_space<vmem_shared>>
    tpu.wait_dma2 semaphore(%arg14 : memref<!tpu.dma_semaphore, #tpu.memory_space<semaphore_mem>>) src(%arg7 : memref<16384xf32, #tpu.memory_space<vmem>>) dst(%dma_wait3A_49 : memref<16384xf32, #tpu.memory_space<vmem_shared>>)
    %dma_wait3A_50 = tpu.memref_slice %arg12[%mul3A_35] : memref<262144xf32, #tpu.memory_space<vmem_shared>> -> memref<16384xf32, #tpu.memory_space<vmem_shared>>
    %dma_wait3A_51 = tpu.memref_slice %arg12[%mul3A_35] : memref<262144xf32, #tpu.memory_space<vmem_shared>> -> memref<16384xf32, #tpu.memory_space<vmem_shared>>
    tpu.wait_dma2 semaphore(%arg14 : memref<!tpu.dma_semaphore, #tpu.memory_space<semaphore_mem>>) src(%arg7 : memref<16384xf32, #tpu.memory_space<vmem>>) dst(%dma_wait3A_51 : memref<16384xf32, #tpu.memory_space<vmem_shared>>)
    %dma_wait3A_52 = tpu.memref_slice %arg13[%mul3A_39] : memref<262144xf32, #tpu.memory_space<vmem_shared>> -> memref<16384xf32, #tpu.memory_space<vmem_shared>>
    %dma_wait3A_53 = tpu.memref_slice %arg13[%mul3A_39] : memref<262144xf32, #tpu.memory_space<vmem_shared>> -> memref<16384xf32, #tpu.memory_space<vmem_shared>>
    tpu.wait_dma2 semaphore(%arg14 : memref<!tpu.dma_semaphore, #tpu.memory_space<semaphore_mem>>) src(%arg7 : memref<16384xf32, #tpu.memory_space<vmem>>) dst(%dma_wait3A_53 : memref<16384xf32, #tpu.memory_space<vmem_shared>>)
    %barrier3A = arith.constant 0 : index
    tpu.barrier barrier_id(%barrier3A)
    %mul3A_54 = arith.constant 6 : i32
    %mul3A_55 = arith.muli %arg0, %mul3A_54 : i32
    %add3A = arith.constant 0 : i32
    %add3A_56 = arith.addi %mul3A_55, %add3A : i32
    "tpu.region"() ({
      %run_scoped3A = tpu.sem_alloc : memref<!tpu.dma_semaphore, #tpu.memory_space<semaphore_mem>>
      %dma_start3A_192 = arith.constant 0 : i32
      %dma_start3A_193 = arith.constant 0 : i32
      %dma_start3A_194 = tpu.memref_slice %arg3[%add3A_56, %arg1, %dma_start3A_192, %dma_start3A_193] : memref<12x16x32x128xf32, #tpu.memory_space<hbm>> -> memref<1x1x32x128xf32, #tpu.memory_space<hbm>>
      %dma_start3A_195 = tpu.memref_squeeze %dma_start3A_194 : memref<1x1x32x128xf32, #tpu.memory_space<hbm>> -> memref<32x128xf32, #tpu.memory_space<hbm>>
      %dma_start3A_196 = arith.constant 0 : i32
      %dma_start3A_197 = arith.constant 0 : i32
      %dma_start3A_198 = tpu.memref_slice %arg3[%add3A_56, %arg1, %dma_start3A_196, %dma_start3A_197] : memref<12x16x32x128xf32, #tpu.memory_space<hbm>> -> memref<1x1x32x128xf32, #tpu.memory_space<hbm>>
      %dma_start3A_199 = tpu.memref_squeeze %dma_start3A_198 : memref<1x1x32x128xf32, #tpu.memory_space<hbm>> -> memref<32x128xf32, #tpu.memory_space<hbm>>
      tpu.enqueue_dma source(%dma_start3A_199 : memref<32x128xf32, #tpu.memory_space<hbm>>) target(%arg6 : memref<32x128xf32, #tpu.memory_space<vmem>>) target_semaphore(%run_scoped3A : memref<!tpu.dma_semaphore, #tpu.memory_space<semaphore_mem>>)
      %dma_wait3A_200 = arith.constant 0 : i32
      %dma_wait3A_201 = arith.constant 0 : i32
      %dma_wait3A_202 = tpu.memref_slice %arg3[%add3A_56, %arg1, %dma_wait3A_200, %dma_wait3A_201] : memref<12x16x32x128xf32, #tpu.memory_space<hbm>> -> memref<1x1x32x128xf32, #tpu.memory_space<hbm>>
      %dma_wait3A_203 = tpu.memref_squeeze %dma_wait3A_202 : memref<1x1x32x128xf32, #tpu.memory_space<hbm>> -> memref<32x128xf32, #tpu.memory_space<hbm>>
      %dma_wait3A_204 = arith.constant 0 : i32
      %dma_wait3A_205 = arith.constant 0 : i32
      %dma_wait3A_206 = tpu.memref_slice %arg3[%add3A_56, %arg1, %dma_wait3A_204, %dma_wait3A_205] : memref<12x16x32x128xf32, #tpu.memory_space<hbm>> -> memref<1x1x32x128xf32, #tpu.memory_space<hbm>>
      %dma_wait3A_207 = tpu.memref_squeeze %dma_wait3A_206 : memref<1x1x32x128xf32, #tpu.memory_space<hbm>> -> memref<32x128xf32, #tpu.memory_space<hbm>>
      tpu.wait_dma2 semaphore(%run_scoped3A : memref<!tpu.dma_semaphore, #tpu.memory_space<semaphore_mem>>) src(%dma_wait3A_207 : memref<32x128xf32, #tpu.memory_space<hbm>>) dst(%arg6 : memref<32x128xf32, #tpu.memory_space<vmem>>)
      tpu.yield
    }) : () -> ()
    %scan3A_57 = arith.constant 0 : i32
    %scan3A_58 = arith.constant 32 : i32
    %scan3A_59 = arith.addi %scan3A_57, %scan3A_58 : i32
    %scan3A_60 = arith.constant 1 : i32
    scf.for %scan3A_192 = %scan3A_57 to %scan3A_59 step %scan3A_60  : i32 {
      "tpu.region"() ({
        %run_scoped3A = tpu.sem_alloc : memref<!tpu.dma_semaphore, #tpu.memory_space<semaphore_mem>>
        %dma_start3A_193 = arith.constant 0 : i32
        %dma_start3A_194 = tpu.memref_slice %arg6[%scan3A_192, %dma_start3A_193] : memref<32x128xf32, #tpu.memory_space<vmem>> -> memref<1x128xf32, #tpu.memory_space<vmem>>
        %dma_start3A_195 = tpu.memref_squeeze %dma_start3A_194 : memref<1x128xf32, #tpu.memory_space<vmem>> -> memref<128xf32, #tpu.memory_space<vmem>>
        %dma_start3A_196 = arith.constant 0 : i32
        %dma_start3A_197 = tpu.memref_slice %arg5[%scan3A_192, %dma_start3A_196] : memref<32x128xi32, #tpu.memory_space<vmem>> -> memref<1x128xi32, #tpu.memory_space<vmem>>
        %dma_start3A_198 = tpu.memref_squeeze %dma_start3A_197 : memref<1x128xi32, #tpu.memory_space<vmem>> -> memref<128xi32, #tpu.memory_space<vmem>>
        %dma_start3A_199 = arith.constant 0 : i32
        %dma_start3A_200 = tpu.memref_slice %arg8[%dma_start3A_199] : memref<262144xf32, #tpu.memory_space<vmem_shared>> -> memref<262144xf32, #tpu.memory_space<vmem_shared>>
        tpu.enqueue_indirect_dma source(%dma_start3A_195 : memref<128xf32, #tpu.memory_space<vmem>>) target(%dma_start3A_200 : memref<262144xf32, #tpu.memory_space<vmem_shared>>) offsets(%dma_start3A_198 : memref<128xi32, #tpu.memory_space<vmem>>) semaphore(%run_scoped3A : memref<!tpu.dma_semaphore, #tpu.memory_space<semaphore_mem>>) {add = true}
        %dma_wait3A_201 = arith.constant 0 : i32
        %dma_wait3A_202 = tpu.memref_slice %arg6[%scan3A_192, %dma_wait3A_201] : memref<32x128xf32, #tpu.memory_space<vmem>> -> memref<1x128xf32, #tpu.memory_space<vmem>>
        %dma_wait3A_203 = tpu.memref_squeeze %dma_wait3A_202 : memref<1x128xf32, #tpu.memory_space<vmem>> -> memref<128xf32, #tpu.memory_space<vmem>>
        %dma_wait3A_204 = arith.constant 0 : i32
        %dma_wait3A_205 = tpu.memref_slice %arg5[%scan3A_192, %dma_wait3A_204] : memref<32x128xi32, #tpu.memory_space<vmem>> -> memref<1x128xi32, #tpu.memory_space<vmem>>
        %dma_wait3A_206 = tpu.memref_squeeze %dma_wait3A_205 : memref<1x128xi32, #tpu.memory_space<vmem>> -> memref<128xi32, #tpu.memory_space<vmem>>
        %dma_wait3A_207 = arith.constant 0 : i32
        %dma_wait3A_208 = tpu.memref_slice %arg8[%dma_wait3A_207] : memref<262144xf32, #tpu.memory_space<vmem_shared>> -> memref<262144xf32, #tpu.memory_space<vmem_shared>>
        tpu.wait_indirect_dma semaphore(%run_scoped3A : memref<!tpu.dma_semaphore, #tpu.memory_space<semaphore_mem>>) src(%dma_wait3A_203 : memref<128xf32, #tpu.memory_space<vmem>>) dst(%dma_wait3A_208 : memref<262144xf32, #tpu.memory_space<vmem_shared>>)
        tpu.yield
      }) : () -> ()
    }
    %scan3A_61 = arith.constant 32 : i32
    %mul3A_62 = arith.constant 6 : i32
    %mul3A_63 = arith.muli %arg0, %mul3A_62 : i32
    %add3A_64 = arith.constant 1 : i32
    %add3A_65 = arith.addi %mul3A_63, %add3A_64 : i32
    "tpu.region"() ({
      %run_scoped3A = tpu.sem_alloc : memref<!tpu.dma_semaphore, #tpu.memory_space<semaphore_mem>>
      %dma_start3A_192 = arith.constant 0 : i32
      %dma_start3A_193 = arith.constant 0 : i32
      %dma_start3A_194 = tpu.memref_slice %arg3[%add3A_65, %arg1, %dma_start3A_192, %dma_start3A_193] : memref<12x16x32x128xf32, #tpu.memory_space<hbm>> -> memref<1x1x32x128xf32, #tpu.memory_space<hbm>>
      %dma_start3A_195 = tpu.memref_squeeze %dma_start3A_194 : memref<1x1x32x128xf32, #tpu.memory_space<hbm>> -> memref<32x128xf32, #tpu.memory_space<hbm>>
      %dma_start3A_196 = arith.constant 0 : i32
      %dma_start3A_197 = arith.constant 0 : i32
      %dma_start3A_198 = tpu.memref_slice %arg3[%add3A_65, %arg1, %dma_start3A_196, %dma_start3A_197] : memref<12x16x32x128xf32, #tpu.memory_space<hbm>> -> memref<1x1x32x128xf32, #tpu.memory_space<hbm>>
      %dma_start3A_199 = tpu.memref_squeeze %dma_start3A_198 : memref<1x1x32x128xf32, #tpu.memory_space<hbm>> -> memref<32x128xf32, #tpu.memory_space<hbm>>
      tpu.enqueue_dma source(%dma_start3A_199 : memref<32x128xf32, #tpu.memory_space<hbm>>) target(%arg6 : memref<32x128xf32, #tpu.memory_space<vmem>>) target_semaphore(%run_scoped3A : memref<!tpu.dma_semaphore, #tpu.memory_space<semaphore_mem>>)
      %dma_wait3A_200 = arith.constant 0 : i32
      %dma_wait3A_201 = arith.constant 0 : i32
      %dma_wait3A_202 = tpu.memref_slice %arg3[%add3A_65, %arg1, %dma_wait3A_200, %dma_wait3A_201] : memref<12x16x32x128xf32, #tpu.memory_space<hbm>> -> memref<1x1x32x128xf32, #tpu.memory_space<hbm>>
      %dma_wait3A_203 = tpu.memref_squeeze %dma_wait3A_202 : memref<1x1x32x128xf32, #tpu.memory_space<hbm>> -> memref<32x128xf32, #tpu.memory_space<hbm>>
      %dma_wait3A_204 = arith.constant 0 : i32
      %dma_wait3A_205 = arith.constant 0 : i32
      %dma_wait3A_206 = tpu.memref_slice %arg3[%add3A_65, %arg1, %dma_wait3A_204, %dma_wait3A_205] : memref<12x16x32x128xf32, #tpu.memory_space<hbm>> -> memref<1x1x32x128xf32, #tpu.memory_space<hbm>>
      %dma_wait3A_207 = tpu.memref_squeeze %dma_wait3A_206 : memref<1x1x32x128xf32, #tpu.memory_space<hbm>> -> memref<32x128xf32, #tpu.memory_space<hbm>>
      tpu.wait_dma2 semaphore(%run_scoped3A : memref<!tpu.dma_semaphore, #tpu.memory_space<semaphore_mem>>) src(%dma_wait3A_207 : memref<32x128xf32, #tpu.memory_space<hbm>>) dst(%arg6 : memref<32x128xf32, #tpu.memory_space<vmem>>)
      tpu.yield
    }) : () -> ()
    %scan3A_66 = arith.constant 0 : i32
    %scan3A_67 = arith.constant 32 : i32
    %scan3A_68 = arith.addi %scan3A_66, %scan3A_67 : i32
    %scan3A_69 = arith.constant 1 : i32
    scf.for %scan3A_192 = %scan3A_66 to %scan3A_68 step %scan3A_69  : i32 {
      "tpu.region"() ({
        %run_scoped3A = tpu.sem_alloc : memref<!tpu.dma_semaphore, #tpu.memory_space<semaphore_mem>>
        %dma_start3A_193 = arith.constant 0 : i32
        %dma_start3A_194 = tpu.memref_slice %arg6[%scan3A_192, %dma_start3A_193] : memref<32x128xf32, #tpu.memory_space<vmem>> -> memref<1x128xf32, #tpu.memory_space<vmem>>
        %dma_start3A_195 = tpu.memref_squeeze %dma_start3A_194 : memref<1x128xf32, #tpu.memory_space<vmem>> -> memref<128xf32, #tpu.memory_space<vmem>>
        %dma_start3A_196 = arith.constant 0 : i32
        %dma_start3A_197 = tpu.memref_slice %arg5[%scan3A_192, %dma_start3A_196] : memref<32x128xi32, #tpu.memory_space<vmem>> -> memref<1x128xi32, #tpu.memory_space<vmem>>
        %dma_start3A_198 = tpu.memref_squeeze %dma_start3A_197 : memref<1x128xi32, #tpu.memory_space<vmem>> -> memref<128xi32, #tpu.memory_space<vmem>>
        %dma_start3A_199 = arith.constant 0 : i32
        %dma_start3A_200 = tpu.memref_slice %arg9[%dma_start3A_199] : memref<262144xf32, #tpu.memory_space<vmem_shared>> -> memref<262144xf32, #tpu.memory_space<vmem_shared>>
        tpu.enqueue_indirect_dma source(%dma_start3A_195 : memref<128xf32, #tpu.memory_space<vmem>>) target(%dma_start3A_200 : memref<262144xf32, #tpu.memory_space<vmem_shared>>) offsets(%dma_start3A_198 : memref<128xi32, #tpu.memory_space<vmem>>) semaphore(%run_scoped3A : memref<!tpu.dma_semaphore, #tpu.memory_space<semaphore_mem>>) {add = true}
        %dma_wait3A_201 = arith.constant 0 : i32
        %dma_wait3A_202 = tpu.memref_slice %arg6[%scan3A_192, %dma_wait3A_201] : memref<32x128xf32, #tpu.memory_space<vmem>> -> memref<1x128xf32, #tpu.memory_space<vmem>>
        %dma_wait3A_203 = tpu.memref_squeeze %dma_wait3A_202 : memref<1x128xf32, #tpu.memory_space<vmem>> -> memref<128xf32, #tpu.memory_space<vmem>>
        %dma_wait3A_204 = arith.constant 0 : i32
        %dma_wait3A_205 = tpu.memref_slice %arg5[%scan3A_192, %dma_wait3A_204] : memref<32x128xi32, #tpu.memory_space<vmem>> -> memref<1x128xi32, #tpu.memory_space<vmem>>
        %dma_wait3A_206 = tpu.memref_squeeze %dma_wait3A_205 : memref<1x128xi32, #tpu.memory_space<vmem>> -> memref<128xi32, #tpu.memory_space<vmem>>
        %dma_wait3A_207 = arith.constant 0 : i32
        %dma_wait3A_208 = tpu.memref_slice %arg9[%dma_wait3A_207] : memref<262144xf32, #tpu.memory_space<vmem_shared>> -> memref<262144xf32, #tpu.memory_space<vmem_shared>>
        tpu.wait_indirect_dma semaphore(%run_scoped3A : memref<!tpu.dma_semaphore, #tpu.memory_space<semaphore_mem>>) src(%dma_wait3A_203 : memref<128xf32, #tpu.memory_space<vmem>>) dst(%dma_wait3A_208 : memref<262144xf32, #tpu.memory_space<vmem_shared>>)
        tpu.yield
      }) : () -> ()
    }
    %scan3A_70 = arith.constant 32 : i32
    %mul3A_71 = arith.constant 6 : i32
    %mul3A_72 = arith.muli %arg0, %mul3A_71 : i32
    %add3A_73 = arith.constant 2 : i32
    %add3A_74 = arith.addi %mul3A_72, %add3A_73 : i32
    "tpu.region"() ({
      %run_scoped3A = tpu.sem_alloc : memref<!tpu.dma_semaphore, #tpu.memory_space<semaphore_mem>>
      %dma_start3A_192 = arith.constant 0 : i32
      %dma_start3A_193 = arith.constant 0 : i32
      %dma_start3A_194 = tpu.memref_slice %arg3[%add3A_74, %arg1, %dma_start3A_192, %dma_start3A_193] : memref<12x16x32x128xf32, #tpu.memory_space<hbm>> -> memref<1x1x32x128xf32, #tpu.memory_space<hbm>>
      %dma_start3A_195 = tpu.memref_squeeze %dma_start3A_194 : memref<1x1x32x128xf32, #tpu.memory_space<hbm>> -> memref<32x128xf32, #tpu.memory_space<hbm>>
      %dma_start3A_196 = arith.constant 0 : i32
      %dma_start3A_197 = arith.constant 0 : i32
      %dma_start3A_198 = tpu.memref_slice %arg3[%add3A_74, %arg1, %dma_start3A_196, %dma_start3A_197] : memref<12x16x32x128xf32, #tpu.memory_space<hbm>> -> memref<1x1x32x128xf32, #tpu.memory_space<hbm>>
      %dma_start3A_199 = tpu.memref_squeeze %dma_start3A_198 : memref<1x1x32x128xf32, #tpu.memory_space<hbm>> -> memref<32x128xf32, #tpu.memory_space<hbm>>
      tpu.enqueue_dma source(%dma_start3A_199 : memref<32x128xf32, #tpu.memory_space<hbm>>) target(%arg6 : memref<32x128xf32, #tpu.memory_space<vmem>>) target_semaphore(%run_scoped3A : memref<!tpu.dma_semaphore, #tpu.memory_space<semaphore_mem>>)
      %dma_wait3A_200 = arith.constant 0 : i32
      %dma_wait3A_201 = arith.constant 0 : i32
      %dma_wait3A_202 = tpu.memref_slice %arg3[%add3A_74, %arg1, %dma_wait3A_200, %dma_wait3A_201] : memref<12x16x32x128xf32, #tpu.memory_space<hbm>> -> memref<1x1x32x128xf32, #tpu.memory_space<hbm>>
      %dma_wait3A_203 = tpu.memref_squeeze %dma_wait3A_202 : memref<1x1x32x128xf32, #tpu.memory_space<hbm>> -> memref<32x128xf32, #tpu.memory_space<hbm>>
      %dma_wait3A_204 = arith.constant 0 : i32
      %dma_wait3A_205 = arith.constant 0 : i32
      %dma_wait3A_206 = tpu.memref_slice %arg3[%add3A_74, %arg1, %dma_wait3A_204, %dma_wait3A_205] : memref<12x16x32x128xf32, #tpu.memory_space<hbm>> -> memref<1x1x32x128xf32, #tpu.memory_space<hbm>>
      %dma_wait3A_207 = tpu.memref_squeeze %dma_wait3A_206 : memref<1x1x32x128xf32, #tpu.memory_space<hbm>> -> memref<32x128xf32, #tpu.memory_space<hbm>>
      tpu.wait_dma2 semaphore(%run_scoped3A : memref<!tpu.dma_semaphore, #tpu.memory_space<semaphore_mem>>) src(%dma_wait3A_207 : memref<32x128xf32, #tpu.memory_space<hbm>>) dst(%arg6 : memref<32x128xf32, #tpu.memory_space<vmem>>)
      tpu.yield
    }) : () -> ()
    %scan3A_75 = arith.constant 0 : i32
    %scan3A_76 = arith.constant 32 : i32
    %scan3A_77 = arith.addi %scan3A_75, %scan3A_76 : i32
    %scan3A_78 = arith.constant 1 : i32
    scf.for %scan3A_192 = %scan3A_75 to %scan3A_77 step %scan3A_78  : i32 {
      "tpu.region"() ({
        %run_scoped3A = tpu.sem_alloc : memref<!tpu.dma_semaphore, #tpu.memory_space<semaphore_mem>>
        %dma_start3A_193 = arith.constant 0 : i32
        %dma_start3A_194 = tpu.memref_slice %arg6[%scan3A_192, %dma_start3A_193] : memref<32x128xf32, #tpu.memory_space<vmem>> -> memref<1x128xf32, #tpu.memory_space<vmem>>
        %dma_start3A_195 = tpu.memref_squeeze %dma_start3A_194 : memref<1x128xf32, #tpu.memory_space<vmem>> -> memref<128xf32, #tpu.memory_space<vmem>>
        %dma_start3A_196 = arith.constant 0 : i32
        %dma_start3A_197 = tpu.memref_slice %arg5[%scan3A_192, %dma_start3A_196] : memref<32x128xi32, #tpu.memory_space<vmem>> -> memref<1x128xi32, #tpu.memory_space<vmem>>
        %dma_start3A_198 = tpu.memref_squeeze %dma_start3A_197 : memref<1x128xi32, #tpu.memory_space<vmem>> -> memref<128xi32, #tpu.memory_space<vmem>>
        %dma_start3A_199 = arith.constant 0 : i32
        %dma_start3A_200 = tpu.memref_slice %arg10[%dma_start3A_199] : memref<262144xf32, #tpu.memory_space<vmem_shared>> -> memref<262144xf32, #tpu.memory_space<vmem_shared>>
        tpu.enqueue_indirect_dma source(%dma_start3A_195 : memref<128xf32, #tpu.memory_space<vmem>>) target(%dma_start3A_200 : memref<262144xf32, #tpu.memory_space<vmem_shared>>) offsets(%dma_start3A_198 : memref<128xi32, #tpu.memory_space<vmem>>) semaphore(%run_scoped3A : memref<!tpu.dma_semaphore, #tpu.memory_space<semaphore_mem>>) {add = true}
        %dma_wait3A_201 = arith.constant 0 : i32
        %dma_wait3A_202 = tpu.memref_slice %arg6[%scan3A_192, %dma_wait3A_201] : memref<32x128xf32, #tpu.memory_space<vmem>> -> memref<1x128xf32, #tpu.memory_space<vmem>>
        %dma_wait3A_203 = tpu.memref_squeeze %dma_wait3A_202 : memref<1x128xf32, #tpu.memory_space<vmem>> -> memref<128xf32, #tpu.memory_space<vmem>>
        %dma_wait3A_204 = arith.constant 0 : i32
        %dma_wait3A_205 = tpu.memref_slice %arg5[%scan3A_192, %dma_wait3A_204] : memref<32x128xi32, #tpu.memory_space<vmem>> -> memref<1x128xi32, #tpu.memory_space<vmem>>
        %dma_wait3A_206 = tpu.memref_squeeze %dma_wait3A_205 : memref<1x128xi32, #tpu.memory_space<vmem>> -> memref<128xi32, #tpu.memory_space<vmem>>
        %dma_wait3A_207 = arith.constant 0 : i32
        %dma_wait3A_208 = tpu.memref_slice %arg10[%dma_wait3A_207] : memref<262144xf32, #tpu.memory_space<vmem_shared>> -> memref<262144xf32, #tpu.memory_space<vmem_shared>>
        tpu.wait_indirect_dma semaphore(%run_scoped3A : memref<!tpu.dma_semaphore, #tpu.memory_space<semaphore_mem>>) src(%dma_wait3A_203 : memref<128xf32, #tpu.memory_space<vmem>>) dst(%dma_wait3A_208 : memref<262144xf32, #tpu.memory_space<vmem_shared>>)
        tpu.yield
      }) : () -> ()
    }
    %scan3A_79 = arith.constant 32 : i32
    %mul3A_80 = arith.constant 6 : i32
    %mul3A_81 = arith.muli %arg0, %mul3A_80 : i32
    %add3A_82 = arith.constant 3 : i32
    %add3A_83 = arith.addi %mul3A_81, %add3A_82 : i32
    "tpu.region"() ({
      %run_scoped3A = tpu.sem_alloc : memref<!tpu.dma_semaphore, #tpu.memory_space<semaphore_mem>>
      %dma_start3A_192 = arith.constant 0 : i32
      %dma_start3A_193 = arith.constant 0 : i32
      %dma_start3A_194 = tpu.memref_slice %arg3[%add3A_83, %arg1, %dma_start3A_192, %dma_start3A_193] : memref<12x16x32x128xf32, #tpu.memory_space<hbm>> -> memref<1x1x32x128xf32, #tpu.memory_space<hbm>>
      %dma_start3A_195 = tpu.memref_squeeze %dma_start3A_194 : memref<1x1x32x128xf32, #tpu.memory_space<hbm>> -> memref<32x128xf32, #tpu.memory_space<hbm>>
      %dma_start3A_196 = arith.constant 0 : i32
      %dma_start3A_197 = arith.constant 0 : i32
      %dma_start3A_198 = tpu.memref_slice %arg3[%add3A_83, %arg1, %dma_start3A_196, %dma_start3A_197] : memref<12x16x32x128xf32, #tpu.memory_space<hbm>> -> memref<1x1x32x128xf32, #tpu.memory_space<hbm>>
      %dma_start3A_199 = tpu.memref_squeeze %dma_start3A_198 : memref<1x1x32x128xf32, #tpu.memory_space<hbm>> -> memref<32x128xf32, #tpu.memory_space<hbm>>
      tpu.enqueue_dma source(%dma_start3A_199 : memref<32x128xf32, #tpu.memory_space<hbm>>) target(%arg6 : memref<32x128xf32, #tpu.memory_space<vmem>>) target_semaphore(%run_scoped3A : memref<!tpu.dma_semaphore, #tpu.memory_space<semaphore_mem>>)
      %dma_wait3A_200 = arith.constant 0 : i32
      %dma_wait3A_201 = arith.constant 0 : i32
      %dma_wait3A_202 = tpu.memref_slice %arg3[%add3A_83, %arg1, %dma_wait3A_200, %dma_wait3A_201] : memref<12x16x32x128xf32, #tpu.memory_space<hbm>> -> memref<1x1x32x128xf32, #tpu.memory_space<hbm>>
      %dma_wait3A_203 = tpu.memref_squeeze %dma_wait3A_202 : memref<1x1x32x128xf32, #tpu.memory_space<hbm>> -> memref<32x128xf32, #tpu.memory_space<hbm>>
      %dma_wait3A_204 = arith.constant 0 : i32
      %dma_wait3A_205 = arith.constant 0 : i32
      %dma_wait3A_206 = tpu.memref_slice %arg3[%add3A_83, %arg1, %dma_wait3A_204, %dma_wait3A_205] : memref<12x16x32x128xf32, #tpu.memory_space<hbm>> -> memref<1x1x32x128xf32, #tpu.memory_space<hbm>>
      %dma_wait3A_207 = tpu.memref_squeeze %dma_wait3A_206 : memref<1x1x32x128xf32, #tpu.memory_space<hbm>> -> memref<32x128xf32, #tpu.memory_space<hbm>>
      tpu.wait_dma2 semaphore(%run_scoped3A : memref<!tpu.dma_semaphore, #tpu.memory_space<semaphore_mem>>) src(%dma_wait3A_207 : memref<32x128xf32, #tpu.memory_space<hbm>>) dst(%arg6 : memref<32x128xf32, #tpu.memory_space<vmem>>)
      tpu.yield
    }) : () -> ()
    %scan3A_84 = arith.constant 0 : i32
    %scan3A_85 = arith.constant 32 : i32
    %scan3A_86 = arith.addi %scan3A_84, %scan3A_85 : i32
    %scan3A_87 = arith.constant 1 : i32
    scf.for %scan3A_192 = %scan3A_84 to %scan3A_86 step %scan3A_87  : i32 {
      "tpu.region"() ({
        %run_scoped3A = tpu.sem_alloc : memref<!tpu.dma_semaphore, #tpu.memory_space<semaphore_mem>>
        %dma_start3A_193 = arith.constant 0 : i32
        %dma_start3A_194 = tpu.memref_slice %arg6[%scan3A_192, %dma_start3A_193] : memref<32x128xf32, #tpu.memory_space<vmem>> -> memref<1x128xf32, #tpu.memory_space<vmem>>
        %dma_start3A_195 = tpu.memref_squeeze %dma_start3A_194 : memref<1x128xf32, #tpu.memory_space<vmem>> -> memref<128xf32, #tpu.memory_space<vmem>>
        %dma_start3A_196 = arith.constant 0 : i32
        %dma_start3A_197 = tpu.memref_slice %arg5[%scan3A_192, %dma_start3A_196] : memref<32x128xi32, #tpu.memory_space<vmem>> -> memref<1x128xi32, #tpu.memory_space<vmem>>
        %dma_start3A_198 = tpu.memref_squeeze %dma_start3A_197 : memref<1x128xi32, #tpu.memory_space<vmem>> -> memref<128xi32, #tpu.memory_space<vmem>>
        %dma_start3A_199 = arith.constant 0 : i32
        %dma_start3A_200 = tpu.memref_slice %arg11[%dma_start3A_199] : memref<262144xf32, #tpu.memory_space<vmem_shared>> -> memref<262144xf32, #tpu.memory_space<vmem_shared>>
        tpu.enqueue_indirect_dma source(%dma_start3A_195 : memref<128xf32, #tpu.memory_space<vmem>>) target(%dma_start3A_200 : memref<262144xf32, #tpu.memory_space<vmem_shared>>) offsets(%dma_start3A_198 : memref<128xi32, #tpu.memory_space<vmem>>) semaphore(%run_scoped3A : memref<!tpu.dma_semaphore, #tpu.memory_space<semaphore_mem>>) {add = true}
        %dma_wait3A_201 = arith.constant 0 : i32
        %dma_wait3A_202 = tpu.memref_slice %arg6[%scan3A_192, %dma_wait3A_201] : memref<32x128xf32, #tpu.memory_space<vmem>> -> memref<1x128xf32, #tpu.memory_space<vmem>>
        %dma_wait3A_203 = tpu.memref_squeeze %dma_wait3A_202 : memref<1x128xf32, #tpu.memory_space<vmem>> -> memref<128xf32, #tpu.memory_space<vmem>>
        %dma_wait3A_204 = arith.constant 0 : i32
        %dma_wait3A_205 = tpu.memref_slice %arg5[%scan3A_192, %dma_wait3A_204] : memref<32x128xi32, #tpu.memory_space<vmem>> -> memref<1x128xi32, #tpu.memory_space<vmem>>
        %dma_wait3A_206 = tpu.memref_squeeze %dma_wait3A_205 : memref<1x128xi32, #tpu.memory_space<vmem>> -> memref<128xi32, #tpu.memory_space<vmem>>
        %dma_wait3A_207 = arith.constant 0 : i32
        %dma_wait3A_208 = tpu.memref_slice %arg11[%dma_wait3A_207] : memref<262144xf32, #tpu.memory_space<vmem_shared>> -> memref<262144xf32, #tpu.memory_space<vmem_shared>>
        tpu.wait_indirect_dma semaphore(%run_scoped3A : memref<!tpu.dma_semaphore, #tpu.memory_space<semaphore_mem>>) src(%dma_wait3A_203 : memref<128xf32, #tpu.memory_space<vmem>>) dst(%dma_wait3A_208 : memref<262144xf32, #tpu.memory_space<vmem_shared>>)
        tpu.yield
      }) : () -> ()
    }
    %scan3A_88 = arith.constant 32 : i32
    %mul3A_89 = arith.constant 6 : i32
    %mul3A_90 = arith.muli %arg0, %mul3A_89 : i32
    %add3A_91 = arith.constant 4 : i32
    %add3A_92 = arith.addi %mul3A_90, %add3A_91 : i32
    "tpu.region"() ({
      %run_scoped3A = tpu.sem_alloc : memref<!tpu.dma_semaphore, #tpu.memory_space<semaphore_mem>>
      %dma_start3A_192 = arith.constant 0 : i32
      %dma_start3A_193 = arith.constant 0 : i32
      %dma_start3A_194 = tpu.memref_slice %arg3[%add3A_92, %arg1, %dma_start3A_192, %dma_start3A_193] : memref<12x16x32x128xf32, #tpu.memory_space<hbm>> -> memref<1x1x32x128xf32, #tpu.memory_space<hbm>>
      %dma_start3A_195 = tpu.memref_squeeze %dma_start3A_194 : memref<1x1x32x128xf32, #tpu.memory_space<hbm>> -> memref<32x128xf32, #tpu.memory_space<hbm>>
      %dma_start3A_196 = arith.constant 0 : i32
      %dma_start3A_197 = arith.constant 0 : i32
      %dma_start3A_198 = tpu.memref_slice %arg3[%add3A_92, %arg1, %dma_start3A_196, %dma_start3A_197] : memref<12x16x32x128xf32, #tpu.memory_space<hbm>> -> memref<1x1x32x128xf32, #tpu.memory_space<hbm>>
      %dma_start3A_199 = tpu.memref_squeeze %dma_start3A_198 : memref<1x1x32x128xf32, #tpu.memory_space<hbm>> -> memref<32x128xf32, #tpu.memory_space<hbm>>
      tpu.enqueue_dma source(%dma_start3A_199 : memref<32x128xf32, #tpu.memory_space<hbm>>) target(%arg6 : memref<32x128xf32, #tpu.memory_space<vmem>>) target_semaphore(%run_scoped3A : memref<!tpu.dma_semaphore, #tpu.memory_space<semaphore_mem>>)
      %dma_wait3A_200 = arith.constant 0 : i32
      %dma_wait3A_201 = arith.constant 0 : i32
      %dma_wait3A_202 = tpu.memref_slice %arg3[%add3A_92, %arg1, %dma_wait3A_200, %dma_wait3A_201] : memref<12x16x32x128xf32, #tpu.memory_space<hbm>> -> memref<1x1x32x128xf32, #tpu.memory_space<hbm>>
      %dma_wait3A_203 = tpu.memref_squeeze %dma_wait3A_202 : memref<1x1x32x128xf32, #tpu.memory_space<hbm>> -> memref<32x128xf32, #tpu.memory_space<hbm>>
      %dma_wait3A_204 = arith.constant 0 : i32
      %dma_wait3A_205 = arith.constant 0 : i32
      %dma_wait3A_206 = tpu.memref_slice %arg3[%add3A_92, %arg1, %dma_wait3A_204, %dma_wait3A_205] : memref<12x16x32x128xf32, #tpu.memory_space<hbm>> -> memref<1x1x32x128xf32, #tpu.memory_space<hbm>>
      %dma_wait3A_207 = tpu.memref_squeeze %dma_wait3A_206 : memref<1x1x32x128xf32, #tpu.memory_space<hbm>> -> memref<32x128xf32, #tpu.memory_space<hbm>>
      tpu.wait_dma2 semaphore(%run_scoped3A : memref<!tpu.dma_semaphore, #tpu.memory_space<semaphore_mem>>) src(%dma_wait3A_207 : memref<32x128xf32, #tpu.memory_space<hbm>>) dst(%arg6 : memref<32x128xf32, #tpu.memory_space<vmem>>)
      tpu.yield
    }) : () -> ()
    %scan3A_93 = arith.constant 0 : i32
    %scan3A_94 = arith.constant 32 : i32
    %scan3A_95 = arith.addi %scan3A_93, %scan3A_94 : i32
    %scan3A_96 = arith.constant 1 : i32
    scf.for %scan3A_192 = %scan3A_93 to %scan3A_95 step %scan3A_96  : i32 {
      "tpu.region"() ({
        %run_scoped3A = tpu.sem_alloc : memref<!tpu.dma_semaphore, #tpu.memory_space<semaphore_mem>>
        %dma_start3A_193 = arith.constant 0 : i32
        %dma_start3A_194 = tpu.memref_slice %arg6[%scan3A_192, %dma_start3A_193] : memref<32x128xf32, #tpu.memory_space<vmem>> -> memref<1x128xf32, #tpu.memory_space<vmem>>
        %dma_start3A_195 = tpu.memref_squeeze %dma_start3A_194 : memref<1x128xf32, #tpu.memory_space<vmem>> -> memref<128xf32, #tpu.memory_space<vmem>>
        %dma_start3A_196 = arith.constant 0 : i32
        %dma_start3A_197 = tpu.memref_slice %arg5[%scan3A_192, %dma_start3A_196] : memref<32x128xi32, #tpu.memory_space<vmem>> -> memref<1x128xi32, #tpu.memory_space<vmem>>
        %dma_start3A_198 = tpu.memref_squeeze %dma_start3A_197 : memref<1x128xi32, #tpu.memory_space<vmem>> -> memref<128xi32, #tpu.memory_space<vmem>>
        %dma_start3A_199 = arith.constant 0 : i32
        %dma_start3A_200 = tpu.memref_slice %arg12[%dma_start3A_199] : memref<262144xf32, #tpu.memory_space<vmem_shared>> -> memref<262144xf32, #tpu.memory_space<vmem_shared>>
        tpu.enqueue_indirect_dma source(%dma_start3A_195 : memref<128xf32, #tpu.memory_space<vmem>>) target(%dma_start3A_200 : memref<262144xf32, #tpu.memory_space<vmem_shared>>) offsets(%dma_start3A_198 : memref<128xi32, #tpu.memory_space<vmem>>) semaphore(%run_scoped3A : memref<!tpu.dma_semaphore, #tpu.memory_space<semaphore_mem>>) {add = true}
        %dma_wait3A_201 = arith.constant 0 : i32
        %dma_wait3A_202 = tpu.memref_slice %arg6[%scan3A_192, %dma_wait3A_201] : memref<32x128xf32, #tpu.memory_space<vmem>> -> memref<1x128xf32, #tpu.memory_space<vmem>>
        %dma_wait3A_203 = tpu.memref_squeeze %dma_wait3A_202 : memref<1x128xf32, #tpu.memory_space<vmem>> -> memref<128xf32, #tpu.memory_space<vmem>>
        %dma_wait3A_204 = arith.constant 0 : i32
        %dma_wait3A_205 = tpu.memref_slice %arg5[%scan3A_192, %dma_wait3A_204] : memref<32x128xi32, #tpu.memory_space<vmem>> -> memref<1x128xi32, #tpu.memory_space<vmem>>
        %dma_wait3A_206 = tpu.memref_squeeze %dma_wait3A_205 : memref<1x128xi32, #tpu.memory_space<vmem>> -> memref<128xi32, #tpu.memory_space<vmem>>
        %dma_wait3A_207 = arith.constant 0 : i32
        %dma_wait3A_208 = tpu.memref_slice %arg12[%dma_wait3A_207] : memref<262144xf32, #tpu.memory_space<vmem_shared>> -> memref<262144xf32, #tpu.memory_space<vmem_shared>>
        tpu.wait_indirect_dma semaphore(%run_scoped3A : memref<!tpu.dma_semaphore, #tpu.memory_space<semaphore_mem>>) src(%dma_wait3A_203 : memref<128xf32, #tpu.memory_space<vmem>>) dst(%dma_wait3A_208 : memref<262144xf32, #tpu.memory_space<vmem_shared>>)
        tpu.yield
      }) : () -> ()
    }
    %scan3A_97 = arith.constant 32 : i32
    %mul3A_98 = arith.constant 6 : i32
    %mul3A_99 = arith.muli %arg0, %mul3A_98 : i32
    %add3A_100 = arith.constant 5 : i32
    %add3A_101 = arith.addi %mul3A_99, %add3A_100 : i32
    "tpu.region"() ({
      %run_scoped3A = tpu.sem_alloc : memref<!tpu.dma_semaphore, #tpu.memory_space<semaphore_mem>>
      %dma_start3A_192 = arith.constant 0 : i32
      %dma_start3A_193 = arith.constant 0 : i32
      %dma_start3A_194 = tpu.memref_slice %arg3[%add3A_101, %arg1, %dma_start3A_192, %dma_start3A_193] : memref<12x16x32x128xf32, #tpu.memory_space<hbm>> -> memref<1x1x32x128xf32, #tpu.memory_space<hbm>>
      %dma_start3A_195 = tpu.memref_squeeze %dma_start3A_194 : memref<1x1x32x128xf32, #tpu.memory_space<hbm>> -> memref<32x128xf32, #tpu.memory_space<hbm>>
      %dma_start3A_196 = arith.constant 0 : i32
      %dma_start3A_197 = arith.constant 0 : i32
      %dma_start3A_198 = tpu.memref_slice %arg3[%add3A_101, %arg1, %dma_start3A_196, %dma_start3A_197] : memref<12x16x32x128xf32, #tpu.memory_space<hbm>> -> memref<1x1x32x128xf32, #tpu.memory_space<hbm>>
      %dma_start3A_199 = tpu.memref_squeeze %dma_start3A_198 : memref<1x1x32x128xf32, #tpu.memory_space<hbm>> -> memref<32x128xf32, #tpu.memory_space<hbm>>
      tpu.enqueue_dma source(%dma_start3A_199 : memref<32x128xf32, #tpu.memory_space<hbm>>) target(%arg6 : memref<32x128xf32, #tpu.memory_space<vmem>>) target_semaphore(%run_scoped3A : memref<!tpu.dma_semaphore, #tpu.memory_space<semaphore_mem>>)
      %dma_wait3A_200 = arith.constant 0 : i32
      %dma_wait3A_201 = arith.constant 0 : i32
      %dma_wait3A_202 = tpu.memref_slice %arg3[%add3A_101, %arg1, %dma_wait3A_200, %dma_wait3A_201] : memref<12x16x32x128xf32, #tpu.memory_space<hbm>> -> memref<1x1x32x128xf32, #tpu.memory_space<hbm>>
      %dma_wait3A_203 = tpu.memref_squeeze %dma_wait3A_202 : memref<1x1x32x128xf32, #tpu.memory_space<hbm>> -> memref<32x128xf32, #tpu.memory_space<hbm>>
      %dma_wait3A_204 = arith.constant 0 : i32
      %dma_wait3A_205 = arith.constant 0 : i32
      %dma_wait3A_206 = tpu.memref_slice %arg3[%add3A_101, %arg1, %dma_wait3A_204, %dma_wait3A_205] : memref<12x16x32x128xf32, #tpu.memory_space<hbm>> -> memref<1x1x32x128xf32, #tpu.memory_space<hbm>>
      %dma_wait3A_207 = tpu.memref_squeeze %dma_wait3A_206 : memref<1x1x32x128xf32, #tpu.memory_space<hbm>> -> memref<32x128xf32, #tpu.memory_space<hbm>>
      tpu.wait_dma2 semaphore(%run_scoped3A : memref<!tpu.dma_semaphore, #tpu.memory_space<semaphore_mem>>) src(%dma_wait3A_207 : memref<32x128xf32, #tpu.memory_space<hbm>>) dst(%arg6 : memref<32x128xf32, #tpu.memory_space<vmem>>)
      tpu.yield
    }) : () -> ()
    %scan3A_102 = arith.constant 0 : i32
    %scan3A_103 = arith.constant 32 : i32
    %scan3A_104 = arith.addi %scan3A_102, %scan3A_103 : i32
    %scan3A_105 = arith.constant 1 : i32
    scf.for %scan3A_192 = %scan3A_102 to %scan3A_104 step %scan3A_105  : i32 {
      "tpu.region"() ({
        %run_scoped3A = tpu.sem_alloc : memref<!tpu.dma_semaphore, #tpu.memory_space<semaphore_mem>>
        %dma_start3A_193 = arith.constant 0 : i32
        %dma_start3A_194 = tpu.memref_slice %arg6[%scan3A_192, %dma_start3A_193] : memref<32x128xf32, #tpu.memory_space<vmem>> -> memref<1x128xf32, #tpu.memory_space<vmem>>
        %dma_start3A_195 = tpu.memref_squeeze %dma_start3A_194 : memref<1x128xf32, #tpu.memory_space<vmem>> -> memref<128xf32, #tpu.memory_space<vmem>>
        %dma_start3A_196 = arith.constant 0 : i32
        %dma_start3A_197 = tpu.memref_slice %arg5[%scan3A_192, %dma_start3A_196] : memref<32x128xi32, #tpu.memory_space<vmem>> -> memref<1x128xi32, #tpu.memory_space<vmem>>
        %dma_start3A_198 = tpu.memref_squeeze %dma_start3A_197 : memref<1x128xi32, #tpu.memory_space<vmem>> -> memref<128xi32, #tpu.memory_space<vmem>>
        %dma_start3A_199 = arith.constant 0 : i32
        %dma_start3A_200 = tpu.memref_slice %arg13[%dma_start3A_199] : memref<262144xf32, #tpu.memory_space<vmem_shared>> -> memref<262144xf32, #tpu.memory_space<vmem_shared>>
        tpu.enqueue_indirect_dma source(%dma_start3A_195 : memref<128xf32, #tpu.memory_space<vmem>>) target(%dma_start3A_200 : memref<262144xf32, #tpu.memory_space<vmem_shared>>) offsets(%dma_start3A_198 : memref<128xi32, #tpu.memory_space<vmem>>) semaphore(%run_scoped3A : memref<!tpu.dma_semaphore, #tpu.memory_space<semaphore_mem>>) {add = true}
        %dma_wait3A_201 = arith.constant 0 : i32
        %dma_wait3A_202 = tpu.memref_slice %arg6[%scan3A_192, %dma_wait3A_201] : memref<32x128xf32, #tpu.memory_space<vmem>> -> memref<1x128xf32, #tpu.memory_space<vmem>>
        %dma_wait3A_203 = tpu.memref_squeeze %dma_wait3A_202 : memref<1x128xf32, #tpu.memory_space<vmem>> -> memref<128xf32, #tpu.memory_space<vmem>>
        %dma_wait3A_204 = arith.constant 0 : i32
        %dma_wait3A_205 = tpu.memref_slice %arg5[%scan3A_192, %dma_wait3A_204] : memref<32x128xi32, #tpu.memory_space<vmem>> -> memref<1x128xi32, #tpu.memory_space<vmem>>
        %dma_wait3A_206 = tpu.memref_squeeze %dma_wait3A_205 : memref<1x128xi32, #tpu.memory_space<vmem>> -> memref<128xi32, #tpu.memory_space<vmem>>
        %dma_wait3A_207 = arith.constant 0 : i32
        %dma_wait3A_208 = tpu.memref_slice %arg13[%dma_wait3A_207] : memref<262144xf32, #tpu.memory_space<vmem_shared>> -> memref<262144xf32, #tpu.memory_space<vmem_shared>>
        tpu.wait_indirect_dma semaphore(%run_scoped3A : memref<!tpu.dma_semaphore, #tpu.memory_space<semaphore_mem>>) src(%dma_wait3A_203 : memref<128xf32, #tpu.memory_space<vmem>>) dst(%dma_wait3A_208 : memref<262144xf32, #tpu.memory_space<vmem_shared>>)
        tpu.yield
      }) : () -> ()
    }
    %scan3A_106 = arith.constant 32 : i32
    %barrier3A_107 = arith.constant 0 : index
    tpu.barrier barrier_id(%barrier3A_107)
    %mul3A_108 = arith.constant 16384 : i32
    %mul3A_109 = arith.muli %arg1, %mul3A_108 : i32
    %mul3A_110 = arith.constant 6 : i32
    %mul3A_111 = arith.muli %arg0, %mul3A_110 : i32
    %add3A_112 = arith.constant 0 : i32
    %add3A_113 = arith.addi %mul3A_111, %add3A_112 : i32
    %mul3A_114 = arith.constant 16384 : i32
    %mul3A_115 = arith.muli %arg1, %mul3A_114 : i32
    %dma_start3A_116 = tpu.memref_slice %arg4[%add3A_113, %mul3A_115] : memref<12x262144xf32, #tpu.memory_space<hbm>> -> memref<1x16384xf32, #tpu.memory_space<hbm>>
    %dma_start3A_117 = tpu.memref_squeeze %dma_start3A_116 : memref<1x16384xf32, #tpu.memory_space<hbm>> -> memref<16384xf32, #tpu.memory_space<hbm>>
    %dma_start3A_118 = tpu.memref_slice %arg8[%mul3A_109] : memref<262144xf32, #tpu.memory_space<vmem_shared>> -> memref<16384xf32, #tpu.memory_space<vmem_shared>>
    tpu.enqueue_dma source(%dma_start3A_118 : memref<16384xf32, #tpu.memory_space<vmem_shared>>) target(%dma_start3A_117 : memref<16384xf32, #tpu.memory_space<hbm>>) target_semaphore(%arg14 : memref<!tpu.dma_semaphore, #tpu.memory_space<semaphore_mem>>)
    %mul3A_119 = arith.constant 16384 : i32
    %mul3A_120 = arith.muli %arg1, %mul3A_119 : i32
    %mul3A_121 = arith.constant 6 : i32
    %mul3A_122 = arith.muli %arg0, %mul3A_121 : i32
    %add3A_123 = arith.constant 1 : i32
    %add3A_124 = arith.addi %mul3A_122, %add3A_123 : i32
    %mul3A_125 = arith.constant 16384 : i32
    %mul3A_126 = arith.muli %arg1, %mul3A_125 : i32
    %dma_start3A_127 = tpu.memref_slice %arg4[%add3A_124, %mul3A_126] : memref<12x262144xf32, #tpu.memory_space<hbm>> -> memref<1x16384xf32, #tpu.memory_space<hbm>>
    %dma_start3A_128 = tpu.memref_squeeze %dma_start3A_127 : memref<1x16384xf32, #tpu.memory_space<hbm>> -> memref<16384xf32, #tpu.memory_space<hbm>>
    %dma_start3A_129 = tpu.memref_slice %arg9[%mul3A_120] : memref<262144xf32, #tpu.memory_space<vmem_shared>> -> memref<16384xf32, #tpu.memory_space<vmem_shared>>
    tpu.enqueue_dma source(%dma_start3A_129 : memref<16384xf32, #tpu.memory_space<vmem_shared>>) target(%dma_start3A_128 : memref<16384xf32, #tpu.memory_space<hbm>>) target_semaphore(%arg14 : memref<!tpu.dma_semaphore, #tpu.memory_space<semaphore_mem>>)
    %mul3A_130 = arith.constant 16384 : i32
    %mul3A_131 = arith.muli %arg1, %mul3A_130 : i32
    %mul3A_132 = arith.constant 6 : i32
    %mul3A_133 = arith.muli %arg0, %mul3A_132 : i32
    %add3A_134 = arith.constant 2 : i32
    %add3A_135 = arith.addi %mul3A_133, %add3A_134 : i32
    %mul3A_136 = arith.constant 16384 : i32
    %mul3A_137 = arith.muli %arg1, %mul3A_136 : i32
    %dma_start3A_138 = tpu.memref_slice %arg4[%add3A_135, %mul3A_137] : memref<12x262144xf32, #tpu.memory_space<hbm>> -> memref<1x16384xf32, #tpu.memory_space<hbm>>
    %dma_start3A_139 = tpu.memref_squeeze %dma_start3A_138 : memref<1x16384xf32, #tpu.memory_space<hbm>> -> memref<16384xf32, #tpu.memory_space<hbm>>
    %dma_start3A_140 = tpu.memref_slice %arg10[%mul3A_131] : memref<262144xf32, #tpu.memory_space<vmem_shared>> -> memref<16384xf32, #tpu.memory_space<vmem_shared>>
    tpu.enqueue_dma source(%dma_start3A_140 : memref<16384xf32, #tpu.memory_space<vmem_shared>>) target(%dma_start3A_139 : memref<16384xf32, #tpu.memory_space<hbm>>) target_semaphore(%arg14 : memref<!tpu.dma_semaphore, #tpu.memory_space<semaphore_mem>>)
    %mul3A_141 = arith.constant 16384 : i32
    %mul3A_142 = arith.muli %arg1, %mul3A_141 : i32
    %mul3A_143 = arith.constant 6 : i32
    %mul3A_144 = arith.muli %arg0, %mul3A_143 : i32
    %add3A_145 = arith.constant 3 : i32
    %add3A_146 = arith.addi %mul3A_144, %add3A_145 : i32
    %mul3A_147 = arith.constant 16384 : i32
    %mul3A_148 = arith.muli %arg1, %mul3A_147 : i32
    %dma_start3A_149 = tpu.memref_slice %arg4[%add3A_146, %mul3A_148] : memref<12x262144xf32, #tpu.memory_space<hbm>> -> memref<1x16384xf32, #tpu.memory_space<hbm>>
    %dma_start3A_150 = tpu.memref_squeeze %dma_start3A_149 : memref<1x16384xf32, #tpu.memory_space<hbm>> -> memref<16384xf32, #tpu.memory_space<hbm>>
    %dma_start3A_151 = tpu.memref_slice %arg11[%mul3A_142] : memref<262144xf32, #tpu.memory_space<vmem_shared>> -> memref<16384xf32, #tpu.memory_space<vmem_shared>>
    tpu.enqueue_dma source(%dma_start3A_151 : memref<16384xf32, #tpu.memory_space<vmem_shared>>) target(%dma_start3A_150 : memref<16384xf32, #tpu.memory_space<hbm>>) target_semaphore(%arg14 : memref<!tpu.dma_semaphore, #tpu.memory_space<semaphore_mem>>)
    %mul3A_152 = arith.constant 16384 : i32
    %mul3A_153 = arith.muli %arg1, %mul3A_152 : i32
    %mul3A_154 = arith.constant 6 : i32
    %mul3A_155 = arith.muli %arg0, %mul3A_154 : i32
    %add3A_156 = arith.constant 4 : i32
    %add3A_157 = arith.addi %mul3A_155, %add3A_156 : i32
    %mul3A_158 = arith.constant 16384 : i32
    %mul3A_159 = arith.muli %arg1, %mul3A_158 : i32
    %dma_start3A_160 = tpu.memref_slice %arg4[%add3A_157, %mul3A_159] : memref<12x262144xf32, #tpu.memory_space<hbm>> -> memref<1x16384xf32, #tpu.memory_space<hbm>>
    %dma_start3A_161 = tpu.memref_squeeze %dma_start3A_160 : memref<1x16384xf32, #tpu.memory_space<hbm>> -> memref<16384xf32, #tpu.memory_space<hbm>>
    %dma_start3A_162 = tpu.memref_slice %arg12[%mul3A_153] : memref<262144xf32, #tpu.memory_space<vmem_shared>> -> memref<16384xf32, #tpu.memory_space<vmem_shared>>
    tpu.enqueue_dma source(%dma_start3A_162 : memref<16384xf32, #tpu.memory_space<vmem_shared>>) target(%dma_start3A_161 : memref<16384xf32, #tpu.memory_space<hbm>>) target_semaphore(%arg14 : memref<!tpu.dma_semaphore, #tpu.memory_space<semaphore_mem>>)
    %mul3A_163 = arith.constant 16384 : i32
    %mul3A_164 = arith.muli %arg1, %mul3A_163 : i32
    %mul3A_165 = arith.constant 6 : i32
    %mul3A_166 = arith.muli %arg0, %mul3A_165 : i32
    %add3A_167 = arith.constant 5 : i32
    %add3A_168 = arith.addi %mul3A_166, %add3A_167 : i32
    %mul3A_169 = arith.constant 16384 : i32
    %mul3A_170 = arith.muli %arg1, %mul3A_169 : i32
    %dma_start3A_171 = tpu.memref_slice %arg4[%add3A_168, %mul3A_170] : memref<12x262144xf32, #tpu.memory_space<hbm>> -> memref<1x16384xf32, #tpu.memory_space<hbm>>
    %dma_start3A_172 = tpu.memref_squeeze %dma_start3A_171 : memref<1x16384xf32, #tpu.memory_space<hbm>> -> memref<16384xf32, #tpu.memory_space<hbm>>
    %dma_start3A_173 = tpu.memref_slice %arg13[%mul3A_164] : memref<262144xf32, #tpu.memory_space<vmem_shared>> -> memref<16384xf32, #tpu.memory_space<vmem_shared>>
    tpu.enqueue_dma source(%dma_start3A_173 : memref<16384xf32, #tpu.memory_space<vmem_shared>>) target(%dma_start3A_172 : memref<16384xf32, #tpu.memory_space<hbm>>) target_semaphore(%arg14 : memref<!tpu.dma_semaphore, #tpu.memory_space<semaphore_mem>>)
    %dma_wait3A_174 = tpu.memref_slice %arg4[%add3A_113, %mul3A_115] : memref<12x262144xf32, #tpu.memory_space<hbm>> -> memref<1x16384xf32, #tpu.memory_space<hbm>>
    %dma_wait3A_175 = tpu.memref_squeeze %dma_wait3A_174 : memref<1x16384xf32, #tpu.memory_space<hbm>> -> memref<16384xf32, #tpu.memory_space<hbm>>
    %dma_wait3A_176 = tpu.memref_slice %arg8[%mul3A_109] : memref<262144xf32, #tpu.memory_space<vmem_shared>> -> memref<16384xf32, #tpu.memory_space<vmem_shared>>
    tpu.wait_dma2 semaphore(%arg14 : memref<!tpu.dma_semaphore, #tpu.memory_space<semaphore_mem>>) src(%dma_wait3A_176 : memref<16384xf32, #tpu.memory_space<vmem_shared>>) dst(%dma_wait3A_175 : memref<16384xf32, #tpu.memory_space<hbm>>)
    %dma_wait3A_177 = tpu.memref_slice %arg4[%add3A_124, %mul3A_126] : memref<12x262144xf32, #tpu.memory_space<hbm>> -> memref<1x16384xf32, #tpu.memory_space<hbm>>
    %dma_wait3A_178 = tpu.memref_squeeze %dma_wait3A_177 : memref<1x16384xf32, #tpu.memory_space<hbm>> -> memref<16384xf32, #tpu.memory_space<hbm>>
    %dma_wait3A_179 = tpu.memref_slice %arg9[%mul3A_120] : memref<262144xf32, #tpu.memory_space<vmem_shared>> -> memref<16384xf32, #tpu.memory_space<vmem_shared>>
    tpu.wait_dma2 semaphore(%arg14 : memref<!tpu.dma_semaphore, #tpu.memory_space<semaphore_mem>>) src(%dma_wait3A_179 : memref<16384xf32, #tpu.memory_space<vmem_shared>>) dst(%dma_wait3A_178 : memref<16384xf32, #tpu.memory_space<hbm>>)
    %dma_wait3A_180 = tpu.memref_slice %arg4[%add3A_135, %mul3A_137] : memref<12x262144xf32, #tpu.memory_space<hbm>> -> memref<1x16384xf32, #tpu.memory_space<hbm>>
    %dma_wait3A_181 = tpu.memref_squeeze %dma_wait3A_180 : memref<1x16384xf32, #tpu.memory_space<hbm>> -> memref<16384xf32, #tpu.memory_space<hbm>>
    %dma_wait3A_182 = tpu.memref_slice %arg10[%mul3A_131] : memref<262144xf32, #tpu.memory_space<vmem_shared>> -> memref<16384xf32, #tpu.memory_space<vmem_shared>>
    tpu.wait_dma2 semaphore(%arg14 : memref<!tpu.dma_semaphore, #tpu.memory_space<semaphore_mem>>) src(%dma_wait3A_182 : memref<16384xf32, #tpu.memory_space<vmem_shared>>) dst(%dma_wait3A_181 : memref<16384xf32, #tpu.memory_space<hbm>>)
    %dma_wait3A_183 = tpu.memref_slice %arg4[%add3A_146, %mul3A_148] : memref<12x262144xf32, #tpu.memory_space<hbm>> -> memref<1x16384xf32, #tpu.memory_space<hbm>>
    %dma_wait3A_184 = tpu.memref_squeeze %dma_wait3A_183 : memref<1x16384xf32, #tpu.memory_space<hbm>> -> memref<16384xf32, #tpu.memory_space<hbm>>
    %dma_wait3A_185 = tpu.memref_slice %arg11[%mul3A_142] : memref<262144xf32, #tpu.memory_space<vmem_shared>> -> memref<16384xf32, #tpu.memory_space<vmem_shared>>
    tpu.wait_dma2 semaphore(%arg14 : memref<!tpu.dma_semaphore, #tpu.memory_space<semaphore_mem>>) src(%dma_wait3A_185 : memref<16384xf32, #tpu.memory_space<vmem_shared>>) dst(%dma_wait3A_184 : memref<16384xf32, #tpu.memory_space<hbm>>)
    %dma_wait3A_186 = tpu.memref_slice %arg4[%add3A_157, %mul3A_159] : memref<12x262144xf32, #tpu.memory_space<hbm>> -> memref<1x16384xf32, #tpu.memory_space<hbm>>
    %dma_wait3A_187 = tpu.memref_squeeze %dma_wait3A_186 : memref<1x16384xf32, #tpu.memory_space<hbm>> -> memref<16384xf32, #tpu.memory_space<hbm>>
    %dma_wait3A_188 = tpu.memref_slice %arg12[%mul3A_153] : memref<262144xf32, #tpu.memory_space<vmem_shared>> -> memref<16384xf32, #tpu.memory_space<vmem_shared>>
    tpu.wait_dma2 semaphore(%arg14 : memref<!tpu.dma_semaphore, #tpu.memory_space<semaphore_mem>>) src(%dma_wait3A_188 : memref<16384xf32, #tpu.memory_space<vmem_shared>>) dst(%dma_wait3A_187 : memref<16384xf32, #tpu.memory_space<hbm>>)
    %dma_wait3A_189 = tpu.memref_slice %arg4[%add3A_168, %mul3A_170] : memref<12x262144xf32, #tpu.memory_space<hbm>> -> memref<1x16384xf32, #tpu.memory_space<hbm>>
    %dma_wait3A_190 = tpu.memref_squeeze %dma_wait3A_189 : memref<1x16384xf32, #tpu.memory_space<hbm>> -> memref<16384xf32, #tpu.memory_space<hbm>>
    %dma_wait3A_191 = tpu.memref_slice %arg13[%mul3A_164] : memref<262144xf32, #tpu.memory_space<vmem_shared>> -> memref<16384xf32, #tpu.memory_space<vmem_shared>>
    tpu.wait_dma2 semaphore(%arg14 : memref<!tpu.dma_semaphore, #tpu.memory_space<semaphore_mem>>) src(%dma_wait3A_191 : memref<16384xf32, #tpu.memory_space<vmem_shared>>) dst(%dma_wait3A_190 : memref<16384xf32, #tpu.memory_space<hbm>>)
    return
  }
}

module attributes {stable_mosaic.version = 14 : i64} {
  func.func @_prep_body(%arg0: memref<3x512x128xf32, #tpu.memory_space<vmem>>, %arg1: memref<27x512x128xf32, #tpu.memory_space<vmem>>, %arg2: memref<512x128xf32, #tpu.memory_space<vmem>>, %arg3: memref<512x128xf32, #tpu.memory_space<vmem>>, %arg4: memref<512x128xf32, #tpu.memory_space<vmem>>, %arg5: memref<512x128xf32, #tpu.memory_space<vmem>>, %arg6: memref<512x128xf32, #tpu.memory_space<vmem>>, %arg7: memref<512x128xf32, #tpu.memory_space<vmem>>) attributes {dimension_semantics = [], scalar_prefetch = 0 : i64, scratch_operands = 0 : i64, tpu.core_type = #tpu.core_type<tc>} {
    %get3A = arith.constant 0 : index
    %get3A_0 = arith.constant 0 : index
    %get3A_1 = arith.constant 0 : index
    %get3A_2 = vector.load %arg0[%get3A, %get3A_0, %get3A_1] : memref<3x512x128xf32, #tpu.memory_space<vmem>>, vector<3x512x128xf32>
    %slice3A = vector.extract_strided_slice %get3A_2 {offsets = [0, 0, 0], sizes = [1, 512, 128], strides = [1, 1, 1]} : vector<3x512x128xf32> to vector<1x512x128xf32>
    %squeeze3A = vector.shape_cast %slice3A : vector<1x512x128xf32> to vector<512x128xf32>
    %slice3A_3 = vector.extract_strided_slice %get3A_2 {offsets = [1, 0, 0], sizes = [1, 512, 128], strides = [1, 1, 1]} : vector<3x512x128xf32> to vector<1x512x128xf32>
    %squeeze3A_4 = vector.shape_cast %slice3A_3 : vector<1x512x128xf32> to vector<512x128xf32>
    %slice3A_5 = vector.extract_strided_slice %get3A_2 {offsets = [2, 0, 0], sizes = [1, 512, 128], strides = [1, 1, 1]} : vector<3x512x128xf32> to vector<1x512x128xf32>
    %squeeze3A_6 = vector.shape_cast %slice3A_5 : vector<1x512x128xf32> to vector<512x128xf32>
    %get3A_7 = arith.constant 0 : index
    %get3A_8 = arith.constant 0 : index
    %get3A_9 = arith.constant 0 : index
    %get3A_10 = vector.load %arg1[%get3A_7, %get3A_8, %get3A_9] : memref<27x512x128xf32, #tpu.memory_space<vmem>>, vector<27x512x128xf32>
    %reduce_sum3A = arith.constant dense<0.000000e+00> : vector<512x128xf32>
    %reduce_sum3A_11 = vector.multi_reduction <add>, %get3A_10, %reduce_sum3A [0] : vector<27x512x128xf32> to vector<512x128xf32>
    %div3A = arith.constant 2.700000e+01 : f32
    %div3A_12 = vector.broadcast %div3A : f32 to vector<512x128xf32>
    %div3A_13 = arith.divf %reduce_sum3A_11, %div3A_12 : vector<512x128xf32>
    %sub3A = arith.constant 5.000000e-01 : f32
    %sub3A_14 = vector.broadcast %sub3A : f32 to vector<512x128xf32>
    %sub3A_15 = arith.subf %div3A_13, %sub3A_14 : vector<512x128xf32>
    %mul3A = arith.constant 1.000000e+01 : f32
    %mul3A_16 = vector.broadcast %mul3A : f32 to vector<512x128xf32>
    %mul3A_17 = arith.mulf %sub3A_15, %mul3A_16 : vector<512x128xf32>
    %neg3A = arith.constant 0.000000e+00 : f32
    %neg3A_18 = vector.broadcast %neg3A : f32 to vector<512x128xf32>
    %neg3A_19 = arith.subf %neg3A_18, %mul3A_17 : vector<512x128xf32>
    %exp3A = math.exp %neg3A_19 : vector<512x128xf32>
    %add3A = arith.constant 1.000000e+00 : f32
    %add3A_20 = vector.broadcast %add3A : f32 to vector<512x128xf32>
    %add3A_21 = arith.addf %add3A_20, %exp3A : vector<512x128xf32>
    %div3A_22 = arith.constant 1.000000e+00 : f32
    %div3A_23 = vector.broadcast %div3A_22 : f32 to vector<512x128xf32>
    %div3A_24 = arith.divf %div3A_23, %add3A_21 : vector<512x128xf32>
    %get3A_25 = arith.constant 0 : index
    %get3A_26 = arith.constant 0 : index
    %get3A_27 = vector.load %arg2[%get3A_25, %get3A_26] : memref<512x128xf32, #tpu.memory_space<vmem>>, vector<512x128xf32>
    %neg3A_28 = arith.constant 0.000000e+00 : f32
    %neg3A_29 = vector.broadcast %neg3A_28 : f32 to vector<512x128xf32>
    %neg3A_30 = arith.subf %neg3A_29, %get3A_27 : vector<512x128xf32>
    %div3A_31 = arith.constant 1.000000e+02 : f32
    %div3A_32 = vector.broadcast %div3A_31 : f32 to vector<512x128xf32>
    %div3A_33 = arith.divf %neg3A_30, %div3A_32 : vector<512x128xf32>
    %exp3A_34 = math.exp %div3A_33 : vector<512x128xf32>
    %mul3A_35 = arith.mulf %div3A_13, %div3A_24 : vector<512x128xf32>
    %mul3A_36 = arith.mulf %mul3A_35, %exp3A_34 : vector<512x128xf32>
    %get3A_37 = arith.constant 0 : index
    %get3A_38 = arith.constant 0 : index
    %get3A_39 = vector.load %arg3[%get3A_37, %get3A_38] : memref<512x128xf32, #tpu.memory_space<vmem>>, vector<512x128xf32>
    %mul3A_40 = arith.mulf %mul3A_36, %get3A_39 : vector<512x128xf32>
    %swap3A = arith.constant 0 : index
    %swap3A_41 = arith.constant 0 : index
    %swap3A_42 = vector.load %arg4[%swap3A, %swap3A_41] : memref<512x128xf32, #tpu.memory_space<vmem>>, vector<512x128xf32>
    tpu.vector_store %arg4[%swap3A, %swap3A_41], %mul3A_40 {strides = array<i32>} : memref<512x128xf32, #tpu.memory_space<vmem>>, vector<512x128xf32>,
    %sub3A_43 = arith.constant -1.500000e+00 : f32
    %sub3A_44 = vector.broadcast %sub3A_43 : f32 to vector<512x128xf32>
    %sub3A_45 = arith.subf %squeeze3A, %sub3A_44 : vector<512x128xf32>
    %div3A_46 = arith.constant 3.000000e+00 : f32
    %div3A_47 = vector.broadcast %div3A_46 : f32 to vector<512x128xf32>
    %div3A_48 = arith.divf %sub3A_45, %div3A_47 : vector<512x128xf32>
    %jit3A = arith.constant 0.000000e+00 : f32
    %jit3A_49 = arith.constant 0.999998986 : f32
    %max3A = vector.broadcast %jit3A : f32 to vector<512x128xf32>
    %max3A_50 = arith.maximumf %max3A, %div3A_48 : vector<512x128xf32>
    %min3A = vector.broadcast %jit3A_49 : f32 to vector<512x128xf32>
    %min3A_51 = arith.minimumf %min3A, %max3A_50 : vector<512x128xf32>
    %swap3A_52 = arith.constant 0 : index
    %swap3A_53 = arith.constant 0 : index
    %swap3A_54 = vector.load %arg5[%swap3A_52, %swap3A_53] : memref<512x128xf32, #tpu.memory_space<vmem>>, vector<512x128xf32>
    tpu.vector_store %arg5[%swap3A_52, %swap3A_53], %min3A_51 {strides = array<i32>} : memref<512x128xf32, #tpu.memory_space<vmem>>, vector<512x128xf32>,
    %sub3A_55 = arith.constant -1.500000e+00 : f32
    %sub3A_56 = vector.broadcast %sub3A_55 : f32 to vector<512x128xf32>
    %sub3A_57 = arith.subf %squeeze3A_4, %sub3A_56 : vector<512x128xf32>
    %div3A_58 = arith.constant 3.000000e+00 : f32
    %div3A_59 = vector.broadcast %div3A_58 : f32 to vector<512x128xf32>
    %div3A_60 = arith.divf %sub3A_57, %div3A_59 : vector<512x128xf32>
    %jit3A_61 = arith.constant 0.000000e+00 : f32
    %jit3A_62 = arith.constant 0.999998986 : f32
    %max3A_63 = vector.broadcast %jit3A_61 : f32 to vector<512x128xf32>
    %max3A_64 = arith.maximumf %max3A_63, %div3A_60 : vector<512x128xf32>
    %min3A_65 = vector.broadcast %jit3A_62 : f32 to vector<512x128xf32>
    %min3A_66 = arith.minimumf %min3A_65, %max3A_64 : vector<512x128xf32>
    %swap3A_67 = arith.constant 0 : index
    %swap3A_68 = arith.constant 0 : index
    %swap3A_69 = vector.load %arg6[%swap3A_67, %swap3A_68] : memref<512x128xf32, #tpu.memory_space<vmem>>, vector<512x128xf32>
    tpu.vector_store %arg6[%swap3A_67, %swap3A_68], %min3A_66 {strides = array<i32>} : memref<512x128xf32, #tpu.memory_space<vmem>>, vector<512x128xf32>,
    %sub3A_70 = arith.constant 0.000000e+00 : f32
    %sub3A_71 = vector.broadcast %sub3A_70 : f32 to vector<512x128xf32>
    %sub3A_72 = arith.subf %squeeze3A_6, %sub3A_71 : vector<512x128xf32>
    %div3A_73 = arith.constant 8.000000e+00 : f32
    %div3A_74 = vector.broadcast %div3A_73 : f32 to vector<512x128xf32>
    %div3A_75 = arith.divf %sub3A_72, %div3A_74 : vector<512x128xf32>
    %jit3A_76 = arith.constant 0.000000e+00 : f32
    %jit3A_77 = arith.constant 0.999998986 : f32
    %max3A_78 = vector.broadcast %jit3A_76 : f32 to vector<512x128xf32>
    %max3A_79 = arith.maximumf %max3A_78, %div3A_75 : vector<512x128xf32>
    %min3A_80 = vector.broadcast %jit3A_77 : f32 to vector<512x128xf32>
    %min3A_81 = arith.minimumf %min3A_80, %max3A_79 : vector<512x128xf32>
    %swap3A_82 = arith.constant 0 : index
    %swap3A_83 = arith.constant 0 : index
    %swap3A_84 = vector.load %arg7[%swap3A_82, %swap3A_83] : memref<512x128xf32, #tpu.memory_space<vmem>>, vector<512x128xf32>
    tpu.vector_store %arg7[%swap3A_82, %swap3A_83], %min3A_81 {strides = array<i32>} : memref<512x128xf32, #tpu.memory_space<vmem>>, vector<512x128xf32>,
    return
  }
}

module attributes {stable_mosaic.version = 14 : i64} {
  func.func @_comp_body(%arg0: i32, %arg1: memref<3xf32, #tpu.memory_space<smem>>, %arg2: memref<12x256x128xf32, #tpu.memory_space<vmem>>, %arg3: memref<3x256x128xf32, #tpu.memory_space<vmem>>, %arg4: memref<8x256x128xf32, #tpu.memory_space<vmem>>) attributes {dimension_semantics = [#tpu.dimension_semantics<arbitrary>], iteration_bounds = array<i64: 8>, scalar_prefetch = 0 : i64, scratch_operands = 0 : i64, tpu.core_type = #tpu.core_type<tc>, window_params = [{transform_indices = @transform_0, window_bounds = array<i64: 3>}, {transform_indices = @transform_1, window_bounds = array<i64: 12, 256, 128>}, {transform_indices = @transform_2, window_bounds = array<i64: 3, 256, 128>}, {transform_indices = @transform_3, window_bounds = array<i64: 8, 256, 128>}]} {
    %get3A = arith.constant 0 : index
    %get3A_0 = arith.constant 0 : index
    %get3A_1 = arith.constant 0 : index
    %get3A_2 = vector.load %arg2[%get3A, %get3A_0, %get3A_1] : memref<12x256x128xf32, #tpu.memory_space<vmem>>, vector<12x256x128xf32>
    %slice3A = vector.extract_strided_slice %get3A_2 {offsets = [0, 0, 0], sizes = [1, 256, 128], strides = [1, 1, 1]} : vector<12x256x128xf32> to vector<1x256x128xf32>
    %squeeze3A = vector.shape_cast %slice3A : vector<1x256x128xf32> to vector<256x128xf32>
    %jit3A = arith.constant 0.000000e+00 : f32
    %jit3A_3 = arith.constant 1.000000e+00 : f32
    %max3A = vector.broadcast %jit3A : f32 to vector<256x128xf32>
    %max3A_4 = arith.maximumf %max3A, %squeeze3A : vector<256x128xf32>
    %min3A = vector.broadcast %jit3A_3 : f32 to vector<256x128xf32>
    %min3A_5 = arith.minimumf %min3A, %max3A_4 : vector<256x128xf32>
    %add3A = arith.constant 9.99999993E-9 : f32
    %add3A_6 = vector.broadcast %add3A : f32 to vector<256x128xf32>
    %add3A_7 = arith.addf %squeeze3A, %add3A_6 : vector<256x128xf32>
    %sub3A = arith.constant 1.000000e+00 : f32
    %sub3A_8 = vector.broadcast %sub3A : f32 to vector<256x128xf32>
    %sub3A_9 = arith.subf %sub3A_8, %min3A_5 : vector<256x128xf32>
    %slice3A_10 = vector.extract_strided_slice %get3A_2 {offsets = [1, 0, 0], sizes = [1, 256, 128], strides = [1, 1, 1]} : vector<12x256x128xf32> to vector<1x256x128xf32>
    %squeeze3A_11 = vector.shape_cast %slice3A_10 : vector<1x256x128xf32> to vector<256x128xf32>
    %div3A = arith.divf %squeeze3A_11, %add3A_7 : vector<256x128xf32>
    %mul3A = arith.mulf %div3A, %min3A_5 : vector<256x128xf32>
    %get3A_12 = arith.constant 0 : index
    %get3A_13 = memref.load %arg1[%get3A_12] : memref<3xf32, #tpu.memory_space<smem>>
    %mul3A_14 = vector.broadcast %get3A_13 : f32 to vector<256x128xf32>
    %mul3A_15 = arith.mulf %sub3A_9, %mul3A_14 : vector<256x128xf32>
    %add3A_16 = arith.addf %mul3A, %mul3A_15 : vector<256x128xf32>
    %swap3A = arith.constant 0 : index
    %swap3A_17 = arith.constant 0 : index
    %swap3A_18 = arith.constant 0 : index
    %swap3A_19 = vector.load %arg3[%swap3A, %swap3A_17, %swap3A_18] : memref<3x256x128xf32, #tpu.memory_space<vmem>>, vector<1x256x128xf32>
    %swap3A_20 = vector.shape_cast %swap3A_19 : vector<1x256x128xf32> to vector<256x128xf32>
    %swap3A_21 = vector.shape_cast %add3A_16 : vector<256x128xf32> to vector<1x256x128xf32>
    tpu.vector_store %arg3[%swap3A, %swap3A_17, %swap3A_18], %swap3A_21 {strides = array<i32>} : memref<3x256x128xf32, #tpu.memory_space<vmem>>, vector<1x256x128xf32>,
    %slice3A_22 = vector.extract_strided_slice %get3A_2 {offsets = [2, 0, 0], sizes = [1, 256, 128], strides = [1, 1, 1]} : vector<12x256x128xf32> to vector<1x256x128xf32>
    %squeeze3A_23 = vector.shape_cast %slice3A_22 : vector<1x256x128xf32> to vector<256x128xf32>
    %div3A_24 = arith.divf %squeeze3A_23, %add3A_7 : vector<256x128xf32>
    %mul3A_25 = arith.mulf %div3A_24, %min3A_5 : vector<256x128xf32>
    %get3A_26 = arith.constant 1 : index
    %get3A_27 = memref.load %arg1[%get3A_26] : memref<3xf32, #tpu.memory_space<smem>>
    %mul3A_28 = vector.broadcast %get3A_27 : f32 to vector<256x128xf32>
    %mul3A_29 = arith.mulf %sub3A_9, %mul3A_28 : vector<256x128xf32>
    %add3A_30 = arith.addf %mul3A_25, %mul3A_29 : vector<256x128xf32>
    %swap3A_31 = arith.constant 1 : index
    %swap3A_32 = arith.constant 0 : index
    %swap3A_33 = arith.constant 0 : index
    %swap3A_34 = vector.load %arg3[%swap3A_31, %swap3A_32, %swap3A_33] : memref<3x256x128xf32, #tpu.memory_space<vmem>>, vector<1x256x128xf32>
    %swap3A_35 = vector.shape_cast %swap3A_34 : vector<1x256x128xf32> to vector<256x128xf32>
    %swap3A_36 = vector.shape_cast %add3A_30 : vector<256x128xf32> to vector<1x256x128xf32>
    tpu.vector_store %arg3[%swap3A_31, %swap3A_32, %swap3A_33], %swap3A_36 {strides = array<i32>} : memref<3x256x128xf32, #tpu.memory_space<vmem>>, vector<1x256x128xf32>,
    %slice3A_37 = vector.extract_strided_slice %get3A_2 {offsets = [3, 0, 0], sizes = [1, 256, 128], strides = [1, 1, 1]} : vector<12x256x128xf32> to vector<1x256x128xf32>
    %squeeze3A_38 = vector.shape_cast %slice3A_37 : vector<1x256x128xf32> to vector<256x128xf32>
    %div3A_39 = arith.divf %squeeze3A_38, %add3A_7 : vector<256x128xf32>
    %mul3A_40 = arith.mulf %div3A_39, %min3A_5 : vector<256x128xf32>
    %get3A_41 = arith.constant 2 : index
    %get3A_42 = memref.load %arg1[%get3A_41] : memref<3xf32, #tpu.memory_space<smem>>
    %mul3A_43 = vector.broadcast %get3A_42 : f32 to vector<256x128xf32>
    %mul3A_44 = arith.mulf %sub3A_9, %mul3A_43 : vector<256x128xf32>
    %add3A_45 = arith.addf %mul3A_40, %mul3A_44 : vector<256x128xf32>
    %swap3A_46 = arith.constant 2 : index
    %swap3A_47 = arith.constant 0 : index
    %swap3A_48 = arith.constant 0 : index
    %swap3A_49 = vector.load %arg3[%swap3A_46, %swap3A_47, %swap3A_48] : memref<3x256x128xf32, #tpu.memory_space<vmem>>, vector<1x256x128xf32>
    %swap3A_50 = vector.shape_cast %swap3A_49 : vector<1x256x128xf32> to vector<256x128xf32>
    %swap3A_51 = vector.shape_cast %add3A_45 : vector<256x128xf32> to vector<1x256x128xf32>
    tpu.vector_store %arg3[%swap3A_46, %swap3A_47, %swap3A_48], %swap3A_51 {strides = array<i32>} : memref<3x256x128xf32, #tpu.memory_space<vmem>>, vector<1x256x128xf32>,
    %slice3A_52 = vector.extract_strided_slice %get3A_2 {offsets = [4, 0, 0], sizes = [1, 256, 128], strides = [1, 1, 1]} : vector<12x256x128xf32> to vector<1x256x128xf32>
    %squeeze3A_53 = vector.shape_cast %slice3A_52 : vector<1x256x128xf32> to vector<256x128xf32>
    %div3A_54 = arith.divf %squeeze3A_53, %add3A_7 : vector<256x128xf32>
    %mul3A_55 = arith.mulf %div3A_54, %min3A_5 : vector<256x128xf32>
    %swap3A_56 = arith.constant 0 : index
    %swap3A_57 = arith.constant 0 : index
    %swap3A_58 = arith.constant 0 : index
    %swap3A_59 = vector.load %arg4[%swap3A_56, %swap3A_57, %swap3A_58] : memref<8x256x128xf32, #tpu.memory_space<vmem>>, vector<1x256x128xf32>
    %swap3A_60 = vector.shape_cast %swap3A_59 : vector<1x256x128xf32> to vector<256x128xf32>
    %swap3A_61 = vector.shape_cast %mul3A_55 : vector<256x128xf32> to vector<1x256x128xf32>
    tpu.vector_store %arg4[%swap3A_56, %swap3A_57, %swap3A_58], %swap3A_61 {strides = array<i32>} : memref<8x256x128xf32, #tpu.memory_space<vmem>>, vector<1x256x128xf32>,
    %slice3A_62 = vector.extract_strided_slice %get3A_2 {offsets = [5, 0, 0], sizes = [1, 256, 128], strides = [1, 1, 1]} : vector<12x256x128xf32> to vector<1x256x128xf32>
    %squeeze3A_63 = vector.shape_cast %slice3A_62 : vector<1x256x128xf32> to vector<256x128xf32>
    %div3A_64 = arith.divf %squeeze3A_63, %add3A_7 : vector<256x128xf32>
    %mul3A_65 = arith.mulf %div3A_64, %min3A_5 : vector<256x128xf32>
    %swap3A_66 = arith.constant 1 : index
    %swap3A_67 = arith.constant 0 : index
    %swap3A_68 = arith.constant 0 : index
    %swap3A_69 = vector.load %arg4[%swap3A_66, %swap3A_67, %swap3A_68] : memref<8x256x128xf32, #tpu.memory_space<vmem>>, vector<1x256x128xf32>
    %swap3A_70 = vector.shape_cast %swap3A_69 : vector<1x256x128xf32> to vector<256x128xf32>
    %swap3A_71 = vector.shape_cast %mul3A_65 : vector<256x128xf32> to vector<1x256x128xf32>
    tpu.vector_store %arg4[%swap3A_66, %swap3A_67, %swap3A_68], %swap3A_71 {strides = array<i32>} : memref<8x256x128xf32, #tpu.memory_space<vmem>>, vector<1x256x128xf32>,
    %slice3A_72 = vector.extract_strided_slice %get3A_2 {offsets = [6, 0, 0], sizes = [1, 256, 128], strides = [1, 1, 1]} : vector<12x256x128xf32> to vector<1x256x128xf32>
    %squeeze3A_73 = vector.shape_cast %slice3A_72 : vector<1x256x128xf32> to vector<256x128xf32>
    %div3A_74 = arith.divf %squeeze3A_73, %add3A_7 : vector<256x128xf32>
    %mul3A_75 = arith.mulf %div3A_74, %min3A_5 : vector<256x128xf32>
    %swap3A_76 = arith.constant 2 : index
    %swap3A_77 = arith.constant 0 : index
    %swap3A_78 = arith.constant 0 : index
    %swap3A_79 = vector.load %arg4[%swap3A_76, %swap3A_77, %swap3A_78] : memref<8x256x128xf32, #tpu.memory_space<vmem>>, vector<1x256x128xf32>
    %swap3A_80 = vector.shape_cast %swap3A_79 : vector<1x256x128xf32> to vector<256x128xf32>
    %swap3A_81 = vector.shape_cast %mul3A_75 : vector<256x128xf32> to vector<1x256x128xf32>
    tpu.vector_store %arg4[%swap3A_76, %swap3A_77, %swap3A_78], %swap3A_81 {strides = array<i32>} : memref<8x256x128xf32, #tpu.memory_space<vmem>>, vector<1x256x128xf32>,
    %slice3A_82 = vector.extract_strided_slice %get3A_2 {offsets = [7, 0, 0], sizes = [1, 256, 128], strides = [1, 1, 1]} : vector<12x256x128xf32> to vector<1x256x128xf32>
    %squeeze3A_83 = vector.shape_cast %slice3A_82 : vector<1x256x128xf32> to vector<256x128xf32>
    %div3A_84 = arith.divf %squeeze3A_83, %add3A_7 : vector<256x128xf32>
    %mul3A_85 = arith.mulf %div3A_84, %min3A_5 : vector<256x128xf32>
    %swap3A_86 = arith.constant 3 : index
    %swap3A_87 = arith.constant 0 : index
    %swap3A_88 = arith.constant 0 : index
    %swap3A_89 = vector.load %arg4[%swap3A_86, %swap3A_87, %swap3A_88] : memref<8x256x128xf32, #tpu.memory_space<vmem>>, vector<1x256x128xf32>
    %swap3A_90 = vector.shape_cast %swap3A_89 : vector<1x256x128xf32> to vector<256x128xf32>
    %swap3A_91 = vector.shape_cast %mul3A_85 : vector<256x128xf32> to vector<1x256x128xf32>
    tpu.vector_store %arg4[%swap3A_86, %swap3A_87, %swap3A_88], %swap3A_91 {strides = array<i32>} : memref<8x256x128xf32, #tpu.memory_space<vmem>>, vector<1x256x128xf32>,
    %slice3A_92 = vector.extract_strided_slice %get3A_2 {offsets = [8, 0, 0], sizes = [1, 256, 128], strides = [1, 1, 1]} : vector<12x256x128xf32> to vector<1x256x128xf32>
    %squeeze3A_93 = vector.shape_cast %slice3A_92 : vector<1x256x128xf32> to vector<256x128xf32>
    %div3A_94 = arith.divf %squeeze3A_93, %add3A_7 : vector<256x128xf32>
    %mul3A_95 = arith.mulf %div3A_94, %min3A_5 : vector<256x128xf32>
    %swap3A_96 = arith.constant 4 : index
    %swap3A_97 = arith.constant 0 : index
    %swap3A_98 = arith.constant 0 : index
    %swap3A_99 = vector.load %arg4[%swap3A_96, %swap3A_97, %swap3A_98] : memref<8x256x128xf32, #tpu.memory_space<vmem>>, vector<1x256x128xf32>
    %swap3A_100 = vector.shape_cast %swap3A_99 : vector<1x256x128xf32> to vector<256x128xf32>
    %swap3A_101 = vector.shape_cast %mul3A_95 : vector<256x128xf32> to vector<1x256x128xf32>
    tpu.vector_store %arg4[%swap3A_96, %swap3A_97, %swap3A_98], %swap3A_101 {strides = array<i32>} : memref<8x256x128xf32, #tpu.memory_space<vmem>>, vector<1x256x128xf32>,
    %slice3A_102 = vector.extract_strided_slice %get3A_2 {offsets = [9, 0, 0], sizes = [1, 256, 128], strides = [1, 1, 1]} : vector<12x256x128xf32> to vector<1x256x128xf32>
    %squeeze3A_103 = vector.shape_cast %slice3A_102 : vector<1x256x128xf32> to vector<256x128xf32>
    %div3A_104 = arith.divf %squeeze3A_103, %add3A_7 : vector<256x128xf32>
    %mul3A_105 = arith.mulf %div3A_104, %min3A_5 : vector<256x128xf32>
    %swap3A_106 = arith.constant 5 : index
    %swap3A_107 = arith.constant 0 : index
    %swap3A_108 = arith.constant 0 : index
    %swap3A_109 = vector.load %arg4[%swap3A_106, %swap3A_107, %swap3A_108] : memref<8x256x128xf32, #tpu.memory_space<vmem>>, vector<1x256x128xf32>
    %swap3A_110 = vector.shape_cast %swap3A_109 : vector<1x256x128xf32> to vector<256x128xf32>
    %swap3A_111 = vector.shape_cast %mul3A_105 : vector<256x128xf32> to vector<1x256x128xf32>
    tpu.vector_store %arg4[%swap3A_106, %swap3A_107, %swap3A_108], %swap3A_111 {strides = array<i32>} : memref<8x256x128xf32, #tpu.memory_space<vmem>>, vector<1x256x128xf32>,
    %slice3A_112 = vector.extract_strided_slice %get3A_2 {offsets = [10, 0, 0], sizes = [1, 256, 128], strides = [1, 1, 1]} : vector<12x256x128xf32> to vector<1x256x128xf32>
    %squeeze3A_113 = vector.shape_cast %slice3A_112 : vector<1x256x128xf32> to vector<256x128xf32>
    %div3A_114 = arith.divf %squeeze3A_113, %add3A_7 : vector<256x128xf32>
    %mul3A_115 = arith.mulf %div3A_114, %min3A_5 : vector<256x128xf32>
    %swap3A_116 = arith.constant 6 : index
    %swap3A_117 = arith.constant 0 : index
    %swap3A_118 = arith.constant 0 : index
    %swap3A_119 = vector.load %arg4[%swap3A_116, %swap3A_117, %swap3A_118] : memref<8x256x128xf32, #tpu.memory_space<vmem>>, vector<1x256x128xf32>
    %swap3A_120 = vector.shape_cast %swap3A_119 : vector<1x256x128xf32> to vector<256x128xf32>
    %swap3A_121 = vector.shape_cast %mul3A_115 : vector<256x128xf32> to vector<1x256x128xf32>
    tpu.vector_store %arg4[%swap3A_116, %swap3A_117, %swap3A_118], %swap3A_121 {strides = array<i32>} : memref<8x256x128xf32, #tpu.memory_space<vmem>>, vector<1x256x128xf32>,
    %slice3A_122 = vector.extract_strided_slice %get3A_2 {offsets = [11, 0, 0], sizes = [1, 256, 128], strides = [1, 1, 1]} : vector<12x256x128xf32> to vector<1x256x128xf32>
    %squeeze3A_123 = vector.shape_cast %slice3A_122 : vector<1x256x128xf32> to vector<256x128xf32>
    %div3A_124 = arith.divf %squeeze3A_123, %add3A_7 : vector<256x128xf32>
    %mul3A_125 = arith.mulf %div3A_124, %min3A_5 : vector<256x128xf32>
    %swap3A_126 = arith.constant 7 : index
    %swap3A_127 = arith.constant 0 : index
    %swap3A_128 = arith.constant 0 : index
    %swap3A_129 = vector.load %arg4[%swap3A_126, %swap3A_127, %swap3A_128] : memref<8x256x128xf32, #tpu.memory_space<vmem>>, vector<1x256x128xf32>
    %swap3A_130 = vector.shape_cast %swap3A_129 : vector<1x256x128xf32> to vector<256x128xf32>
    %swap3A_131 = vector.shape_cast %mul3A_125 : vector<256x128xf32> to vector<1x256x128xf32>
    tpu.vector_store %arg4[%swap3A_126, %swap3A_127, %swap3A_128], %swap3A_131 {strides = array<i32>} : memref<8x256x128xf32, #tpu.memory_space<vmem>>, vector<1x256x128xf32>,
    return
  }
  func.func @transform_0(%arg0: i32) -> i32 {
    %c0_i32 = arith.constant 0 : i32
    %c0_i32_0 = arith.constant 0 : i32
    return %c0_i32 : i32
  }
  func.func @transform_1(%arg0: i32) -> (i32, i32, i32) {
    %c0_i32 = arith.constant 0 : i32
    %c0_i32_0 = arith.constant 0 : i32
    %c0_i32_1 = arith.constant 0 : i32
    return %c0_i32, %arg0, %c0_i32_0 : i32, i32, i32
  }
  func.func @transform_2(%arg0: i32) -> (i32, i32, i32) {
    %c0_i32 = arith.constant 0 : i32
    %c0_i32_0 = arith.constant 0 : i32
    %c0_i32_1 = arith.constant 0 : i32
    return %c0_i32, %arg0, %c0_i32_0 : i32, i32, i32
  }
  func.func @transform_3(%arg0: i32) -> (i32, i32, i32) {
    %c0_i32 = arith.constant 0 : i32
    %c0_i32_0 = arith.constant 0 : i32
    %c0_i32_1 = arith.constant 0 : i32
    return %c0_i32, %arg0, %c0_i32_0 : i32, i32, i32
  }
}

</mosaic_0001>

<sc_bundles>
// kernel: kernel.6.cloned.1.call-start
scs
__scs_entry_jumppad:
0x0: {  	(pc) =	sbr.rel $0x88, $3  }
0x1: {  	(tag) =	ssettag $0x0;
	lr =	simm.s32 $0x1  }
0x2: {  	[smem:$0x3F99] =	sst lr;
	_ =	strace $0xD0000000  }
0x3: {  	_ = 	snop  }
0x4: {  	_ = 	snop  }
0x5: {  	_ = 	snop  }
0x6: {  	_ = 	snop  }
0x7: {  	_ = 	snop  }
__scs_overlays_trampoline_lowered:
0x8: {  	[smem:$0x3FA8] =	sst s0  }
0x9: {  	[smem:$0x3FA9] =	sst s1  }
0xa: {  	[smem:$0x3FAA] =	sst s2  }
0xb: {  	[smem:$0x3FAB] =	sst s3  }
0xc: {  	[smem:$0x3FAC] =	sst s4  }
0xd: {  	[smem:$0x3FAD] =	sst s5  }
0xe: {  	[smem:$0x3FAE] =	sst s6  }
0xf: {  	[smem:$0x3FAF] =	sst s7  }
0x10: {  	[smem:$0x3FB0] =	sst s8  }
0x11: {  	[smem:$0x3FB1] =	sst s9;
	s0 =	simm.s32 @!p0 $0x0  }
0x12: {  	s1 =	sld [smem:$0x3F97];
	s0 =	simm.s32 @p0 $0x1  }
0x13: {  	[smem:$0x3FB2] =	sst s0;
	s0 =	simm.s32 @!p1 $0x0  }
0x14: {  	s2 =	sld [smem:$0x3F96];
	s0 =	simm.s32 @p1 $0x1  }
0x15: {  	[smem:$0x3FB3] =	sst s0;
	s0 =	simm.s32 @!p2 $0x0  }
0x16: {  	s3 =	sld [smem:$0x3FDB];
	s0 =	simm.s32 @p2 $0x1  }
0x17: {  	s4 =	simm.s32 $0x1BF5;
	[smem:$0x3FB5] =	sst s0  }
0x18: {  	s0 =	sld [smem:$0x3F98];
	_ =	swait.ge [sflag:s4], $0x0  }
0x19: {  	s7 =	sld [smem:$0x3F99]  }
0x1a: {  	s8 =	sadd.s32 $0xFFFFE003, lr  }
0x1b: {  	s9 =	sadd.s32 $0xFFFFFEF7, lr;
	s5 =	simm.s32 $0xFFFFFFFF;
	p2 =	slt.u32 s8, $0xFFFFF086  }
0x1c: {  	p1 =	slt.u32 s9, $0xF7A;
	s5 =	simm.s32 @!p2 $0x0  }
0x1d: {  	s5 =	simm.s32 @p1 $0x1;
	p0 =	seq.s32 s7, s2  }
0x1e: {  	s7 =	smul.u32 @!p0 $0xF7A, s2;
	p2 =	seq.s32 @!p0 s5, $0x0  }
0x1f: {  	s9 =	smul.u32 $0xF7A, s1;
	s8 =	simm.s32 @!p0 $0x1BF5;
	p2 =	por !p2, p0  }
0x20: {  	[sflag:s8] =	ssyncset.s32 @!p0 $0xFFFFF086;
	s6 =	sadd.s32 @!p0 s3, s7;
	s7 =	simm.s32 @!p0 $0x108  }
0x21: {  	s3 =	sadd.s32 s3, s9;
	s6 =	sadd.s32 @!p0 $0x88, s6;
	s7 =	simm.s32 @p2 $0x1082  }
0x22: {  	[simem:s7], [sflag:s8] =	dma.local @!p0 [hbm:s6], $0xF7A  }
0x23: {  	s9 =	sor.u32 $0xD0000000, s2;
	s6 =	simm.s32 $0x108;
	_ =	swait.ge @!p0 [sflag:s8], $0x0  }
0x24: {  	s3 =	sadd.s32 $0x88, s3;
	s6 =	simm.s32 @!p1 $0x1082;
	[sflag:s4] =	ssyncset.s32 $0xFFFFF086  }
0x25: {  	[simem:s6], [sflag:s4] =	dma.local [hbm:s3], $0xF7A  }
0x26: {  	[smem:$0x3F99] =	sst s1;
	(tag) =	ssettag s2;
	_ =	strace s9  }
0x27: {  	s1 =	sld [smem:$0x3FA9]  }
0x28: {  	s2 =	sld [smem:$0x3FAA]  }
0x29: {  	s4 =	sld [smem:$0x3FAC]  }
0x2a: {  	p0 =	seq.s32 s5, $0x0;
	s5 =	sld [smem:$0x3FAD]  }
0x2b: {  	s6 =	sld [smem:$0x3FAE]  }
0x2c: {  	s7 =	sld [smem:$0x3FAF]  }
0x2d: {  	s3 =	simm.s32 $0x108;
	s8 =	sld [smem:$0x3FB0]  }
0x2e: {  	s3 =	simm.s32 @!p0 $0x1082;
	s9 =	sld [smem:$0x3FB1]  }
0x2f: {  	lr =	sadd.s32 s0, s3;
	s0 =	sld [smem:$0x3FA8]  }
0x30: {  	s3 =	sld [smem:$0x3FAB]  }
0x31: {  	[smem:$0x3FB4] =	sst s10  }
0x32: {  	s10 =	sld [smem:$0x3FB2];
	_ =	sdelay $0x3  }
0x33: {  	p0 =	seq.s32 s10, $0x1;
	s10 =	sld [smem:$0x3FB4];
	_ =	sdelay $0x3  }
0x34: {  	[smem:$0x3FB4] =	sst s10  }
0x35: {  	s10 =	sld [smem:$0x3FB3];
	_ =	sdelay $0x3  }
0x36: {  	p1 =	seq.s32 s10, $0x1;
	s10 =	sld [smem:$0x3FB4];
	_ =	sdelay $0x3  }
0x37: {  	[smem:$0x3FB4] =	sst s10  }
0x38: {  	s10 =	sld [smem:$0x3FB5]  }
0x39: {  	_ = 	snop;
	(pc) =	sbr.ind lr, $3  }
0x3a: {  	_ = 	snop  }
0x3b: {  	_ = 	snop  }
0x3c: {  	p2 =	seq.s32 s10, $0x1;
	s10 =	sld [smem:$0x3FB4]  }
0x3d: {  	_ =	shalt  }
0x3e: {  	_ =	shalt  }
0x3f: {  	_ =	shalt  }
0x40: {  	_ =	shalt  }
0x41: {  	_ =	shalt  }
0x42: {  	_ =	shalt  }
0x43: {  	_ =	shalt  }
0x44: {  	_ =	shalt  }
0x45: {  	_ =	shalt  }
0x46: {  	_ =	shalt  }
0x47: {  	_ =	shalt  }
0x48: {  	_ =	shalt  }
0x49: {  	_ =	shalt  }
0x4a: {  	_ =	shalt  }
0x4b: {  	_ =	shalt  }
0x4c: {  	_ =	shalt  }
0x4d: {  	_ =	shalt  }
0x4e: {  	_ =	shalt  }
0x4f: {  	_ =	shalt  }
0x50: {  	_ =	shalt  }
0x51: {  	_ =	shalt  }
0x52: {  	_ =	shalt  }
0x53: {  	_ =	shalt  }
0x54: {  	_ =	shalt  }
0x55: {  	_ =	shalt  }
0x56: {  	_ =	shalt  }
0x57: {  	_ =	shalt  }
0x58: {  	_ =	shalt  }
0x59: {  	_ =	shalt  }
0x5a: {  	_ =	shalt  }
0x5b: {  	_ =	shalt  }
0x5c: {  	_ =	shalt  }
0x5d: {  	_ =	shalt  }
0x5e: {  	_ =	shalt  }
0x5f: {  	_ =	shalt  }
0x60: {  	_ =	shalt  }
0x61: {  	_ =	shalt  }
0x62: {  	_ =	shalt  }
0x63: {  	_ =	shalt  }
0x64: {  	_ =	shalt  }
0x65: {  	_ =	shalt  }
0x66: {  	_ =	shalt  }
0x67: {  	_ =	shalt  }
0x68: {  	_ =	shalt  }
0x69: {  	_ =	shalt  }
0x6a: {  	_ =	shalt  }
0x6b: {  	_ =	shalt  }
0x6c: {  	_ =	shalt  }
0x6d: {  	_ =	shalt  }
0x6e: {  	_ =	shalt  }
0x6f: {  	_ =	shalt  }
0x70: {  	_ =	shalt  }
0x71: {  	_ =	shalt  }
0x72: {  	_ =	shalt  }
0x73: {  	_ =	shalt  }
0x74: {  	_ =	shalt  }
0x75: {  	_ =	shalt  }
0x76: {  	_ =	shalt  }
0x77: {  	_ =	shalt  }
0x78: {  	_ =	shalt  }
0x79: {  	_ =	shalt  }
0x7a: {  	_ =	shalt  }
0x7b: {  	_ =	shalt  }
0x7c: {  	_ =	shalt  }
0x7d: {  	_ =	shalt  }
0x7e: {  	_ =	shalt  }
0x7f: {  	_ =	shalt  }
0x80: {  	_ =	shalt  }
0x81: {  	_ =	shalt  }
0x82: {  	_ =	shalt  }
0x83: {  	_ =	shalt  }
0x84: {  	_ =	shalt  }
0x85: {  	_ =	shalt  }
0x86: {  	_ =	shalt  }
0x87: {  	_ =	shalt  }
.Lfunc_end0:
.L_simem_size_0:
called_computation_lowered:
.L_overlay_start_0:
0x88: {  	s2 =	sld [smem:$0x3FD9]  }
0x89: {  	s3 =	sld [smem:$0x3FFE];
	_ =	sdelay $0x1  }
0x8a: {  	s1 =	srdreg.scid  }
0x8b: {  	s0 =	sand.u32 $0x1, s1  }
0x8c: {  	s14 =	sshll.u32 s0, $0xA;
	s2 =	sadd.s32 s3, s2  }
0x8d: {  	s2 =	sadd.s32 s2, s14  }
0x8e: {  	[smem:$0x3FC0] =	sst s2  }
0x8f: {  	_ = 	snop  }
0x90: {  	s2 =	sld [smem:$0x3FD0];
	_ =	sdelay $0x2  }
0x91: {  	s15 =	simm.s32 $0xA;
	s4 =	simm.s32 $0x10  }
0x92: {  	[smem:s4], [sflag:s15] =	dma.local [hbm:s2], $0x1  }
0x93: {  	_ =	swait.eq [sflag:s15], $0x1  }
0x94: {  	s16 =	sld [smem:$0x10];
	[sflag:s15] =	ssyncset.done $0x0  }
0x95: {  	s17 =	sld [smem:$0x11];
	[sflag:s15] =	ssyncadd.s32 $0xFFFFFFFF  }
0x96: {  	s18 =	sld [smem:$0x12];
	(tm) =	ssettm $0x1  }
0x97: {  	s5 =	sld [smem:$0x3FFB];
	_ =	sdelay $0x3  }
0x98: {  	_ =	strace s5  }
0x99: {  	s5 =	sld [smem:$0x3FFC];
	_ =	sdelay $0x3  }
0x9a: {  	_ =	strace s5  }
0x9b: {  	s5 =	sld [smem:$0x3FFD];
	_ =	sdelay $0x3  }
0x9c: {  	_ =	strace s5  }
0x9d: {  	_ =	strace $0x8FFFFFFF  }
0x9e: {  	s19 =	sld [smem:$0x3FDB];
	_ =	sdelay $0x1  }
0x9f: {  	s6 =	simm.s32 $_scs_section_size  }
0xa0: {  	s7 =	simm.s32 $_size__tile_overlayer_lowered;
	s8 =	simm.s32 $_tile_overlayer_lowered  }
0xa1: {  	s22 =	simm.s32 $0x1BFF;
	s21 =	sshll.u32 s8, $0x1;
	s5 =	sadd.s32 s6, s19  }
0xa2: {  	s9 =	simm.s32 $0x0;
	s20 =	sshll.u32 s7, $0x1;
	s7 =	sadd.s32 s21, s5  }
0xa3: {  	[timem:s9], [sflag:s22] =	dma.local [hbm:s7], s20  }
0xa4: {  	_ =	swait.ge [sflag:s22], s20  }
0xa5: {  	s6 =	ssub.s32 $0x0, s20;
	[sflag:s22] =	ssyncset.done $0x0  }
0xa6: {  	[sflag:s22] =	ssyncadd.s32 s6;
	_ =	sdelay $0x1  }
0xa7: {  	s23 =	simm.s32 $0x1B8B  }
0xa8: {  	_ =	swait.ge [sflag:s23], $0x1  }
0xa9: {  	[sflag:s23] =	ssyncset.done $0x0  }
0xaa: {  	s25 =	simm.s32 $0x1B8E;
	s24 =	sld [smem:$0x3FFE];
	[sflag:s23] =	ssyncadd.s32 $0xFFFFFFFF  }
0xab: {  	s26 =	simm.s32 $execute0_lowered;
	[smem:$0x3FD2] =	sst s25  }
0xac: {  	s7 =	sshll.u32 s26, $0x1;
	_ =	strace $0x80000046;
	[dreg:$0x1] =	wrdreg $0xFFFFFFFF  }
0xad: {  	s28 =	simm.s32 $_size_execute0_lowered;
	s5 =	sadd.s32 s5, s7;
	[dreg:$0x0] =	wrdreg $0x0  }
0xae: {  	s7 =	sshll.u32 s28, $0x1;
	[dreg:$0x2] =	wrdreg s5  }
0xaf: {  	[dreg:$0x3] =	wrdreg s7  }
0xb0: {  	[dreg:$0x4] =	wrdreg $0xC0  }
0xb1: {  	_ =	task [dreg:s9], $0x5FFFF  }
0xb2: {  	[dreg:$0x1] =	wrdreg $0xFFFFFFFF  }
0xb3: {  	[dreg:$0x0] =	wrdreg $0x60  }
0xb4: {  	[dreg:$0x2] =	wrdreg s24  }
0xb5: {  	[dreg:$0x3] =	wrdreg s16  }
0xb6: {  	[dreg:$0x4] =	wrdreg s17  }
0xb7: {  	[dreg:$0x5] =	wrdreg s18  }
0xb8: {  	[dreg:$0x6] =	wrdreg $0x9  }
0xb9: {  	_ =	task.clear_ibuf [dreg:s9], $0x7FFFF;
	_ =	strace $0x90000046  }
0xba: {  	s29 =	simm.s32 $0x9;
	_ =	strace $0x80000048  }
0xbb: {  	_ =	swait.ge [sflag:s29], $0x1  }
0xbc: {  	[sflag:s29] =	ssyncadd.s32 $0xFFFFFFFF  }
0xbd: {  	_ =	strace $0x90000048  }
0xbe: {  	_ =	sfence  }
0xbf: {  	s30 =	sld [smem:$0x0];
	_ =	sdelay $0x2  }
0xc0: {  	s31 =	sshll.u32 s1, $0xD;
	s1 =	sshrl.u32 s1, $0x2  }
0xc1: {  	s3 =	sand.u32 $0x4000, s31;
	s1 =	sadd.s32 s1, s30  }
0xc2: {  	s0 =	sor.u32 s3, s0;
	s1 =	sshll.u32 s1, $0x11  }
0xc3: {  	s0 =	sor.u32 s1, s0  }
0xc4: {  	s0 =	sadd.s32 $0x8F2B, s0  }
0xc5: {  	[sflag:s0] =	ssyncadd.remote.s32 $0x1  }
0xc6: {  	_ =	sfence.sel $0xFFFF  }
0xc7: {  	[dreg:$0x0] =	wrdreg $0xFFFFFFFF;
	(pc) =	sbr.abs _section_cstart, $3  }
0xc8: {  	[dreg:$0x1] =	wrdreg $0xFFFFFFFF  }
0xc9: {  	_ =	task.clear_ibuf [dreg:s9], $0x2FFFF;
	_ =	strace $0x9FFFFFFF  }
0xca: {  	(tm) =	ssettm $0x7FFFFFFF  }
0xcb: {  	_ =	shalt  }
tec
execute0_lowered:
.L_overlay_start_1:
0x0: {  	(tag) =	ssettag $0x1  }
0x1: {  	s0 =	rddreg [dreg:$0x0]  }
0x2: {  	s1 =	rddreg [dreg:$0x1]  }
0x3: {  	s2 =	rddreg [dreg:$0x2]  }
0x4: {  	s4 =	rddreg [dreg:$0x3]  }
0x5: {  	s3 =	srdreg.scid;
	s6 =	stileid.u32  }
0x6: {  	s28 =	simm.s32 $0x1E000;
	s29 =	simm.s32 $0x2000;
	s30 =	simm.s32 $0x1  }
0x7: {  	s5 =	sand.u32 $0x1, s3;
	s3 =	simm.s32 $0x0;
	s6 =	sshll.u32 s6, $0xC  }
0x8: {  	s7 =	sshll.u32 s5, $0xB;
	[smem:$0x7FF] =	sst s3;
	s5 =	ssub.s32 $0x2, s5  }
0x9: {  	s6 =	sor.u32 s7, s6;
	_ =	strace $0x80000047;
	s23 =	sshrl.u32 s5, $0x1  }
0xa: {  	s7 =	sshrl.u32 s6, $0x3;
	s9 =	sadd.s32 s2, s6;
	s2 =	simm.s32 $0x0  }
0xb: {  	s8 =	sadd.s32 s7, s0;
	s0 =	sadd.s32 $0xB800, s0;
	s10 =	sadd.s32 $0x10, s9  }
0xc: {  	s11 =	sadd.s32 $0x20, s9;
	s12 =	sadd.s32 $0x30, s9;
	s13 =	sadd.s32 $0x40, s9  }
0xd: {  	s14 =	sadd.s32 $0x50, s9;
	s15 =	sadd.s32 $0x60, s9;
	s16 =	sadd.s32 $0x70, s9  }
0xe: {  	s17 =	sadd.s32 $0x10000, s9;
	[dreg:$0x5] =	wrdreg s0;
	s24 =	sadd.s32 $0x3800, s8  }
0xf: {  	s18 =	sadd.s32 $0x10010, s9;
	s25 =	sadd.s32 $0x7800, s8;
	[dreg:$0x6] =	wrdreg s24  }
0x10: {  	s19 =	sadd.s32 $0x10020, s9;
	s26 =	sadd.s32 $0x9800, s8;
	[dreg:$0x7] =	wrdreg s25  }
0x11: {  	v0 =	vimm.f32 $0.0e+00;
	v1 =	vimm.s32 $0x100;
	v2 =	vimm.s32 $0x101;
	s0 =	ssub.s32 s5, s23;
	s31 =	sadd.s32 $0x5800, s8;
	[dreg:$0x8] =	wrdreg s26  }
0x12: {  	v3 =	vimm.s32 $0x102;
	v4 =	vimm.s32 $0x103;
	v5 =	vimm.s32 $0x104;
	s20 =	sadd.s32 $0x10030, s9;
	[dreg:$0x9] =	wrdreg s31;
	s0 =	smax.u32 s0, $0x1  }
0x13: {  	v6 =	vimm.s32 $0x105;
	v7 =	vimm.s32 $0x106;
	v8 =	vimm.s32 $0x107;
	s21 =	sadd.s32 s4, s7;
	s23 =	simm.s32 $0x2;
	[dreg:$0xa] =	wrdreg s0  }
.LBB2_1:
0x14: {  	[dreg:$0xb] =	wrdreg s2  }
0x15: {  	s0 =	rddreg [dreg:$0x6]  }
0x16: {  	[tilespmem:s3], [sflag:$0x2] =	stream.linear.gather [hbm4b:s0+s3], $0x800, $0x38;
	[tilespmem:$0x1E180] =	vst v63  }
0x17: {  	_ =	swait.ge [sflag:s23], $0x800  }
0x18: {  	[sflag:s23] =	ssyncset.done $0x0  }
0x19: {  	s6 =	simm.s32 $0x800;
	s5 =	rddreg [dreg:$0x7];
	[sflag:s23] =	ssyncadd.s32 $0xFFFFF800  }
0x1a: {  	[tilespmem:s6], [sflag:$0x2] =	stream.linear.gather [hbm4b:s5+s3], $0x800, $0x38;
	[tilespmem:$0x1E180] =	vst v63  }
0x1b: {  	_ =	swait.ge [sflag:s23], $0x800  }
0x1c: {  	[sflag:s23] =	ssyncset.done $0x0  }
0x1d: {  	s8 =	simm.s32 $0x1000;
	s7 =	rddreg [dreg:$0x8];
	[sflag:s23] =	ssyncadd.s32 $0xFFFFF800  }
0x1e: {  	[tilespmem:s8], [sflag:$0x2] =	stream.linear.gather [hbm4b:s7+s3], $0x800, $0x38;
	[tilespmem:$0x1E180] =	vst v63  }
0x1f: {  	_ =	swait.ge [sflag:s23], $0x800  }
0x20: {  	[sflag:s23] =	ssyncset.done $0x0  }
0x21: {  	s24 =	simm.s32 $0x1800;
	s22 =	rddreg [dreg:$0x9];
	[sflag:s23] =	ssyncadd.s32 $0xFFFFF800  }
0x22: {  	[tilespmem:s24], [sflag:$0x2] =	stream.linear.gather [hbm4b:s22+s3], $0x800, $0x38;
	[tilespmem:$0x1E180] =	vst v63  }
0x23: {  	_ =	swait.ge [sflag:s23], $0x800  }
0x24: {  	[sflag:s23] =	ssyncset.done $0x0  }
0x25: {  	s25 =	rddreg [dreg:$0x5];
	[sflag:s23] =	ssyncadd.s32 $0xFFFFF800  }
0x26: {  	[tilespmem:s28], [sflag:$0x2] =	stream.linear.gather [hbm4b:s25+s3], $0x180, $0x38;
	[tilespmem:$0x1E180] =	vst v63  }
0x27: {  	s26 =	sand.u32 $0x70, s3;
	s31 =	sand.u32 $0x3C00, s3;
	_ =	swait.ge [sflag:s23], $0x180  }
0x28: {  	s0 =	sor.u32 s26, s31;
	[sflag:s23] =	ssyncset.done $0x0  }
0x29: {  	s2 =	sadd.s32 $0x12000, s0;
	[sflag:s23] =	ssyncadd.s32 $0xFFFFFE80  }
0x2a: {  	[tilespmem:s2+$0x80] =	vst v0  }
0x2b: {  	[tilespmem:s2+$0x100] =	vst v0  }
0x2c: {  	s4 =	simm.s32 $0x10;
	s5 =	simm.s32 $0x0;
	[tilespmem:s2+$0x180] =	vst v0  }
0x2d: {  	s6 =	simm.s32 $0x0;
	s8 =	sand.u32 $0x7, s3;
	s7 =	simm.s32 $0x0;
	[tilespmem:s2+$0x200] =	vst v0  }
.LBB2_2:
0x2e: {  	p0 =	sne.s32 s4, $0x7F0;
	s8 =	sshll.u32 s8, $0x4;
	[tilespmem:s2+$0x280] =	vst v0;
	s5 =	sadd.s32 $0x80, s5  }
0x2f: {  	s22 =	sand.u32 $0x70, s4;
	s24 =	sand.u32 $0x3C00, s5;
	s7 =	sadd.s32 s8, s7;
	[tilespmem:s2+$0x300] =	vst v0  }
0x30: {  	[tilespmem:s0+$0x12000] =	vst v0;
	s0 =	sor.u32 s22, s24;
	s8 =	sor.u32 $0x380, s7;
	s7 =	smov.u32 s5  }
.Ltmp0:
0x31: {  	s2 =	sadd.s32 $0x12000, s0;
	[tilespmem:s8+$0x12000] =	vst v0;
	(pc) =	sbr.rel @p0 .LBB2_2-.Ltmp0, $4  }
0x32: {  	[tilespmem:s2+$0x80] =	vst v0  }
0x33: {  	[tilespmem:s2+$0x100] =	vst v0  }
0x34: {  	s6 =	sadd.s32 $0x1, s6;
	[tilespmem:s2+$0x180] =	vst v0  }
0x35: {  	s4 =	sadd.s32 $0x10, s4;
	s8 =	sand.u32 $0x7, s6;
	[tilespmem:s2+$0x200] =	vst v0  }
0x36: {  	s4 =	sshll.u32 s8, $0x4;
	[tilespmem:s2+$0x280] =	vst v0  }
0x37: {  	[tilespmem:s2+$0x300] =	vst v0;
	s4 =	sadd.s32 s4, s7  }
0x38: {  	[tilespmem:s0+$0x12000] =	vst v0;
	s26 =	sor.u32 $0x380, s4  }
0x39: {  	s31 =	simm.s32 $0x0;
	s4 =	simm.s32 $0x0;
	[tilespmem:s26+$0x12000] =	vst v0  }
0x3a: {  	[tilespmem:s29], [sflag:$0x1] =	stream.linear.gather [hbm4b:s1+s4], $0x8000, $0x38;
	[tilespmem:$0x1E180] =	vst v63  }
.LBB2_5:
0x3b: {  	s0 =	smov.u32 s31  }
0x3c: {  	_ =	swait.ge [sflag:s30], $0x8000;
	s2 =	sshll.u32 s31, $0xF;
	s31 =	sadd.s32 $0x1, s31  }
0x3d: {  	[sflag:s30] =	ssyncset.done $0x0;
	p0 =	seq.s32 s0, $0xF;
	s5 =	sadd.s32 $0x108, s0  }
0x3e: {  	s6 =	sand.u32 $0x8000, s2;
	[sflag:s30] =	ssyncadd.s32 $0xFFFF8000;
	s2 =	sshll.u32 @!p0 s31, $0xC;
	v9 =	vmov s5  }
0x3f: {  	s5 =	ssub.s32 @!p0 $0xA000, s6;
	s7 =	simm.s32 @!p0 $0x0;
	s2 =	sadd.s32 @!p0 s1, s2  }
0x40: {  	[tilespmem:s5], [sflag:$0x1] =	stream.linear.gather @!p0 [hbm4b:s2+s7], $0x8000, $0x38;
	[tilespmem:$0x1E180] =	vst v63  }
0x41: {  	s2 =	sshll.u32 s0, $0x4  }
0x42: {  	v10 =	vmov s2;
	s8 =	sor.u32 $0x1, s2;
	s22 =	sor.u32 $0x2, s2  }
0x43: {  	s25 =	simm.s32 $0x800;
	s24 =	sor.u32 $0x3, s2;
	v12 =	vbroadcast v10, $0x0;
	v10 =	vmov s8;
	v11 =	vmov s22;
	v9 =	vld.idx.msk [tilespmem:v9+s28+$0x0], $0xffff  }
0x44: {  	s26 =	sor.u32 $0x4, s2;
	s8 =	sor.u32 $0x5, s2;
	s22 =	simm.s32 $0x1000;
	v13 =	vbroadcast v10, $0x0;
	v14 =	vbroadcast v11, $0x0;
	v10 =	vmov s24;
	v11 =	vld [tilespmem:s25+$0x0]  }
0x45: {  	s7 =	sor.u32 $0x6, s2;
	v16 =	vmov s8;
	v23 =	vld [tilespmem:s22+$0x0];
	v15 =	vbroadcast v10, $0x0;
	v10 =	vmov s26  }
0x46: {  	s8 =	sor.u32 $0x8, s2;
	s22 =	sor.u32 $0x9, s2;
	v17 =	vbroadcast v16, $0x0;
	v16 =	vld [tilespmem:s4+$0x0];
	v24 =	vbroadcast v10, $0x0;
	v10 =	vmov s7  }
0x47: {  	s24 =	sor.u32 $0xA, s2;
	v20 =	vmov s22;
	v18 =	vbroadcast v10, $0x0;
	v10 =	vmov s8  }
0x48: {  	s25 =	sor.u32 $0xB, s2;
	v20 =	vbroadcast v20, $0x0;
	v19 =	vbroadcast v10, $0x0;
	v10 =	vmov s24  }
0x49: {  	v21 =	vbroadcast v10, $0x0;
	v10 =	vmov s25;
	v25 =	vmul.f32 v11, v9  }
0x4a: {  	v23 =	vmul.f32 v23, v9;
	v22 =	vbroadcast v10, $0x0  }
0x4b: {  	v16 =	vmul.f32 v16, v9;
	v10 =	vtrunc.f32 v25  }
0x4c: {  	v11 =	vtrunc.f32 v23;
	v27 =	vcvt.f32.s32 v10  }
0x4d: {  	v10 =	vmov s6;
	v28 =	vtrunc.f32 v16;
	v29 =	vcvt.f32.s32 v11  }
0x4e: {  	v11 =	vor.u32 $0x1, v10;
	v28 =	vcvt.f32.s32 v28;
	v30 =	vmul.u32 $0x9E3779B1, v27  }
0x4f: {  	v27 =	vcvt.s32.f32 v27;
	v31 =	vcvt.s32.f32 v29;
	v29 =	vmul.u32 $0x30025795, v29  }
0x50: {  	v32 =	vadd.s32 $0x1, v28;
	v33 =	vadd.s32 $0x9E3779B1, v30;
	v34 =	vxor.u32 v28, v30  }
0x51: {  	v35 =	vadd.s32 $0x30025795, v29;
	v30 =	vxor.u32 v32, v30;
	v23 =	vsub.f32 v23, v31  }
0x52: {  	v25 =	vsub.f32 v25, v27;
	v36 =	vxor.u32 v29, v34;
	v37 =	vxor.u32 v28, v33  }
0x53: {  	v38 =	vxor.u32 v29, v30;
	v30 =	vxor.u32 v30, v35;
	v28 =	vcvt.s32.f32 v28  }
0x54: {  	v34 =	vxor.u32 v34, v35;
	v36 =	vshll.u32 v36, $0x1;
	v39 =	vxor.u32 v29, v37  }
0x55: {  	v37 =	vxor.u32 v35, v37;
	v57 =	vshll.u32 v38, $0x1;
	v40 =	vsub.f32 $1.000000000e+00, v25  }
0x56: {  	v60 =	vsub.f32 $1.000000000e+00, v23;
	v31 =	vand.u32 $0x7FFE, v36;
	v27 =	vshll.u32 v39, $0x1  }
0x57: {  	v28 =	vsub.f32 v16, v28;
	v16 =	vshll.u32 v34, $0x1;
	v36 =	vor.u32 v10, v31  }
0x58: {  	v12 =	vld.idx.msk [tilespmem:v12+s28+$0x0], $0xffff;
	v37 =	vshll.u32 v37, $0x1;
	v34 =	vand.u32 $0x7FFE, v57;
	v16 =	vand.u32 $0x7FFE, v16  }
0x59: {  	v13 =	vld.idx.msk [tilespmem:v13+s28+$0x0], $0xffff;
	v31 =	vor.u32 v11, v31;
	v27 =	vand.u32 $0x7FFE, v27;
	v41 =	vor.u32 v10, v16  }
0x5a: {  	v14 =	vld.idx.msk [tilespmem:v14+s28+$0x0], $0xffff;
	v45 =	vor.u32 v10, v34;
	v34 =	vor.u32 v11, v34;
	v58 =	vor.u32 v10, v27  }
0x5b: {  	v15 =	vld.idx.msk [tilespmem:v15+s28+$0x0], $0xffff;
	v59 =	vsub.f32 $1.000000000e+00, v28;
	v42 =	vor.u32 v11, v16;
	v16 =	vand.u32 $0x7FFE, v37  }
0x5c: {  	v44 =	vor.u32 v10, v16;
	v47 =	vor.u32 v11, v16;
	v16 =	vshll.u32 v30, $0x1;
	v36 =	vld.idx.msk [tilespmem:v36+s29+$0x0], $0xffff  }
0x5d: {  	v27 =	vor.u32 v11, v27;
	v43 =	vmul.f32 v40, v59;
	v63 =	vand.u32 $0x7FFE, v16;
	v16 =	vld.idx.msk [tilespmem:v24+s28+$0x0], $0xffff  }
0x5e: {  	v30 =	vxor.u32 v32, v33;
	v39 =	vmul.f32 v25, v59;
	v40 =	vmul.f32 v40, v28;
	v41 =	vld.idx.msk [tilespmem:v41+s29+$0x0], $0xffff  }
0x5f: {  	v29 =	vxor.u32 v29, v30;
	v30 =	vxor.u32 v35, v30;
	v31 =	vld.idx.msk [tilespmem:v31+s29+$0x0], $0xffff;
	v46 =	vmul.f32 v60, v43  }
0x60: {  	v25 =	vmul.f32 v25, v28;
	v24 =	vor.u32 v10, v63;
	v29 =	vshll.u32 v29, $0x1;
	v61 =	vld.idx.msk [tilespmem:v58+s29+$0x0], $0xffff  }
0x61: {  	v30 =	vshll.u32 v30, $0x1;
	v43 =	vmul.f32 v43, v23;
	v48 =	vld.idx.msk [tilespmem:v42+s29+$0x0], $0xffff;
	v62 =	vmul.f32 v46, v36  }
0x62: {  	v49 =	vmul.f32 v60, v39;
	v29 =	vand.u32 $0x7FFE, v29;
	v30 =	vand.u32 $0x7FFE, v30;
	v44 =	vld.idx.msk [tilespmem:v44+s29+$0x0], $0xffff  }
0x63: {  	v50 =	vor.u32 v10, v29;
	v27 =	vld.idx.msk [tilespmem:v27+s29+$0x0], $0xffff;
	v51 =	vmul.f32 v43, v41;
	v33 =	vadd.f32 $0.0e+00, v62  }
0x64: {  	v52 =	vld.idx.msk [tilespmem:v45+s29+$0x0], $0xffff;
	v55 =	vmul.f32 v23, v39;
	v36 =	vor.u32 v11, v63;
	v31 =	vmul.f32 v46, v31  }
0x65: {  	v54 =	vor.u32 v10, v30;
	v53 =	vld.idx.msk [tilespmem:v47+s29+$0x0], $0xffff;
	v32 =	vmul.f32 v49, v61;
	v33 =	vadd.f32 v33, v51  }
0x66: {  	v29 =	vor.u32 v11, v29;
	v24 =	vld.idx.msk [tilespmem:v24+s29+$0x0], $0xffff;
	v38 =	vmul.f32 v43, v48;
	v31 =	vadd.f32 $0.0e+00, v31  }
0x67: {  	v34 =	vld.idx.msk [tilespmem:v34+s29+$0x0], $0xffff;
	v57 =	vmul.f32 v60, v40;
	v56 =	vmul.f32 v44, v55;
	v32 =	vadd.f32 v33, v32  }
0x68: {  	v30 =	vor.u32 v11, v30;
	v27 =	vmul.f32 v27, v49;
	v28 =	vld.idx.msk [tilespmem:v50+s29+$0x0], $0xffff;
	v31 =	vadd.f32 v31, v38  }
0x69: {  	s26 =	sor.u32 $0xC, s2;
	v59 =	vmul.f32 v40, v23;
	v58 =	vmul.f32 v52, v57;
	v36 =	vld.idx.msk [tilespmem:v36+s29+$0x0], $0xffff;
	v32 =	vadd.f32 v32, v56  }
0x6a: {  	v26 =	vmov s26;
	v35 =	vmul.f32 v53, v55;
	v27 =	vadd.f32 v31, v27;
	v31 =	vld.idx.msk [tilespmem:v54+s29+$0x0], $0xffff  }
0x6b: {  	v60 =	vmul.f32 v60, v25;
	v29 =	vld.idx.msk [tilespmem:v29+s29+$0x0], $0xffff;
	v24 =	vmul.f32 v24, v59;
	v32 =	vadd.f32 v32, v58  }
0x6c: {  	v26 =	vbroadcast v26, $0x0;
	v17 =	vld.idx.msk [tilespmem:v17+s28+$0x0], $0xffff;
	v34 =	vmul.f32 v34, v57;
	v27 =	vadd.f32 v27, v35  }
0x6d: {  	v23 =	vmul.f32 v23, v25;
	v30 =	vld.idx.msk [tilespmem:v30+s29+$0x0], $0xffff;
	v28 =	vmul.f32 v28, v60;
	v24 =	vadd.f32 v24, v32  }
0x6e: {  	v20 =	vld.idx.msk [tilespmem:v20+s28+$0x0], $0xffff;
	v25 =	vadd.f32 v34, v27;
	v27 =	vmul.f32 v36, v59  }
0x6f: {  	v18 =	vld.idx.msk [tilespmem:v18+s28+$0x0], $0xffff;
	v24 =	vadd.f32 v28, v24;
	v28 =	vmul.f32 v31, v23  }
0x70: {  	s8 =	sor.u32 $0xE, s2;
	v19 =	vld.idx.msk [tilespmem:v19+s28+$0x0], $0xffff;
	v25 =	vadd.f32 v27, v25;
	v27 =	vmul.f32 v29, v60  }
0x71: {  	s22 =	sand.u32 $0x70, s4;
	s24 =	sand.u32 $0x3C00, s4;
	v21 =	vld.idx.msk [tilespmem:v21+s28+$0x0], $0xffff;
	v29 =	vmov s8;
	v28 =	vadd.f32 v28, v24  }
0x72: {  	s25 =	sor.u32 s22, s24;
	v25 =	vadd.f32 v27, v25;
	v27 =	vmul.f32 v30, v23;
	v23 =	vld.idx.msk [tilespmem:v26+s28+$0x0], $0xffff;
	v26 =	vbroadcast v29, $0x0  }
0x73: {  	s7 =	sor.u32 $0xD, s2;
	s22 =	sadd.s32 $0x12000, s25;
	v22 =	vld.idx.msk [tilespmem:v22+s28+$0x0], $0xffff;
	v29 =	vshrl.u32 v28, $0x10  }
0x74: {  	v47 =	vld [tilespmem:s22+$0x80];
	v61 =	vmov s7;
	v25 =	vadd.f32 v27, v25;
	v27 =	vand.u32 $0x1, v29  }
0x75: {  	s2 =	sor.u32 $0x7, s2;
	v50 =	vld [tilespmem:s22+$0x300];
	v62 =	vbroadcast v61, $0x0;
	v27 =	vadd.s32 v27, v28  }
0x76: {  	v30 =	vld [tilespmem:s25+$0x12000];
	v29 =	vmov s2;
	v28 =	vshrl.u32 v25, $0x10;
	v27 =	vadd.s32 $0x7FFF, v27  }
0x77: {  	v31 =	vld [tilespmem:s22+$0x100];
	v63 =	vbroadcast v29, $0x0;
	v29 =	vand.u32 $0x1, v28;
	v28 =	vand.u32 $0xFFFF0000, v27  }
0x78: {  	s0 =	sshllo.u32 s0, $0x4;
	v27 =	vadd.s32 v29, v25;
	v25 =	vld.idx.msk [tilespmem:v26+s28+$0x0], $0xffff;
	v26 =	vmul.f32 v28, v12;
	v48 =	vmul.f32 v28, v13  }
0x79: {  	v45 =	vld [tilespmem:s22+$0x200];
	v46 =	vmov s0;
	v49 =	vmul.f32 v28, v14;
	v51 =	vmul.f32 v28, v18  }
0x7a: {  	v53 =	vld [tilespmem:s22+$0x280];
	v27 =	vadd.s32 $0x7FFF, v27;
	v57 =	vmul.f32 v28, v17;
	v61 =	vmul.f32 v28, v15  }
0x7b: {  	v55 =	vld [tilespmem:s22+$0x180];
	v29 =	vand.u32 $0xFFFF0000, v27;
	v27 =	vmul.f32 v28, v16;
	v30 =	vadd.f32 v26, v30  }
0x7c: {  	v24 =	vld.idx.msk [tilespmem:v62+s28+$0x0], $0xffff;
	v52 =	vmul.f32 v29, v20;
	v31 =	vadd.f32 v49, v31;
	v35 =	vadd.f32 v48, v47  }
0x7d: {  	v58 =	vmul.f32 v29, v19;
	v59 =	vmul.f32 v29, v21;
	v60 =	vadd.f32 v50, v51  }
0x7e: {  	v54 =	vmul.f32 v29, v23;
	v27 =	vadd.f32 v45, v27;
	v35 =	vadd.f32 v52, v35  }
0x7f: {  	v56 =	vmul.f32 v29, v22;
	v26 =	vld.idx.msk [tilespmem:v63+s28+$0x0], $0xffff;
	v32 =	vadd.f32 v58, v30;
	v36 =	vadd.f32 v59, v31  }
0x80: {  	v30 =	vmul.f32 v29, v25;
	v37 =	vadd.f32 v27, v54;
	v27 =	vld.idx.msk [tilespmem:v46+s28+$0x0], $0xffff;
	[tilespmem:s22+$0x80] =	vst v35  }
0x81: {  	s5 =	simm.s32 $0x10;
	s26 =	sand.u32 $0x7, s4;
	v62 =	vmul.f32 v29, v24;
	v33 =	vadd.f32 v61, v55;
	v63 =	vadd.f32 v53, v57;
	[tilespmem:s22+$0x100] =	vst v36  }
0x82: {  	s24 =	simm.s32 $0x0;
	s6 =	simm.s32 $0x10;
	s0 =	simm.s32 $0x1010;
	v31 =	vadd.f32 v60, v30;
	[tilespmem:s25+$0x12000] =	vst v32  }
0x83: {  	s7 =	simm.s32 $0x0;
	s8 =	simm.s32 $0x0;
	s2 =	simm.s32 $0x810;
	v30 =	vadd.f32 v63, v62;
	v32 =	vadd.f32 v56, v33;
	[tilespmem:s22+$0x200] =	vst v37  }
.LBB2_6:
0x84: {  	s26 =	sshll.u32 s26, $0x4  }
0x85: {  	[tilespmem:s22+$0x300] =	vst v31;
	s7 =	sadd.s32 $0x80, s7;
	s24 =	sadd.s32 $0x1, s24;
	s25 =	smov.u32 s5  }
0x86: {  	p0 =	seq.s32 s5, $0x7F0;
	s5 =	sadd.s32 $0x10, s5;
	s8 =	sadd.s32 s26, s8;
	[tilespmem:s22+$0x280] =	vst v30  }
0x87: {  	[tilespmem:s22+$0x180] =	vst v32;
	s22 =	sor.u32 $0x380, s8;
	s8 =	smov.u32 s7  }
0x88: {  	v30 =	vld [tilespmem:s22+$0x12000];
	_ =	sdelay $0x2  }
0x89: {  	v28 =	vmul.f32 v28, v26;
	_ =	sdelay $0x1  }
0x8a: {  	v29 =	vmul.f32 v29, v27;
	v28 =	vadd.f32 v30, v28;
	_ =	sdelay $0x1  }
0x8b: {  	v28 =	vadd.f32 v28, v29;
	_ =	sdelay $0x1  }
0x8c: {  	[tilespmem:s22+$0x12000] =	vst v28;
	_ =	sdelay $0x1  }
0x8d: {  	v28 =	vld [tilespmem:s2+$0x0]  }
0x8e: {  	v29 =	vld [tilespmem:s0+$0x0]  }
0x8f: {  	v30 =	vld [tilespmem:s6+$0x0];
	_ =	sdelay $0x2  }
0x90: {  	v28 =	vmul.f32 v28, v9  }
0x91: {  	v29 =	vmul.f32 v29, v9  }
0x92: {  	v30 =	vmul.f32 v30, v9;
	v31 =	vtrunc.f32 v28  }
0x93: {  	v31 =	vcvt.f32.s32 v31;
	v32 =	vtrunc.f32 v29  }
0x94: {  	v33 =	vtrunc.f32 v30;
	v32 =	vcvt.f32.s32 v32  }
0x95: {  	v33 =	vcvt.f32.s32 v33;
	v34 =	vmul.u32 $0x9E3779B1, v31  }
0x96: {  	v31 =	vcvt.s32.f32 v31;
	v35 =	vcvt.s32.f32 v32;
	v32 =	vmul.u32 $0x30025795, v32  }
0x97: {  	v36 =	vadd.s32 $0x1, v33;
	v37 =	vadd.s32 $0x9E3779B1, v34;
	v38 =	vxor.u32 v33, v34  }
0x98: {  	v39 =	vadd.s32 $0x30025795, v32;
	v40 =	vxor.u32 v32, v38;
	v34 =	vxor.u32 v36, v34  }
0x99: {  	v41 =	vxor.u32 v33, v37;
	v40 =	vshll.u32 v40, $0x1;
	v42 =	vxor.u32 v32, v34  }
0x9a: {  	v29 =	vsub.f32 v29, v35;
	v34 =	vxor.u32 v34, v39;
	v35 =	vand.u32 $0x7FFE, v40  }
0x9b: {  	v43 =	vxor.u32 v32, v41;
	v41 =	vxor.u32 v39, v41;
	v40 =	vor.u32 v10, v35  }
0x9c: {  	v28 =	vsub.f32 v28, v31;
	v33 =	vcvt.s32.f32 v33;
	v31 =	vshll.u32 v43, $0x1  }
0x9d: {  	v38 =	vxor.u32 v38, v39;
	v35 =	vor.u32 v11, v35;
	v31 =	vand.u32 $0x7FFE, v31  }
0x9e: {  	v30 =	vsub.f32 v30, v33;
	v33 =	vshll.u32 v38, $0x1;
	v38 =	vshll.u32 v42, $0x1  }
0x9f: {  	v41 =	vshll.u32 v41, $0x1;
	v33 =	vand.u32 $0x7FFE, v33;
	v42 =	vor.u32 v10, v31  }
0xa0: {  	v44 =	vsub.f32 $1.000000000e+00, v28;
	v43 =	vsub.f32 $1.000000000e+00, v30;
	v45 =	vor.u32 v10, v33;
	v40 =	vld.idx.msk [tilespmem:v40+s29+$0x0], $0xffff  }
0xa1: {  	v41 =	vand.u32 $0x7FFE, v41;
	v38 =	vand.u32 $0x7FFE, v38;
	v33 =	vor.u32 v11, v33  }
0xa2: {  	v46 =	vsub.f32 $1.000000000e+00, v29;
	v47 =	vmul.f32 v44, v43;
	v43 =	vmul.f32 v28, v43;
	v35 =	vld.idx.msk [tilespmem:v35+s29+$0x0], $0xffff  }
0xa3: {  	v31 =	vor.u32 v11, v31;
	v48 =	vor.u32 v10, v41;
	v49 =	vor.u32 v10, v38  }
0xa4: {  	v41 =	vor.u32 v11, v41;
	v50 =	vmul.f32 v46, v47;
	v47 =	vmul.f32 v47, v29;
	v42 =	vld.idx.msk [tilespmem:v42+s29+$0x0], $0xffff  }
0xa5: {  	v36 =	vxor.u32 v36, v37;
	v34 =	vshll.u32 v34, $0x1;
	v44 =	vmul.f32 v44, v30;
	v45 =	vld.idx.msk [tilespmem:v45+s29+$0x0], $0xffff  }
0xa6: {  	v32 =	vxor.u32 v32, v36;
	v34 =	vand.u32 $0x7FFE, v34;
	v37 =	vmul.f32 v50, v40;
	v33 =	vld.idx.msk [tilespmem:v33+s29+$0x0], $0xffff  }
0xa7: {  	v32 =	vshll.u32 v32, $0x1;
	v40 =	vor.u32 v10, v34;
	v34 =	vor.u32 v11, v34  }
0xa8: {  	v32 =	vand.u32 $0x7FFE, v32;
	v35 =	vmul.f32 v50, v35;
	v50 =	vmul.f32 v46, v43;
	v31 =	vld.idx.msk [tilespmem:v31+s29+$0x0], $0xffff  }
0xa9: {  	v36 =	vxor.u32 v39, v36;
	v38 =	vor.u32 v11, v38;
	v51 =	vor.u32 v10, v32;
	v48 =	vld.idx.msk [tilespmem:v48+s29+$0x0], $0xffff  }
0xaa: {  	v36 =	vshll.u32 v36, $0x1;
	v32 =	vor.u32 v11, v32;
	v35 =	vadd.f32 $0.0e+00, v35  }
0xab: {  	v36 =	vand.u32 $0x7FFE, v36;
	v37 =	vadd.f32 $0.0e+00, v37;
	v39 =	vmul.f32 v47, v45;
	v45 =	vld.idx.msk [tilespmem:v49+s29+$0x0], $0xffff  }
0xac: {  	v42 =	vmul.f32 v50, v42;
	v33 =	vmul.f32 v47, v33;
	v47 =	vor.u32 v10, v36;
	v41 =	vld.idx.msk [tilespmem:v41+s29+$0x0], $0xffff  }
0xad: {  	v36 =	vor.u32 v11, v36;
	v37 =	vadd.f32 v37, v39;
	v39 =	vmul.f32 v29, v43;
	v40 =	vld.idx.msk [tilespmem:v40+s29+$0x0], $0xffff  }
0xae: {  	v28 =	vmul.f32 v28, v30;
	v33 =	vadd.f32 v35, v33;
	v31 =	vmul.f32 v31, v50;
	v35 =	vld.idx.msk [tilespmem:v38+s29+$0x0], $0xffff  }
0xaf: {  	v30 =	vadd.f32 v37, v42;
	v37 =	vmul.f32 v48, v39;
	v38 =	vmul.f32 v46, v44;
	v42 =	vld.idx.msk [tilespmem:v51+s29+$0x0], $0xffff  }
0xb0: {  	v31 =	vadd.f32 v33, v31;
	v33 =	vld.idx.msk [tilespmem:v34+s29+$0x0], $0xffff  }
0xb1: {  	v30 =	vadd.f32 v30, v37;
	v34 =	vmul.f32 v45, v38;
	v37 =	vmul.f32 v44, v29;
	v43 =	vld.idx.msk [tilespmem:v47+s29+$0x0], $0xffff  }
0xb2: {  	v39 =	vmul.f32 v41, v39;
	v32 =	vld.idx.msk [tilespmem:v32+s29+$0x0], $0xffff  }
0xb3: {  	v30 =	vadd.f32 v30, v34;
	v34 =	vmul.f32 v40, v37;
	v40 =	vmul.f32 v46, v28  }
0xb4: {  	v31 =	vadd.f32 v31, v39;
	v35 =	vmul.f32 v35, v38;
	v36 =	vld.idx.msk [tilespmem:v36+s29+$0x0], $0xffff  }
0xb5: {  	v28 =	vmul.f32 v29, v28;
	v30 =	vadd.f32 v34, v30;
	v34 =	vmul.f32 v42, v40  }
0xb6: {  	v29 =	vadd.f32 v35, v31;
	v31 =	vmul.f32 v33, v37  }
0xb7: {  	v30 =	vadd.f32 v34, v30;
	v33 =	vmul.f32 v43, v28  }
0xb8: {  	v29 =	vadd.f32 v31, v29;
	v31 =	vmul.f32 v32, v40  }
0xb9: {  	v30 =	vadd.f32 v33, v30  }
0xba: {  	v29 =	vadd.f32 v31, v29;
	v28 =	vmul.f32 v36, v28  }
0xbb: {  	s22 =	sand.u32 $0x70, s25;
	s25 =	sand.u32 $0x3C00, s7;
	v31 =	vshrl.u32 v30, $0x10  }
0xbc: {  	s25 =	sor.u32 s22, s25;
	v29 =	vadd.f32 v28, v29;
	v28 =	vand.u32 $0x1, v31  }
0xbd: {  	s22 =	sadd.s32 $0x12000, s25;
	v28 =	vadd.s32 v28, v30;
	v30 =	vld [tilespmem:s25+$0x12000]  }
0xbe: {  	v28 =	vadd.s32 $0x7FFF, v28;
	v31 =	vshrl.u32 v29, $0x10;
	v32 =	vld [tilespmem:s22+$0x100]  }
0xbf: {  	v28 =	vand.u32 $0xFFFF0000, v28;
	v31 =	vand.u32 $0x1, v31;
	v33 =	vld [tilespmem:s22+$0x200]  }
0xc0: {  	v29 =	vadd.s32 v31, v29;
	v31 =	vmul.f32 v28, v12;
	v35 =	vmul.f32 v28, v13;
	v34 =	vld [tilespmem:s22+$0x80]  }
0xc1: {  	v36 =	vmul.f32 v28, v14;
	v38 =	vmul.f32 v28, v18;
	v29 =	vadd.s32 $0x7FFF, v29;
	v37 =	vld [tilespmem:s22+$0x300]  }
0xc2: {  	v29 =	vand.u32 $0xFFFF0000, v29;
	v30 =	vadd.f32 v31, v30;
	v31 =	vmul.f32 v28, v16  }
0xc3: {  	v39 =	vmul.f32 v29, v20;
	v32 =	vadd.f32 v36, v32;
	v36 =	vmul.f32 v29, v23;
	v40 =	vld [tilespmem:s22+$0x280]  }
0xc4: {  	v41 =	vmul.f32 v29, v22;
	v31 =	vadd.f32 v33, v31;
	v33 =	vmul.f32 v28, v17  }
0xc5: {  	v42 =	vmul.f32 v29, v19;
	v34 =	vadd.f32 v35, v34;
	v35 =	vmul.f32 v29, v21;
	v43 =	vld [tilespmem:s22+$0x180]  }
0xc6: {  	v31 =	vadd.f32 v31, v36;
	v36 =	vmul.f32 v29, v24;
	v37 =	vadd.f32 v37, v38  }
0xc7: {  	v38 =	vadd.f32 v42, v30;
	v30 =	vadd.f32 v39, v34;
	v34 =	vmul.f32 v29, v25  }
.Ltmp1:
0xc8: {  	v32 =	vadd.f32 v35, v32;
	v35 =	vmul.f32 v28, v15;
	v33 =	vadd.f32 v40, v33;
	(pc) =	sbr.rel @!p0 .LBB2_6-.Ltmp1, $4  }
0xc9: {  	[tilespmem:s22+$0x200] =	vst v31;
	v31 =	vadd.f32 v37, v34  }
0xca: {  	[tilespmem:s22+$0x80] =	vst v30;
	v34 =	vadd.f32 v35, v43;
	v30 =	vadd.f32 v33, v36  }
0xcb: {  	s0 =	sadd.s32 $0x10, s0;
	[tilespmem:s22+$0x100] =	vst v32  }
0xcc: {  	s26 =	sand.u32 $0x7, s24;
	s2 =	sadd.s32 $0x10, s2;
	s6 =	sadd.s32 $0x10, s6;
	[tilespmem:s25+$0x12000] =	vst v38;
	v32 =	vadd.f32 v41, v34  }
0xcd: {  	s0 =	sshll.u32 s26, $0x4;
	[tilespmem:s22+$0x300] =	vst v31  }
0xce: {  	[tilespmem:s22+$0x280] =	vst v30;
	s0 =	sadd.s32 s0, s8  }
0xcf: {  	[tilespmem:s22+$0x180] =	vst v32;
	s0 =	sor.u32 $0x380, s0  }
0xd0: {  	v9 =	vld [tilespmem:s0+$0x12000];
	_ =	sdelay $0x2  }
0xd1: {  	v10 =	vmul.f32 v28, v26;
	_ =	sdelay $0x1  }
0xd2: {  	v9 =	vadd.f32 v9, v10;
	v10 =	vmul.f32 v29, v27;
	_ =	sdelay $0x1  }
0xd3: {  	v9 =	vadd.f32 v9, v10;
	_ =	sdelay $0x1  }
0xd4: {  	[tilespmem:s0+$0x12000] =	vst v9  }
0xd5: {  	p0 =	seq.s32 s31, $0x10  }
.Ltmp2:
0xd6: {  	_ = 	snop;
	(pc) =	sbr.rel @!p0 .LBB2_5-.Ltmp2, $1  }
0xd7: {  	_ =	sdelay $0x3  }
0xd8: {  	_ =	sdelay $0x1  }
0xd9: {  	s0 =	simm.s32 $0x0  }
0xda: {  	s2 =	sand.u32 $0x70, s0;
	s4 =	sand.u32 $0x3C00, s0  }
0xdb: {  	v16 =	vld.idx.msk [tilespmem:v4+s28+$0x0], $0xffff;
	s2 =	sor.u32 s2, s4  }
0xdc: {  	v9 =	vld [tilespmem:s2+$0x12180]  }
0xdd: {  	v13 =	vld.idx.msk [tilespmem:v1+s28+$0x0], $0xffff  }
0xde: {  	v10 =	vld [tilespmem:s2+$0x12000];
	_ =	sdelay $0x1  }
0xdf: {  	v14 =	vld.idx.msk [tilespmem:v2+s28+$0x0], $0xffff  }
0xe0: {  	v15 =	vld.idx.msk [tilespmem:v3+s28+$0x0], $0xffff;
	v17 =	vadd.f32 v9, v16  }
0xe1: {  	v11 =	vld [tilespmem:s2+$0x12080]  }
0xe2: {  	v12 =	vld [tilespmem:s2+$0x12100];
	v19 =	vadd.f32 v10, v13;
	v9 =	vsub.f32 $0.0e+00, v17;
	_ =	sdelay $0x1  }
0xe3: {  	v10 =	vsub.f32 $0.0e+00, v19;
	v9 =	vmul.f32 $1.442695020e+00, v9;
	_ =	sdelay $0x1  }
0xe4: {  	v20 =	vadd.f32 v11, v14;
	v10 =	vmul.f32 $1.442695020e+00, v10;
	(erf) = vpow2.f32 v9  }
0xe5: {  	v21 =	vadd.f32 v12, v15  }
0xe6: {  	v11 =	vsub.f32 $0.0e+00, v20;
	(erf) = vpow2.f32 v10  }
0xe7: {  	v12 =	vsub.f32 $0.0e+00, v21  }
0xe8: {  	v9 =	vmul.f32 $1.442695020e+00, v11  }
0xe9: {  	v11 =	vmul.f32 $1.442695020e+00, v12  }
0xea: {  	(erf) = vpow2.f32 v9  }
0xeb: {  	(erf) = vpow2.f32 v11;
	_ =	sdelay $0x1  }
0xec: {  	v9 =	vpop (erf)  }
0xed: {  	v9 =	vadd.f32 $1.000000000e+00, v9  }
0xee: {  	v10 =	vpop (erf)  }
0xef: {  	v10 =	vadd.f32 $1.000000000e+00, v10;
	(erf) = vrcp.f32 v9;
	_ =	sdelay $0x1  }
0xf0: {  	(erf) = vrcp.f32 v10  }
0xf1: {  	v9 =	vpop (erf)  }
0xf2: {  	s4 =	simm.s32 $0x1800;
	v9 =	vadd.f32 $1.000000000e+00, v9;
	v11 =	vpop (erf)  }
0xf3: {  	s5 =	sand.u32 $0x7, s0;
	v12 =	vld [tilespmem:s4+$0x0];
	v11 =	vadd.f32 $1.000000000e+00, v11  }
0xf4: {  	s5 =	sshll.u32 s5, $0x4;
	(erf) = vrcp.f32 v9  }
0xf5: {  	s5 =	sadd.s32 $0x0, s5;
	(erf) = vrcp.f32 v11  }
0xf6: {  	s6 =	sor.u32 $0x380, s5  }
0xf7: {  	v23 =	vld [tilespmem:s6+$0x12000];
	v18 =	vpop (erf)  }
0xf8: {  	v10 =	vld.idx.msk [tilespmem:v6+s28+$0x0], $0xffff;
	v18 =	vmul.f32 v18, v12  }
0xf9: {  	v9 =	vld.idx.msk [tilespmem:v5+s28+$0x0], $0xffff;
	v22 =	vpop (erf)  }
0xfa: {  	v11 =	vld.idx.msk [tilespmem:v7+s28+$0x0], $0xffff;
	v22 =	vmul.f32 v18, v22  }
0xfb: {  	v12 =	vld.idx.msk [tilespmem:v8+s28+$0x0], $0xffff;
	[tilespmem:s2+$0x16000] =	vst v18;
	v19 =	vmul.f32 v18, v19  }
0xfc: {  	v20 =	vmul.f32 v18, v20;
	[tilespmem:s2+$0x16080] =	vst v22  }
0xfd: {  	v21 =	vmul.f32 v18, v21;
	v24 =	vpop (erf);
	[tilespmem:s2+$0x16200] =	vst v19  }
0xfe: {  	[tilespmem:s2+$0x16280] =	vst v20;
	v24 =	vmul.f32 v18, v24;
	v25 =	vpop (erf)  }
0xff: {  	[tilespmem:s2+$0x16300] =	vst v21;
	v22 =	vmul.f32 v18, v25  }
0x100: {  	s7 =	simm.s32 $0x10;
	s5 =	simm.s32 $0x80;
	v17 =	vmul.f32 v18, v17;
	v19 =	vld [tilespmem:s2+$0x12200];
	v21 =	vadd.f32 v23, v12;
	[tilespmem:s2+$0x16100] =	vst v24  }
0x101: {  	s7 =	sand.u32 $0x70, s7;
	s8 =	sand.u32 $0x3C00, s5;
	v20 =	vld [tilespmem:s2+$0x12280];
	[tilespmem:s2+$0x16180] =	vst v22  }
0x102: {  	s7 =	sor.u32 s7, s8;
	v24 =	vld [tilespmem:s2+$0x12300];
	[tilespmem:s6+$0x16000] =	vst v17;
	v17 =	vmul.f32 v18, v21  }
0x103: {  	v25 =	vld [tilespmem:s7+$0x12180]  }
0x104: {  	[tilespmem:s2+$0x1A180] =	vst v17  }
0x105: {  	v17 =	vadd.f32 v19, v9;
	v22 =	vld [tilespmem:s7+$0x12000]  }
0x106: {  	v20 =	vadd.f32 v20, v10;
	v23 =	vld [tilespmem:s7+$0x12080]  }
0x107: {  	v19 =	vadd.f32 v24, v11;
	v24 =	vld [tilespmem:s7+$0x12100];
	v21 =	vmul.f32 v18, v17  }
0x108: {  	s6 =	simm.s32 $0x20;
	v20 =	vmul.f32 v18, v20;
	v17 =	vadd.f32 v25, v16  }
.LBB2_9:
0x109: {  	p0 =	sne.s32 s6, $0x7F0;
	[tilespmem:s2+$0x1A000] =	vst v21;
	v18 =	vmul.f32 v18, v19  }
0x10a: {  	v19 =	vadd.f32 v22, v13;
	v21 =	vsub.f32 $0.0e+00, v17;
	[tilespmem:s2+$0x1A080] =	vst v20  }
0x10b: {  	v20 =	vadd.f32 v23, v14;
	[tilespmem:s2+$0x1A100] =	vst v18;
	s2 =	smov.u32 s7  }
0x10c: {  	v22 =	vadd.f32 v24, v15;
	v18 =	vmul.f32 $1.442695020e+00, v21;
	v21 =	vsub.f32 $0.0e+00, v19  }
0x10d: {  	v23 =	vsub.f32 $0.0e+00, v20  }
0x10e: {  	v21 =	vmul.f32 $1.442695020e+00, v21;
	v24 =	vsub.f32 $0.0e+00, v22;
	(erf) = vpow2.f32 v18  }
0x10f: {  	v18 =	vmul.f32 $1.442695020e+00, v23  }
0x110: {  	v23 =	vmul.f32 $1.442695020e+00, v24;
	(erf) = vpow2.f32 v21  }
0x111: {  	(erf) = vpow2.f32 v18  }
0x112: {  	(erf) = vpow2.f32 v23;
	_ =	sdelay $0x4  }
0x113: {  	v18 =	vpop (erf)  }
0x114: {  	v24 =	vadd.f32 $1.000000000e+00, v18  }
0x115: {  	v21 =	vpop (erf)  }
0x116: {  	v21 =	vadd.f32 $1.000000000e+00, v21;
	(erf) = vrcp.f32 v24;
	v18 =	vpop (erf)  }
0x117: {  	v18 =	vadd.f32 $1.000000000e+00, v18;
	v23 =	vpop (erf)  }
0x118: {  	v23 =	vadd.f32 $1.000000000e+00, v23;
	(erf) = vrcp.f32 v21  }
0x119: {  	(erf) = vrcp.f32 v18  }
0x11a: {  	s4 =	sadd.s32 $0x10, s4;
	(erf) = vrcp.f32 v23  }
0x11b: {  	v18 =	vld [tilespmem:s4+$0x0];
	_ =	sdelay $0x1  }
0x11c: {  	s0 =	sadd.s32 $0x1, s0  }
0x11d: {  	s7 =	sand.u32 $0x7, s0  }
0x11e: {  	s7 =	sshll.u32 s7, $0x4;
	v21 =	vpop (erf)  }
0x11f: {  	s7 =	sadd.s32 s7, s5;
	v18 =	vmul.f32 v21, v18  }
0x120: {  	s8 =	sor.u32 $0x380, s7;
	v21 =	vpop (erf)  }
0x121: {  	v23 =	vld [tilespmem:s8+$0x12000];
	v21 =	vmul.f32 v18, v21;
	v24 =	vpop (erf)  }
0x122: {  	[tilespmem:s2+$0x16000] =	vst v18;
	v24 =	vmul.f32 v18, v24;
	v25 =	vpop (erf)  }
0x123: {  	[tilespmem:s2+$0x16080] =	vst v21;
	v21 =	vmul.f32 v18, v25  }
0x124: {  	v19 =	vmul.f32 v18, v19;
	[tilespmem:s2+$0x16100] =	vst v24  }
0x125: {  	v20 =	vmul.f32 v18, v20;
	[tilespmem:s2+$0x16180] =	vst v21  }
0x126: {  	v21 =	vadd.f32 v23, v12;
	[tilespmem:s2+$0x16200] =	vst v19;
	v19 =	vmul.f32 v18, v22  }
0x127: {  	s5 =	sadd.s32 $0x80, s5;
	v17 =	vmul.f32 v18, v17;
	v23 =	vld [tilespmem:s2+$0x12200];
	[tilespmem:s2+$0x16280] =	vst v20  }
0x128: {  	s7 =	sand.u32 $0x70, s6;
	s22 =	sand.u32 $0x3C00, s5;
	v20 =	vld [tilespmem:s2+$0x12280];
	[tilespmem:s2+$0x16300] =	vst v19;
	v19 =	vmul.f32 v18, v21  }
0x129: {  	s7 =	sor.u32 s7, s22;
	v21 =	vld [tilespmem:s2+$0x12300];
	[tilespmem:s8+$0x16000] =	vst v17  }
0x12a: {  	v17 =	vld [tilespmem:s7+$0x12180];
	[tilespmem:s2+$0x1A180] =	vst v19  }
.Ltmp3:
0x12b: {  	(pc) =	sbr.rel @p0 .LBB2_9-.Ltmp3, $4  }
0x12c: {  	v22 =	vld [tilespmem:s7+$0x12000];
	v25 =	vadd.f32 v23, v9  }
0x12d: {  	v23 =	vld [tilespmem:s7+$0x12080];
	v20 =	vadd.f32 v20, v10  }
0x12e: {  	v24 =	vld [tilespmem:s7+$0x12100];
	v19 =	vadd.f32 v21, v11;
	v21 =	vmul.f32 v18, v25  }
0x12f: {  	s6 =	sadd.s32 $0x10, s6;
	v17 =	vadd.f32 v17, v16;
	v20 =	vmul.f32 v18, v20  }
0x130: {  	_ = 	snop  }
0x131: {  	v13 =	vadd.f32 v22, v13;
	v16 =	vsub.f32 $0.0e+00, v17;
	_ =	sdelay $0x1  }
0x132: {  	v16 =	vmul.f32 $1.442695020e+00, v16;
	v22 =	vsub.f32 $0.0e+00, v13;
	_ =	sdelay $0x1  }
0x133: {  	v14 =	vadd.f32 v23, v14;
	v22 =	vmul.f32 $1.442695020e+00, v22;
	(erf) = vpow2.f32 v16  }
0x134: {  	v15 =	vadd.f32 v24, v15  }
0x135: {  	v23 =	vsub.f32 $0.0e+00, v14;
	(erf) = vpow2.f32 v22  }
0x136: {  	v48 =	vsub.f32 $0.0e+00, v15  }
0x137: {  	v23 =	vmul.f32 $1.442695020e+00, v23  }
0x138: {  	v16 =	vmul.f32 $1.442695020e+00, v48  }
0x139: {  	(erf) = vpow2.f32 v23  }
0x13a: {  	(erf) = vpow2.f32 v16;
	_ =	sdelay $0x1  }
0x13b: {  	v49 =	vpop (erf)  }
0x13c: {  	v16 =	vadd.f32 $1.000000000e+00, v49  }
0x13d: {  	v22 =	vpop (erf)  }
0x13e: {  	v22 =	vadd.f32 $1.000000000e+00, v22;
	(erf) = vrcp.f32 v16;
	_ =	sdelay $0x1  }
0x13f: {  	[tilespmem:s2+$0x1A000] =	vst v21;
	v18 =	vmul.f32 v18, v19;
	(erf) = vrcp.f32 v22  }
0x140: {  	[tilespmem:s2+$0x1A080] =	vst v20;
	v50 =	vpop (erf)  }
0x141: {  	s31 =	sadd.s32 $0x10, s4;
	[tilespmem:s2+$0x1A100] =	vst v18;
	v16 =	vadd.f32 $1.000000000e+00, v50;
	v51 =	vpop (erf)  }
0x142: {  	v53 =	vld [tilespmem:s31+$0x0];
	v52 =	vadd.f32 $1.000000000e+00, v51  }
0x143: {  	(erf) = vrcp.f32 v16  }
0x144: {  	s0 =	sadd.s32 $0x1, s0;
	(erf) = vrcp.f32 v52  }
0x145: {  	s0 =	sand.u32 $0x7, s0  }
0x146: {  	s0 =	sshll.u32 s0, $0x4;
	v54 =	vpop (erf)  }
0x147: {  	s0 =	sadd.s32 s0, s5;
	v16 =	vmul.f32 v54, v53  }
0x148: {  	s0 =	sor.u32 $0x380, s0;
	v55 =	vpop (erf)  }
0x149: {  	v56 =	vld [tilespmem:s0+$0x12000];
	v18 =	vmul.f32 v16, v55  }
0x14a: {  	v60 =	vld [tilespmem:s7+$0x12200];
	[tilespmem:s7+$0x16000] =	vst v16;
	v13 =	vmul.f32 v16, v13  }
0x14b: {  	v61 =	vld [tilespmem:s7+$0x12280];
	v14 =	vmul.f32 v16, v14;
	[tilespmem:s7+$0x16080] =	vst v18  }
0x14c: {  	v62 =	vld [tilespmem:s7+$0x12300];
	v57 =	vpop (erf);
	v15 =	vmul.f32 v16, v15;
	[tilespmem:s7+$0x16200] =	vst v13  }
0x14d: {  	v20 =	vmul.f32 v16, v57;
	v58 =	vpop (erf);
	[tilespmem:s7+$0x16280] =	vst v14  }
0x14e: {  	v12 =	vadd.f32 v56, v12;
	v59 =	vmul.f32 v16, v58;
	[tilespmem:s7+$0x16300] =	vst v15  }
0x14f: {  	v9 =	vadd.f32 v60, v9;
	v63 =	vmul.f32 v16, v17;
	[tilespmem:s7+$0x16100] =	vst v20  }
0x150: {  	v10 =	vadd.f32 v61, v10;
	v12 =	vmul.f32 v16, v12;
	[tilespmem:s7+$0x16180] =	vst v59  }
0x151: {  	v11 =	vadd.f32 v62, v11;
	v9 =	vmul.f32 v16, v9;
	[tilespmem:s0+$0x16000] =	vst v63  }
0x152: {  	v10 =	vmul.f32 v16, v10;
	[tilespmem:s7+$0x1A180] =	vst v12  }
0x153: {  	[tilespmem:s7+$0x1A000] =	vst v9;
	v9 =	vmul.f32 v16, v11  }
0x154: {  	[tilespmem:s7+$0x1A080] =	vst v10  }
0x155: {  	s4 =	simm.s32 $0x16000;
	[tilespmem:s7+$0x1A100] =	vst v9  }
0x156: {  	[hbm4b:s9+s3] =	stream.linear.scatter [tilespmem:s4], [sflag:$0x2], $0x80, $0x38;
	[tilespmem:$0x1E180] =	vst v63  }
0x157: {  	s5 =	sadd.s32 $0x80, s9;
	s4 =	simm.s32 $0x16400  }
0x158: {  	[hbm4b:s5+s3] =	stream.linear.scatter [tilespmem:s4], [sflag:$0x2], $0x80, $0x38;
	[tilespmem:$0x1E180] =	vst v63  }
0x159: {  	s6 =	sadd.s32 $0x100, s9;
	s5 =	simm.s32 $0x16800  }
0x15a: {  	[hbm4b:s6+s3] =	stream.linear.scatter [tilespmem:s5], [sflag:$0x2], $0x80, $0x38;
	[tilespmem:$0x1E180] =	vst v63  }
0x15b: {  	s7 =	sadd.s32 $0x180, s9;
	s6 =	simm.s32 $0x16C00  }
0x15c: {  	[hbm4b:s7+s3] =	stream.linear.scatter [tilespmem:s6], [sflag:$0x2], $0x80, $0x38;
	[tilespmem:$0x1E180] =	vst v63  }
0x15d: {  	s8 =	sadd.s32 $0x200, s9;
	s7 =	simm.s32 $0x17000  }
0x15e: {  	[hbm4b:s8+s3] =	stream.linear.scatter [tilespmem:s7], [sflag:$0x2], $0x80, $0x38;
	[tilespmem:$0x1E180] =	vst v63  }
0x15f: {  	s22 =	sadd.s32 $0x280, s9;
	s8 =	simm.s32 $0x17400  }
0x160: {  	[hbm4b:s22+s3] =	stream.linear.scatter [tilespmem:s8], [sflag:$0x2], $0x80, $0x38;
	[tilespmem:$0x1E180] =	vst v63  }
0x161: {  	s24 =	sadd.s32 $0x300, s9;
	s22 =	simm.s32 $0x17800  }
0x162: {  	[hbm4b:s24+s3] =	stream.linear.scatter [tilespmem:s22], [sflag:$0x2], $0x80, $0x38;
	[tilespmem:$0x1E180] =	vst v63  }
0x163: {  	s25 =	sadd.s32 $0x380, s9;
	s24 =	simm.s32 $0x17C00  }
0x164: {  	[hbm4b:s25+s3] =	stream.linear.scatter [tilespmem:s24], [sflag:$0x2], $0x80, $0x38;
	[tilespmem:$0x1E180] =	vst v63  }
0x165: {  	s26 =	sadd.s32 $0x400, s9;
	s25 =	simm.s32 $0x18000  }
0x166: {  	[hbm4b:s26+s3] =	stream.linear.scatter [tilespmem:s25], [sflag:$0x2], $0x80, $0x38;
	[tilespmem:$0x1E180] =	vst v63  }
0x167: {  	s31 =	sadd.s32 $0x480, s9;
	s26 =	simm.s32 $0x18400  }
0x168: {  	[hbm4b:s31+s3] =	stream.linear.scatter [tilespmem:s26], [sflag:$0x2], $0x80, $0x38;
	[tilespmem:$0x1E180] =	vst v63  }
0x169: {  	s2 =	sadd.s32 $0x500, s9;
	s31 =	simm.s32 $0x18800  }
0x16a: {  	[hbm4b:s2+s3] =	stream.linear.scatter [tilespmem:s31], [sflag:$0x2], $0x80, $0x38;
	[tilespmem:$0x1E180] =	vst v63  }
0x16b: {  	s0 =	sadd.s32 $0x580, s9;
	s2 =	simm.s32 $0x18C00  }
0x16c: {  	[hbm4b:s0+s3] =	stream.linear.scatter [tilespmem:s2], [sflag:$0x2], $0x80, $0x38;
	[tilespmem:$0x1E180] =	vst v63  }
0x16d: {  	s0 =	sadd.s32 $0x600, s9;
	s2 =	simm.s32 $0x19000  }
0x16e: {  	[hbm4b:s0+s3] =	stream.linear.scatter [tilespmem:s2], [sflag:$0x2], $0x80, $0x38;
	[tilespmem:$0x1E180] =	vst v63  }
0x16f: {  	s0 =	sadd.s32 $0x680, s9;
	s2 =	simm.s32 $0x19400  }
0x170: {  	[hbm4b:s0+s3] =	stream.linear.scatter [tilespmem:s2], [sflag:$0x2], $0x80, $0x38;
	[tilespmem:$0x1E180] =	vst v63  }
0x171: {  	s0 =	sadd.s32 $0x700, s9;
	s2 =	simm.s32 $0x19800  }
0x172: {  	[hbm4b:s0+s3] =	stream.linear.scatter [tilespmem:s2], [sflag:$0x2], $0x80, $0x38;
	[tilespmem:$0x1E180] =	vst v63  }
0x173: {  	s0 =	sadd.s32 $0x780, s9;
	s2 =	simm.s32 $0x19C00  }
0x174: {  	[hbm4b:s0+s3] =	stream.linear.scatter [tilespmem:s2], [sflag:$0x2], $0x80, $0x38;
	[tilespmem:$0x1E180] =	vst v63  }
0x175: {  	_ =	swait.ge [sflag:s23], $0x800  }
0x176: {  	[sflag:s23] =	ssyncset.done $0x0  }
0x177: {  	s2 =	simm.s32 $0x16080;
	[sflag:s23] =	ssyncadd.s32 $0xFFFFF800  }
0x178: {  	[hbm4b:s10+s3] =	stream.linear.scatter [tilespmem:s2], [sflag:$0x2], $0x80, $0x38;
	[tilespmem:$0x1E180] =	vst v63  }
0x179: {  	s0 =	sadd.s32 $0x80, s10;
	s2 =	simm.s32 $0x16480  }
0x17a: {  	[hbm4b:s0+s3] =	stream.linear.scatter [tilespmem:s2], [sflag:$0x2], $0x80, $0x38;
	[tilespmem:$0x1E180] =	vst v63  }
0x17b: {  	s0 =	sadd.s32 $0x100, s10;
	s2 =	simm.s32 $0x16880  }
0x17c: {  	[hbm4b:s0+s3] =	stream.linear.scatter [tilespmem:s2], [sflag:$0x2], $0x80, $0x38;
	[tilespmem:$0x1E180] =	vst v63  }
0x17d: {  	s0 =	sadd.s32 $0x180, s10;
	s2 =	simm.s32 $0x16C80  }
0x17e: {  	[hbm4b:s0+s3] =	stream.linear.scatter [tilespmem:s2], [sflag:$0x2], $0x80, $0x38;
	[tilespmem:$0x1E180] =	vst v63  }
0x17f: {  	s0 =	sadd.s32 $0x200, s10;
	s2 =	simm.s32 $0x17080  }
0x180: {  	[hbm4b:s0+s3] =	stream.linear.scatter [tilespmem:s2], [sflag:$0x2], $0x80, $0x38;
	[tilespmem:$0x1E180] =	vst v63  }
0x181: {  	s0 =	sadd.s32 $0x280, s10;
	s2 =	simm.s32 $0x17480  }
0x182: {  	[hbm4b:s0+s3] =	stream.linear.scatter [tilespmem:s2], [sflag:$0x2], $0x80, $0x38;
	[tilespmem:$0x1E180] =	vst v63  }
0x183: {  	s0 =	sadd.s32 $0x300, s10;
	s2 =	simm.s32 $0x17880  }
0x184: {  	[hbm4b:s0+s3] =	stream.linear.scatter [tilespmem:s2], [sflag:$0x2], $0x80, $0x38;
	[tilespmem:$0x1E180] =	vst v63  }
0x185: {  	s0 =	sadd.s32 $0x380, s10;
	s2 =	simm.s32 $0x17C80  }
0x186: {  	[hbm4b:s0+s3] =	stream.linear.scatter [tilespmem:s2], [sflag:$0x2], $0x80, $0x38;
	[tilespmem:$0x1E180] =	vst v63  }
0x187: {  	s0 =	sadd.s32 $0x400, s10;
	s2 =	simm.s32 $0x18080  }
0x188: {  	[hbm4b:s0+s3] =	stream.linear.scatter [tilespmem:s2], [sflag:$0x2], $0x80, $0x38;
	[tilespmem:$0x1E180] =	vst v63  }
0x189: {  	s0 =	sadd.s32 $0x480, s10;
	s2 =	simm.s32 $0x18480  }
0x18a: {  	[hbm4b:s0+s3] =	stream.linear.scatter [tilespmem:s2], [sflag:$0x2], $0x80, $0x38;
	[tilespmem:$0x1E180] =	vst v63  }
0x18b: {  	s0 =	sadd.s32 $0x500, s10;
	s2 =	simm.s32 $0x18880  }
0x18c: {  	[hbm4b:s0+s3] =	stream.linear.scatter [tilespmem:s2], [sflag:$0x2], $0x80, $0x38;
	[tilespmem:$0x1E180] =	vst v63  }
0x18d: {  	s0 =	sadd.s32 $0x580, s10;
	s2 =	simm.s32 $0x18C80  }
0x18e: {  	[hbm4b:s0+s3] =	stream.linear.scatter [tilespmem:s2], [sflag:$0x2], $0x80, $0x38;
	[tilespmem:$0x1E180] =	vst v63  }
0x18f: {  	s0 =	sadd.s32 $0x600, s10;
	s2 =	simm.s32 $0x19080  }
0x190: {  	[hbm4b:s0+s3] =	stream.linear.scatter [tilespmem:s2], [sflag:$0x2], $0x80, $0x38;
	[tilespmem:$0x1E180] =	vst v63  }
0x191: {  	s0 =	sadd.s32 $0x680, s10;
	s2 =	simm.s32 $0x19480  }
0x192: {  	[hbm4b:s0+s3] =	stream.linear.scatter [tilespmem:s2], [sflag:$0x2], $0x80, $0x38;
	[tilespmem:$0x1E180] =	vst v63  }
0x193: {  	s0 =	sadd.s32 $0x700, s10;
	s2 =	simm.s32 $0x19880  }
0x194: {  	[hbm4b:s0+s3] =	stream.linear.scatter [tilespmem:s2], [sflag:$0x2], $0x80, $0x38;
	[tilespmem:$0x1E180] =	vst v63  }
0x195: {  	s0 =	sadd.s32 $0x780, s10;
	s2 =	simm.s32 $0x19C80  }
0x196: {  	[hbm4b:s0+s3] =	stream.linear.scatter [tilespmem:s2], [sflag:$0x2], $0x80, $0x38;
	[tilespmem:$0x1E180] =	vst v63  }
0x197: {  	_ =	swait.ge [sflag:s23], $0x800  }
0x198: {  	[sflag:s23] =	ssyncset.done $0x0  }
0x199: {  	s2 =	simm.s32 $0x16100;
	[sflag:s23] =	ssyncadd.s32 $0xFFFFF800  }
0x19a: {  	[hbm4b:s11+s3] =	stream.linear.scatter [tilespmem:s2], [sflag:$0x2], $0x80, $0x38;
	[tilespmem:$0x1E180] =	vst v63  }
0x19b: {  	s0 =	sadd.s32 $0x80, s11;
	s2 =	simm.s32 $0x16500  }
0x19c: {  	[hbm4b:s0+s3] =	stream.linear.scatter [tilespmem:s2], [sflag:$0x2], $0x80, $0x38;
	[tilespmem:$0x1E180] =	vst v63  }
0x19d: {  	s0 =	sadd.s32 $0x100, s11;
	s2 =	simm.s32 $0x16900  }
0x19e: {  	[hbm4b:s0+s3] =	stream.linear.scatter [tilespmem:s2], [sflag:$0x2], $0x80, $0x38;
	[tilespmem:$0x1E180] =	vst v63  }
0x19f: {  	s0 =	sadd.s32 $0x180, s11;
	s2 =	simm.s32 $0x16D00  }
0x1a0: {  	[hbm4b:s0+s3] =	stream.linear.scatter [tilespmem:s2], [sflag:$0x2], $0x80, $0x38;
	[tilespmem:$0x1E180] =	vst v63  }
0x1a1: {  	s0 =	sadd.s32 $0x200, s11;
	s2 =	simm.s32 $0x17100  }
0x1a2: {  	[hbm4b:s0+s3] =	stream.linear.scatter [tilespmem:s2], [sflag:$0x2], $0x80, $0x38;
	[tilespmem:$0x1E180] =	vst v63  }
0x1a3: {  	s0 =	sadd.s32 $0x280, s11;
	s2 =	simm.s32 $0x17500  }
0x1a4: {  	[hbm4b:s0+s3] =	stream.linear.scatter [tilespmem:s2], [sflag:$0x2], $0x80, $0x38;
	[tilespmem:$0x1E180] =	vst v63  }
0x1a5: {  	s0 =	sadd.s32 $0x300, s11;
	s2 =	simm.s32 $0x17900  }
0x1a6: {  	[hbm4b:s0+s3] =	stream.linear.scatter [tilespmem:s2], [sflag:$0x2], $0x80, $0x38;
	[tilespmem:$0x1E180] =	vst v63  }
0x1a7: {  	s0 =	sadd.s32 $0x380, s11;
	s2 =	simm.s32 $0x17D00  }
0x1a8: {  	[hbm4b:s0+s3] =	stream.linear.scatter [tilespmem:s2], [sflag:$0x2], $0x80, $0x38;
	[tilespmem:$0x1E180] =	vst v63  }
0x1a9: {  	s0 =	sadd.s32 $0x400, s11;
	s2 =	simm.s32 $0x18100  }
0x1aa: {  	[hbm4b:s0+s3] =	stream.linear.scatter [tilespmem:s2], [sflag:$0x2], $0x80, $0x38;
	[tilespmem:$0x1E180] =	vst v63  }
0x1ab: {  	s0 =	sadd.s32 $0x480, s11;
	s2 =	simm.s32 $0x18500  }
0x1ac: {  	[hbm4b:s0+s3] =	stream.linear.scatter [tilespmem:s2], [sflag:$0x2], $0x80, $0x38;
	[tilespmem:$0x1E180] =	vst v63  }
0x1ad: {  	s0 =	sadd.s32 $0x500, s11;
	s2 =	simm.s32 $0x18900  }
0x1ae: {  	[hbm4b:s0+s3] =	stream.linear.scatter [tilespmem:s2], [sflag:$0x2], $0x80, $0x38;
	[tilespmem:$0x1E180] =	vst v63  }
0x1af: {  	s0 =	sadd.s32 $0x580, s11;
	s2 =	simm.s32 $0x18D00  }
0x1b0: {  	[hbm4b:s0+s3] =	stream.linear.scatter [tilespmem:s2], [sflag:$0x2], $0x80, $0x38;
	[tilespmem:$0x1E180] =	vst v63  }
0x1b1: {  	s0 =	sadd.s32 $0x600, s11;
	s2 =	simm.s32 $0x19100  }
0x1b2: {  	[hbm4b:s0+s3] =	stream.linear.scatter [tilespmem:s2], [sflag:$0x2], $0x80, $0x38;
	[tilespmem:$0x1E180] =	vst v63  }
0x1b3: {  	s0 =	sadd.s32 $0x680, s11;
	s2 =	simm.s32 $0x19500  }
0x1b4: {  	[hbm4b:s0+s3] =	stream.linear.scatter [tilespmem:s2], [sflag:$0x2], $0x80, $0x38;
	[tilespmem:$0x1E180] =	vst v63  }
0x1b5: {  	s0 =	sadd.s32 $0x700, s11;
	s2 =	simm.s32 $0x19900  }
0x1b6: {  	[hbm4b:s0+s3] =	stream.linear.scatter [tilespmem:s2], [sflag:$0x2], $0x80, $0x38;
	[tilespmem:$0x1E180] =	vst v63  }
0x1b7: {  	s0 =	sadd.s32 $0x780, s11;
	s2 =	simm.s32 $0x19D00  }
0x1b8: {  	[hbm4b:s0+s3] =	stream.linear.scatter [tilespmem:s2], [sflag:$0x2], $0x80, $0x38;
	[tilespmem:$0x1E180] =	vst v63  }
0x1b9: {  	_ =	swait.ge [sflag:s23], $0x800  }
0x1ba: {  	[sflag:s23] =	ssyncset.done $0x0  }
0x1bb: {  	s2 =	simm.s32 $0x16180;
	[sflag:s23] =	ssyncadd.s32 $0xFFFFF800  }
0x1bc: {  	[hbm4b:s12+s3] =	stream.linear.scatter [tilespmem:s2], [sflag:$0x2], $0x80, $0x38;
	[tilespmem:$0x1E180] =	vst v63  }
0x1bd: {  	s0 =	sadd.s32 $0x80, s12;
	s2 =	simm.s32 $0x16580  }
0x1be: {  	[hbm4b:s0+s3] =	stream.linear.scatter [tilespmem:s2], [sflag:$0x2], $0x80, $0x38;
	[tilespmem:$0x1E180] =	vst v63  }
0x1bf: {  	s0 =	sadd.s32 $0x100, s12;
	s2 =	simm.s32 $0x16980  }
0x1c0: {  	[hbm4b:s0+s3] =	stream.linear.scatter [tilespmem:s2], [sflag:$0x2], $0x80, $0x38;
	[tilespmem:$0x1E180] =	vst v63  }
0x1c1: {  	s0 =	sadd.s32 $0x180, s12;
	s2 =	simm.s32 $0x16D80  }
0x1c2: {  	[hbm4b:s0+s3] =	stream.linear.scatter [tilespmem:s2], [sflag:$0x2], $0x80, $0x38;
	[tilespmem:$0x1E180] =	vst v63  }
0x1c3: {  	s0 =	sadd.s32 $0x200, s12;
	s2 =	simm.s32 $0x17180  }
0x1c4: {  	[hbm4b:s0+s3] =	stream.linear.scatter [tilespmem:s2], [sflag:$0x2], $0x80, $0x38;
	[tilespmem:$0x1E180] =	vst v63  }
0x1c5: {  	s0 =	sadd.s32 $0x280, s12;
	s2 =	simm.s32 $0x17580  }
0x1c6: {  	[hbm4b:s0+s3] =	stream.linear.scatter [tilespmem:s2], [sflag:$0x2], $0x80, $0x38;
	[tilespmem:$0x1E180] =	vst v63  }
0x1c7: {  	s0 =	sadd.s32 $0x300, s12;
	s2 =	simm.s32 $0x17980  }
0x1c8: {  	[hbm4b:s0+s3] =	stream.linear.scatter [tilespmem:s2], [sflag:$0x2], $0x80, $0x38;
	[tilespmem:$0x1E180] =	vst v63  }
0x1c9: {  	s0 =	sadd.s32 $0x380, s12;
	s2 =	simm.s32 $0x17D80  }
0x1ca: {  	[hbm4b:s0+s3] =	stream.linear.scatter [tilespmem:s2], [sflag:$0x2], $0x80, $0x38;
	[tilespmem:$0x1E180] =	vst v63  }
0x1cb: {  	s0 =	sadd.s32 $0x400, s12;
	s2 =	simm.s32 $0x18180  }
0x1cc: {  	[hbm4b:s0+s3] =	stream.linear.scatter [tilespmem:s2], [sflag:$0x2], $0x80, $0x38;
	[tilespmem:$0x1E180] =	vst v63  }
0x1cd: {  	s0 =	sadd.s32 $0x480, s12;
	s2 =	simm.s32 $0x18580  }
0x1ce: {  	[hbm4b:s0+s3] =	stream.linear.scatter [tilespmem:s2], [sflag:$0x2], $0x80, $0x38;
	[tilespmem:$0x1E180] =	vst v63  }
0x1cf: {  	s0 =	sadd.s32 $0x500, s12;
	s2 =	simm.s32 $0x18980  }
0x1d0: {  	[hbm4b:s0+s3] =	stream.linear.scatter [tilespmem:s2], [sflag:$0x2], $0x80, $0x38;
	[tilespmem:$0x1E180] =	vst v63  }
0x1d1: {  	s0 =	sadd.s32 $0x580, s12;
	s2 =	simm.s32 $0x18D80  }
0x1d2: {  	[hbm4b:s0+s3] =	stream.linear.scatter [tilespmem:s2], [sflag:$0x2], $0x80, $0x38;
	[tilespmem:$0x1E180] =	vst v63  }
0x1d3: {  	s0 =	sadd.s32 $0x600, s12;
	s2 =	simm.s32 $0x19180  }
0x1d4: {  	[hbm4b:s0+s3] =	stream.linear.scatter [tilespmem:s2], [sflag:$0x2], $0x80, $0x38;
	[tilespmem:$0x1E180] =	vst v63  }
0x1d5: {  	s0 =	sadd.s32 $0x680, s12;
	s2 =	simm.s32 $0x19580  }
0x1d6: {  	[hbm4b:s0+s3] =	stream.linear.scatter [tilespmem:s2], [sflag:$0x2], $0x80, $0x38;
	[tilespmem:$0x1E180] =	vst v63  }
0x1d7: {  	s0 =	sadd.s32 $0x700, s12;
	s2 =	simm.s32 $0x19980  }
0x1d8: {  	[hbm4b:s0+s3] =	stream.linear.scatter [tilespmem:s2], [sflag:$0x2], $0x80, $0x38;
	[tilespmem:$0x1E180] =	vst v63  }
0x1d9: {  	s0 =	sadd.s32 $0x780, s12;
	s2 =	simm.s32 $0x19D80  }
0x1da: {  	[hbm4b:s0+s3] =	stream.linear.scatter [tilespmem:s2], [sflag:$0x2], $0x80, $0x38;
	[tilespmem:$0x1E180] =	vst v63  }
0x1db: {  	_ =	swait.ge [sflag:s23], $0x800  }
0x1dc: {  	[sflag:s23] =	ssyncset.done $0x0  }
0x1dd: {  	s2 =	simm.s32 $0x16200;
	[sflag:s23] =	ssyncadd.s32 $0xFFFFF800  }
0x1de: {  	[hbm4b:s13+s3] =	stream.linear.scatter [tilespmem:s2], [sflag:$0x2], $0x80, $0x38;
	[tilespmem:$0x1E180] =	vst v63  }
0x1df: {  	s0 =	sadd.s32 $0x80, s13;
	s2 =	simm.s32 $0x16600  }
0x1e0: {  	[hbm4b:s0+s3] =	stream.linear.scatter [tilespmem:s2], [sflag:$0x2], $0x80, $0x38;
	[tilespmem:$0x1E180] =	vst v63  }
0x1e1: {  	s0 =	sadd.s32 $0x100, s13;
	s2 =	simm.s32 $0x16A00  }
0x1e2: {  	[hbm4b:s0+s3] =	stream.linear.scatter [tilespmem:s2], [sflag:$0x2], $0x80, $0x38;
	[tilespmem:$0x1E180] =	vst v63  }
0x1e3: {  	s0 =	sadd.s32 $0x180, s13;
	s2 =	simm.s32 $0x16E00  }
0x1e4: {  	[hbm4b:s0+s3] =	stream.linear.scatter [tilespmem:s2], [sflag:$0x2], $0x80, $0x38;
	[tilespmem:$0x1E180] =	vst v63  }
0x1e5: {  	s0 =	sadd.s32 $0x200, s13;
	s2 =	simm.s32 $0x17200  }
0x1e6: {  	[hbm4b:s0+s3] =	stream.linear.scatter [tilespmem:s2], [sflag:$0x2], $0x80, $0x38;
	[tilespmem:$0x1E180] =	vst v63  }
0x1e7: {  	s0 =	sadd.s32 $0x280, s13;
	s2 =	simm.s32 $0x17600  }
0x1e8: {  	[hbm4b:s0+s3] =	stream.linear.scatter [tilespmem:s2], [sflag:$0x2], $0x80, $0x38;
	[tilespmem:$0x1E180] =	vst v63  }
0x1e9: {  	s0 =	sadd.s32 $0x300, s13;
	s2 =	simm.s32 $0x17A00  }
0x1ea: {  	[hbm4b:s0+s3] =	stream.linear.scatter [tilespmem:s2], [sflag:$0x2], $0x80, $0x38;
	[tilespmem:$0x1E180] =	vst v63  }
0x1eb: {  	s0 =	sadd.s32 $0x380, s13;
	s2 =	simm.s32 $0x17E00  }
0x1ec: {  	[hbm4b:s0+s3] =	stream.linear.scatter [tilespmem:s2], [sflag:$0x2], $0x80, $0x38;
	[tilespmem:$0x1E180] =	vst v63  }
0x1ed: {  	s0 =	sadd.s32 $0x400, s13;
	s2 =	simm.s32 $0x18200  }
0x1ee: {  	[hbm4b:s0+s3] =	stream.linear.scatter [tilespmem:s2], [sflag:$0x2], $0x80, $0x38;
	[tilespmem:$0x1E180] =	vst v63  }
0x1ef: {  	s0 =	sadd.s32 $0x480, s13;
	s2 =	simm.s32 $0x18600  }
0x1f0: {  	[hbm4b:s0+s3] =	stream.linear.scatter [tilespmem:s2], [sflag:$0x2], $0x80, $0x38;
	[tilespmem:$0x1E180] =	vst v63  }
0x1f1: {  	s0 =	sadd.s32 $0x500, s13;
	s2 =	simm.s32 $0x18A00  }
0x1f2: {  	[hbm4b:s0+s3] =	stream.linear.scatter [tilespmem:s2], [sflag:$0x2], $0x80, $0x38;
	[tilespmem:$0x1E180] =	vst v63  }
0x1f3: {  	s0 =	sadd.s32 $0x580, s13;
	s2 =	simm.s32 $0x18E00  }
0x1f4: {  	[hbm4b:s0+s3] =	stream.linear.scatter [tilespmem:s2], [sflag:$0x2], $0x80, $0x38;
	[tilespmem:$0x1E180] =	vst v63  }
0x1f5: {  	s0 =	sadd.s32 $0x600, s13;
	s2 =	simm.s32 $0x19200  }
0x1f6: {  	[hbm4b:s0+s3] =	stream.linear.scatter [tilespmem:s2], [sflag:$0x2], $0x80, $0x38;
	[tilespmem:$0x1E180] =	vst v63  }
0x1f7: {  	s0 =	sadd.s32 $0x680, s13;
	s2 =	simm.s32 $0x19600  }
0x1f8: {  	[hbm4b:s0+s3] =	stream.linear.scatter [tilespmem:s2], [sflag:$0x2], $0x80, $0x38;
	[tilespmem:$0x1E180] =	vst v63  }
0x1f9: {  	s0 =	sadd.s32 $0x700, s13;
	s2 =	simm.s32 $0x19A00  }
0x1fa: {  	[hbm4b:s0+s3] =	stream.linear.scatter [tilespmem:s2], [sflag:$0x2], $0x80, $0x38;
	[tilespmem:$0x1E180] =	vst v63  }
0x1fb: {  	s0 =	sadd.s32 $0x780, s13;
	s2 =	simm.s32 $0x19E00  }
0x1fc: {  	[hbm4b:s0+s3] =	stream.linear.scatter [tilespmem:s2], [sflag:$0x2], $0x80, $0x38;
	[tilespmem:$0x1E180] =	vst v63  }
0x1fd: {  	_ =	swait.ge [sflag:s23], $0x800  }
0x1fe: {  	[sflag:s23] =	ssyncset.done $0x0  }
0x1ff: {  	s2 =	simm.s32 $0x16280;
	[sflag:s23] =	ssyncadd.s32 $0xFFFFF800  }
0x200: {  	[hbm4b:s14+s3] =	stream.linear.scatter [tilespmem:s2], [sflag:$0x2], $0x80, $0x38;
	[tilespmem:$0x1E180] =	vst v63  }
0x201: {  	s0 =	sadd.s32 $0x80, s14;
	s2 =	simm.s32 $0x16680  }
0x202: {  	[hbm4b:s0+s3] =	stream.linear.scatter [tilespmem:s2], [sflag:$0x2], $0x80, $0x38;
	[tilespmem:$0x1E180] =	vst v63  }
0x203: {  	s0 =	sadd.s32 $0x100, s14;
	s2 =	simm.s32 $0x16A80  }
0x204: {  	[hbm4b:s0+s3] =	stream.linear.scatter [tilespmem:s2], [sflag:$0x2], $0x80, $0x38;
	[tilespmem:$0x1E180] =	vst v63  }
0x205: {  	s0 =	sadd.s32 $0x180, s14;
	s2 =	simm.s32 $0x16E80  }
0x206: {  	[hbm4b:s0+s3] =	stream.linear.scatter [tilespmem:s2], [sflag:$0x2], $0x80, $0x38;
	[tilespmem:$0x1E180] =	vst v63  }
0x207: {  	s0 =	sadd.s32 $0x200, s14;
	s2 =	simm.s32 $0x17280  }
0x208: {  	[hbm4b:s0+s3] =	stream.linear.scatter [tilespmem:s2], [sflag:$0x2], $0x80, $0x38;
	[tilespmem:$0x1E180] =	vst v63  }
0x209: {  	s0 =	sadd.s32 $0x280, s14;
	s2 =	simm.s32 $0x17680  }
0x20a: {  	[hbm4b:s0+s3] =	stream.linear.scatter [tilespmem:s2], [sflag:$0x2], $0x80, $0x38;
	[tilespmem:$0x1E180] =	vst v63  }
0x20b: {  	s0 =	sadd.s32 $0x300, s14;
	s2 =	simm.s32 $0x17A80  }
0x20c: {  	[hbm4b:s0+s3] =	stream.linear.scatter [tilespmem:s2], [sflag:$0x2], $0x80, $0x38;
	[tilespmem:$0x1E180] =	vst v63  }
0x20d: {  	s0 =	sadd.s32 $0x380, s14;
	s2 =	simm.s32 $0x17E80  }
0x20e: {  	[hbm4b:s0+s3] =	stream.linear.scatter [tilespmem:s2], [sflag:$0x2], $0x80, $0x38;
	[tilespmem:$0x1E180] =	vst v63  }
0x20f: {  	s0 =	sadd.s32 $0x400, s14;
	s2 =	simm.s32 $0x18280  }
0x210: {  	[hbm4b:s0+s3] =	stream.linear.scatter [tilespmem:s2], [sflag:$0x2], $0x80, $0x38;
	[tilespmem:$0x1E180] =	vst v63  }
0x211: {  	s0 =	sadd.s32 $0x480, s14;
	s2 =	simm.s32 $0x18680  }
0x212: {  	[hbm4b:s0+s3] =	stream.linear.scatter [tilespmem:s2], [sflag:$0x2], $0x80, $0x38;
	[tilespmem:$0x1E180] =	vst v63  }
0x213: {  	s0 =	sadd.s32 $0x500, s14;
	s2 =	simm.s32 $0x18A80  }
0x214: {  	[hbm4b:s0+s3] =	stream.linear.scatter [tilespmem:s2], [sflag:$0x2], $0x80, $0x38;
	[tilespmem:$0x1E180] =	vst v63  }
0x215: {  	s0 =	sadd.s32 $0x580, s14;
	s2 =	simm.s32 $0x18E80  }
0x216: {  	[hbm4b:s0+s3] =	stream.linear.scatter [tilespmem:s2], [sflag:$0x2], $0x80, $0x38;
	[tilespmem:$0x1E180] =	vst v63  }
0x217: {  	s0 =	sadd.s32 $0x600, s14;
	s2 =	simm.s32 $0x19280  }
0x218: {  	[hbm4b:s0+s3] =	stream.linear.scatter [tilespmem:s2], [sflag:$0x2], $0x80, $0x38;
	[tilespmem:$0x1E180] =	vst v63  }
0x219: {  	s0 =	sadd.s32 $0x680, s14;
	s2 =	simm.s32 $0x19680  }
0x21a: {  	[hbm4b:s0+s3] =	stream.linear.scatter [tilespmem:s2], [sflag:$0x2], $0x80, $0x38;
	[tilespmem:$0x1E180] =	vst v63  }
0x21b: {  	s0 =	sadd.s32 $0x700, s14;
	s2 =	simm.s32 $0x19A80  }
0x21c: {  	[hbm4b:s0+s3] =	stream.linear.scatter [tilespmem:s2], [sflag:$0x2], $0x80, $0x38;
	[tilespmem:$0x1E180] =	vst v63  }
0x21d: {  	s0 =	sadd.s32 $0x780, s14;
	s2 =	simm.s32 $0x19E80  }
0x21e: {  	[hbm4b:s0+s3] =	stream.linear.scatter [tilespmem:s2], [sflag:$0x2], $0x80, $0x38;
	[tilespmem:$0x1E180] =	vst v63  }
0x21f: {  	_ =	swait.ge [sflag:s23], $0x800  }
0x220: {  	[sflag:s23] =	ssyncset.done $0x0  }
0x221: {  	s2 =	simm.s32 $0x16300;
	[sflag:s23] =	ssyncadd.s32 $0xFFFFF800  }
0x222: {  	[hbm4b:s15+s3] =	stream.linear.scatter [tilespmem:s2], [sflag:$0x2], $0x80, $0x38;
	[tilespmem:$0x1E180] =	vst v63  }
0x223: {  	s0 =	sadd.s32 $0x80, s15;
	s2 =	simm.s32 $0x16700  }
0x224: {  	[hbm4b:s0+s3] =	stream.linear.scatter [tilespmem:s2], [sflag:$0x2], $0x80, $0x38;
	[tilespmem:$0x1E180] =	vst v63  }
0x225: {  	s0 =	sadd.s32 $0x100, s15;
	s2 =	simm.s32 $0x16B00  }
0x226: {  	[hbm4b:s0+s3] =	stream.linear.scatter [tilespmem:s2], [sflag:$0x2], $0x80, $0x38;
	[tilespmem:$0x1E180] =	vst v63  }
0x227: {  	s0 =	sadd.s32 $0x180, s15;
	s2 =	simm.s32 $0x16F00  }
0x228: {  	[hbm4b:s0+s3] =	stream.linear.scatter [tilespmem:s2], [sflag:$0x2], $0x80, $0x38;
	[tilespmem:$0x1E180] =	vst v63  }
0x229: {  	s0 =	sadd.s32 $0x200, s15;
	s2 =	simm.s32 $0x17300  }
0x22a: {  	[hbm4b:s0+s3] =	stream.linear.scatter [tilespmem:s2], [sflag:$0x2], $0x80, $0x38;
	[tilespmem:$0x1E180] =	vst v63  }
0x22b: {  	s0 =	sadd.s32 $0x280, s15;
	s2 =	simm.s32 $0x17700  }
0x22c: {  	[hbm4b:s0+s3] =	stream.linear.scatter [tilespmem:s2], [sflag:$0x2], $0x80, $0x38;
	[tilespmem:$0x1E180] =	vst v63  }
0x22d: {  	s0 =	sadd.s32 $0x300, s15;
	s2 =	simm.s32 $0x17B00  }
0x22e: {  	[hbm4b:s0+s3] =	stream.linear.scatter [tilespmem:s2], [sflag:$0x2], $0x80, $0x38;
	[tilespmem:$0x1E180] =	vst v63  }
0x22f: {  	s0 =	sadd.s32 $0x380, s15;
	s2 =	simm.s32 $0x17F00  }
0x230: {  	[hbm4b:s0+s3] =	stream.linear.scatter [tilespmem:s2], [sflag:$0x2], $0x80, $0x38;
	[tilespmem:$0x1E180] =	vst v63  }
0x231: {  	s0 =	sadd.s32 $0x400, s15;
	s2 =	simm.s32 $0x18300  }
0x232: {  	[hbm4b:s0+s3] =	stream.linear.scatter [tilespmem:s2], [sflag:$0x2], $0x80, $0x38;
	[tilespmem:$0x1E180] =	vst v63  }
0x233: {  	s0 =	sadd.s32 $0x480, s15;
	s2 =	simm.s32 $0x18700  }
0x234: {  	[hbm4b:s0+s3] =	stream.linear.scatter [tilespmem:s2], [sflag:$0x2], $0x80, $0x38;
	[tilespmem:$0x1E180] =	vst v63  }
0x235: {  	s0 =	sadd.s32 $0x500, s15;
	s2 =	simm.s32 $0x18B00  }
0x236: {  	[hbm4b:s0+s3] =	stream.linear.scatter [tilespmem:s2], [sflag:$0x2], $0x80, $0x38;
	[tilespmem:$0x1E180] =	vst v63  }
0x237: {  	s0 =	sadd.s32 $0x580, s15;
	s2 =	simm.s32 $0x18F00  }
0x238: {  	[hbm4b:s0+s3] =	stream.linear.scatter [tilespmem:s2], [sflag:$0x2], $0x80, $0x38;
	[tilespmem:$0x1E180] =	vst v63  }
0x239: {  	s0 =	sadd.s32 $0x600, s15;
	s2 =	simm.s32 $0x19300  }
0x23a: {  	[hbm4b:s0+s3] =	stream.linear.scatter [tilespmem:s2], [sflag:$0x2], $0x80, $0x38;
	[tilespmem:$0x1E180] =	vst v63  }
0x23b: {  	s0 =	sadd.s32 $0x680, s15;
	s2 =	simm.s32 $0x19700  }
0x23c: {  	[hbm4b:s0+s3] =	stream.linear.scatter [tilespmem:s2], [sflag:$0x2], $0x80, $0x38;
	[tilespmem:$0x1E180] =	vst v63  }
0x23d: {  	s0 =	sadd.s32 $0x700, s15;
	s2 =	simm.s32 $0x19B00  }
0x23e: {  	[hbm4b:s0+s3] =	stream.linear.scatter [tilespmem:s2], [sflag:$0x2], $0x80, $0x38;
	[tilespmem:$0x1E180] =	vst v63  }
0x23f: {  	s0 =	sadd.s32 $0x780, s15;
	s2 =	simm.s32 $0x19F00  }
0x240: {  	[hbm4b:s0+s3] =	stream.linear.scatter [tilespmem:s2], [sflag:$0x2], $0x80, $0x38;
	[tilespmem:$0x1E180] =	vst v63  }
0x241: {  	_ =	swait.ge [sflag:s23], $0x800  }
0x242: {  	[sflag:s23] =	ssyncset.done $0x0  }
0x243: {  	s2 =	simm.s32 $0x16380;
	[sflag:s23] =	ssyncadd.s32 $0xFFFFF800  }
0x244: {  	[hbm4b:s16+s3] =	stream.linear.scatter [tilespmem:s2], [sflag:$0x2], $0x80, $0x38;
	[tilespmem:$0x1E180] =	vst v63  }
0x245: {  	s0 =	sadd.s32 $0x80, s16;
	s2 =	simm.s32 $0x16780  }
0x246: {  	[hbm4b:s0+s3] =	stream.linear.scatter [tilespmem:s2], [sflag:$0x2], $0x80, $0x38;
	[tilespmem:$0x1E180] =	vst v63  }
0x247: {  	s0 =	sadd.s32 $0x100, s16;
	s2 =	simm.s32 $0x16B80  }
0x248: {  	[hbm4b:s0+s3] =	stream.linear.scatter [tilespmem:s2], [sflag:$0x2], $0x80, $0x38;
	[tilespmem:$0x1E180] =	vst v63  }
0x249: {  	s0 =	sadd.s32 $0x180, s16;
	s2 =	simm.s32 $0x16F80  }
0x24a: {  	[hbm4b:s0+s3] =	stream.linear.scatter [tilespmem:s2], [sflag:$0x2], $0x80, $0x38;
	[tilespmem:$0x1E180] =	vst v63  }
0x24b: {  	s0 =	sadd.s32 $0x200, s16;
	s2 =	simm.s32 $0x17380  }
0x24c: {  	[hbm4b:s0+s3] =	stream.linear.scatter [tilespmem:s2], [sflag:$0x2], $0x80, $0x38;
	[tilespmem:$0x1E180] =	vst v63  }
0x24d: {  	s0 =	sadd.s32 $0x280, s16;
	s2 =	simm.s32 $0x17780  }
0x24e: {  	[hbm4b:s0+s3] =	stream.linear.scatter [tilespmem:s2], [sflag:$0x2], $0x80, $0x38;
	[tilespmem:$0x1E180] =	vst v63  }
0x24f: {  	s0 =	sadd.s32 $0x300, s16;
	s2 =	simm.s32 $0x17B80  }
0x250: {  	[hbm4b:s0+s3] =	stream.linear.scatter [tilespmem:s2], [sflag:$0x2], $0x80, $0x38;
	[tilespmem:$0x1E180] =	vst v63  }
0x251: {  	s0 =	sadd.s32 $0x380, s16;
	s2 =	simm.s32 $0x17F80  }
0x252: {  	[hbm4b:s0+s3] =	stream.linear.scatter [tilespmem:s2], [sflag:$0x2], $0x80, $0x38;
	[tilespmem:$0x1E180] =	vst v63  }
0x253: {  	s0 =	sadd.s32 $0x400, s16;
	s2 =	simm.s32 $0x18380  }
0x254: {  	[hbm4b:s0+s3] =	stream.linear.scatter [tilespmem:s2], [sflag:$0x2], $0x80, $0x38;
	[tilespmem:$0x1E180] =	vst v63  }
0x255: {  	s0 =	sadd.s32 $0x480, s16;
	s2 =	simm.s32 $0x18780  }
0x256: {  	[hbm4b:s0+s3] =	stream.linear.scatter [tilespmem:s2], [sflag:$0x2], $0x80, $0x38;
	[tilespmem:$0x1E180] =	vst v63  }
0x257: {  	s0 =	sadd.s32 $0x500, s16;
	s2 =	simm.s32 $0x18B80  }
0x258: {  	[hbm4b:s0+s3] =	stream.linear.scatter [tilespmem:s2], [sflag:$0x2], $0x80, $0x38;
	[tilespmem:$0x1E180] =	vst v63  }
0x259: {  	s0 =	sadd.s32 $0x580, s16;
	s2 =	simm.s32 $0x18F80  }
0x25a: {  	[hbm4b:s0+s3] =	stream.linear.scatter [tilespmem:s2], [sflag:$0x2], $0x80, $0x38;
	[tilespmem:$0x1E180] =	vst v63  }
0x25b: {  	s0 =	sadd.s32 $0x600, s16;
	s2 =	simm.s32 $0x19380  }
0x25c: {  	[hbm4b:s0+s3] =	stream.linear.scatter [tilespmem:s2], [sflag:$0x2], $0x80, $0x38;
	[tilespmem:$0x1E180] =	vst v63  }
0x25d: {  	s0 =	sadd.s32 $0x680, s16;
	s2 =	simm.s32 $0x19780  }
0x25e: {  	[hbm4b:s0+s3] =	stream.linear.scatter [tilespmem:s2], [sflag:$0x2], $0x80, $0x38;
	[tilespmem:$0x1E180] =	vst v63  }
0x25f: {  	s0 =	sadd.s32 $0x700, s16;
	s2 =	simm.s32 $0x19B80  }
0x260: {  	[hbm4b:s0+s3] =	stream.linear.scatter [tilespmem:s2], [sflag:$0x2], $0x80, $0x38;
	[tilespmem:$0x1E180] =	vst v63  }
0x261: {  	s0 =	sadd.s32 $0x780, s16;
	s2 =	simm.s32 $0x19F80  }
0x262: {  	[hbm4b:s0+s3] =	stream.linear.scatter [tilespmem:s2], [sflag:$0x2], $0x80, $0x38;
	[tilespmem:$0x1E180] =	vst v63  }
0x263: {  	_ =	swait.ge [sflag:s23], $0x800  }
0x264: {  	[sflag:s23] =	ssyncset.done $0x0  }
0x265: {  	s2 =	simm.s32 $0x1A000;
	[sflag:s23] =	ssyncadd.s32 $0xFFFFF800  }
0x266: {  	[hbm4b:s17+s3] =	stream.linear.scatter [tilespmem:s2], [sflag:$0x2], $0x80, $0x38;
	[tilespmem:$0x1E180] =	vst v63  }
0x267: {  	s0 =	sadd.s32 $0x80, s17;
	s2 =	simm.s32 $0x1A400  }
0x268: {  	[hbm4b:s0+s3] =	stream.linear.scatter [tilespmem:s2], [sflag:$0x2], $0x80, $0x38;
	[tilespmem:$0x1E180] =	vst v63  }
0x269: {  	s0 =	sadd.s32 $0x100, s17;
	s2 =	simm.s32 $0x1A800  }
0x26a: {  	[hbm4b:s0+s3] =	stream.linear.scatter [tilespmem:s2], [sflag:$0x2], $0x80, $0x38;
	[tilespmem:$0x1E180] =	vst v63  }
0x26b: {  	s0 =	sadd.s32 $0x180, s17;
	s2 =	simm.s32 $0x1AC00  }
0x26c: {  	[hbm4b:s0+s3] =	stream.linear.scatter [tilespmem:s2], [sflag:$0x2], $0x80, $0x38;
	[tilespmem:$0x1E180] =	vst v63  }
0x26d: {  	s0 =	sadd.s32 $0x200, s17;
	s2 =	simm.s32 $0x1B000  }
0x26e: {  	[hbm4b:s0+s3] =	stream.linear.scatter [tilespmem:s2], [sflag:$0x2], $0x80, $0x38;
	[tilespmem:$0x1E180] =	vst v63  }
0x26f: {  	s0 =	sadd.s32 $0x280, s17;
	s2 =	simm.s32 $0x1B400  }
0x270: {  	[hbm4b:s0+s3] =	stream.linear.scatter [tilespmem:s2], [sflag:$0x2], $0x80, $0x38;
	[tilespmem:$0x1E180] =	vst v63  }
0x271: {  	s0 =	sadd.s32 $0x300, s17;
	s2 =	simm.s32 $0x1B800  }
0x272: {  	[hbm4b:s0+s3] =	stream.linear.scatter [tilespmem:s2], [sflag:$0x2], $0x80, $0x38;
	[tilespmem:$0x1E180] =	vst v63  }
0x273: {  	s0 =	sadd.s32 $0x380, s17;
	s2 =	simm.s32 $0x1BC00  }
0x274: {  	[hbm4b:s0+s3] =	stream.linear.scatter [tilespmem:s2], [sflag:$0x2], $0x80, $0x38;
	[tilespmem:$0x1E180] =	vst v63  }
0x275: {  	s0 =	sadd.s32 $0x400, s17;
	s2 =	simm.s32 $0x1C000  }
0x276: {  	[hbm4b:s0+s3] =	stream.linear.scatter [tilespmem:s2], [sflag:$0x2], $0x80, $0x38;
	[tilespmem:$0x1E180] =	vst v63  }
0x277: {  	s0 =	sadd.s32 $0x480, s17;
	s2 =	simm.s32 $0x1C400  }
0x278: {  	[hbm4b:s0+s3] =	stream.linear.scatter [tilespmem:s2], [sflag:$0x2], $0x80, $0x38;
	[tilespmem:$0x1E180] =	vst v63  }
0x279: {  	s0 =	sadd.s32 $0x500, s17;
	s2 =	simm.s32 $0x1C800  }
0x27a: {  	[hbm4b:s0+s3] =	stream.linear.scatter [tilespmem:s2], [sflag:$0x2], $0x80, $0x38;
	[tilespmem:$0x1E180] =	vst v63  }
0x27b: {  	s0 =	sadd.s32 $0x580, s17;
	s2 =	simm.s32 $0x1CC00  }
0x27c: {  	[hbm4b:s0+s3] =	stream.linear.scatter [tilespmem:s2], [sflag:$0x2], $0x80, $0x38;
	[tilespmem:$0x1E180] =	vst v63  }
0x27d: {  	s0 =	sadd.s32 $0x600, s17;
	s2 =	simm.s32 $0x1D000  }
0x27e: {  	[hbm4b:s0+s3] =	stream.linear.scatter [tilespmem:s2], [sflag:$0x2], $0x80, $0x38;
	[tilespmem:$0x1E180] =	vst v63  }
0x27f: {  	s0 =	sadd.s32 $0x680, s17;
	s2 =	simm.s32 $0x1D400  }
0x280: {  	[hbm4b:s0+s3] =	stream.linear.scatter [tilespmem:s2], [sflag:$0x2], $0x80, $0x38;
	[tilespmem:$0x1E180] =	vst v63  }
0x281: {  	s0 =	sadd.s32 $0x700, s17;
	s2 =	simm.s32 $0x1D800  }
0x282: {  	[hbm4b:s0+s3] =	stream.linear.scatter [tilespmem:s2], [sflag:$0x2], $0x80, $0x38;
	[tilespmem:$0x1E180] =	vst v63  }
0x283: {  	s0 =	sadd.s32 $0x780, s17;
	s2 =	simm.s32 $0x1DC00  }
0x284: {  	[hbm4b:s0+s3] =	stream.linear.scatter [tilespmem:s2], [sflag:$0x2], $0x80, $0x38;
	[tilespmem:$0x1E180] =	vst v63  }
0x285: {  	_ =	swait.ge [sflag:s23], $0x800  }
0x286: {  	[sflag:s23] =	ssyncset.done $0x0  }
0x287: {  	s2 =	simm.s32 $0x1A080;
	[sflag:s23] =	ssyncadd.s32 $0xFFFFF800  }
0x288: {  	[hbm4b:s18+s3] =	stream.linear.scatter [tilespmem:s2], [sflag:$0x2], $0x80, $0x38;
	[tilespmem:$0x1E180] =	vst v63  }
0x289: {  	s0 =	sadd.s32 $0x80, s18;
	s2 =	simm.s32 $0x1A480  }
0x28a: {  	[hbm4b:s0+s3] =	stream.linear.scatter [tilespmem:s2], [sflag:$0x2], $0x80, $0x38;
	[tilespmem:$0x1E180] =	vst v63  }
0x28b: {  	s0 =	sadd.s32 $0x100, s18;
	s2 =	simm.s32 $0x1A880  }
0x28c: {  	[hbm4b:s0+s3] =	stream.linear.scatter [tilespmem:s2], [sflag:$0x2], $0x80, $0x38;
	[tilespmem:$0x1E180] =	vst v63  }
0x28d: {  	s0 =	sadd.s32 $0x180, s18;
	s2 =	simm.s32 $0x1AC80  }
0x28e: {  	[hbm4b:s0+s3] =	stream.linear.scatter [tilespmem:s2], [sflag:$0x2], $0x80, $0x38;
	[tilespmem:$0x1E180] =	vst v63  }
0x28f: {  	s0 =	sadd.s32 $0x200, s18;
	s2 =	simm.s32 $0x1B080  }
0x290: {  	[hbm4b:s0+s3] =	stream.linear.scatter [tilespmem:s2], [sflag:$0x2], $0x80, $0x38;
	[tilespmem:$0x1E180] =	vst v63  }
0x291: {  	s0 =	sadd.s32 $0x280, s18;
	s2 =	simm.s32 $0x1B480  }
0x292: {  	[hbm4b:s0+s3] =	stream.linear.scatter [tilespmem:s2], [sflag:$0x2], $0x80, $0x38;
	[tilespmem:$0x1E180] =	vst v63  }
0x293: {  	s0 =	sadd.s32 $0x300, s18;
	s2 =	simm.s32 $0x1B880  }
0x294: {  	[hbm4b:s0+s3] =	stream.linear.scatter [tilespmem:s2], [sflag:$0x2], $0x80, $0x38;
	[tilespmem:$0x1E180] =	vst v63  }
0x295: {  	s0 =	sadd.s32 $0x380, s18;
	s2 =	simm.s32 $0x1BC80  }
0x296: {  	[hbm4b:s0+s3] =	stream.linear.scatter [tilespmem:s2], [sflag:$0x2], $0x80, $0x38;
	[tilespmem:$0x1E180] =	vst v63  }
0x297: {  	s0 =	sadd.s32 $0x400, s18;
	s2 =	simm.s32 $0x1C080  }
0x298: {  	[hbm4b:s0+s3] =	stream.linear.scatter [tilespmem:s2], [sflag:$0x2], $0x80, $0x38;
	[tilespmem:$0x1E180] =	vst v63  }
0x299: {  	s0 =	sadd.s32 $0x480, s18;
	s2 =	simm.s32 $0x1C480  }
0x29a: {  	[hbm4b:s0+s3] =	stream.linear.scatter [tilespmem:s2], [sflag:$0x2], $0x80, $0x38;
	[tilespmem:$0x1E180] =	vst v63  }
0x29b: {  	s0 =	sadd.s32 $0x500, s18;
	s2 =	simm.s32 $0x1C880  }
0x29c: {  	[hbm4b:s0+s3] =	stream.linear.scatter [tilespmem:s2], [sflag:$0x2], $0x80, $0x38;
	[tilespmem:$0x1E180] =	vst v63  }
0x29d: {  	s0 =	sadd.s32 $0x580, s18;
	s2 =	simm.s32 $0x1CC80  }
0x29e: {  	[hbm4b:s0+s3] =	stream.linear.scatter [tilespmem:s2], [sflag:$0x2], $0x80, $0x38;
	[tilespmem:$0x1E180] =	vst v63  }
0x29f: {  	s0 =	sadd.s32 $0x600, s18;
	s2 =	simm.s32 $0x1D080  }
0x2a0: {  	[hbm4b:s0+s3] =	stream.linear.scatter [tilespmem:s2], [sflag:$0x2], $0x80, $0x38;
	[tilespmem:$0x1E180] =	vst v63  }
0x2a1: {  	s0 =	sadd.s32 $0x680, s18;
	s2 =	simm.s32 $0x1D480  }
0x2a2: {  	[hbm4b:s0+s3] =	stream.linear.scatter [tilespmem:s2], [sflag:$0x2], $0x80, $0x38;
	[tilespmem:$0x1E180] =	vst v63  }
0x2a3: {  	s0 =	sadd.s32 $0x700, s18;
	s2 =	simm.s32 $0x1D880  }
0x2a4: {  	[hbm4b:s0+s3] =	stream.linear.scatter [tilespmem:s2], [sflag:$0x2], $0x80, $0x38;
	[tilespmem:$0x1E180] =	vst v63  }
0x2a5: {  	s0 =	sadd.s32 $0x780, s18;
	s2 =	simm.s32 $0x1DC80  }
0x2a6: {  	[hbm4b:s0+s3] =	stream.linear.scatter [tilespmem:s2], [sflag:$0x2], $0x80, $0x38;
	[tilespmem:$0x1E180] =	vst v63  }
0x2a7: {  	_ =	swait.ge [sflag:s23], $0x800  }
0x2a8: {  	[sflag:s23] =	ssyncset.done $0x0  }
0x2a9: {  	s2 =	simm.s32 $0x1A100;
	[sflag:s23] =	ssyncadd.s32 $0xFFFFF800  }
0x2aa: {  	[hbm4b:s19+s3] =	stream.linear.scatter [tilespmem:s2], [sflag:$0x2], $0x80, $0x38;
	[tilespmem:$0x1E180] =	vst v63  }
0x2ab: {  	s0 =	sadd.s32 $0x80, s19;
	s2 =	simm.s32 $0x1A500  }
0x2ac: {  	[hbm4b:s0+s3] =	stream.linear.scatter [tilespmem:s2], [sflag:$0x2], $0x80, $0x38;
	[tilespmem:$0x1E180] =	vst v63  }
0x2ad: {  	s0 =	sadd.s32 $0x100, s19;
	s2 =	simm.s32 $0x1A900  }
0x2ae: {  	[hbm4b:s0+s3] =	stream.linear.scatter [tilespmem:s2], [sflag:$0x2], $0x80, $0x38;
	[tilespmem:$0x1E180] =	vst v63  }
0x2af: {  	s0 =	sadd.s32 $0x180, s19;
	s2 =	simm.s32 $0x1AD00  }
0x2b0: {  	[hbm4b:s0+s3] =	stream.linear.scatter [tilespmem:s2], [sflag:$0x2], $0x80, $0x38;
	[tilespmem:$0x1E180] =	vst v63  }
0x2b1: {  	s0 =	sadd.s32 $0x200, s19;
	s2 =	simm.s32 $0x1B100  }
0x2b2: {  	[hbm4b:s0+s3] =	stream.linear.scatter [tilespmem:s2], [sflag:$0x2], $0x80, $0x38;
	[tilespmem:$0x1E180] =	vst v63  }
0x2b3: {  	s0 =	sadd.s32 $0x280, s19;
	s2 =	simm.s32 $0x1B500  }
0x2b4: {  	[hbm4b:s0+s3] =	stream.linear.scatter [tilespmem:s2], [sflag:$0x2], $0x80, $0x38;
	[tilespmem:$0x1E180] =	vst v63  }
0x2b5: {  	s0 =	sadd.s32 $0x300, s19;
	s2 =	simm.s32 $0x1B900  }
0x2b6: {  	[hbm4b:s0+s3] =	stream.linear.scatter [tilespmem:s2], [sflag:$0x2], $0x80, $0x38;
	[tilespmem:$0x1E180] =	vst v63  }
0x2b7: {  	s0 =	sadd.s32 $0x380, s19;
	s2 =	simm.s32 $0x1BD00  }
0x2b8: {  	[hbm4b:s0+s3] =	stream.linear.scatter [tilespmem:s2], [sflag:$0x2], $0x80, $0x38;
	[tilespmem:$0x1E180] =	vst v63  }
0x2b9: {  	s0 =	sadd.s32 $0x400, s19;
	s2 =	simm.s32 $0x1C100  }
0x2ba: {  	[hbm4b:s0+s3] =	stream.linear.scatter [tilespmem:s2], [sflag:$0x2], $0x80, $0x38;
	[tilespmem:$0x1E180] =	vst v63  }
0x2bb: {  	s0 =	sadd.s32 $0x480, s19;
	s2 =	simm.s32 $0x1C500  }
0x2bc: {  	[hbm4b:s0+s3] =	stream.linear.scatter [tilespmem:s2], [sflag:$0x2], $0x80, $0x38;
	[tilespmem:$0x1E180] =	vst v63  }
0x2bd: {  	s0 =	sadd.s32 $0x500, s19;
	s2 =	simm.s32 $0x1C900  }
0x2be: {  	[hbm4b:s0+s3] =	stream.linear.scatter [tilespmem:s2], [sflag:$0x2], $0x80, $0x38;
	[tilespmem:$0x1E180] =	vst v63  }
0x2bf: {  	s0 =	sadd.s32 $0x580, s19;
	s2 =	simm.s32 $0x1CD00  }
0x2c0: {  	[hbm4b:s0+s3] =	stream.linear.scatter [tilespmem:s2], [sflag:$0x2], $0x80, $0x38;
	[tilespmem:$0x1E180] =	vst v63  }
0x2c1: {  	s0 =	sadd.s32 $0x600, s19;
	s2 =	simm.s32 $0x1D100  }
0x2c2: {  	[hbm4b:s0+s3] =	stream.linear.scatter [tilespmem:s2], [sflag:$0x2], $0x80, $0x38;
	[tilespmem:$0x1E180] =	vst v63  }
0x2c3: {  	s0 =	sadd.s32 $0x680, s19;
	s2 =	simm.s32 $0x1D500  }
0x2c4: {  	[hbm4b:s0+s3] =	stream.linear.scatter [tilespmem:s2], [sflag:$0x2], $0x80, $0x38;
	[tilespmem:$0x1E180] =	vst v63  }
0x2c5: {  	s0 =	sadd.s32 $0x700, s19;
	s2 =	simm.s32 $0x1D900  }
0x2c6: {  	[hbm4b:s0+s3] =	stream.linear.scatter [tilespmem:s2], [sflag:$0x2], $0x80, $0x38;
	[tilespmem:$0x1E180] =	vst v63  }
0x2c7: {  	s0 =	sadd.s32 $0x780, s19;
	s2 =	simm.s32 $0x1DD00  }
0x2c8: {  	[hbm4b:s0+s3] =	stream.linear.scatter [tilespmem:s2], [sflag:$0x2], $0x80, $0x38;
	[tilespmem:$0x1E180] =	vst v63  }
0x2c9: {  	_ =	swait.ge [sflag:s23], $0x800  }
0x2ca: {  	[sflag:s23] =	ssyncset.done $0x0  }
0x2cb: {  	s2 =	simm.s32 $0x1A180;
	[sflag:s23] =	ssyncadd.s32 $0xFFFFF800  }
0x2cc: {  	[hbm4b:s20+s3] =	stream.linear.scatter [tilespmem:s2], [sflag:$0x2], $0x80, $0x38;
	[tilespmem:$0x1E180] =	vst v63  }
0x2cd: {  	s0 =	sadd.s32 $0x80, s20;
	s2 =	simm.s32 $0x1A580  }
0x2ce: {  	[hbm4b:s0+s3] =	stream.linear.scatter [tilespmem:s2], [sflag:$0x2], $0x80, $0x38;
	[tilespmem:$0x1E180] =	vst v63  }
0x2cf: {  	s0 =	sadd.s32 $0x100, s20;
	s2 =	simm.s32 $0x1A980  }
0x2d0: {  	[hbm4b:s0+s3] =	stream.linear.scatter [tilespmem:s2], [sflag:$0x2], $0x80, $0x38;
	[tilespmem:$0x1E180] =	vst v63  }
0x2d1: {  	s0 =	sadd.s32 $0x180, s20;
	s2 =	simm.s32 $0x1AD80  }
0x2d2: {  	[hbm4b:s0+s3] =	stream.linear.scatter [tilespmem:s2], [sflag:$0x2], $0x80, $0x38;
	[tilespmem:$0x1E180] =	vst v63  }
0x2d3: {  	s0 =	sadd.s32 $0x200, s20;
	s2 =	simm.s32 $0x1B180  }
0x2d4: {  	[hbm4b:s0+s3] =	stream.linear.scatter [tilespmem:s2], [sflag:$0x2], $0x80, $0x38;
	[tilespmem:$0x1E180] =	vst v63  }
0x2d5: {  	s0 =	sadd.s32 $0x280, s20;
	s2 =	simm.s32 $0x1B580  }
0x2d6: {  	[hbm4b:s0+s3] =	stream.linear.scatter [tilespmem:s2], [sflag:$0x2], $0x80, $0x38;
	[tilespmem:$0x1E180] =	vst v63  }
0x2d7: {  	s0 =	sadd.s32 $0x300, s20;
	s2 =	simm.s32 $0x1B980  }
0x2d8: {  	[hbm4b:s0+s3] =	stream.linear.scatter [tilespmem:s2], [sflag:$0x2], $0x80, $0x38;
	[tilespmem:$0x1E180] =	vst v63  }
0x2d9: {  	s0 =	sadd.s32 $0x380, s20;
	s2 =	simm.s32 $0x1BD80  }
0x2da: {  	[hbm4b:s0+s3] =	stream.linear.scatter [tilespmem:s2], [sflag:$0x2], $0x80, $0x38;
	[tilespmem:$0x1E180] =	vst v63  }
0x2db: {  	s0 =	sadd.s32 $0x400, s20;
	s2 =	simm.s32 $0x1C180  }
0x2dc: {  	[hbm4b:s0+s3] =	stream.linear.scatter [tilespmem:s2], [sflag:$0x2], $0x80, $0x38;
	[tilespmem:$0x1E180] =	vst v63  }
0x2dd: {  	s0 =	sadd.s32 $0x480, s20;
	s2 =	simm.s32 $0x1C580  }
0x2de: {  	[hbm4b:s0+s3] =	stream.linear.scatter [tilespmem:s2], [sflag:$0x2], $0x80, $0x38;
	[tilespmem:$0x1E180] =	vst v63  }
0x2df: {  	s0 =	sadd.s32 $0x500, s20;
	s2 =	simm.s32 $0x1C980  }
0x2e0: {  	[hbm4b:s0+s3] =	stream.linear.scatter [tilespmem:s2], [sflag:$0x2], $0x80, $0x38;
	[tilespmem:$0x1E180] =	vst v63  }
0x2e1: {  	s0 =	sadd.s32 $0x580, s20;
	s2 =	simm.s32 $0x1CD80  }
0x2e2: {  	[hbm4b:s0+s3] =	stream.linear.scatter [tilespmem:s2], [sflag:$0x2], $0x80, $0x38;
	[tilespmem:$0x1E180] =	vst v63  }
0x2e3: {  	s0 =	sadd.s32 $0x600, s20;
	s2 =	simm.s32 $0x1D180  }
0x2e4: {  	[hbm4b:s0+s3] =	stream.linear.scatter [tilespmem:s2], [sflag:$0x2], $0x80, $0x38;
	[tilespmem:$0x1E180] =	vst v63  }
0x2e5: {  	s0 =	sadd.s32 $0x680, s20;
	s2 =	simm.s32 $0x1D580  }
0x2e6: {  	[hbm4b:s0+s3] =	stream.linear.scatter [tilespmem:s2], [sflag:$0x2], $0x80, $0x38;
	[tilespmem:$0x1E180] =	vst v63  }
0x2e7: {  	s0 =	sadd.s32 $0x700, s20;
	s2 =	simm.s32 $0x1D980  }
0x2e8: {  	[hbm4b:s0+s3] =	stream.linear.scatter [tilespmem:s2], [sflag:$0x2], $0x80, $0x38;
	[tilespmem:$0x1E180] =	vst v63  }
0x2e9: {  	s0 =	sadd.s32 $0x780, s20;
	s2 =	simm.s32 $0x1DD80  }
0x2ea: {  	[hbm4b:s0+s3] =	stream.linear.scatter [tilespmem:s2], [sflag:$0x2], $0x80, $0x38;
	[tilespmem:$0x1E180] =	vst v63  }
0x2eb: {  	_ =	swait.ge [sflag:s23], $0x800  }
0x2ec: {  	[sflag:s23] =	ssyncset.done $0x0  }
0x2ed: {  	s2 =	simm.s32 $0x16000;
	[sflag:s23] =	ssyncadd.s32 $0xFFFFF800  }
0x2ee: {  	[hbm4b:s21+s3] =	stream.linear.scatter [tilespmem:s2], [sflag:$0x2], $0x80, $0x38;
	[tilespmem:$0x1E180] =	vst v63  }
0x2ef: {  	s2 =	sadd.s32 $0x10, s21  }
0x2f0: {  	[hbm4b:s2+s3] =	stream.linear.scatter [tilespmem:s4], [sflag:$0x2], $0x80, $0x38;
	[tilespmem:$0x1E180] =	vst v63  }
0x2f1: {  	s2 =	sadd.s32 $0x20, s21  }
0x2f2: {  	[hbm4b:s2+s3] =	stream.linear.scatter [tilespmem:s5], [sflag:$0x2], $0x80, $0x38;
	[tilespmem:$0x1E180] =	vst v63  }
0x2f3: {  	s4 =	sadd.s32 $0x30, s21  }
0x2f4: {  	[hbm4b:s4+s3] =	stream.linear.scatter [tilespmem:s6], [sflag:$0x2], $0x80, $0x38;
	[tilespmem:$0x1E180] =	vst v63  }
0x2f5: {  	s5 =	sadd.s32 $0x40, s21  }
0x2f6: {  	[hbm4b:s5+s3] =	stream.linear.scatter [tilespmem:s7], [sflag:$0x2], $0x80, $0x38;
	[tilespmem:$0x1E180] =	vst v63  }
0x2f7: {  	s6 =	sadd.s32 $0x50, s21  }
0x2f8: {  	[hbm4b:s6+s3] =	stream.linear.scatter [tilespmem:s8], [sflag:$0x2], $0x80, $0x38;
	[tilespmem:$0x1E180] =	vst v63  }
0x2f9: {  	s7 =	sadd.s32 $0x60, s21  }
0x2fa: {  	[hbm4b:s7+s3] =	stream.linear.scatter [tilespmem:s22], [sflag:$0x2], $0x80, $0x38;
	[tilespmem:$0x1E180] =	vst v63  }
0x2fb: {  	s8 =	sadd.s32 $0x70, s21  }
0x2fc: {  	[hbm4b:s8+s3] =	stream.linear.scatter [tilespmem:s24], [sflag:$0x2], $0x80, $0x38;
	[tilespmem:$0x1E180] =	vst v63  }
0x2fd: {  	s22 =	sadd.s32 $0x80, s21  }
0x2fe: {  	[hbm4b:s22+s3] =	stream.linear.scatter [tilespmem:s25], [sflag:$0x2], $0x80, $0x38;
	[tilespmem:$0x1E180] =	vst v63  }
0x2ff: {  	s24 =	sadd.s32 $0x90, s21  }
0x300: {  	[hbm4b:s24+s3] =	stream.linear.scatter [tilespmem:s26], [sflag:$0x2], $0x80, $0x38;
	[tilespmem:$0x1E180] =	vst v63  }
0x301: {  	s25 =	sadd.s32 $0xA0, s21  }
0x302: {  	[hbm4b:s25+s3] =	stream.linear.scatter [tilespmem:s31], [sflag:$0x2], $0x80, $0x38;
	[tilespmem:$0x1E180] =	vst v63  }
0x303: {  	s26 =	sadd.s32 $0xB0, s21;
	s31 =	simm.s32 $0x18C00  }
0x304: {  	[hbm4b:s26+s3] =	stream.linear.scatter [tilespmem:s31], [sflag:$0x2], $0x80, $0x38;
	[tilespmem:$0x1E180] =	vst v63  }
0x305: {  	s4 =	sadd.s32 $0xC0, s21;
	s5 =	simm.s32 $0x19000  }
0x306: {  	[hbm4b:s4+s3] =	stream.linear.scatter [tilespmem:s5], [sflag:$0x2], $0x80, $0x38;
	[tilespmem:$0x1E180] =	vst v63  }
0x307: {  	s6 =	sadd.s32 $0xD0, s21;
	s7 =	simm.s32 $0x19400  }
0x308: {  	[hbm4b:s6+s3] =	stream.linear.scatter [tilespmem:s7], [sflag:$0x2], $0x80, $0x38;
	[tilespmem:$0x1E180] =	vst v63  }
0x309: {  	s8 =	sadd.s32 $0xE0, s21;
	s22 =	simm.s32 $0x19800  }
0x30a: {  	[hbm4b:s8+s3] =	stream.linear.scatter [tilespmem:s22], [sflag:$0x2], $0x80, $0x38;
	[tilespmem:$0x1E180] =	vst v63  }
0x30b: {  	s24 =	sadd.s32 $0xF0, s21;
	s25 =	simm.s32 $0x19C00  }
0x30c: {  	[hbm4b:s24+s3] =	stream.linear.scatter [tilespmem:s25], [sflag:$0x2], $0x80, $0x38;
	[tilespmem:$0x1E180] =	vst v63  }
0x30d: {  	_ =	swait.ge [sflag:s23], $0x800  }
0x30e: {  	s26 =	rddreg [dreg:$0xb]  }
0x30f: {  	s31 =	rddreg [dreg:$0xa];
	s2 =	sadd.s32 $0x1, s26  }
0x310: {  	p0 =	sne.s32 s2, s31  }
.Ltmp4:
0x311: {  	_ = 	snop;
	(pc) =	sbr.rel @p0 .LBB2_1-.Ltmp4, $3  }
0x312: {  	_ =	sdelay $0x1  }
0x313: {  	[sflag:s23] =	ssyncset.done $0x0  }
0x314: {  	[sflag:s23] =	ssyncadd.s32 $0xFFFFF800  }
0x315: {  	_ =	sfence.sel $0x180000  }
0x316: {  	[bflag:$0x0] =	sbarrier.arrive $0xFFFF  }
0x317: {  	_ =	strace $0x90000047  }
0x318: {  	s0 =	stileid.u32;
	[bflag:$0x2] =	sbarrier.arrive $0xFFFF  }
0x319: {  	p0 =	sne.s32 s0, $0x0;
	s0 =	rddreg [dreg:$0x4]  }
0x31a: {  	s0 =	sadd.s32 @!p0 $0x100000, s0  }
0x31b: {  	[sflag:s0] =	ssyncadd.tile.s32 @!p0 $0x1;
	_ =	shalt  }
.Lfunc_end2:
_tile_overlayer_lowered:
.L_overlay_start_2:
0x31c: {  	(tag) =	ssettag $0x2  }
0x31d: {  	s0 =	rddreg [dreg:$0x0];
	s2 =	stileid.u32  }
0x31e: {  	s1 =	rddreg [dreg:$0x1];
	p0 =	sne.s32 s2, $0x0  }
0x31f: {  	s3 =	rddreg [dreg:$0x2];
	[bflag:$0x3] =	sbarrier.arrive $0xFFFF;
	s2 =	simm.s32 @!p0 $0x1C02  }
0x320: {  	[timem:s3], [sflag:s2] =	dma.local @!p0 [hbm:s0], s1  }
0x321: {  	s0 =	simm.s32 @!p0 $0x2  }
0x322: {  	_ =	swait.ge @!p0 [sflag:s0], s1  }
0x323: {  	s1 =	ssub.s32 @!p0 $0x0, s1;
	[sflag:s0] =	ssyncset.done @!p0 $0x0  }
0x324: {  	[sflag:s0] =	ssyncadd.s32 @!p0 s1  }
0x325: {  	[bflag:$0x3] =	sbarrier.arrive $0xFFFF  }
0x326: {  	_ =	shalt  }

// kernel: kernel.9.cloned.1.call-start
scs
__scs_entry_jumppad:
0x0: {  	(pc) =	sbr.rel $0x88, $3  }
0x1: {  	(tag) =	ssettag $0x0;
	lr =	simm.s32 $0x1  }
0x2: {  	[smem:$0x3F99] =	sst lr;
	_ =	strace $0xD0000000  }
0x3: {  	_ = 	snop  }
0x4: {  	_ = 	snop  }
0x5: {  	_ = 	snop  }
0x6: {  	_ = 	snop  }
0x7: {  	_ = 	snop  }
__scs_overlays_trampoline_lowered:
0x8: {  	[smem:$0x3FA8] =	sst s0  }
0x9: {  	[smem:$0x3FA9] =	sst s1  }
0xa: {  	[smem:$0x3FAA] =	sst s2  }
0xb: {  	[smem:$0x3FAB] =	sst s3  }
0xc: {  	[smem:$0x3FAC] =	sst s4  }
0xd: {  	[smem:$0x3FAD] =	sst s5  }
0xe: {  	[smem:$0x3FAE] =	sst s6  }
0xf: {  	[smem:$0x3FAF] =	sst s7  }
0x10: {  	[smem:$0x3FB0] =	sst s8  }
0x11: {  	[smem:$0x3FB1] =	sst s9;
	s0 =	simm.s32 @!p0 $0x0  }
0x12: {  	s1 =	sld [smem:$0x3F97];
	s0 =	simm.s32 @p0 $0x1  }
0x13: {  	[smem:$0x3FB2] =	sst s0;
	s0 =	simm.s32 @!p1 $0x0  }
0x14: {  	s2 =	sld [smem:$0x3F96];
	s0 =	simm.s32 @p1 $0x1  }
0x15: {  	[smem:$0x3FB3] =	sst s0;
	s0 =	simm.s32 @!p2 $0x0  }
0x16: {  	s3 =	sld [smem:$0x3FDB];
	s0 =	simm.s32 @p2 $0x1  }
0x17: {  	s4 =	simm.s32 $0x1BF5;
	[smem:$0x3FB5] =	sst s0  }
0x18: {  	s0 =	sld [smem:$0x3F98];
	_ =	swait.ge [sflag:s4], $0x0  }
0x19: {  	s7 =	sld [smem:$0x3F99]  }
0x1a: {  	s8 =	sadd.s32 $0xFFFFE003, lr  }
0x1b: {  	s9 =	sadd.s32 $0xFFFFFEF7, lr;
	s5 =	simm.s32 $0xFFFFFFFF;
	p2 =	slt.u32 s8, $0xFFFFF086  }
0x1c: {  	p1 =	slt.u32 s9, $0xF7A;
	s5 =	simm.s32 @!p2 $0x0  }
0x1d: {  	s5 =	simm.s32 @p1 $0x1;
	p0 =	seq.s32 s7, s2  }
0x1e: {  	s7 =	smul.u32 @!p0 $0xF7A, s2;
	p2 =	seq.s32 @!p0 s5, $0x0  }
0x1f: {  	s9 =	smul.u32 $0xF7A, s1;
	s8 =	simm.s32 @!p0 $0x1BF5;
	p2 =	por !p2, p0  }
0x20: {  	[sflag:s8] =	ssyncset.s32 @!p0 $0xFFFFF086;
	s6 =	sadd.s32 @!p0 s3, s7;
	s7 =	simm.s32 @!p0 $0x108  }
0x21: {  	s3 =	sadd.s32 s3, s9;
	s6 =	sadd.s32 @!p0 $0x88, s6;
	s7 =	simm.s32 @p2 $0x1082  }
0x22: {  	[simem:s7], [sflag:s8] =	dma.local @!p0 [hbm:s6], $0xF7A  }
0x23: {  	s9 =	sor.u32 $0xD0000000, s2;
	s6 =	simm.s32 $0x108;
	_ =	swait.ge @!p0 [sflag:s8], $0x0  }
0x24: {  	s3 =	sadd.s32 $0x88, s3;
	s6 =	simm.s32 @!p1 $0x1082;
	[sflag:s4] =	ssyncset.s32 $0xFFFFF086  }
0x25: {  	[simem:s6], [sflag:s4] =	dma.local [hbm:s3], $0xF7A  }
0x26: {  	[smem:$0x3F99] =	sst s1;
	(tag) =	ssettag s2;
	_ =	strace s9  }
0x27: {  	s1 =	sld [smem:$0x3FA9]  }
0x28: {  	s2 =	sld [smem:$0x3FAA]  }
0x29: {  	s4 =	sld [smem:$0x3FAC]  }
0x2a: {  	p0 =	seq.s32 s5, $0x0;
	s5 =	sld [smem:$0x3FAD]  }
0x2b: {  	s6 =	sld [smem:$0x3FAE]  }
0x2c: {  	s7 =	sld [smem:$0x3FAF]  }
0x2d: {  	s3 =	simm.s32 $0x108;
	s8 =	sld [smem:$0x3FB0]  }
0x2e: {  	s3 =	simm.s32 @!p0 $0x1082;
	s9 =	sld [smem:$0x3FB1]  }
0x2f: {  	lr =	sadd.s32 s0, s3;
	s0 =	sld [smem:$0x3FA8]  }
0x30: {  	s3 =	sld [smem:$0x3FAB]  }
0x31: {  	[smem:$0x3FB4] =	sst s10  }
0x32: {  	s10 =	sld [smem:$0x3FB2];
	_ =	sdelay $0x3  }
0x33: {  	p0 =	seq.s32 s10, $0x1;
	s10 =	sld [smem:$0x3FB4];
	_ =	sdelay $0x3  }
0x34: {  	[smem:$0x3FB4] =	sst s10  }
0x35: {  	s10 =	sld [smem:$0x3FB3];
	_ =	sdelay $0x3  }
0x36: {  	p1 =	seq.s32 s10, $0x1;
	s10 =	sld [smem:$0x3FB4];
	_ =	sdelay $0x3  }
0x37: {  	[smem:$0x3FB4] =	sst s10  }
0x38: {  	s10 =	sld [smem:$0x3FB5]  }
0x39: {  	_ = 	snop;
	(pc) =	sbr.ind lr, $3  }
0x3a: {  	_ = 	snop  }
0x3b: {  	_ = 	snop  }
0x3c: {  	p2 =	seq.s32 s10, $0x1;
	s10 =	sld [smem:$0x3FB4]  }
0x3d: {  	_ =	shalt  }
0x3e: {  	_ =	shalt  }
0x3f: {  	_ =	shalt  }
0x40: {  	_ =	shalt  }
0x41: {  	_ =	shalt  }
0x42: {  	_ =	shalt  }
0x43: {  	_ =	shalt  }
0x44: {  	_ =	shalt  }
0x45: {  	_ =	shalt  }
0x46: {  	_ =	shalt  }
0x47: {  	_ =	shalt  }
0x48: {  	_ =	shalt  }
0x49: {  	_ =	shalt  }
0x4a: {  	_ =	shalt  }
0x4b: {  	_ =	shalt  }
0x4c: {  	_ =	shalt  }
0x4d: {  	_ =	shalt  }
0x4e: {  	_ =	shalt  }
0x4f: {  	_ =	shalt  }
0x50: {  	_ =	shalt  }
0x51: {  	_ =	shalt  }
0x52: {  	_ =	shalt  }
0x53: {  	_ =	shalt  }
0x54: {  	_ =	shalt  }
0x55: {  	_ =	shalt  }
0x56: {  	_ =	shalt  }
0x57: {  	_ =	shalt  }
0x58: {  	_ =	shalt  }
0x59: {  	_ =	shalt  }
0x5a: {  	_ =	shalt  }
0x5b: {  	_ =	shalt  }
0x5c: {  	_ =	shalt  }
0x5d: {  	_ =	shalt  }
0x5e: {  	_ =	shalt  }
0x5f: {  	_ =	shalt  }
0x60: {  	_ =	shalt  }
0x61: {  	_ =	shalt  }
0x62: {  	_ =	shalt  }
0x63: {  	_ =	shalt  }
0x64: {  	_ =	shalt  }
0x65: {  	_ =	shalt  }
0x66: {  	_ =	shalt  }
0x67: {  	_ =	shalt  }
0x68: {  	_ =	shalt  }
0x69: {  	_ =	shalt  }
0x6a: {  	_ =	shalt  }
0x6b: {  	_ =	shalt  }
0x6c: {  	_ =	shalt  }
0x6d: {  	_ =	shalt  }
0x6e: {  	_ =	shalt  }
0x6f: {  	_ =	shalt  }
0x70: {  	_ =	shalt  }
0x71: {  	_ =	shalt  }
0x72: {  	_ =	shalt  }
0x73: {  	_ =	shalt  }
0x74: {  	_ =	shalt  }
0x75: {  	_ =	shalt  }
0x76: {  	_ =	shalt  }
0x77: {  	_ =	shalt  }
0x78: {  	_ =	shalt  }
0x79: {  	_ =	shalt  }
0x7a: {  	_ =	shalt  }
0x7b: {  	_ =	shalt  }
0x7c: {  	_ =	shalt  }
0x7d: {  	_ =	shalt  }
0x7e: {  	_ =	shalt  }
0x7f: {  	_ =	shalt  }
0x80: {  	_ =	shalt  }
0x81: {  	_ =	shalt  }
0x82: {  	_ =	shalt  }
0x83: {  	_ =	shalt  }
0x84: {  	_ =	shalt  }
0x85: {  	_ =	shalt  }
0x86: {  	_ =	shalt  }
0x87: {  	_ =	shalt  }
.Lfunc_end0:
.L_simem_size_0:
called_computation.1_lowered:
.L_overlay_start_0:
0x88: {  	s2 =	sld [smem:$0x3FD9]  }
0x89: {  	s3 =	sld [smem:$0x3FFE];
	_ =	sdelay $0x1  }
0x8a: {  	s1 =	srdreg.scid  }
0x8b: {  	s0 =	sand.u32 $0x1, s1  }
0x8c: {  	s14 =	sshll.u32 s0, $0xA;
	s2 =	sadd.s32 s3, s2  }
0x8d: {  	s2 =	sadd.s32 s2, s14  }
0x8e: {  	[smem:$0x3FC0] =	sst s2  }
0x8f: {  	_ = 	snop  }
0x90: {  	s2 =	sld [smem:$0x3FD0];
	_ =	sdelay $0x2  }
0x91: {  	s15 =	simm.s32 $0xA;
	s4 =	simm.s32 $0x10  }
0x92: {  	[smem:s4], [sflag:s15] =	dma.local [hbm:s2], $0x1  }
0x93: {  	_ =	swait.eq [sflag:s15], $0x1  }
0x94: {  	[sflag:s15] =	ssyncset.done $0x0  }
0x95: {  	[sflag:s15] =	ssyncadd.s32 $0xFFFFFFFF  }
0x96: {  	s16 =	sld [smem:$0x10];
	(tm) =	ssettm $0x1  }
0x97: {  	s17 =	sld [smem:$0x3FFB];
	_ =	sdelay $0x3  }
0x98: {  	_ =	strace s17  }
0x99: {  	s3 =	sld [smem:$0x3FFC];
	_ =	sdelay $0x3  }
0x9a: {  	_ =	strace s3  }
0x9b: {  	s3 =	sld [smem:$0x3FFD];
	_ =	sdelay $0x3  }
0x9c: {  	_ =	strace s3  }
0x9d: {  	_ =	strace $0x8FFFFFFF  }
0x9e: {  	s18 =	sld [smem:$0x3FDB];
	_ =	sdelay $0x1  }
0x9f: {  	s19 =	simm.s32 $_scs_section_size  }
0xa0: {  	s5 =	simm.s32 $_size__tile_overlayer_lowered;
	s6 =	simm.s32 $_tile_overlayer_lowered  }
0xa1: {  	s22 =	simm.s32 $0x1BFF;
	s21 =	sshll.u32 s6, $0x1;
	s3 =	sadd.s32 s19, s18  }
0xa2: {  	s7 =	simm.s32 $0x0;
	s20 =	sshll.u32 s5, $0x1;
	s5 =	sadd.s32 s21, s3  }
0xa3: {  	[timem:s7], [sflag:s22] =	dma.local [hbm:s5], s20  }
0xa4: {  	_ =	swait.ge [sflag:s22], s20  }
0xa5: {  	s4 =	ssub.s32 $0x0, s20;
	[sflag:s22] =	ssyncset.done $0x0  }
0xa6: {  	[sflag:s22] =	ssyncadd.s32 s4;
	_ =	sdelay $0x1  }
0xa7: {  	s23 =	simm.s32 $0x1B8B  }
0xa8: {  	_ =	swait.ge [sflag:s23], $0x1  }
0xa9: {  	[sflag:s23] =	ssyncset.done $0x0  }
0xaa: {  	s25 =	simm.s32 $0x1B8E;
	s24 =	sld [smem:$0x3FFE];
	[sflag:s23] =	ssyncadd.s32 $0xFFFFFFFF  }
0xab: {  	s26 =	simm.s32 $execute0_lowered;
	[smem:$0x3FD2] =	sst s25  }
0xac: {  	s5 =	sshll.u32 s26, $0x1;
	_ =	strace $0x80000049;
	[dreg:$0x1] =	wrdreg $0xFFFFFFFF  }
0xad: {  	s28 =	simm.s32 $_size_execute0_lowered;
	s3 =	sadd.s32 s3, s5;
	[dreg:$0x0] =	wrdreg $0x0  }
0xae: {  	s5 =	sshll.u32 s28, $0x1;
	[dreg:$0x2] =	wrdreg s3  }
0xaf: {  	[dreg:$0x3] =	wrdreg s5  }
0xb0: {  	[dreg:$0x4] =	wrdreg $0xC0  }
0xb1: {  	_ =	task [dreg:s7], $0x5FFFF  }
0xb2: {  	[dreg:$0x1] =	wrdreg $0xFFFFFFFF  }
0xb3: {  	[dreg:$0x0] =	wrdreg $0x60  }
0xb4: {  	[dreg:$0x2] =	wrdreg s24  }
0xb5: {  	[dreg:$0x3] =	wrdreg s16  }
0xb6: {  	[dreg:$0x4] =	wrdreg $0x60000  }
0xb7: {  	[dreg:$0x5] =	wrdreg $0xA0000  }
0xb8: {  	[dreg:$0x6] =	wrdreg $0xE0000  }
0xb9: {  	[dreg:$0x7] =	wrdreg $0x120000  }
0xba: {  	[dreg:$0x8] =	wrdreg $0x160000  }
0xbb: {  	[dreg:$0x9] =	wrdreg $0x1A0000  }
0xbc: {  	[dreg:$0xa] =	wrdreg $0x9  }
0xbd: {  	_ =	task.clear_ibuf [dreg:s7], $0xBFFFF;
	_ =	strace $0x90000049  }
0xbe: {  	s29 =	simm.s32 $0x9;
	_ =	strace $0x8000004B  }
0xbf: {  	_ =	swait.ge [sflag:s29], $0x1  }
0xc0: {  	[sflag:s29] =	ssyncadd.s32 $0xFFFFFFFF  }
0xc1: {  	_ =	strace $0x9000004B  }
0xc2: {  	_ =	sfence  }
0xc3: {  	s30 =	sld [smem:$0x0];
	_ =	sdelay $0x2  }
0xc4: {  	s31 =	sshll.u32 s1, $0xD;
	s1 =	sshrl.u32 s1, $0x2  }
0xc5: {  	s3 =	sand.u32 $0x4000, s31;
	s1 =	sadd.s32 s1, s30  }
0xc6: {  	s0 =	sor.u32 s3, s0;
	s1 =	sshll.u32 s1, $0x11  }
0xc7: {  	s0 =	sor.u32 s1, s0  }
0xc8: {  	s0 =	sadd.s32 $0x8F2B, s0  }
0xc9: {  	[sflag:s0] =	ssyncadd.remote.s32 $0x1  }
0xca: {  	_ =	sfence.sel $0xFFFF  }
0xcb: {  	[dreg:$0x0] =	wrdreg $0xFFFFFFFF;
	(pc) =	sbr.abs _section_cstart, $3  }
0xcc: {  	[dreg:$0x1] =	wrdreg $0xFFFFFFFF  }
0xcd: {  	_ =	task.clear_ibuf [dreg:s7], $0x2FFFF;
	_ =	strace $0x9FFFFFFF  }
0xce: {  	(tm) =	ssettm $0x7FFFFFFF  }
0xcf: {  	_ =	shalt  }
tec
execute0_lowered:
.L_overlay_start_1:
0x0: {  	(tag) =	ssettag $0x1  }
0x1: {  	s0 =	rddreg [dreg:$0x0]  }
0x2: {  	s8 =	rddreg [dreg:$0x1]  }
0x3: {  	s1 =	rddreg [dreg:$0x2]  }
0x4: {  	s2 =	rddreg [dreg:$0x3]  }
0x5: {  	s3 =	rddreg [dreg:$0x4]  }
0x6: {  	s4 =	rddreg [dreg:$0x5]  }
0x7: {  	s6 =	rddreg [dreg:$0x6]  }
0x8: {  	s7 =	rddreg [dreg:$0x7];
	s9 =	simm.s32 $0x0;
	s22 =	stileid.u32  }
0x9: {  	s5 =	srdreg.scid;
	s30 =	simm.s32 $0x1;
	s31 =	simm.s32 $0x2000  }
0xa: {  	[smem:$0x7FF] =	sst s9;
	s24 =	sshll.u32 s22, $0x9;
	s10 =	sand.u32 $0x1, s5  }
0xb: {  	s5 =	sadd.s32 $0x3800, s0;
	s26 =	sshll.u32 s22, $0xC;
	s28 =	sshll.u32 s22, $0xE  }
0xc: {  	s9 =	sadd.s32 s24, s0;
	s11 =	ssub.s32 $0x2, s10;
	s12 =	smul.u32 $0x6, s10  }
0xd: {  	s13 =	smul.u32 $0x60000, s10;
	s25 =	sshrl.u32 s11, $0x1;
	s9 =	sadd.s32 $0x1800, s9  }
0xe: {  	_ =	strace $0x8000004A;
	s0 =	ssub.s32 s11, s25;
	[dreg:$0x9] =	wrdreg s9  }
0xf: {  	s9 =	sor.u32 $0x1, s12;
	s16 =	sadd.s32 $0x2, s12;
	s13 =	sor.u32 s26, s13  }
0x10: {  	s17 =	sadd.s32 $0x3, s12;
	s19 =	sadd.s32 $0x4, s12;
	s12 =	sadd.s32 $0x5, s12  }
0x11: {  	s14 =	sshll.u32 s9, $0x10;
	s15 =	sshll.u32 s16, $0x10;
	s18 =	sshll.u32 s17, $0x10  }
0x12: {  	s20 =	sshll.u32 s19, $0x10;
	s21 =	sshll.u32 s12, $0x10;
	s13 =	sshrl.u32 s13, $0x3  }
0x13: {  	s9 =	sshll.u32 s9, $0x7;
	s29 =	smax.u32 s0, $0x1;
	s0 =	simm.s32 $0x1000  }
0x14: {  	s14 =	sor.u32 s26, s14;
	s15 =	sor.u32 s26, s15;
	s18 =	sor.u32 s26, s18  }
0x15: {  	s20 =	sor.u32 s26, s20;
	s11 =	sor.u32 s26, s21;
	s21 =	sshll.u32 s22, $0x11  }
0x16: {  	s13 =	sadd.s32 s8, s13;
	s14 =	sshrl.u32 s14, $0x3;
	s15 =	sshrl.u32 s15, $0x3  }
0x17: {  	[dreg:$0xa] =	wrdreg s13;
	s25 =	sshrl.u32 s18, $0x3;
	s26 =	sshrl.u32 s20, $0x3  }
0x18: {  	s11 =	sshrl.u32 s11, $0x3;
	s18 =	sshll.u32 s16, $0x7;
	s20 =	sshll.u32 s17, $0x12  }
0x19: {  	s9 =	sor.u32 s21, s9;
	s23 =	sadd.s32 s8, s14;
	s24 =	sadd.s32 s8, s15  }
0x1a: {  	s13 =	sadd.s32 s8, s25;
	s14 =	sadd.s32 s8, s26;
	s15 =	sadd.s32 s8, s11  }
0x1b: {  	s8 =	smul.u32 $0x300, s10;
	s25 =	sshll.u32 s19, $0x7;
	[dreg:$0xb] =	wrdreg s23  }
0x1c: {  	s26 =	sshll.u32 s12, $0x12;
	s12 =	sshll.u32 s12, $0x7;
	[dreg:$0xc] =	wrdreg s24  }
0x1d: {  	[dreg:$0xd] =	wrdreg s13;
	s13 =	sshll.u32 s16, $0x12;
	s23 =	sshll.u32 s17, $0x7  }
0x1e: {  	s24 =	sshll.u32 s19, $0x12;
	s12 =	sor.u32 s26, s12;
	s10 =	sor.u32 s13, s18  }
0x1f: {  	s11 =	sor.u32 s20, s23;
	s16 =	sor.u32 s24, s25;
	s8 =	sor.u32 s8, s21  }
0x20: {  	s12 =	sand.u32 $0x200380, s12;
	s10 =	sand.u32 $0x200300, s10;
	s11 =	sand.u32 $0x200380, s11  }
0x21: {  	s16 =	sand.u32 $0x200300, s16;
	s12 =	sor.u32 s21, s12;
	s8 =	sshrl.u32 s8, $0x3  }
0x22: {  	s10 =	sor.u32 s21, s10;
	s11 =	sor.u32 s21, s11;
	s13 =	sor.u32 s21, s16  }
0x23: {  	s16 =	sadd.s32 s28, s1;
	s17 =	sadd.s32 s5, s8;
	s21 =	sshrl.u32 s9, $0x3  }
0x24: {  	s26 =	sshrl.u32 s12, $0x3;
	s8 =	simm.s32 $0x2;
	s9 =	simm.s32 $0x10  }
0x25: {  	s23 =	sshrl.u32 s10, $0x3;
	s18 =	sadd.s32 s5, s21;
	s24 =	sshrl.u32 s11, $0x3  }
0x26: {  	s25 =	sshrl.u32 s13, $0x3;
	s22 =	sadd.s32 s5, s26;
	s26 =	sadd.s32 s28, s6  }
0x27: {  	s10 =	simm.s32 $0x0;
	s19 =	sadd.s32 s5, s23;
	s20 =	sadd.s32 s5, s24  }
0x28: {  	s21 =	sadd.s32 s5, s25;
	s23 =	sadd.s32 s28, s2;
	s24 =	sadd.s32 s28, s3  }
0x29: {  	v0 =	vimm.f32 $0.0e+00;
	s25 =	sadd.s32 s28, s4;
	s28 =	sadd.s32 s28, s7;
	s5 =	simm.s32 $0x80  }
.LBB2_1:
0x2a: {  	s11 =	simm.s32 $0x0;
	s12 =	rddreg [dreg:$0x9]  }
0x2b: {  	[tilespmem:s11], [sflag:$0x1] =	stream.linear.gather [hbm4b:s12+s11], $0x1000, $0x38;
	[tilespmem:$0x1E000] =	vst v63  }
0x2c: {  	s11 =	simm.s32 $0x40;
	s12 =	simm.s32 $0x0  }
.LBB2_2:
0x2d: {  	p0 =	sne.s32 s11, $0xFFC0;
	[tilespmem:s12+$0x2000] =	vst v0;
	s12 =	smov.u32 s11;
	s11 =	sadd.s32 $0x40, s11  }
.Ltmp0:
0x2e: {  	(pc) =	sbr.rel @p0 .LBB2_2-.Ltmp0, $2  }
0x2f: {  	_ =	sdelay $0x2  }
0x30: {  	s12 =	sshra.s32 s12, $0x2  }
0x31: {  	[tilespmem:s12+$0x2000] =	vst v0  }
0x32: {  	_ =	swait.ge [sflag:s30], $0x1000  }
0x33: {  	[sflag:s30] =	ssyncset.done $0x0  }
0x34: {  	[sflag:s30] =	ssyncadd.s32 $0xFFFFF000  }
0x35: {  	[spmem:s16] =	stream.linear.scatter [tilespmem:s31], [sflag:$0x1], $0x4000, $0x38;
	[tilespmem:$0x1E000] =	vst v63  }
0x36: {  	_ = 	snop  }
0x37: {  	[spmem:s23] =	stream.linear.scatter [tilespmem:s31], [sflag:$0x1], $0x4000, $0x38;
	[tilespmem:$0x1E000] =	vst v63  }
0x38: {  	_ = 	snop  }
0x39: {  	[spmem:s24] =	stream.linear.scatter [tilespmem:s31], [sflag:$0x1], $0x4000, $0x38;
	[tilespmem:$0x1E000] =	vst v63  }
0x3a: {  	_ = 	snop  }
0x3b: {  	[spmem:s25] =	stream.linear.scatter [tilespmem:s31], [sflag:$0x1], $0x4000, $0x38;
	[tilespmem:$0x1E000] =	vst v63  }
0x3c: {  	_ = 	snop  }
0x3d: {  	[spmem:s26] =	stream.linear.scatter [tilespmem:s31], [sflag:$0x1], $0x4000, $0x38;
	[tilespmem:$0x1E000] =	vst v63  }
0x3e: {  	_ = 	snop  }
0x3f: {  	[spmem:s28] =	stream.linear.scatter [tilespmem:s31], [sflag:$0x1], $0x4000, $0x38;
	[tilespmem:$0x1E000] =	vst v63  }
0x40: {  	_ =	swait.ge [sflag:s30], $0x4000  }
0x41: {  	[sflag:s30] =	ssyncset.done $0x0  }
0x42: {  	[sflag:s30] =	ssyncadd.s32 $0xFFFFC000  }
0x43: {  	_ =	swait.ge [sflag:s30], $0x4000  }
0x44: {  	[sflag:s30] =	ssyncset.done $0x0  }
0x45: {  	[sflag:s30] =	ssyncadd.s32 $0xFFFFC000  }
0x46: {  	_ =	swait.ge [sflag:s30], $0x4000  }
0x47: {  	[sflag:s30] =	ssyncset.done $0x0  }
0x48: {  	[sflag:s30] =	ssyncadd.s32 $0xFFFFC000  }
0x49: {  	_ =	swait.ge [sflag:s30], $0x4000  }
0x4a: {  	[sflag:s30] =	ssyncset.done $0x0  }
0x4b: {  	[sflag:s30] =	ssyncadd.s32 $0xFFFFC000  }
0x4c: {  	_ =	swait.ge [sflag:s30], $0x4000  }
0x4d: {  	[sflag:s30] =	ssyncset.done $0x0  }
0x4e: {  	[sflag:s30] =	ssyncadd.s32 $0xFFFFC000  }
0x4f: {  	_ =	swait.ge [sflag:s30], $0x4000  }
0x50: {  	[sflag:s30] =	ssyncset.done $0x0  }
0x51: {  	[sflag:s30] =	ssyncadd.s32 $0xFFFFC000  }
0x52: {  	[bflag:$0x0] =	sbarrier.arrive $0xFFFF  }
0x53: {  	s11 =	simm.s32 $0x0;
	s13 =	rddreg [dreg:$0xa]  }
0x54: {  	[tilespmem:s0], [sflag:$0x2] =	stream.linear.gather [hbm4b:s13+s11], $0x1000, $0x38;
	[tilespmem:$0x1E000] =	vst v63  }
0x55: {  	_ =	swait.ge [sflag:s8], $0x1000  }
0x56: {  	[sflag:s8] =	ssyncset.done $0x0  }
0x57: {  	s12 =	simm.s32 $0x0;
	s13 =	simm.s32 $0x1000;
	[sflag:s8] =	ssyncadd.s32 $0xFFFFF000  }
0x58: {  	[spmem:s1] =	stream.indirect.scatter.add.f32 [tilespmem:s13], [sflag:$0x2], $0x1, s12, s5, $0xb8;
	[tilespmem:$0x1E000] =	vst v63  }
0x59: {  	s11 =	simm.s32 $0x200;
	_ =	swait.ge [sflag:s8], $0x80  }
.LBB2_4:
0x5a: {  	s12 =	sshra.s32 s11, $0x2;
	[sflag:s8] =	ssyncset.done $0x0;
	p0 =	sne.s32 s11, $0x3E00  }
.Ltmp1:
0x5b: {  	s13 =	sadd.s32 $0x1000, s12;
	[sflag:s8] =	ssyncadd.s32 $0xFFFFFF80;
	(pc) =	sbr.rel @p0 .LBB2_4-.Ltmp1, $3  }
0x5c: {  	[spmem:s1] =	stream.indirect.scatter.add.f32 [tilespmem:s13], [sflag:$0x2], $0x1, s12, s5, $0xb8;
	[tilespmem:$0x1E000] =	vst v63  }
0x5d: {  	s11 =	sadd.s32 $0x200, s11;
	_ =	sdelay $0x1  }
0x5e: {  	_ =	swait.ge [sflag:s8], $0x80  }
0x5f: {  	[sflag:s8] =	ssyncset.done $0x0  }
0x60: {  	s11 =	simm.s32 $0x0;
	s12 =	rddreg [dreg:$0xb];
	[sflag:s8] =	ssyncadd.s32 $0xFFFFFF80  }
0x61: {  	[tilespmem:s0], [sflag:$0x2] =	stream.linear.gather [hbm4b:s12+s11], $0x1000, $0x38;
	[tilespmem:$0x1E000] =	vst v63  }
0x62: {  	_ =	swait.ge [sflag:s8], $0x1000  }
0x63: {  	[sflag:s8] =	ssyncset.done $0x0  }
0x64: {  	s13 =	simm.s32 $0x1000;
	s12 =	simm.s32 $0x0;
	[sflag:s8] =	ssyncadd.s32 $0xFFFFF000  }
0x65: {  	[spmem:s2] =	stream.indirect.scatter.add.f32 [tilespmem:s13], [sflag:$0x2], $0x1, s12, s5, $0xb8;
	[tilespmem:$0x1E000] =	vst v63  }
0x66: {  	s11 =	simm.s32 $0x200;
	_ =	swait.ge [sflag:s8], $0x80  }
.LBB2_6:
0x67: {  	s12 =	sshra.s32 s11, $0x2;
	[sflag:s8] =	ssyncset.done $0x0;
	p0 =	sne.s32 s11, $0x3E00  }
.Ltmp2:
0x68: {  	s13 =	sadd.s32 $0x1000, s12;
	[sflag:s8] =	ssyncadd.s32 $0xFFFFFF80;
	(pc) =	sbr.rel @p0 .LBB2_6-.Ltmp2, $3  }
0x69: {  	[spmem:s2] =	stream.indirect.scatter.add.f32 [tilespmem:s13], [sflag:$0x2], $0x1, s12, s5, $0xb8;
	[tilespmem:$0x1E000] =	vst v63  }
0x6a: {  	s11 =	sadd.s32 $0x200, s11;
	_ =	sdelay $0x1  }
0x6b: {  	_ =	swait.ge [sflag:s8], $0x80  }
0x6c: {  	[sflag:s8] =	ssyncset.done $0x0  }
0x6d: {  	s11 =	simm.s32 $0x0;
	s12 =	rddreg [dreg:$0xc];
	[sflag:s8] =	ssyncadd.s32 $0xFFFFFF80  }
0x6e: {  	[tilespmem:s0], [sflag:$0x2] =	stream.linear.gather [hbm4b:s12+s11], $0x1000, $0x38;
	[tilespmem:$0x1E000] =	vst v63  }
0x6f: {  	_ =	swait.ge [sflag:s8], $0x1000  }
0x70: {  	[sflag:s8] =	ssyncset.done $0x0  }
0x71: {  	s13 =	simm.s32 $0x1000;
	s12 =	simm.s32 $0x0;
	[sflag:s8] =	ssyncadd.s32 $0xFFFFF000  }
0x72: {  	[spmem:s3] =	stream.indirect.scatter.add.f32 [tilespmem:s13], [sflag:$0x2], $0x1, s12, s5, $0xb8;
	[tilespmem:$0x1E000] =	vst v63  }
0x73: {  	s11 =	simm.s32 $0x200;
	_ =	swait.ge [sflag:s8], $0x80  }
.LBB2_8:
0x74: {  	s12 =	sshra.s32 s11, $0x2;
	[sflag:s8] =	ssyncset.done $0x0;
	p0 =	sne.s32 s11, $0x3E00  }
.Ltmp3:
0x75: {  	s13 =	sadd.s32 $0x1000, s12;
	[sflag:s8] =	ssyncadd.s32 $0xFFFFFF80;
	(pc) =	sbr.rel @p0 .LBB2_8-.Ltmp3, $3  }
0x76: {  	[spmem:s3] =	stream.indirect.scatter.add.f32 [tilespmem:s13], [sflag:$0x2], $0x1, s12, s5, $0xb8;
	[tilespmem:$0x1E000] =	vst v63  }
0x77: {  	s11 =	sadd.s32 $0x200, s11;
	_ =	sdelay $0x1  }
0x78: {  	_ =	swait.ge [sflag:s8], $0x80  }
0x79: {  	[sflag:s8] =	ssyncset.done $0x0  }
0x7a: {  	s11 =	simm.s32 $0x0;
	s12 =	rddreg [dreg:$0xd];
	[sflag:s8] =	ssyncadd.s32 $0xFFFFFF80  }
0x7b: {  	[tilespmem:s0], [sflag:$0x2] =	stream.linear.gather [hbm4b:s12+s11], $0x1000, $0x38;
	[tilespmem:$0x1E000] =	vst v63  }
0x7c: {  	_ =	swait.ge [sflag:s8], $0x1000  }
0x7d: {  	[sflag:s8] =	ssyncset.done $0x0  }
0x7e: {  	s13 =	simm.s32 $0x1000;
	s12 =	simm.s32 $0x0;
	[sflag:s8] =	ssyncadd.s32 $0xFFFFF000  }
0x7f: {  	[spmem:s4] =	stream.indirect.scatter.add.f32 [tilespmem:s13], [sflag:$0x2], $0x1, s12, s5, $0xb8;
	[tilespmem:$0x1E000] =	vst v63  }
0x80: {  	s11 =	simm.s32 $0x200;
	_ =	swait.ge [sflag:s8], $0x80  }
.LBB2_10:
0x81: {  	s12 =	sshra.s32 s11, $0x2;
	[sflag:s8] =	ssyncset.done $0x0;
	p0 =	sne.s32 s11, $0x3E00  }
.Ltmp4:
0x82: {  	s13 =	sadd.s32 $0x1000, s12;
	[sflag:s8] =	ssyncadd.s32 $0xFFFFFF80;
	(pc) =	sbr.rel @p0 .LBB2_10-.Ltmp4, $3  }
0x83: {  	[spmem:s4] =	stream.indirect.scatter.add.f32 [tilespmem:s13], [sflag:$0x2], $0x1, s12, s5, $0xb8;
	[tilespmem:$0x1E000] =	vst v63  }
0x84: {  	s11 =	sadd.s32 $0x200, s11;
	_ =	sdelay $0x1  }
0x85: {  	_ =	swait.ge [sflag:s8], $0x80  }
0x86: {  	[sflag:s8] =	ssyncset.done $0x0  }
0x87: {  	s11 =	simm.s32 $0x0;
	[sflag:s8] =	ssyncadd.s32 $0xFFFFFF80  }
0x88: {  	[tilespmem:s0], [sflag:$0x2] =	stream.linear.gather [hbm4b:s14+s11], $0x1000, $0x38;
	[tilespmem:$0x1E000] =	vst v63  }
0x89: {  	_ =	swait.ge [sflag:s8], $0x1000  }
0x8a: {  	[sflag:s8] =	ssyncset.done $0x0  }
0x8b: {  	s13 =	simm.s32 $0x0;
	s12 =	simm.s32 $0x1000;
	[sflag:s8] =	ssyncadd.s32 $0xFFFFF000  }
0x8c: {  	[spmem:s6] =	stream.indirect.scatter.add.f32 [tilespmem:s12], [sflag:$0x2], $0x1, s13, s5, $0xb8;
	[tilespmem:$0x1E000] =	vst v63  }
0x8d: {  	s11 =	simm.s32 $0x200;
	_ =	swait.ge [sflag:s8], $0x80  }
.LBB2_12:
0x8e: {  	s12 =	sshra.s32 s11, $0x2;
	[sflag:s8] =	ssyncset.done $0x0;
	p0 =	sne.s32 s11, $0x3E00  }
.Ltmp5:
0x8f: {  	s13 =	sadd.s32 $0x1000, s12;
	[sflag:s8] =	ssyncadd.s32 $0xFFFFFF80;
	(pc) =	sbr.rel @p0 .LBB2_12-.Ltmp5, $3  }
0x90: {  	[spmem:s6] =	stream.indirect.scatter.add.f32 [tilespmem:s13], [sflag:$0x2], $0x1, s12, s5, $0xb8;
	[tilespmem:$0x1E000] =	vst v63  }
0x91: {  	s11 =	sadd.s32 $0x200, s11;
	_ =	sdelay $0x1  }
0x92: {  	_ =	swait.ge [sflag:s8], $0x80  }
0x93: {  	[sflag:s8] =	ssyncset.done $0x0  }
0x94: {  	s11 =	simm.s32 $0x0;
	[sflag:s8] =	ssyncadd.s32 $0xFFFFFF80  }
0x95: {  	[tilespmem:s0], [sflag:$0x2] =	stream.linear.gather [hbm4b:s15+s11], $0x1000, $0x38;
	[tilespmem:$0x1E000] =	vst v63  }
0x96: {  	_ =	swait.ge [sflag:s8], $0x1000  }
0x97: {  	[sflag:s8] =	ssyncset.done $0x0  }
0x98: {  	s13 =	simm.s32 $0x0;
	s12 =	simm.s32 $0x1000;
	[sflag:s8] =	ssyncadd.s32 $0xFFFFF000  }
0x99: {  	[spmem:s7] =	stream.indirect.scatter.add.f32 [tilespmem:s12], [sflag:$0x2], $0x1, s13, s5, $0xb8;
	[tilespmem:$0x1E000] =	vst v63  }
0x9a: {  	s11 =	simm.s32 $0x200;
	_ =	swait.ge [sflag:s8], $0x80  }
.LBB2_14:
0x9b: {  	s12 =	sshra.s32 s11, $0x2;
	[sflag:s8] =	ssyncset.done $0x0;
	p0 =	sne.s32 s11, $0x3E00  }
.Ltmp6:
0x9c: {  	s13 =	sadd.s32 $0x1000, s12;
	[sflag:s8] =	ssyncadd.s32 $0xFFFFFF80;
	(pc) =	sbr.rel @p0 .LBB2_14-.Ltmp6, $3  }
0x9d: {  	[spmem:s7] =	stream.indirect.scatter.add.f32 [tilespmem:s13], [sflag:$0x2], $0x1, s12, s5, $0xb8;
	[tilespmem:$0x1E000] =	vst v63  }
0x9e: {  	s11 =	sadd.s32 $0x200, s11;
	_ =	sdelay $0x1  }
0x9f: {  	_ =	swait.ge [sflag:s8], $0x80  }
0xa0: {  	[sflag:s8] =	ssyncset.done $0x0;
	s11 =	stileid.u32  }
0xa1: {  	s12 =	sshrl.u32 s16, $0x3;
	[sflag:s8] =	ssyncadd.s32 $0xFFFFFF80;
	s11 =	sshll.u32 s11, $0x6  }
0xa2: {  	s13 =	sshrl.u32 s23, $0x3;
	[bflag:$0x0] =	sbarrier.arrive $0xFFFF;
	s11 =	sor.u32 $0x1C01, s11  }
0xa3: {  	[hbm:s17@s5], [sflag:s11] =	dma.strided [spmem:s12@s9], $0x800, s30, $0x10   }
0xa4: {  	[hbm:s18@s5], [sflag:s11] =	dma.strided [spmem:s13@s9], $0x800, s30, $0x10   }
0xa5: {  	s13 =	sshrl.u32 s24, $0x3  }
0xa6: {  	[hbm:s19@s5], [sflag:s11] =	dma.strided [spmem:s13@s9], $0x800, s30, $0x10   }
0xa7: {  	s13 =	sshrl.u32 s25, $0x3  }
0xa8: {  	[hbm:s20@s5], [sflag:s11] =	dma.strided [spmem:s13@s9], $0x800, s30, $0x10   }
0xa9: {  	s13 =	sshrl.u32 s26, $0x3  }
0xaa: {  	[hbm:s21@s5], [sflag:s11] =	dma.strided [spmem:s13@s9], $0x800, s30, $0x10   }
0xab: {  	s13 =	sshrl.u32 s28, $0x3  }
0xac: {  	[hbm:s22@s5], [sflag:s11] =	dma.strided [spmem:s13@s9], $0x800, s30, $0x10   }
0xad: {  	_ =	swait.ge [sflag:s30], $0x800  }
0xae: {  	[sflag:s30] =	ssyncset.done $0x0  }
0xaf: {  	[sflag:s30] =	ssyncadd.s32 $0xFFFFF800  }
0xb0: {  	_ =	swait.ge [sflag:s30], $0x800  }
0xb1: {  	[sflag:s30] =	ssyncset.done $0x0  }
0xb2: {  	[sflag:s30] =	ssyncadd.s32 $0xFFFFF800  }
0xb3: {  	_ =	swait.ge [sflag:s30], $0x800  }
0xb4: {  	[sflag:s30] =	ssyncset.done $0x0  }
0xb5: {  	[sflag:s30] =	ssyncadd.s32 $0xFFFFF800  }
0xb6: {  	_ =	swait.ge [sflag:s30], $0x800  }
0xb7: {  	[sflag:s30] =	ssyncset.done $0x0  }
0xb8: {  	s10 =	sadd.s32 $0x1, s10;
	[sflag:s30] =	ssyncadd.s32 $0xFFFFF800  }
0xb9: {  	p0 =	sne.s32 s10, s29;
	_ =	swait.ge [sflag:s30], $0x800  }
.Ltmp7:
0xba: {  	[sflag:s30] =	ssyncset.done $0x0;
	(pc) =	sbr.rel @p0 .LBB2_1-.Ltmp7, $4  }
0xbb: {  	[sflag:s30] =	ssyncadd.s32 $0xFFFFF800  }
0xbc: {  	_ =	swait.ge [sflag:s30], $0x800  }
0xbd: {  	[sflag:s30] =	ssyncset.done $0x0  }
0xbe: {  	[sflag:s30] =	ssyncadd.s32 $0xFFFFF800  }
0xbf: {  	_ =	sfence.sel $0x180000  }
0xc0: {  	[bflag:$0x0] =	sbarrier.arrive $0xFFFF  }
0xc1: {  	_ =	strace $0x9000004A  }
0xc2: {  	s0 =	stileid.u32;
	[bflag:$0x2] =	sbarrier.arrive $0xFFFF  }
0xc3: {  	p0 =	sne.s32 s0, $0x0;
	s0 =	rddreg [dreg:$0x8]  }
0xc4: {  	s0 =	sadd.s32 @!p0 $0x100000, s0  }
0xc5: {  	[sflag:s0] =	ssyncadd.tile.s32 @!p0 $0x1;
	_ =	shalt  }
.Lfunc_end2:
_tile_overlayer_lowered:
.L_overlay_start_2:
0xc6: {  	(tag) =	ssettag $0x2  }
0xc7: {  	s0 =	rddreg [dreg:$0x0];
	s2 =	stileid.u32  }
0xc8: {  	s1 =	rddreg [dreg:$0x1];
	p0 =	sne.s32 s2, $0x0  }
0xc9: {  	s3 =	rddreg [dreg:$0x2];
	[bflag:$0x3] =	sbarrier.arrive $0xFFFF;
	s2 =	simm.s32 @!p0 $0x1C02  }
0xca: {  	[timem:s3], [sflag:s2] =	dma.local @!p0 [hbm:s0], s1  }
0xcb: {  	s0 =	simm.s32 @!p0 $0x2  }
0xcc: {  	_ =	swait.ge @!p0 [sflag:s0], s1  }
0xcd: {  	s1 =	ssub.s32 @!p0 $0x0, s1;
	[sflag:s0] =	ssyncset.done @!p0 $0x0  }
0xce: {  	[sflag:s0] =	ssyncadd.s32 @!p0 s1  }
0xcf: {  	[bflag:$0x3] =	sbarrier.arrive $0xFFFF  }
0xd0: {  	_ =	shalt  }

</sc_bundles>
